<compile_context>
chip_gen: v7x
topology: tpu7x:2x2x1
jax: 0.10.2.dev20260603
libtpu: 0.0.44.dev20260713+nightly
codegen_flags: <defaults>
</compile_context>

<pallas_src>
import functools
import math

import jax
import jax.numpy as jnp
from jax import lax
from jax.experimental import pallas as pl
from jax.experimental.pallas import tpu as pltpu
from jax.experimental.pallas import tpu_sc as plsc

NC = 2
NS = 16
NW = NC * NS
CH = 128
NR = 8


def _make_lookup(n_ch, V, D):
    scale = math.sqrt(D)
    mesh = plsc.VectorSubcoreMesh(
        core_axis_name="c", subcore_axis_name="s",
        num_cores=NC, num_subcores=NS)
    B = NW * n_ch * CH

    @functools.partial(
        pl.kernel,
        out_type=jax.ShapeDtypeStruct((B, 2, D), jnp.float32),
        mesh=mesh,
        scratch_types=[
            pltpu.VMEM((n_ch, CH), jnp.int32),
            pltpu.VMEM((NR, CH, D), jnp.float32),
            pltpu.VMEM((2, CH, 2, D), jnp.float32),
            pltpu.SemaphoreType.DMA((NR,)),
            pltpu.SemaphoreType.DMA((2,)),
        ],
        compiler_params=pltpu.CompilerParams(use_tc_tiling_on_sc=False),
    )
    def lookup(tok3, table_hbm, out_hbm, idx_v, rows_v, stg_v, gsem, osem):
        wid = lax.axis_index("s") * NC + lax.axis_index("c")
        f0 = wid * (n_ch * CH)

        pltpu.sync_copy(tok3.at[wid], idx_v)

        def gather(t, rb):
            return pltpu.make_async_copy(
                table_hbm.at[idx_v.at[t]], rows_v.at[rb], gsem.at[rb])

        def out_copy(t, sb):
            return pltpu.make_async_copy(
                stg_v.at[sb], out_hbm.at[pl.ds(f0 + t * CH, CH)],
                osem.at[sb])

        for rb in range(NR):
            gather(rb, rb).start()

        def do_chunk(t, rb, sb, refill):
            gather(t, rb).wait()

            @pl.when(t >= 2)
            def _():
                out_copy(t - 2, sb).wait()

            @plsc.parallel_loop(0, CH, unroll=8)
            def _scale(rr):
                for c in range(D // 16):
                    sl = pl.ds(c * 16, 16)
                    stg_v[sb, rr, 0, sl] = rows_v[rb, rr, sl] * scale

            out_copy(t, sb).start()
            if refill:
                gather(t + NR, rb).start()

        n_outer = n_ch // NR

        @pl.loop(0, n_outer - 1)
        def _main(step):
            for j in range(NR):
                do_chunk(step * NR + j, j, j % 2, refill=True)

        for j in range(NR):
            do_chunk((n_outer - 1) * NR + j, j, j % 2, refill=False)

        out_copy(n_ch - 2, 0).wait()
        out_copy(n_ch - 1, 1).wait()

    return lookup


def kernel(tokens, table):
    Btok, T = tokens.shape
    V, D = table.shape
    B = Btok * T
    assert B % (NW * CH) == 0 and D % 16 == 0
    n_ch = B // (NW * CH)

    tok3 = tokens.astype(jnp.int32).reshape(NW, n_ch, CH)
    out6 = _make_lookup(n_ch, V, D)(tok3, table)
    return out6[:, 0, :].reshape(Btok, T, D)

# --- scband reference (transcript-rebuilt; emitter-appended) ---
"""Pipeline reference for scband-token-embedding-8942121910916 (READ-ONLY COPY).

The authoritative reference and input builder live on the scoring server;
editing this copy changes nothing except your own understanding.
"""

import jax, jax.numpy as jnp
import numpy as np
import math

VOCAB = 1000000
EMB = 64

def setup_inputs(seed: int = 0) -> dict:
    key = jax.random.key(seed)
    k_tok, k_w = jax.random.split(key)
    tokens = jax.random.randint(k_tok, (4096, 200), 0, VOCAB, dtype=jnp.int64)
    table = jax.random.normal(k_w, (VOCAB, EMB), dtype=jnp.float32)
    return {"tokens": tokens, "table": table}

def reference(tokens, table):
    emb = jnp.take(table, tokens, axis=0)
    return emb * math.sqrt(EMB)

if __name__ == "__main__":
    import jax
    _d = setup_inputs()
    print(jax.jit(kernel)(*tuple(_d.values())))

</pallas_src>

<mosaic_0001>
#map = affine_map<(d0, d1) -> (0, 0, 0)>
#map1 = affine_map<(d0, d1) -> (0, 0)>
module attributes {stable_mosaic.version = 14 : i64} {
  func.func @lookup(%arg0: i32, %arg1: i32, %arg2: memref<32x200x128xi32, #tpu.memory_space<hbm>>, %arg3: memref<1000000x64xf32, #tpu.memory_space<hbm>>, %arg4: memref<819200x2x64xf32, #tpu.memory_space<hbm>>, %arg5: memref<200x128xi32, #tpu.memory_space<vmem>>, %arg6: memref<8x128x64xf32, #tpu.memory_space<vmem>>, %arg7: memref<2x128x2x64xf32, #tpu.memory_space<vmem>>, %arg8: memref<8x!tpu.dma_semaphore, #tpu.memory_space<semaphore_mem>>, %arg9: memref<2x!tpu.dma_semaphore, #tpu.memory_space<semaphore_mem>>) attributes {dimension_semantics = [#tpu.dimension_semantics<core_parallel>, #tpu.dimension_semantics<subcore_parallel>], iteration_bounds = array<i64: 2, 16>, scalar_prefetch = 0 : i64, scratch_operands = 5 : i64, tpu.core_type = #tpu.core_type<sc_vector_subcore>, window_params = [{transform_indices = #map}, {transform_indices = #map1}, {transform_indices = #map}]} {
    %mul3A = arith.constant 2 : i32
    %mul3A_0 = arith.muli %arg1, %mul3A : i32
    %add3A = arith.addi %mul3A_0, %arg0 : i32
    %mul3A_1 = arith.constant 25600 : i32
    %mul3A_2 = arith.muli %add3A, %mul3A_1 : i32
    "tpu.region"() ({
      %run_scoped3A = tpu.sem_alloc : memref<!tpu.dma_semaphore, #tpu.memory_space<semaphore_mem>>
      %dma_start3A_664 = arith.constant 0 : i32
      %dma_start3A_665 = arith.constant 0 : i32
      %dma_start3A_666 = tpu.memref_slice %arg2[%add3A, %dma_start3A_664, %dma_start3A_665] : memref<32x200x128xi32, #tpu.memory_space<hbm>> -> memref<1x200x128xi32, #tpu.memory_space<hbm>>
      %dma_start3A_667 = tpu.memref_squeeze %dma_start3A_666 : memref<1x200x128xi32, #tpu.memory_space<hbm>> -> memref<200x128xi32, #tpu.memory_space<hbm>>
      %dma_start3A_668 = arith.constant 0 : i32
      %dma_start3A_669 = arith.constant 0 : i32
      %dma_start3A_670 = tpu.memref_slice %arg2[%add3A, %dma_start3A_668, %dma_start3A_669] : memref<32x200x128xi32, #tpu.memory_space<hbm>> -> memref<1x200x128xi32, #tpu.memory_space<hbm>>
      %dma_start3A_671 = tpu.memref_squeeze %dma_start3A_670 : memref<1x200x128xi32, #tpu.memory_space<hbm>> -> memref<200x128xi32, #tpu.memory_space<hbm>>
      tpu.enqueue_dma source(%dma_start3A_671 : memref<200x128xi32, #tpu.memory_space<hbm>>) target(%arg5 : memref<200x128xi32, #tpu.memory_space<vmem>>) target_semaphore(%run_scoped3A : memref<!tpu.dma_semaphore, #tpu.memory_space<semaphore_mem>>)
      %dma_wait3A_672 = arith.constant 0 : i32
      %dma_wait3A_673 = arith.constant 0 : i32
      %dma_wait3A_674 = tpu.memref_slice %arg2[%add3A, %dma_wait3A_672, %dma_wait3A_673] : memref<32x200x128xi32, #tpu.memory_space<hbm>> -> memref<1x200x128xi32, #tpu.memory_space<hbm>>
      %dma_wait3A_675 = tpu.memref_squeeze %dma_wait3A_674 : memref<1x200x128xi32, #tpu.memory_space<hbm>> -> memref<200x128xi32, #tpu.memory_space<hbm>>
      %dma_wait3A_676 = arith.constant 0 : i32
      %dma_wait3A_677 = arith.constant 0 : i32
      %dma_wait3A_678 = tpu.memref_slice %arg2[%add3A, %dma_wait3A_676, %dma_wait3A_677] : memref<32x200x128xi32, #tpu.memory_space<hbm>> -> memref<1x200x128xi32, #tpu.memory_space<hbm>>
      %dma_wait3A_679 = tpu.memref_squeeze %dma_wait3A_678 : memref<1x200x128xi32, #tpu.memory_space<hbm>> -> memref<200x128xi32, #tpu.memory_space<hbm>>
      tpu.wait_dma2 semaphore(%run_scoped3A : memref<!tpu.dma_semaphore, #tpu.memory_space<semaphore_mem>>) src(%dma_wait3A_679 : memref<200x128xi32, #tpu.memory_space<hbm>>) dst(%arg5 : memref<200x128xi32, #tpu.memory_space<vmem>>)
      tpu.yield
    }) : () -> ()
    %dma_start3A = arith.constant 0 : i32
    %dma_start3A_3 = arith.constant 0 : i32
    %dma_start3A_4 = arith.constant 0 : i32
    %dma_start3A_5 = arith.constant 0 : i32
    %dma_start3A_6 = arith.constant 0 : i32
    %dma_start3A_7 = tpu.memref_slice %arg6[%dma_start3A_3, %dma_start3A_5, %dma_start3A_6] : memref<8x128x64xf32, #tpu.memory_space<vmem>> -> memref<1x128x64xf32, #tpu.memory_space<vmem>>
    %dma_start3A_8 = tpu.memref_squeeze %dma_start3A_7 : memref<1x128x64xf32, #tpu.memory_space<vmem>> -> memref<128x64xf32, #tpu.memory_space<vmem>>
    %dma_start3A_9 = arith.constant 0 : i32
    %dma_start3A_10 = tpu.memref_slice %arg5[%dma_start3A, %dma_start3A_9] : memref<200x128xi32, #tpu.memory_space<vmem>> -> memref<1x128xi32, #tpu.memory_space<vmem>>
    %dma_start3A_11 = tpu.memref_squeeze %dma_start3A_10 : memref<1x128xi32, #tpu.memory_space<vmem>> -> memref<128xi32, #tpu.memory_space<vmem>>
    %dma_start3A_12 = arith.constant 0 : i32
    %dma_start3A_13 = arith.constant 0 : i32
    %dma_start3A_14 = tpu.memref_slice %arg3[%dma_start3A_12, %dma_start3A_13] : memref<1000000x64xf32, #tpu.memory_space<hbm>> -> memref<1000000x64xf32, #tpu.memory_space<hbm>>
    %dma_start3A_15 = tpu.memref_slice %arg8[%dma_start3A_4] : memref<8x!tpu.dma_semaphore, #tpu.memory_space<semaphore_mem>> -> memref<1x!tpu.dma_semaphore, #tpu.memory_space<semaphore_mem>>
    %dma_start3A_16 = tpu.memref_squeeze %dma_start3A_15 : memref<1x!tpu.dma_semaphore, #tpu.memory_space<semaphore_mem>> -> memref<!tpu.dma_semaphore, #tpu.memory_space<semaphore_mem>>
    tpu.enqueue_indirect_dma source(%dma_start3A_14 : memref<1000000x64xf32, #tpu.memory_space<hbm>>) target(%dma_start3A_8 : memref<128x64xf32, #tpu.memory_space<vmem>>) offsets(%dma_start3A_11 : memref<128xi32, #tpu.memory_space<vmem>>) semaphore(%dma_start3A_16 : memref<!tpu.dma_semaphore, #tpu.memory_space<semaphore_mem>>)
    %dma_start3A_17 = arith.constant 1 : i32
    %dma_start3A_18 = arith.constant 1 : i32
    %dma_start3A_19 = arith.constant 1 : i32
    %dma_start3A_20 = arith.constant 0 : i32
    %dma_start3A_21 = arith.constant 0 : i32
    %dma_start3A_22 = tpu.memref_slice %arg6[%dma_start3A_18, %dma_start3A_20, %dma_start3A_21] : memref<8x128x64xf32, #tpu.memory_space<vmem>> -> memref<1x128x64xf32, #tpu.memory_space<vmem>>
    %dma_start3A_23 = tpu.memref_squeeze %dma_start3A_22 : memref<1x128x64xf32, #tpu.memory_space<vmem>> -> memref<128x64xf32, #tpu.memory_space<vmem>>
    %dma_start3A_24 = arith.constant 0 : i32
    %dma_start3A_25 = tpu.memref_slice %arg5[%dma_start3A_17, %dma_start3A_24] : memref<200x128xi32, #tpu.memory_space<vmem>> -> memref<1x128xi32, #tpu.memory_space<vmem>>
    %dma_start3A_26 = tpu.memref_squeeze %dma_start3A_25 : memref<1x128xi32, #tpu.memory_space<vmem>> -> memref<128xi32, #tpu.memory_space<vmem>>
    %dma_start3A_27 = arith.constant 0 : i32
    %dma_start3A_28 = arith.constant 0 : i32
    %dma_start3A_29 = tpu.memref_slice %arg3[%dma_start3A_27, %dma_start3A_28] : memref<1000000x64xf32, #tpu.memory_space<hbm>> -> memref<1000000x64xf32, #tpu.memory_space<hbm>>
    %dma_start3A_30 = tpu.memref_slice %arg8[%dma_start3A_19] : memref<8x!tpu.dma_semaphore, #tpu.memory_space<semaphore_mem>> -> memref<1x!tpu.dma_semaphore, #tpu.memory_space<semaphore_mem>>
    %dma_start3A_31 = tpu.memref_squeeze %dma_start3A_30 : memref<1x!tpu.dma_semaphore, #tpu.memory_space<semaphore_mem>> -> memref<!tpu.dma_semaphore, #tpu.memory_space<semaphore_mem>>
    tpu.enqueue_indirect_dma source(%dma_start3A_29 : memref<1000000x64xf32, #tpu.memory_space<hbm>>) target(%dma_start3A_23 : memref<128x64xf32, #tpu.memory_space<vmem>>) offsets(%dma_start3A_26 : memref<128xi32, #tpu.memory_space<vmem>>) semaphore(%dma_start3A_31 : memref<!tpu.dma_semaphore, #tpu.memory_space<semaphore_mem>>)
    %dma_start3A_32 = arith.constant 2 : i32
    %dma_start3A_33 = arith.constant 2 : i32
    %dma_start3A_34 = arith.constant 2 : i32
    %dma_start3A_35 = arith.constant 0 : i32
    %dma_start3A_36 = arith.constant 0 : i32
    %dma_start3A_37 = tpu.memref_slice %arg6[%dma_start3A_33, %dma_start3A_35, %dma_start3A_36] : memref<8x128x64xf32, #tpu.memory_space<vmem>> -> memref<1x128x64xf32, #tpu.memory_space<vmem>>
    %dma_start3A_38 = tpu.memref_squeeze %dma_start3A_37 : memref<1x128x64xf32, #tpu.memory_space<vmem>> -> memref<128x64xf32, #tpu.memory_space<vmem>>
    %dma_start3A_39 = arith.constant 0 : i32
    %dma_start3A_40 = tpu.memref_slice %arg5[%dma_start3A_32, %dma_start3A_39] : memref<200x128xi32, #tpu.memory_space<vmem>> -> memref<1x128xi32, #tpu.memory_space<vmem>>
    %dma_start3A_41 = tpu.memref_squeeze %dma_start3A_40 : memref<1x128xi32, #tpu.memory_space<vmem>> -> memref<128xi32, #tpu.memory_space<vmem>>
    %dma_start3A_42 = arith.constant 0 : i32
    %dma_start3A_43 = arith.constant 0 : i32
    %dma_start3A_44 = tpu.memref_slice %arg3[%dma_start3A_42, %dma_start3A_43] : memref<1000000x64xf32, #tpu.memory_space<hbm>> -> memref<1000000x64xf32, #tpu.memory_space<hbm>>
    %dma_start3A_45 = tpu.memref_slice %arg8[%dma_start3A_34] : memref<8x!tpu.dma_semaphore, #tpu.memory_space<semaphore_mem>> -> memref<1x!tpu.dma_semaphore, #tpu.memory_space<semaphore_mem>>
    %dma_start3A_46 = tpu.memref_squeeze %dma_start3A_45 : memref<1x!tpu.dma_semaphore, #tpu.memory_space<semaphore_mem>> -> memref<!tpu.dma_semaphore, #tpu.memory_space<semaphore_mem>>
    tpu.enqueue_indirect_dma source(%dma_start3A_44 : memref<1000000x64xf32, #tpu.memory_space<hbm>>) target(%dma_start3A_38 : memref<128x64xf32, #tpu.memory_space<vmem>>) offsets(%dma_start3A_41 : memref<128xi32, #tpu.memory_space<vmem>>) semaphore(%dma_start3A_46 : memref<!tpu.dma_semaphore, #tpu.memory_space<semaphore_mem>>)
    %dma_start3A_47 = arith.constant 3 : i32
    %dma_start3A_48 = arith.constant 3 : i32
    %dma_start3A_49 = arith.constant 3 : i32
    %dma_start3A_50 = arith.constant 0 : i32
    %dma_start3A_51 = arith.constant 0 : i32
    %dma_start3A_52 = tpu.memref_slice %arg6[%dma_start3A_48, %dma_start3A_50, %dma_start3A_51] : memref<8x128x64xf32, #tpu.memory_space<vmem>> -> memref<1x128x64xf32, #tpu.memory_space<vmem>>
    %dma_start3A_53 = tpu.memref_squeeze %dma_start3A_52 : memref<1x128x64xf32, #tpu.memory_space<vmem>> -> memref<128x64xf32, #tpu.memory_space<vmem>>
    %dma_start3A_54 = arith.constant 0 : i32
    %dma_start3A_55 = tpu.memref_slice %arg5[%dma_start3A_47, %dma_start3A_54] : memref<200x128xi32, #tpu.memory_space<vmem>> -> memref<1x128xi32, #tpu.memory_space<vmem>>
    %dma_start3A_56 = tpu.memref_squeeze %dma_start3A_55 : memref<1x128xi32, #tpu.memory_space<vmem>> -> memref<128xi32, #tpu.memory_space<vmem>>
    %dma_start3A_57 = arith.constant 0 : i32
    %dma_start3A_58 = arith.constant 0 : i32
    %dma_start3A_59 = tpu.memref_slice %arg3[%dma_start3A_57, %dma_start3A_58] : memref<1000000x64xf32, #tpu.memory_space<hbm>> -> memref<1000000x64xf32, #tpu.memory_space<hbm>>
    %dma_start3A_60 = tpu.memref_slice %arg8[%dma_start3A_49] : memref<8x!tpu.dma_semaphore, #tpu.memory_space<semaphore_mem>> -> memref<1x!tpu.dma_semaphore, #tpu.memory_space<semaphore_mem>>
    %dma_start3A_61 = tpu.memref_squeeze %dma_start3A_60 : memref<1x!tpu.dma_semaphore, #tpu.memory_space<semaphore_mem>> -> memref<!tpu.dma_semaphore, #tpu.memory_space<semaphore_mem>>
    tpu.enqueue_indirect_dma source(%dma_start3A_59 : memref<1000000x64xf32, #tpu.memory_space<hbm>>) target(%dma_start3A_53 : memref<128x64xf32, #tpu.memory_space<vmem>>) offsets(%dma_start3A_56 : memref<128xi32, #tpu.memory_space<vmem>>) semaphore(%dma_start3A_61 : memref<!tpu.dma_semaphore, #tpu.memory_space<semaphore_mem>>)
    %dma_start3A_62 = arith.constant 4 : i32
    %dma_start3A_63 = arith.constant 4 : i32
    %dma_start3A_64 = arith.constant 4 : i32
    %dma_start3A_65 = arith.constant 0 : i32
    %dma_start3A_66 = arith.constant 0 : i32
    %dma_start3A_67 = tpu.memref_slice %arg6[%dma_start3A_63, %dma_start3A_65, %dma_start3A_66] : memref<8x128x64xf32, #tpu.memory_space<vmem>> -> memref<1x128x64xf32, #tpu.memory_space<vmem>>
    %dma_start3A_68 = tpu.memref_squeeze %dma_start3A_67 : memref<1x128x64xf32, #tpu.memory_space<vmem>> -> memref<128x64xf32, #tpu.memory_space<vmem>>
    %dma_start3A_69 = arith.constant 0 : i32
    %dma_start3A_70 = tpu.memref_slice %arg5[%dma_start3A_62, %dma_start3A_69] : memref<200x128xi32, #tpu.memory_space<vmem>> -> memref<1x128xi32, #tpu.memory_space<vmem>>
    %dma_start3A_71 = tpu.memref_squeeze %dma_start3A_70 : memref<1x128xi32, #tpu.memory_space<vmem>> -> memref<128xi32, #tpu.memory_space<vmem>>
    %dma_start3A_72 = arith.constant 0 : i32
    %dma_start3A_73 = arith.constant 0 : i32
    %dma_start3A_74 = tpu.memref_slice %arg3[%dma_start3A_72, %dma_start3A_73] : memref<1000000x64xf32, #tpu.memory_space<hbm>> -> memref<1000000x64xf32, #tpu.memory_space<hbm>>
    %dma_start3A_75 = tpu.memref_slice %arg8[%dma_start3A_64] : memref<8x!tpu.dma_semaphore, #tpu.memory_space<semaphore_mem>> -> memref<1x!tpu.dma_semaphore, #tpu.memory_space<semaphore_mem>>
    %dma_start3A_76 = tpu.memref_squeeze %dma_start3A_75 : memref<1x!tpu.dma_semaphore, #tpu.memory_space<semaphore_mem>> -> memref<!tpu.dma_semaphore, #tpu.memory_space<semaphore_mem>>
    tpu.enqueue_indirect_dma source(%dma_start3A_74 : memref<1000000x64xf32, #tpu.memory_space<hbm>>) target(%dma_start3A_68 : memref<128x64xf32, #tpu.memory_space<vmem>>) offsets(%dma_start3A_71 : memref<128xi32, #tpu.memory_space<vmem>>) semaphore(%dma_start3A_76 : memref<!tpu.dma_semaphore, #tpu.memory_space<semaphore_mem>>)
    %dma_start3A_77 = arith.constant 5 : i32
    %dma_start3A_78 = arith.constant 5 : i32
    %dma_start3A_79 = arith.constant 5 : i32
    %dma_start3A_80 = arith.constant 0 : i32
    %dma_start3A_81 = arith.constant 0 : i32
    %dma_start3A_82 = tpu.memref_slice %arg6[%dma_start3A_78, %dma_start3A_80, %dma_start3A_81] : memref<8x128x64xf32, #tpu.memory_space<vmem>> -> memref<1x128x64xf32, #tpu.memory_space<vmem>>
    %dma_start3A_83 = tpu.memref_squeeze %dma_start3A_82 : memref<1x128x64xf32, #tpu.memory_space<vmem>> -> memref<128x64xf32, #tpu.memory_space<vmem>>
    %dma_start3A_84 = arith.constant 0 : i32
    %dma_start3A_85 = tpu.memref_slice %arg5[%dma_start3A_77, %dma_start3A_84] : memref<200x128xi32, #tpu.memory_space<vmem>> -> memref<1x128xi32, #tpu.memory_space<vmem>>
    %dma_start3A_86 = tpu.memref_squeeze %dma_start3A_85 : memref<1x128xi32, #tpu.memory_space<vmem>> -> memref<128xi32, #tpu.memory_space<vmem>>
    %dma_start3A_87 = arith.constant 0 : i32
    %dma_start3A_88 = arith.constant 0 : i32
    %dma_start3A_89 = tpu.memref_slice %arg3[%dma_start3A_87, %dma_start3A_88] : memref<1000000x64xf32, #tpu.memory_space<hbm>> -> memref<1000000x64xf32, #tpu.memory_space<hbm>>
    %dma_start3A_90 = tpu.memref_slice %arg8[%dma_start3A_79] : memref<8x!tpu.dma_semaphore, #tpu.memory_space<semaphore_mem>> -> memref<1x!tpu.dma_semaphore, #tpu.memory_space<semaphore_mem>>
    %dma_start3A_91 = tpu.memref_squeeze %dma_start3A_90 : memref<1x!tpu.dma_semaphore, #tpu.memory_space<semaphore_mem>> -> memref<!tpu.dma_semaphore, #tpu.memory_space<semaphore_mem>>
    tpu.enqueue_indirect_dma source(%dma_start3A_89 : memref<1000000x64xf32, #tpu.memory_space<hbm>>) target(%dma_start3A_83 : memref<128x64xf32, #tpu.memory_space<vmem>>) offsets(%dma_start3A_86 : memref<128xi32, #tpu.memory_space<vmem>>) semaphore(%dma_start3A_91 : memref<!tpu.dma_semaphore, #tpu.memory_space<semaphore_mem>>)
    %dma_start3A_92 = arith.constant 6 : i32
    %dma_start3A_93 = arith.constant 6 : i32
    %dma_start3A_94 = arith.constant 6 : i32
    %dma_start3A_95 = arith.constant 0 : i32
    %dma_start3A_96 = arith.constant 0 : i32
    %dma_start3A_97 = tpu.memref_slice %arg6[%dma_start3A_93, %dma_start3A_95, %dma_start3A_96] : memref<8x128x64xf32, #tpu.memory_space<vmem>> -> memref<1x128x64xf32, #tpu.memory_space<vmem>>
    %dma_start3A_98 = tpu.memref_squeeze %dma_start3A_97 : memref<1x128x64xf32, #tpu.memory_space<vmem>> -> memref<128x64xf32, #tpu.memory_space<vmem>>
    %dma_start3A_99 = arith.constant 0 : i32
    %dma_start3A_100 = tpu.memref_slice %arg5[%dma_start3A_92, %dma_start3A_99] : memref<200x128xi32, #tpu.memory_space<vmem>> -> memref<1x128xi32, #tpu.memory_space<vmem>>
    %dma_start3A_101 = tpu.memref_squeeze %dma_start3A_100 : memref<1x128xi32, #tpu.memory_space<vmem>> -> memref<128xi32, #tpu.memory_space<vmem>>
    %dma_start3A_102 = arith.constant 0 : i32
    %dma_start3A_103 = arith.constant 0 : i32
    %dma_start3A_104 = tpu.memref_slice %arg3[%dma_start3A_102, %dma_start3A_103] : memref<1000000x64xf32, #tpu.memory_space<hbm>> -> memref<1000000x64xf32, #tpu.memory_space<hbm>>
    %dma_start3A_105 = tpu.memref_slice %arg8[%dma_start3A_94] : memref<8x!tpu.dma_semaphore, #tpu.memory_space<semaphore_mem>> -> memref<1x!tpu.dma_semaphore, #tpu.memory_space<semaphore_mem>>
    %dma_start3A_106 = tpu.memref_squeeze %dma_start3A_105 : memref<1x!tpu.dma_semaphore, #tpu.memory_space<semaphore_mem>> -> memref<!tpu.dma_semaphore, #tpu.memory_space<semaphore_mem>>
    tpu.enqueue_indirect_dma source(%dma_start3A_104 : memref<1000000x64xf32, #tpu.memory_space<hbm>>) target(%dma_start3A_98 : memref<128x64xf32, #tpu.memory_space<vmem>>) offsets(%dma_start3A_101 : memref<128xi32, #tpu.memory_space<vmem>>) semaphore(%dma_start3A_106 : memref<!tpu.dma_semaphore, #tpu.memory_space<semaphore_mem>>)
    %dma_start3A_107 = arith.constant 7 : i32
    %dma_start3A_108 = arith.constant 7 : i32
    %dma_start3A_109 = arith.constant 7 : i32
    %dma_start3A_110 = arith.constant 0 : i32
    %dma_start3A_111 = arith.constant 0 : i32
    %dma_start3A_112 = tpu.memref_slice %arg6[%dma_start3A_108, %dma_start3A_110, %dma_start3A_111] : memref<8x128x64xf32, #tpu.memory_space<vmem>> -> memref<1x128x64xf32, #tpu.memory_space<vmem>>
    %dma_start3A_113 = tpu.memref_squeeze %dma_start3A_112 : memref<1x128x64xf32, #tpu.memory_space<vmem>> -> memref<128x64xf32, #tpu.memory_space<vmem>>
    %dma_start3A_114 = arith.constant 0 : i32
    %dma_start3A_115 = tpu.memref_slice %arg5[%dma_start3A_107, %dma_start3A_114] : memref<200x128xi32, #tpu.memory_space<vmem>> -> memref<1x128xi32, #tpu.memory_space<vmem>>
    %dma_start3A_116 = tpu.memref_squeeze %dma_start3A_115 : memref<1x128xi32, #tpu.memory_space<vmem>> -> memref<128xi32, #tpu.memory_space<vmem>>
    %dma_start3A_117 = arith.constant 0 : i32
    %dma_start3A_118 = arith.constant 0 : i32
    %dma_start3A_119 = tpu.memref_slice %arg3[%dma_start3A_117, %dma_start3A_118] : memref<1000000x64xf32, #tpu.memory_space<hbm>> -> memref<1000000x64xf32, #tpu.memory_space<hbm>>
    %dma_start3A_120 = tpu.memref_slice %arg8[%dma_start3A_109] : memref<8x!tpu.dma_semaphore, #tpu.memory_space<semaphore_mem>> -> memref<1x!tpu.dma_semaphore, #tpu.memory_space<semaphore_mem>>
    %dma_start3A_121 = tpu.memref_squeeze %dma_start3A_120 : memref<1x!tpu.dma_semaphore, #tpu.memory_space<semaphore_mem>> -> memref<!tpu.dma_semaphore, #tpu.memory_space<semaphore_mem>>
    tpu.enqueue_indirect_dma source(%dma_start3A_119 : memref<1000000x64xf32, #tpu.memory_space<hbm>>) target(%dma_start3A_113 : memref<128x64xf32, #tpu.memory_space<vmem>>) offsets(%dma_start3A_116 : memref<128xi32, #tpu.memory_space<vmem>>) semaphore(%dma_start3A_121 : memref<!tpu.dma_semaphore, #tpu.memory_space<semaphore_mem>>)
    %scan3A = arith.constant 0 : i32
    %scan3A_122 = arith.constant 24 : i32
    %scan3A_123 = arith.addi %scan3A, %scan3A_122 : i32
    %scan3A_124 = arith.constant 1 : i32
    scf.for %scan3A_664 = %scan3A to %scan3A_123 step %scan3A_124  : i32 {
      %mul3A_665 = arith.constant 1 : i32
      %mul3A_666 = arith.muli %scan3A_664, %mul3A_665 : i32
      %add3A_667 = arith.constant 0 : i32
      %add3A_668 = arith.addi %add3A_667, %mul3A_666 : i32
      %mul3A_669 = arith.constant 8 : i32
      %mul3A_670 = arith.muli %add3A_668, %mul3A_669 : i32
      %add3A_671 = arith.constant 0 : i32
      %add3A_672 = arith.addi %mul3A_670, %add3A_671 : i32
      %dma_wait3A_673 = arith.constant 0 : i32
      %dma_wait3A_674 = arith.constant 0 : i32
      %dma_wait3A_675 = arith.constant 0 : i32
      %dma_wait3A_676 = arith.constant 0 : i32
      %dma_wait3A_677 = tpu.memref_slice %arg6[%dma_wait3A_673, %dma_wait3A_675, %dma_wait3A_676] : memref<8x128x64xf32, #tpu.memory_space<vmem>> -> memref<1x128x64xf32, #tpu.memory_space<vmem>>
      %dma_wait3A_678 = tpu.memref_squeeze %dma_wait3A_677 : memref<1x128x64xf32, #tpu.memory_space<vmem>> -> memref<128x64xf32, #tpu.memory_space<vmem>>
      %dma_wait3A_679 = arith.constant 0 : i32
      %dma_wait3A_680 = tpu.memref_slice %arg5[%add3A_672, %dma_wait3A_679] : memref<200x128xi32, #tpu.memory_space<vmem>> -> memref<1x128xi32, #tpu.memory_space<vmem>>
      %dma_wait3A_681 = tpu.memref_squeeze %dma_wait3A_680 : memref<1x128xi32, #tpu.memory_space<vmem>> -> memref<128xi32, #tpu.memory_space<vmem>>
      %dma_wait3A_682 = arith.constant 0 : i32
      %dma_wait3A_683 = arith.constant 0 : i32
      %dma_wait3A_684 = tpu.memref_slice %arg3[%dma_wait3A_682, %dma_wait3A_683] : memref<1000000x64xf32, #tpu.memory_space<hbm>> -> memref<1000000x64xf32, #tpu.memory_space<hbm>>
      %dma_wait3A_685 = tpu.memref_slice %arg8[%dma_wait3A_674] : memref<8x!tpu.dma_semaphore, #tpu.memory_space<semaphore_mem>> -> memref<1x!tpu.dma_semaphore, #tpu.memory_space<semaphore_mem>>
      %dma_wait3A_686 = tpu.memref_squeeze %dma_wait3A_685 : memref<1x!tpu.dma_semaphore, #tpu.memory_space<semaphore_mem>> -> memref<!tpu.dma_semaphore, #tpu.memory_space<semaphore_mem>>
      tpu.wait_indirect_dma semaphore(%dma_wait3A_686 : memref<!tpu.dma_semaphore, #tpu.memory_space<semaphore_mem>>) src(%dma_wait3A_684 : memref<1000000x64xf32, #tpu.memory_space<hbm>>) dst(%dma_wait3A_678 : memref<128x64xf32, #tpu.memory_space<vmem>>)
      %ge3A = arith.constant 2 : i32
      %ge3A_687 = arith.cmpi sge, %add3A_672, %ge3A : i32
      %convert_element_type3A = arith.extui %ge3A_687 : i1 to i32
      %cond3A = arith.constant 0 : i32
      %cond3A_688 = arith.cmpi ne, %convert_element_type3A, %cond3A : i32
      scf.if %cond3A_688 {
        %sub3A = arith.constant 2 : i32
        %sub3A_1186 = arith.subi %add3A_672, %sub3A : i32
        %mul3A_1187 = arith.constant 128 : i32
        %mul3A_1188 = arith.muli %sub3A_1186, %mul3A_1187 : i32
        %add3A_1189 = arith.addi %mul3A_2, %mul3A_1188 : i32
        %dma_wait3A_1190 = arith.constant 0 : i32
        %dma_wait3A_1191 = arith.constant 0 : i32
        %dma_wait3A_1192 = arith.constant 0 : i32
        %dma_wait3A_1193 = arith.constant 0 : i32
        %dma_wait3A_1194 = arith.constant 0 : i32
        %dma_wait3A_1195 = tpu.memref_slice %arg7[%dma_wait3A_1190, %dma_wait3A_1192, %dma_wait3A_1193, %dma_wait3A_1194] : memref<2x128x2x64xf32, #tpu.memory_space<vmem>> -> memref<1x128x2x64xf32, #tpu.memory_space<vmem>>
        %dma_wait3A_1196 = tpu.memref_squeeze %dma_wait3A_1195 : memref<1x128x2x64xf32, #tpu.memory_space<vmem>> -> memref<128x2x64xf32, #tpu.memory_space<vmem>>
        %dma_wait3A_1197 = arith.constant 0 : i32
        %dma_wait3A_1198 = arith.constant 0 : i32
        %dma_wait3A_1199 = tpu.memref_slice %arg4[%add3A_1189, %dma_wait3A_1197, %dma_wait3A_1198] : memref<819200x2x64xf32, #tpu.memory_space<hbm>> -> memref<128x2x64xf32, #tpu.memory_space<hbm>>
        %dma_wait3A_1200 = tpu.memref_slice %arg9[%dma_wait3A_1191] : memref<2x!tpu.dma_semaphore, #tpu.memory_space<semaphore_mem>> -> memref<1x!tpu.dma_semaphore, #tpu.memory_space<semaphore_mem>>
        %dma_wait3A_1201 = tpu.memref_squeeze %dma_wait3A_1200 : memref<1x!tpu.dma_semaphore, #tpu.memory_space<semaphore_mem>> -> memref<!tpu.dma_semaphore, #tpu.memory_space<semaphore_mem>>
        %dma_wait3A_1202 = arith.constant 0 : i32
        %dma_wait3A_1203 = arith.constant 0 : i32
        %dma_wait3A_1204 = tpu.memref_slice %arg4[%add3A_1189, %dma_wait3A_1202, %dma_wait3A_1203] : memref<819200x2x64xf32, #tpu.memory_space<hbm>> -> memref<128x2x64xf32, #tpu.memory_space<hbm>>
        %dma_wait3A_1205 = arith.constant 0 : i32
        %dma_wait3A_1206 = arith.constant 0 : i32
        %dma_wait3A_1207 = arith.constant 0 : i32
        %dma_wait3A_1208 = tpu.memref_slice %arg7[%dma_wait3A_1190, %dma_wait3A_1205, %dma_wait3A_1206, %dma_wait3A_1207] : memref<2x128x2x64xf32, #tpu.memory_space<vmem>> -> memref<1x128x2x64xf32, #tpu.memory_space<vmem>>
        %dma_wait3A_1209 = tpu.memref_squeeze %dma_wait3A_1208 : memref<1x128x2x64xf32, #tpu.memory_space<vmem>> -> memref<128x2x64xf32, #tpu.memory_space<vmem>>
        tpu.wait_dma2 semaphore(%dma_wait3A_1201 : memref<!tpu.dma_semaphore, #tpu.memory_space<semaphore_mem>>) src(%dma_wait3A_1209 : memref<128x2x64xf32, #tpu.memory_space<vmem>>) dst(%dma_wait3A_1204 : memref<128x2x64xf32, #tpu.memory_space<hbm>>)
      } else {
      }
      %parallel_loop3A_689 = arith.constant 0 : i32
      %parallel_loop3A_690 = arith.constant 128 : i32
      %parallel_loop3A_691 = arith.constant 1 : i32
      scf.for %parallel_loop3A_1186 = %parallel_loop3A_689 to %parallel_loop3A_690 step %parallel_loop3A_691  : i32 {
        %parallel_loop3A_1187 = arith.constant 0 : i32
        %parallel_loop3A_1188 = arith.index_cast %parallel_loop3A_1187 : i32 to index
        %parallel_loop3A_1189 = arith.index_cast %parallel_loop3A_1186 : i32 to index
        %parallel_loop3A_1190 = arith.constant 0 : index
        %parallel_loop3A_1191 = tpu.vector_load %arg6[%parallel_loop3A_1188, %parallel_loop3A_1189, %parallel_loop3A_1190] {strides = array<i32>} : memref<8x128x64xf32, #tpu.memory_space<vmem>>, vector<1x1x16xf32>,
        %parallel_loop3A_1192 = vector.shape_cast %parallel_loop3A_1191 : vector<1x1x16xf32> to vector<16xf32>
        %parallel_loop3A_1193 = arith.constant 8.000000e+00 : f32
        %parallel_loop3A_1194 = vector.broadcast %parallel_loop3A_1193 : f32 to vector<16xf32>
        %parallel_loop3A_1195 = arith.mulf %parallel_loop3A_1192, %parallel_loop3A_1194 : vector<16xf32>
        %parallel_loop3A_1196 = arith.constant 0 : i32
        %parallel_loop3A_1197 = arith.constant 0 : i32
        %parallel_loop3A_1198 = arith.index_cast %parallel_loop3A_1196 : i32 to index
        %parallel_loop3A_1199 = arith.index_cast %parallel_loop3A_1186 : i32 to index
        %parallel_loop3A_1200 = arith.index_cast %parallel_loop3A_1197 : i32 to index
        %parallel_loop3A_1201 = arith.constant 0 : index
        %parallel_loop3A_1202 = tpu.vector_load %arg7[%parallel_loop3A_1198, %parallel_loop3A_1199, %parallel_loop3A_1200, %parallel_loop3A_1201] {strides = array<i32>} : memref<2x128x2x64xf32, #tpu.memory_space<vmem>>, vector<1x1x1x16xf32>,
        %parallel_loop3A_1203 = vector.shape_cast %parallel_loop3A_1202 : vector<1x1x1x16xf32> to vector<16xf32>
        %parallel_loop3A_1204 = vector.shape_cast %parallel_loop3A_1195 : vector<16xf32> to vector<1x1x1x16xf32>
        tpu.vector_store %arg7[%parallel_loop3A_1198, %parallel_loop3A_1199, %parallel_loop3A_1200, %parallel_loop3A_1201], %parallel_loop3A_1204 {strides = array<i32>} : memref<2x128x2x64xf32, #tpu.memory_space<vmem>>, vector<1x1x1x16xf32>,
        %parallel_loop3A_1205 = arith.constant 0 : i32
        %parallel_loop3A_1206 = arith.index_cast %parallel_loop3A_1205 : i32 to index
        %parallel_loop3A_1207 = arith.index_cast %parallel_loop3A_1186 : i32 to index
        %parallel_loop3A_1208 = arith.constant 16 : index
        %parallel_loop3A_1209 = tpu.vector_load %arg6[%parallel_loop3A_1206, %parallel_loop3A_1207, %parallel_loop3A_1208] {strides = array<i32>} : memref<8x128x64xf32, #tpu.memory_space<vmem>>, vector<1x1x16xf32>,
        %parallel_loop3A_1210 = vector.shape_cast %parallel_loop3A_1209 : vector<1x1x16xf32> to vector<16xf32>
        %parallel_loop3A_1211 = arith.constant 8.000000e+00 : f32
        %parallel_loop3A_1212 = vector.broadcast %parallel_loop3A_1211 : f32 to vector<16xf32>
        %parallel_loop3A_1213 = arith.mulf %parallel_loop3A_1210, %parallel_loop3A_1212 : vector<16xf32>
        %parallel_loop3A_1214 = arith.constant 0 : i32
        %parallel_loop3A_1215 = arith.constant 0 : i32
        %parallel_loop3A_1216 = arith.index_cast %parallel_loop3A_1214 : i32 to index
        %parallel_loop3A_1217 = arith.index_cast %parallel_loop3A_1186 : i32 to index
        %parallel_loop3A_1218 = arith.index_cast %parallel_loop3A_1215 : i32 to index
        %parallel_loop3A_1219 = arith.constant 16 : index
        %parallel_loop3A_1220 = tpu.vector_load %arg7[%parallel_loop3A_1216, %parallel_loop3A_1217, %parallel_loop3A_1218, %parallel_loop3A_1219] {strides = array<i32>} : memref<2x128x2x64xf32, #tpu.memory_space<vmem>>, vector<1x1x1x16xf32>,
        %parallel_loop3A_1221 = vector.shape_cast %parallel_loop3A_1220 : vector<1x1x1x16xf32> to vector<16xf32>
        %parallel_loop3A_1222 = vector.shape_cast %parallel_loop3A_1213 : vector<16xf32> to vector<1x1x1x16xf32>
        tpu.vector_store %arg7[%parallel_loop3A_1216, %parallel_loop3A_1217, %parallel_loop3A_1218, %parallel_loop3A_1219], %parallel_loop3A_1222 {strides = array<i32>} : memref<2x128x2x64xf32, #tpu.memory_space<vmem>>, vector<1x1x1x16xf32>,
        %parallel_loop3A_1223 = arith.constant 0 : i32
        %parallel_loop3A_1224 = arith.index_cast %parallel_loop3A_1223 : i32 to index
        %parallel_loop3A_1225 = arith.index_cast %parallel_loop3A_1186 : i32 to index
        %parallel_loop3A_1226 = arith.constant 32 : index
        %parallel_loop3A_1227 = tpu.vector_load %arg6[%parallel_loop3A_1224, %parallel_loop3A_1225, %parallel_loop3A_1226] {strides = array<i32>} : memref<8x128x64xf32, #tpu.memory_space<vmem>>, vector<1x1x16xf32>,
        %parallel_loop3A_1228 = vector.shape_cast %parallel_loop3A_1227 : vector<1x1x16xf32> to vector<16xf32>
        %parallel_loop3A_1229 = arith.constant 8.000000e+00 : f32
        %parallel_loop3A_1230 = vector.broadcast %parallel_loop3A_1229 : f32 to vector<16xf32>
        %parallel_loop3A_1231 = arith.mulf %parallel_loop3A_1228, %parallel_loop3A_1230 : vector<16xf32>
        %parallel_loop3A_1232 = arith.constant 0 : i32
        %parallel_loop3A_1233 = arith.constant 0 : i32
        %parallel_loop3A_1234 = arith.index_cast %parallel_loop3A_1232 : i32 to index
        %parallel_loop3A_1235 = arith.index_cast %parallel_loop3A_1186 : i32 to index
        %parallel_loop3A_1236 = arith.index_cast %parallel_loop3A_1233 : i32 to index
        %parallel_loop3A_1237 = arith.constant 32 : index
        %parallel_loop3A_1238 = tpu.vector_load %arg7[%parallel_loop3A_1234, %parallel_loop3A_1235, %parallel_loop3A_1236, %parallel_loop3A_1237] {strides = array<i32>} : memref<2x128x2x64xf32, #tpu.memory_space<vmem>>, vector<1x1x1x16xf32>,
        %parallel_loop3A_1239 = vector.shape_cast %parallel_loop3A_1238 : vector<1x1x1x16xf32> to vector<16xf32>
        %parallel_loop3A_1240 = vector.shape_cast %parallel_loop3A_1231 : vector<16xf32> to vector<1x1x1x16xf32>
        tpu.vector_store %arg7[%parallel_loop3A_1234, %parallel_loop3A_1235, %parallel_loop3A_1236, %parallel_loop3A_1237], %parallel_loop3A_1240 {strides = array<i32>} : memref<2x128x2x64xf32, #tpu.memory_space<vmem>>, vector<1x1x1x16xf32>,
        %parallel_loop3A_1241 = arith.constant 0 : i32
        %parallel_loop3A_1242 = arith.index_cast %parallel_loop3A_1241 : i32 to index
        %parallel_loop3A_1243 = arith.index_cast %parallel_loop3A_1186 : i32 to index
        %parallel_loop3A_1244 = arith.constant 48 : index
        %parallel_loop3A_1245 = tpu.vector_load %arg6[%parallel_loop3A_1242, %parallel_loop3A_1243, %parallel_loop3A_1244] {strides = array<i32>} : memref<8x128x64xf32, #tpu.memory_space<vmem>>, vector<1x1x16xf32>,
        %parallel_loop3A_1246 = vector.shape_cast %parallel_loop3A_1245 : vector<1x1x16xf32> to vector<16xf32>
        %parallel_loop3A_1247 = arith.constant 8.000000e+00 : f32
        %parallel_loop3A_1248 = vector.broadcast %parallel_loop3A_1247 : f32 to vector<16xf32>
        %parallel_loop3A_1249 = arith.mulf %parallel_loop3A_1246, %parallel_loop3A_1248 : vector<16xf32>
        %parallel_loop3A_1250 = arith.constant 0 : i32
        %parallel_loop3A_1251 = arith.constant 0 : i32
        %parallel_loop3A_1252 = arith.index_cast %parallel_loop3A_1250 : i32 to index
        %parallel_loop3A_1253 = arith.index_cast %parallel_loop3A_1186 : i32 to index
        %parallel_loop3A_1254 = arith.index_cast %parallel_loop3A_1251 : i32 to index
        %parallel_loop3A_1255 = arith.constant 48 : index
        %parallel_loop3A_1256 = tpu.vector_load %arg7[%parallel_loop3A_1252, %parallel_loop3A_1253, %parallel_loop3A_1254, %parallel_loop3A_1255] {strides = array<i32>} : memref<2x128x2x64xf32, #tpu.memory_space<vmem>>, vector<1x1x1x16xf32>,
        %parallel_loop3A_1257 = vector.shape_cast %parallel_loop3A_1256 : vector<1x1x1x16xf32> to vector<16xf32>
        %parallel_loop3A_1258 = vector.shape_cast %parallel_loop3A_1249 : vector<16xf32> to vector<1x1x1x16xf32>
        tpu.vector_store %arg7[%parallel_loop3A_1252, %parallel_loop3A_1253, %parallel_loop3A_1254, %parallel_loop3A_1255], %parallel_loop3A_1258 {strides = array<i32>} : memref<2x128x2x64xf32, #tpu.memory_space<vmem>>, vector<1x1x1x16xf32>,
      } {sc.loop_unroll_factor = 8 : i64, sc.parallel_access}
      %mul3A_692 = arith.constant 128 : i32
      %mul3A_693 = arith.muli %add3A_672, %mul3A_692 : i32
      %add3A_694 = arith.addi %mul3A_2, %mul3A_693 : i32
      %dma_start3A_695 = arith.constant 0 : i32
      %dma_start3A_696 = arith.constant 0 : i32
      %dma_start3A_697 = arith.constant 0 : i32
      %dma_start3A_698 = arith.constant 0 : i32
      %dma_start3A_699 = arith.constant 0 : i32
      %dma_start3A_700 = tpu.memref_slice %arg7[%dma_start3A_695, %dma_start3A_697, %dma_start3A_698, %dma_start3A_699] : memref<2x128x2x64xf32, #tpu.memory_space<vmem>> -> memref<1x128x2x64xf32, #tpu.memory_space<vmem>>
      %dma_start3A_701 = tpu.memref_squeeze %dma_start3A_700 : memref<1x128x2x64xf32, #tpu.memory_space<vmem>> -> memref<128x2x64xf32, #tpu.memory_space<vmem>>
      %dma_start3A_702 = arith.constant 0 : i32
      %dma_start3A_703 = arith.constant 0 : i32
      %dma_start3A_704 = tpu.memref_slice %arg4[%add3A_694, %dma_start3A_702, %dma_start3A_703] : memref<819200x2x64xf32, #tpu.memory_space<hbm>> -> memref<128x2x64xf32, #tpu.memory_space<hbm>>
      %dma_start3A_705 = tpu.memref_slice %arg9[%dma_start3A_696] : memref<2x!tpu.dma_semaphore, #tpu.memory_space<semaphore_mem>> -> memref<1x!tpu.dma_semaphore, #tpu.memory_space<semaphore_mem>>
      %dma_start3A_706 = tpu.memref_squeeze %dma_start3A_705 : memref<1x!tpu.dma_semaphore, #tpu.memory_space<semaphore_mem>> -> memref<!tpu.dma_semaphore, #tpu.memory_space<semaphore_mem>>
      %dma_start3A_707 = arith.constant 0 : i32
      %dma_start3A_708 = arith.constant 0 : i32
      %dma_start3A_709 = tpu.memref_slice %arg4[%add3A_694, %dma_start3A_707, %dma_start3A_708] : memref<819200x2x64xf32, #tpu.memory_space<hbm>> -> memref<128x2x64xf32, #tpu.memory_space<hbm>>
      %dma_start3A_710 = arith.constant 0 : i32
      %dma_start3A_711 = arith.constant 0 : i32
      %dma_start3A_712 = arith.constant 0 : i32
      %dma_start3A_713 = tpu.memref_slice %arg7[%dma_start3A_695, %dma_start3A_710, %dma_start3A_711, %dma_start3A_712] : memref<2x128x2x64xf32, #tpu.memory_space<vmem>> -> memref<1x128x2x64xf32, #tpu.memory_space<vmem>>
      %dma_start3A_714 = tpu.memref_squeeze %dma_start3A_713 : memref<1x128x2x64xf32, #tpu.memory_space<vmem>> -> memref<128x2x64xf32, #tpu.memory_space<vmem>>
      tpu.enqueue_dma source(%dma_start3A_714 : memref<128x2x64xf32, #tpu.memory_space<vmem>>) target(%dma_start3A_709 : memref<128x2x64xf32, #tpu.memory_space<hbm>>) target_semaphore(%dma_start3A_706 : memref<!tpu.dma_semaphore, #tpu.memory_space<semaphore_mem>>)
      %add3A_715 = arith.constant 8 : i32
      %add3A_716 = arith.addi %add3A_672, %add3A_715 : i32
      %dma_start3A_717 = arith.constant 0 : i32
      %dma_start3A_718 = arith.constant 0 : i32
      %dma_start3A_719 = arith.constant 0 : i32
      %dma_start3A_720 = arith.constant 0 : i32
      %dma_start3A_721 = tpu.memref_slice %arg6[%dma_start3A_717, %dma_start3A_719, %dma_start3A_720] : memref<8x128x64xf32, #tpu.memory_space<vmem>> -> memref<1x128x64xf32, #tpu.memory_space<vmem>>
      %dma_start3A_722 = tpu.memref_squeeze %dma_start3A_721 : memref<1x128x64xf32, #tpu.memory_space<vmem>> -> memref<128x64xf32, #tpu.memory_space<vmem>>
      %dma_start3A_723 = arith.constant 0 : i32
      %dma_start3A_724 = tpu.memref_slice %arg5[%add3A_716, %dma_start3A_723] : memref<200x128xi32, #tpu.memory_space<vmem>> -> memref<1x128xi32, #tpu.memory_space<vmem>>
      %dma_start3A_725 = tpu.memref_squeeze %dma_start3A_724 : memref<1x128xi32, #tpu.memory_space<vmem>> -> memref<128xi32, #tpu.memory_space<vmem>>
      %dma_start3A_726 = arith.constant 0 : i32
      %dma_start3A_727 = arith.constant 0 : i32
      %dma_start3A_728 = tpu.memref_slice %arg3[%dma_start3A_726, %dma_start3A_727] : memref<1000000x64xf32, #tpu.memory_space<hbm>> -> memref<1000000x64xf32, #tpu.memory_space<hbm>>
      %dma_start3A_729 = tpu.memref_slice %arg8[%dma_start3A_718] : memref<8x!tpu.dma_semaphore, #tpu.memory_space<semaphore_mem>> -> memref<1x!tpu.dma_semaphore, #tpu.memory_space<semaphore_mem>>
      %dma_start3A_730 = tpu.memref_squeeze %dma_start3A_729 : memref<1x!tpu.dma_semaphore, #tpu.memory_space<semaphore_mem>> -> memref<!tpu.dma_semaphore, #tpu.memory_space<semaphore_mem>>
      tpu.enqueue_indirect_dma source(%dma_start3A_728 : memref<1000000x64xf32, #tpu.memory_space<hbm>>) target(%dma_start3A_722 : memref<128x64xf32, #tpu.memory_space<vmem>>) offsets(%dma_start3A_725 : memref<128xi32, #tpu.memory_space<vmem>>) semaphore(%dma_start3A_730 : memref<!tpu.dma_semaphore, #tpu.memory_space<semaphore_mem>>)
      %mul3A_731 = arith.constant 8 : i32
      %mul3A_732 = arith.muli %add3A_668, %mul3A_731 : i32
      %add3A_733 = arith.constant 1 : i32
      %add3A_734 = arith.addi %mul3A_732, %add3A_733 : i32
      %dma_wait3A_735 = arith.constant 1 : i32
      %dma_wait3A_736 = arith.constant 1 : i32
      %dma_wait3A_737 = arith.constant 0 : i32
      %dma_wait3A_738 = arith.constant 0 : i32
      %dma_wait3A_739 = tpu.memref_slice %arg6[%dma_wait3A_735, %dma_wait3A_737, %dma_wait3A_738] : memref<8x128x64xf32, #tpu.memory_space<vmem>> -> memref<1x128x64xf32, #tpu.memory_space<vmem>>
      %dma_wait3A_740 = tpu.memref_squeeze %dma_wait3A_739 : memref<1x128x64xf32, #tpu.memory_space<vmem>> -> memref<128x64xf32, #tpu.memory_space<vmem>>
      %dma_wait3A_741 = arith.constant 0 : i32
      %dma_wait3A_742 = tpu.memref_slice %arg5[%add3A_734, %dma_wait3A_741] : memref<200x128xi32, #tpu.memory_space<vmem>> -> memref<1x128xi32, #tpu.memory_space<vmem>>
      %dma_wait3A_743 = tpu.memref_squeeze %dma_wait3A_742 : memref<1x128xi32, #tpu.memory_space<vmem>> -> memref<128xi32, #tpu.memory_space<vmem>>
      %dma_wait3A_744 = arith.constant 0 : i32
      %dma_wait3A_745 = arith.constant 0 : i32
      %dma_wait3A_746 = tpu.memref_slice %arg3[%dma_wait3A_744, %dma_wait3A_745] : memref<1000000x64xf32, #tpu.memory_space<hbm>> -> memref<1000000x64xf32, #tpu.memory_space<hbm>>
      %dma_wait3A_747 = tpu.memref_slice %arg8[%dma_wait3A_736] : memref<8x!tpu.dma_semaphore, #tpu.memory_space<semaphore_mem>> -> memref<1x!tpu.dma_semaphore, #tpu.memory_space<semaphore_mem>>
      %dma_wait3A_748 = tpu.memref_squeeze %dma_wait3A_747 : memref<1x!tpu.dma_semaphore, #tpu.memory_space<semaphore_mem>> -> memref<!tpu.dma_semaphore, #tpu.memory_space<semaphore_mem>>
      tpu.wait_indirect_dma semaphore(%dma_wait3A_748 : memref<!tpu.dma_semaphore, #tpu.memory_space<semaphore_mem>>) src(%dma_wait3A_746 : memref<1000000x64xf32, #tpu.memory_space<hbm>>) dst(%dma_wait3A_740 : memref<128x64xf32, #tpu.memory_space<vmem>>)
      %ge3A_749 = arith.constant 2 : i32
      %ge3A_750 = arith.cmpi sge, %add3A_734, %ge3A_749 : i32
      %convert_element_type3A_751 = arith.extui %ge3A_750 : i1 to i32
      %cond3A_752 = arith.constant 0 : i32
      %cond3A_753 = arith.cmpi ne, %convert_element_type3A_751, %cond3A_752 : i32
      scf.if %cond3A_753 {
        %sub3A = arith.constant 2 : i32
        %sub3A_1186 = arith.subi %add3A_734, %sub3A : i32
        %mul3A_1187 = arith.constant 128 : i32
        %mul3A_1188 = arith.muli %sub3A_1186, %mul3A_1187 : i32
        %add3A_1189 = arith.addi %mul3A_2, %mul3A_1188 : i32
        %dma_wait3A_1190 = arith.constant 1 : i32
        %dma_wait3A_1191 = arith.constant 1 : i32
        %dma_wait3A_1192 = arith.constant 0 : i32
        %dma_wait3A_1193 = arith.constant 0 : i32
        %dma_wait3A_1194 = arith.constant 0 : i32
        %dma_wait3A_1195 = tpu.memref_slice %arg7[%dma_wait3A_1190, %dma_wait3A_1192, %dma_wait3A_1193, %dma_wait3A_1194] : memref<2x128x2x64xf32, #tpu.memory_space<vmem>> -> memref<1x128x2x64xf32, #tpu.memory_space<vmem>>
        %dma_wait3A_1196 = tpu.memref_squeeze %dma_wait3A_1195 : memref<1x128x2x64xf32, #tpu.memory_space<vmem>> -> memref<128x2x64xf32, #tpu.memory_space<vmem>>
        %dma_wait3A_1197 = arith.constant 0 : i32
        %dma_wait3A_1198 = arith.constant 0 : i32
        %dma_wait3A_1199 = tpu.memref_slice %arg4[%add3A_1189, %dma_wait3A_1197, %dma_wait3A_1198] : memref<819200x2x64xf32, #tpu.memory_space<hbm>> -> memref<128x2x64xf32, #tpu.memory_space<hbm>>
        %dma_wait3A_1200 = tpu.memref_slice %arg9[%dma_wait3A_1191] : memref<2x!tpu.dma_semaphore, #tpu.memory_space<semaphore_mem>> -> memref<1x!tpu.dma_semaphore, #tpu.memory_space<semaphore_mem>>
        %dma_wait3A_1201 = tpu.memref_squeeze %dma_wait3A_1200 : memref<1x!tpu.dma_semaphore, #tpu.memory_space<semaphore_mem>> -> memref<!tpu.dma_semaphore, #tpu.memory_space<semaphore_mem>>
        %dma_wait3A_1202 = arith.constant 0 : i32
        %dma_wait3A_1203 = arith.constant 0 : i32
        %dma_wait3A_1204 = tpu.memref_slice %arg4[%add3A_1189, %dma_wait3A_1202, %dma_wait3A_1203] : memref<819200x2x64xf32, #tpu.memory_space<hbm>> -> memref<128x2x64xf32, #tpu.memory_space<hbm>>
        %dma_wait3A_1205 = arith.constant 0 : i32
        %dma_wait3A_1206 = arith.constant 0 : i32
        %dma_wait3A_1207 = arith.constant 0 : i32
        %dma_wait3A_1208 = tpu.memref_slice %arg7[%dma_wait3A_1190, %dma_wait3A_1205, %dma_wait3A_1206, %dma_wait3A_1207] : memref<2x128x2x64xf32, #tpu.memory_space<vmem>> -> memref<1x128x2x64xf32, #tpu.memory_space<vmem>>
        %dma_wait3A_1209 = tpu.memref_squeeze %dma_wait3A_1208 : memref<1x128x2x64xf32, #tpu.memory_space<vmem>> -> memref<128x2x64xf32, #tpu.memory_space<vmem>>
        tpu.wait_dma2 semaphore(%dma_wait3A_1201 : memref<!tpu.dma_semaphore, #tpu.memory_space<semaphore_mem>>) src(%dma_wait3A_1209 : memref<128x2x64xf32, #tpu.memory_space<vmem>>) dst(%dma_wait3A_1204 : memref<128x2x64xf32, #tpu.memory_space<hbm>>)
      } else {
      }
      %parallel_loop3A_754 = arith.constant 0 : i32
      %parallel_loop3A_755 = arith.constant 128 : i32
      %parallel_loop3A_756 = arith.constant 1 : i32
      scf.for %parallel_loop3A_1186 = %parallel_loop3A_754 to %parallel_loop3A_755 step %parallel_loop3A_756  : i32 {
        %parallel_loop3A_1187 = arith.constant 1 : i32
        %parallel_loop3A_1188 = arith.index_cast %parallel_loop3A_1187 : i32 to index
        %parallel_loop3A_1189 = arith.index_cast %parallel_loop3A_1186 : i32 to index
        %parallel_loop3A_1190 = arith.constant 0 : index
        %parallel_loop3A_1191 = tpu.vector_load %arg6[%parallel_loop3A_1188, %parallel_loop3A_1189, %parallel_loop3A_1190] {strides = array<i32>} : memref<8x128x64xf32, #tpu.memory_space<vmem>>, vector<1x1x16xf32>,
        %parallel_loop3A_1192 = vector.shape_cast %parallel_loop3A_1191 : vector<1x1x16xf32> to vector<16xf32>
        %parallel_loop3A_1193 = arith.constant 8.000000e+00 : f32
        %parallel_loop3A_1194 = vector.broadcast %parallel_loop3A_1193 : f32 to vector<16xf32>
        %parallel_loop3A_1195 = arith.mulf %parallel_loop3A_1192, %parallel_loop3A_1194 : vector<16xf32>
        %parallel_loop3A_1196 = arith.constant 1 : i32
        %parallel_loop3A_1197 = arith.constant 0 : i32
        %parallel_loop3A_1198 = arith.index_cast %parallel_loop3A_1196 : i32 to index
        %parallel_loop3A_1199 = arith.index_cast %parallel_loop3A_1186 : i32 to index
        %parallel_loop3A_1200 = arith.index_cast %parallel_loop3A_1197 : i32 to index
        %parallel_loop3A_1201 = arith.constant 0 : index
        %parallel_loop3A_1202 = tpu.vector_load %arg7[%parallel_loop3A_1198, %parallel_loop3A_1199, %parallel_loop3A_1200, %parallel_loop3A_1201] {strides = array<i32>} : memref<2x128x2x64xf32, #tpu.memory_space<vmem>>, vector<1x1x1x16xf32>,
        %parallel_loop3A_1203 = vector.shape_cast %parallel_loop3A_1202 : vector<1x1x1x16xf32> to vector<16xf32>
        %parallel_loop3A_1204 = vector.shape_cast %parallel_loop3A_1195 : vector<16xf32> to vector<1x1x1x16xf32>
        tpu.vector_store %arg7[%parallel_loop3A_1198, %parallel_loop3A_1199, %parallel_loop3A_1200, %parallel_loop3A_1201], %parallel_loop3A_1204 {strides = array<i32>} : memref<2x128x2x64xf32, #tpu.memory_space<vmem>>, vector<1x1x1x16xf32>,
        %parallel_loop3A_1205 = arith.constant 1 : i32
        %parallel_loop3A_1206 = arith.index_cast %parallel_loop3A_1205 : i32 to index
        %parallel_loop3A_1207 = arith.index_cast %parallel_loop3A_1186 : i32 to index
        %parallel_loop3A_1208 = arith.constant 16 : index
        %parallel_loop3A_1209 = tpu.vector_load %arg6[%parallel_loop3A_1206, %parallel_loop3A_1207, %parallel_loop3A_1208] {strides = array<i32>} : memref<8x128x64xf32, #tpu.memory_space<vmem>>, vector<1x1x16xf32>,
        %parallel_loop3A_1210 = vector.shape_cast %parallel_loop3A_1209 : vector<1x1x16xf32> to vector<16xf32>
        %parallel_loop3A_1211 = arith.constant 8.000000e+00 : f32
        %parallel_loop3A_1212 = vector.broadcast %parallel_loop3A_1211 : f32 to vector<16xf32>
        %parallel_loop3A_1213 = arith.mulf %parallel_loop3A_1210, %parallel_loop3A_1212 : vector<16xf32>
        %parallel_loop3A_1214 = arith.constant 1 : i32
        %parallel_loop3A_1215 = arith.constant 0 : i32
        %parallel_loop3A_1216 = arith.index_cast %parallel_loop3A_1214 : i32 to index
        %parallel_loop3A_1217 = arith.index_cast %parallel_loop3A_1186 : i32 to index
        %parallel_loop3A_1218 = arith.index_cast %parallel_loop3A_1215 : i32 to index
        %parallel_loop3A_1219 = arith.constant 16 : index
        %parallel_loop3A_1220 = tpu.vector_load %arg7[%parallel_loop3A_1216, %parallel_loop3A_1217, %parallel_loop3A_1218, %parallel_loop3A_1219] {strides = array<i32>} : memref<2x128x2x64xf32, #tpu.memory_space<vmem>>, vector<1x1x1x16xf32>,
        %parallel_loop3A_1221 = vector.shape_cast %parallel_loop3A_1220 : vector<1x1x1x16xf32> to vector<16xf32>
        %parallel_loop3A_1222 = vector.shape_cast %parallel_loop3A_1213 : vector<16xf32> to vector<1x1x1x16xf32>
        tpu.vector_store %arg7[%parallel_loop3A_1216, %parallel_loop3A_1217, %parallel_loop3A_1218, %parallel_loop3A_1219], %parallel_loop3A_1222 {strides = array<i32>} : memref<2x128x2x64xf32, #tpu.memory_space<vmem>>, vector<1x1x1x16xf32>,
        %parallel_loop3A_1223 = arith.constant 1 : i32
        %parallel_loop3A_1224 = arith.index_cast %parallel_loop3A_1223 : i32 to index
        %parallel_loop3A_1225 = arith.index_cast %parallel_loop3A_1186 : i32 to index
        %parallel_loop3A_1226 = arith.constant 32 : index
        %parallel_loop3A_1227 = tpu.vector_load %arg6[%parallel_loop3A_1224, %parallel_loop3A_1225, %parallel_loop3A_1226] {strides = array<i32>} : memref<8x128x64xf32, #tpu.memory_space<vmem>>, vector<1x1x16xf32>,
        %parallel_loop3A_1228 = vector.shape_cast %parallel_loop3A_1227 : vector<1x1x16xf32> to vector<16xf32>
        %parallel_loop3A_1229 = arith.constant 8.000000e+00 : f32
        %parallel_loop3A_1230 = vector.broadcast %parallel_loop3A_1229 : f32 to vector<16xf32>
        %parallel_loop3A_1231 = arith.mulf %parallel_loop3A_1228, %parallel_loop3A_1230 : vector<16xf32>
        %parallel_loop3A_1232 = arith.constant 1 : i32
        %parallel_loop3A_1233 = arith.constant 0 : i32
        %parallel_loop3A_1234 = arith.index_cast %parallel_loop3A_1232 : i32 to index
        %parallel_loop3A_1235 = arith.index_cast %parallel_loop3A_1186 : i32 to index
        %parallel_loop3A_1236 = arith.index_cast %parallel_loop3A_1233 : i32 to index
        %parallel_loop3A_1237 = arith.constant 32 : index
        %parallel_loop3A_1238 = tpu.vector_load %arg7[%parallel_loop3A_1234, %parallel_loop3A_1235, %parallel_loop3A_1236, %parallel_loop3A_1237] {strides = array<i32>} : memref<2x128x2x64xf32, #tpu.memory_space<vmem>>, vector<1x1x1x16xf32>,
        %parallel_loop3A_1239 = vector.shape_cast %parallel_loop3A_1238 : vector<1x1x1x16xf32> to vector<16xf32>
        %parallel_loop3A_1240 = vector.shape_cast %parallel_loop3A_1231 : vector<16xf32> to vector<1x1x1x16xf32>
        tpu.vector_store %arg7[%parallel_loop3A_1234, %parallel_loop3A_1235, %parallel_loop3A_1236, %parallel_loop3A_1237], %parallel_loop3A_1240 {strides = array<i32>} : memref<2x128x2x64xf32, #tpu.memory_space<vmem>>, vector<1x1x1x16xf32>,
        %parallel_loop3A_1241 = arith.constant 1 : i32
        %parallel_loop3A_1242 = arith.index_cast %parallel_loop3A_1241 : i32 to index
        %parallel_loop3A_1243 = arith.index_cast %parallel_loop3A_1186 : i32 to index
        %parallel_loop3A_1244 = arith.constant 48 : index
        %parallel_loop3A_1245 = tpu.vector_load %arg6[%parallel_loop3A_1242, %parallel_loop3A_1243, %parallel_loop3A_1244] {strides = array<i32>} : memref<8x128x64xf32, #tpu.memory_space<vmem>>, vector<1x1x16xf32>,
        %parallel_loop3A_1246 = vector.shape_cast %parallel_loop3A_1245 : vector<1x1x16xf32> to vector<16xf32>
        %parallel_loop3A_1247 = arith.constant 8.000000e+00 : f32
        %parallel_loop3A_1248 = vector.broadcast %parallel_loop3A_1247 : f32 to vector<16xf32>
        %parallel_loop3A_1249 = arith.mulf %parallel_loop3A_1246, %parallel_loop3A_1248 : vector<16xf32>
        %parallel_loop3A_1250 = arith.constant 1 : i32
        %parallel_loop3A_1251 = arith.constant 0 : i32
        %parallel_loop3A_1252 = arith.index_cast %parallel_loop3A_1250 : i32 to index
        %parallel_loop3A_1253 = arith.index_cast %parallel_loop3A_1186 : i32 to index
        %parallel_loop3A_1254 = arith.index_cast %parallel_loop3A_1251 : i32 to index
        %parallel_loop3A_1255 = arith.constant 48 : index
        %parallel_loop3A_1256 = tpu.vector_load %arg7[%parallel_loop3A_1252, %parallel_loop3A_1253, %parallel_loop3A_1254, %parallel_loop3A_1255] {strides = array<i32>} : memref<2x128x2x64xf32, #tpu.memory_space<vmem>>, vector<1x1x1x16xf32>,
        %parallel_loop3A_1257 = vector.shape_cast %parallel_loop3A_1256 : vector<1x1x1x16xf32> to vector<16xf32>
        %parallel_loop3A_1258 = vector.shape_cast %parallel_loop3A_1249 : vector<16xf32> to vector<1x1x1x16xf32>
        tpu.vector_store %arg7[%parallel_loop3A_1252, %parallel_loop3A_1253, %parallel_loop3A_1254, %parallel_loop3A_1255], %parallel_loop3A_1258 {strides = array<i32>} : memref<2x128x2x64xf32, #tpu.memory_space<vmem>>, vector<1x1x1x16xf32>,
      } {sc.loop_unroll_factor = 8 : i64, sc.parallel_access}
      %mul3A_757 = arith.constant 128 : i32
      %mul3A_758 = arith.muli %add3A_734, %mul3A_757 : i32
      %add3A_759 = arith.addi %mul3A_2, %mul3A_758 : i32
      %dma_start3A_760 = arith.constant 1 : i32
      %dma_start3A_761 = arith.constant 1 : i32
      %dma_start3A_762 = arith.constant 0 : i32
      %dma_start3A_763 = arith.constant 0 : i32
      %dma_start3A_764 = arith.constant 0 : i32
      %dma_start3A_765 = tpu.memref_slice %arg7[%dma_start3A_760, %dma_start3A_762, %dma_start3A_763, %dma_start3A_764] : memref<2x128x2x64xf32, #tpu.memory_space<vmem>> -> memref<1x128x2x64xf32, #tpu.memory_space<vmem>>
      %dma_start3A_766 = tpu.memref_squeeze %dma_start3A_765 : memref<1x128x2x64xf32, #tpu.memory_space<vmem>> -> memref<128x2x64xf32, #tpu.memory_space<vmem>>
      %dma_start3A_767 = arith.constant 0 : i32
      %dma_start3A_768 = arith.constant 0 : i32
      %dma_start3A_769 = tpu.memref_slice %arg4[%add3A_759, %dma_start3A_767, %dma_start3A_768] : memref<819200x2x64xf32, #tpu.memory_space<hbm>> -> memref<128x2x64xf32, #tpu.memory_space<hbm>>
      %dma_start3A_770 = tpu.memref_slice %arg9[%dma_start3A_761] : memref<2x!tpu.dma_semaphore, #tpu.memory_space<semaphore_mem>> -> memref<1x!tpu.dma_semaphore, #tpu.memory_space<semaphore_mem>>
      %dma_start3A_771 = tpu.memref_squeeze %dma_start3A_770 : memref<1x!tpu.dma_semaphore, #tpu.memory_space<semaphore_mem>> -> memref<!tpu.dma_semaphore, #tpu.memory_space<semaphore_mem>>
      %dma_start3A_772 = arith.constant 0 : i32
      %dma_start3A_773 = arith.constant 0 : i32
      %dma_start3A_774 = tpu.memref_slice %arg4[%add3A_759, %dma_start3A_772, %dma_start3A_773] : memref<819200x2x64xf32, #tpu.memory_space<hbm>> -> memref<128x2x64xf32, #tpu.memory_space<hbm>>
      %dma_start3A_775 = arith.constant 0 : i32
      %dma_start3A_776 = arith.constant 0 : i32
      %dma_start3A_777 = arith.constant 0 : i32
      %dma_start3A_778 = tpu.memref_slice %arg7[%dma_start3A_760, %dma_start3A_775, %dma_start3A_776, %dma_start3A_777] : memref<2x128x2x64xf32, #tpu.memory_space<vmem>> -> memref<1x128x2x64xf32, #tpu.memory_space<vmem>>
      %dma_start3A_779 = tpu.memref_squeeze %dma_start3A_778 : memref<1x128x2x64xf32, #tpu.memory_space<vmem>> -> memref<128x2x64xf32, #tpu.memory_space<vmem>>
      tpu.enqueue_dma source(%dma_start3A_779 : memref<128x2x64xf32, #tpu.memory_space<vmem>>) target(%dma_start3A_774 : memref<128x2x64xf32, #tpu.memory_space<hbm>>) target_semaphore(%dma_start3A_771 : memref<!tpu.dma_semaphore, #tpu.memory_space<semaphore_mem>>)
      %add3A_780 = arith.constant 8 : i32
      %add3A_781 = arith.addi %add3A_734, %add3A_780 : i32
      %dma_start3A_782 = arith.constant 1 : i32
      %dma_start3A_783 = arith.constant 1 : i32
      %dma_start3A_784 = arith.constant 0 : i32
      %dma_start3A_785 = arith.constant 0 : i32
      %dma_start3A_786 = tpu.memref_slice %arg6[%dma_start3A_782, %dma_start3A_784, %dma_start3A_785] : memref<8x128x64xf32, #tpu.memory_space<vmem>> -> memref<1x128x64xf32, #tpu.memory_space<vmem>>
      %dma_start3A_787 = tpu.memref_squeeze %dma_start3A_786 : memref<1x128x64xf32, #tpu.memory_space<vmem>> -> memref<128x64xf32, #tpu.memory_space<vmem>>
      %dma_start3A_788 = arith.constant 0 : i32
      %dma_start3A_789 = tpu.memref_slice %arg5[%add3A_781, %dma_start3A_788] : memref<200x128xi32, #tpu.memory_space<vmem>> -> memref<1x128xi32, #tpu.memory_space<vmem>>
      %dma_start3A_790 = tpu.memref_squeeze %dma_start3A_789 : memref<1x128xi32, #tpu.memory_space<vmem>> -> memref<128xi32, #tpu.memory_space<vmem>>
      %dma_start3A_791 = arith.constant 0 : i32
      %dma_start3A_792 = arith.constant 0 : i32
      %dma_start3A_793 = tpu.memref_slice %arg3[%dma_start3A_791, %dma_start3A_792] : memref<1000000x64xf32, #tpu.memory_space<hbm>> -> memref<1000000x64xf32, #tpu.memory_space<hbm>>
      %dma_start3A_794 = tpu.memref_slice %arg8[%dma_start3A_783] : memref<8x!tpu.dma_semaphore, #tpu.memory_space<semaphore_mem>> -> memref<1x!tpu.dma_semaphore, #tpu.memory_space<semaphore_mem>>
      %dma_start3A_795 = tpu.memref_squeeze %dma_start3A_794 : memref<1x!tpu.dma_semaphore, #tpu.memory_space<semaphore_mem>> -> memref<!tpu.dma_semaphore, #tpu.memory_space<semaphore_mem>>
      tpu.enqueue_indirect_dma source(%dma_start3A_793 : memref<1000000x64xf32, #tpu.memory_space<hbm>>) target(%dma_start3A_787 : memref<128x64xf32, #tpu.memory_space<vmem>>) offsets(%dma_start3A_790 : memref<128xi32, #tpu.memory_space<vmem>>) semaphore(%dma_start3A_795 : memref<!tpu.dma_semaphore, #tpu.memory_space<semaphore_mem>>)
      %mul3A_796 = arith.constant 8 : i32
      %mul3A_797 = arith.muli %add3A_668, %mul3A_796 : i32
      %add3A_798 = arith.constant 2 : i32
      %add3A_799 = arith.addi %mul3A_797, %add3A_798 : i32
      %dma_wait3A_800 = arith.constant 2 : i32
      %dma_wait3A_801 = arith.constant 2 : i32
      %dma_wait3A_802 = arith.constant 0 : i32
      %dma_wait3A_803 = arith.constant 0 : i32
      %dma_wait3A_804 = tpu.memref_slice %arg6[%dma_wait3A_800, %dma_wait3A_802, %dma_wait3A_803] : memref<8x128x64xf32, #tpu.memory_space<vmem>> -> memref<1x128x64xf32, #tpu.memory_space<vmem>>
      %dma_wait3A_805 = tpu.memref_squeeze %dma_wait3A_804 : memref<1x128x64xf32, #tpu.memory_space<vmem>> -> memref<128x64xf32, #tpu.memory_space<vmem>>
      %dma_wait3A_806 = arith.constant 0 : i32
      %dma_wait3A_807 = tpu.memref_slice %arg5[%add3A_799, %dma_wait3A_806] : memref<200x128xi32, #tpu.memory_space<vmem>> -> memref<1x128xi32, #tpu.memory_space<vmem>>
      %dma_wait3A_808 = tpu.memref_squeeze %dma_wait3A_807 : memref<1x128xi32, #tpu.memory_space<vmem>> -> memref<128xi32, #tpu.memory_space<vmem>>
      %dma_wait3A_809 = arith.constant 0 : i32
      %dma_wait3A_810 = arith.constant 0 : i32
      %dma_wait3A_811 = tpu.memref_slice %arg3[%dma_wait3A_809, %dma_wait3A_810] : memref<1000000x64xf32, #tpu.memory_space<hbm>> -> memref<1000000x64xf32, #tpu.memory_space<hbm>>
      %dma_wait3A_812 = tpu.memref_slice %arg8[%dma_wait3A_801] : memref<8x!tpu.dma_semaphore, #tpu.memory_space<semaphore_mem>> -> memref<1x!tpu.dma_semaphore, #tpu.memory_space<semaphore_mem>>
      %dma_wait3A_813 = tpu.memref_squeeze %dma_wait3A_812 : memref<1x!tpu.dma_semaphore, #tpu.memory_space<semaphore_mem>> -> memref<!tpu.dma_semaphore, #tpu.memory_space<semaphore_mem>>
      tpu.wait_indirect_dma semaphore(%dma_wait3A_813 : memref<!tpu.dma_semaphore, #tpu.memory_space<semaphore_mem>>) src(%dma_wait3A_811 : memref<1000000x64xf32, #tpu.memory_space<hbm>>) dst(%dma_wait3A_805 : memref<128x64xf32, #tpu.memory_space<vmem>>)
      %ge3A_814 = arith.constant 2 : i32
      %ge3A_815 = arith.cmpi sge, %add3A_799, %ge3A_814 : i32
      %convert_element_type3A_816 = arith.extui %ge3A_815 : i1 to i32
      %cond3A_817 = arith.constant 0 : i32
      %cond3A_818 = arith.cmpi ne, %convert_element_type3A_816, %cond3A_817 : i32
      scf.if %cond3A_818 {
        %sub3A = arith.constant 2 : i32
        %sub3A_1186 = arith.subi %add3A_799, %sub3A : i32
        %mul3A_1187 = arith.constant 128 : i32
        %mul3A_1188 = arith.muli %sub3A_1186, %mul3A_1187 : i32
        %add3A_1189 = arith.addi %mul3A_2, %mul3A_1188 : i32
        %dma_wait3A_1190 = arith.constant 0 : i32
        %dma_wait3A_1191 = arith.constant 0 : i32
        %dma_wait3A_1192 = arith.constant 0 : i32
        %dma_wait3A_1193 = arith.constant 0 : i32
        %dma_wait3A_1194 = arith.constant 0 : i32
        %dma_wait3A_1195 = tpu.memref_slice %arg7[%dma_wait3A_1190, %dma_wait3A_1192, %dma_wait3A_1193, %dma_wait3A_1194] : memref<2x128x2x64xf32, #tpu.memory_space<vmem>> -> memref<1x128x2x64xf32, #tpu.memory_space<vmem>>
        %dma_wait3A_1196 = tpu.memref_squeeze %dma_wait3A_1195 : memref<1x128x2x64xf32, #tpu.memory_space<vmem>> -> memref<128x2x64xf32, #tpu.memory_space<vmem>>
        %dma_wait3A_1197 = arith.constant 0 : i32
        %dma_wait3A_1198 = arith.constant 0 : i32
        %dma_wait3A_1199 = tpu.memref_slice %arg4[%add3A_1189, %dma_wait3A_1197, %dma_wait3A_1198] : memref<819200x2x64xf32, #tpu.memory_space<hbm>> -> memref<128x2x64xf32, #tpu.memory_space<hbm>>
        %dma_wait3A_1200 = tpu.memref_slice %arg9[%dma_wait3A_1191] : memref<2x!tpu.dma_semaphore, #tpu.memory_space<semaphore_mem>> -> memref<1x!tpu.dma_semaphore, #tpu.memory_space<semaphore_mem>>
        %dma_wait3A_1201 = tpu.memref_squeeze %dma_wait3A_1200 : memref<1x!tpu.dma_semaphore, #tpu.memory_space<semaphore_mem>> -> memref<!tpu.dma_semaphore, #tpu.memory_space<semaphore_mem>>
        %dma_wait3A_1202 = arith.constant 0 : i32
        %dma_wait3A_1203 = arith.constant 0 : i32
        %dma_wait3A_1204 = tpu.memref_slice %arg4[%add3A_1189, %dma_wait3A_1202, %dma_wait3A_1203] : memref<819200x2x64xf32, #tpu.memory_space<hbm>> -> memref<128x2x64xf32, #tpu.memory_space<hbm>>
        %dma_wait3A_1205 = arith.constant 0 : i32
        %dma_wait3A_1206 = arith.constant 0 : i32
        %dma_wait3A_1207 = arith.constant 0 : i32
        %dma_wait3A_1208 = tpu.memref_slice %arg7[%dma_wait3A_1190, %dma_wait3A_1205, %dma_wait3A_1206, %dma_wait3A_1207] : memref<2x128x2x64xf32, #tpu.memory_space<vmem>> -> memref<1x128x2x64xf32, #tpu.memory_space<vmem>>
        %dma_wait3A_1209 = tpu.memref_squeeze %dma_wait3A_1208 : memref<1x128x2x64xf32, #tpu.memory_space<vmem>> -> memref<128x2x64xf32, #tpu.memory_space<vmem>>
        tpu.wait_dma2 semaphore(%dma_wait3A_1201 : memref<!tpu.dma_semaphore, #tpu.memory_space<semaphore_mem>>) src(%dma_wait3A_1209 : memref<128x2x64xf32, #tpu.memory_space<vmem>>) dst(%dma_wait3A_1204 : memref<128x2x64xf32, #tpu.memory_space<hbm>>)
      } else {
      }
      %parallel_loop3A_819 = arith.constant 0 : i32
      %parallel_loop3A_820 = arith.constant 128 : i32
      %parallel_loop3A_821 = arith.constant 1 : i32
      scf.for %parallel_loop3A_1186 = %parallel_loop3A_819 to %parallel_loop3A_820 step %parallel_loop3A_821  : i32 {
        %parallel_loop3A_1187 = arith.constant 2 : i32
        %parallel_loop3A_1188 = arith.index_cast %parallel_loop3A_1187 : i32 to index
        %parallel_loop3A_1189 = arith.index_cast %parallel_loop3A_1186 : i32 to index
        %parallel_loop3A_1190 = arith.constant 0 : index
        %parallel_loop3A_1191 = tpu.vector_load %arg6[%parallel_loop3A_1188, %parallel_loop3A_1189, %parallel_loop3A_1190] {strides = array<i32>} : memref<8x128x64xf32, #tpu.memory_space<vmem>>, vector<1x1x16xf32>,
        %parallel_loop3A_1192 = vector.shape_cast %parallel_loop3A_1191 : vector<1x1x16xf32> to vector<16xf32>
        %parallel_loop3A_1193 = arith.constant 8.000000e+00 : f32
        %parallel_loop3A_1194 = vector.broadcast %parallel_loop3A_1193 : f32 to vector<16xf32>
        %parallel_loop3A_1195 = arith.mulf %parallel_loop3A_1192, %parallel_loop3A_1194 : vector<16xf32>
        %parallel_loop3A_1196 = arith.constant 0 : i32
        %parallel_loop3A_1197 = arith.constant 0 : i32
        %parallel_loop3A_1198 = arith.index_cast %parallel_loop3A_1196 : i32 to index
        %parallel_loop3A_1199 = arith.index_cast %parallel_loop3A_1186 : i32 to index
        %parallel_loop3A_1200 = arith.index_cast %parallel_loop3A_1197 : i32 to index
        %parallel_loop3A_1201 = arith.constant 0 : index
        %parallel_loop3A_1202 = tpu.vector_load %arg7[%parallel_loop3A_1198, %parallel_loop3A_1199, %parallel_loop3A_1200, %parallel_loop3A_1201] {strides = array<i32>} : memref<2x128x2x64xf32, #tpu.memory_space<vmem>>, vector<1x1x1x16xf32>,
        %parallel_loop3A_1203 = vector.shape_cast %parallel_loop3A_1202 : vector<1x1x1x16xf32> to vector<16xf32>
        %parallel_loop3A_1204 = vector.shape_cast %parallel_loop3A_1195 : vector<16xf32> to vector<1x1x1x16xf32>
        tpu.vector_store %arg7[%parallel_loop3A_1198, %parallel_loop3A_1199, %parallel_loop3A_1200, %parallel_loop3A_1201], %parallel_loop3A_1204 {strides = array<i32>} : memref<2x128x2x64xf32, #tpu.memory_space<vmem>>, vector<1x1x1x16xf32>,
        %parallel_loop3A_1205 = arith.constant 2 : i32
        %parallel_loop3A_1206 = arith.index_cast %parallel_loop3A_1205 : i32 to index
        %parallel_loop3A_1207 = arith.index_cast %parallel_loop3A_1186 : i32 to index
        %parallel_loop3A_1208 = arith.constant 16 : index
        %parallel_loop3A_1209 = tpu.vector_load %arg6[%parallel_loop3A_1206, %parallel_loop3A_1207, %parallel_loop3A_1208] {strides = array<i32>} : memref<8x128x64xf32, #tpu.memory_space<vmem>>, vector<1x1x16xf32>,
        %parallel_loop3A_1210 = vector.shape_cast %parallel_loop3A_1209 : vector<1x1x16xf32> to vector<16xf32>
        %parallel_loop3A_1211 = arith.constant 8.000000e+00 : f32
        %parallel_loop3A_1212 = vector.broadcast %parallel_loop3A_1211 : f32 to vector<16xf32>
        %parallel_loop3A_1213 = arith.mulf %parallel_loop3A_1210, %parallel_loop3A_1212 : vector<16xf32>
        %parallel_loop3A_1214 = arith.constant 0 : i32
        %parallel_loop3A_1215 = arith.constant 0 : i32
        %parallel_loop3A_1216 = arith.index_cast %parallel_loop3A_1214 : i32 to index
        %parallel_loop3A_1217 = arith.index_cast %parallel_loop3A_1186 : i32 to index
        %parallel_loop3A_1218 = arith.index_cast %parallel_loop3A_1215 : i32 to index
        %parallel_loop3A_1219 = arith.constant 16 : index
        %parallel_loop3A_1220 = tpu.vector_load %arg7[%parallel_loop3A_1216, %parallel_loop3A_1217, %parallel_loop3A_1218, %parallel_loop3A_1219] {strides = array<i32>} : memref<2x128x2x64xf32, #tpu.memory_space<vmem>>, vector<1x1x1x16xf32>,
        %parallel_loop3A_1221 = vector.shape_cast %parallel_loop3A_1220 : vector<1x1x1x16xf32> to vector<16xf32>
        %parallel_loop3A_1222 = vector.shape_cast %parallel_loop3A_1213 : vector<16xf32> to vector<1x1x1x16xf32>
        tpu.vector_store %arg7[%parallel_loop3A_1216, %parallel_loop3A_1217, %parallel_loop3A_1218, %parallel_loop3A_1219], %parallel_loop3A_1222 {strides = array<i32>} : memref<2x128x2x64xf32, #tpu.memory_space<vmem>>, vector<1x1x1x16xf32>,
        %parallel_loop3A_1223 = arith.constant 2 : i32
        %parallel_loop3A_1224 = arith.index_cast %parallel_loop3A_1223 : i32 to index
        %parallel_loop3A_1225 = arith.index_cast %parallel_loop3A_1186 : i32 to index
        %parallel_loop3A_1226 = arith.constant 32 : index
        %parallel_loop3A_1227 = tpu.vector_load %arg6[%parallel_loop3A_1224, %parallel_loop3A_1225, %parallel_loop3A_1226] {strides = array<i32>} : memref<8x128x64xf32, #tpu.memory_space<vmem>>, vector<1x1x16xf32>,
        %parallel_loop3A_1228 = vector.shape_cast %parallel_loop3A_1227 : vector<1x1x16xf32> to vector<16xf32>
        %parallel_loop3A_1229 = arith.constant 8.000000e+00 : f32
        %parallel_loop3A_1230 = vector.broadcast %parallel_loop3A_1229 : f32 to vector<16xf32>
        %parallel_loop3A_1231 = arith.mulf %parallel_loop3A_1228, %parallel_loop3A_1230 : vector<16xf32>
        %parallel_loop3A_1232 = arith.constant 0 : i32
        %parallel_loop3A_1233 = arith.constant 0 : i32
        %parallel_loop3A_1234 = arith.index_cast %parallel_loop3A_1232 : i32 to index
        %parallel_loop3A_1235 = arith.index_cast %parallel_loop3A_1186 : i32 to index
        %parallel_loop3A_1236 = arith.index_cast %parallel_loop3A_1233 : i32 to index
        %parallel_loop3A_1237 = arith.constant 32 : index
        %parallel_loop3A_1238 = tpu.vector_load %arg7[%parallel_loop3A_1234, %parallel_loop3A_1235, %parallel_loop3A_1236, %parallel_loop3A_1237] {strides = array<i32>} : memref<2x128x2x64xf32, #tpu.memory_space<vmem>>, vector<1x1x1x16xf32>,
        %parallel_loop3A_1239 = vector.shape_cast %parallel_loop3A_1238 : vector<1x1x1x16xf32> to vector<16xf32>
        %parallel_loop3A_1240 = vector.shape_cast %parallel_loop3A_1231 : vector<16xf32> to vector<1x1x1x16xf32>
        tpu.vector_store %arg7[%parallel_loop3A_1234, %parallel_loop3A_1235, %parallel_loop3A_1236, %parallel_loop3A_1237], %parallel_loop3A_1240 {strides = array<i32>} : memref<2x128x2x64xf32, #tpu.memory_space<vmem>>, vector<1x1x1x16xf32>,
        %parallel_loop3A_1241 = arith.constant 2 : i32
        %parallel_loop3A_1242 = arith.index_cast %parallel_loop3A_1241 : i32 to index
        %parallel_loop3A_1243 = arith.index_cast %parallel_loop3A_1186 : i32 to index
        %parallel_loop3A_1244 = arith.constant 48 : index
        %parallel_loop3A_1245 = tpu.vector_load %arg6[%parallel_loop3A_1242, %parallel_loop3A_1243, %parallel_loop3A_1244] {strides = array<i32>} : memref<8x128x64xf32, #tpu.memory_space<vmem>>, vector<1x1x16xf32>,
        %parallel_loop3A_1246 = vector.shape_cast %parallel_loop3A_1245 : vector<1x1x16xf32> to vector<16xf32>
        %parallel_loop3A_1247 = arith.constant 8.000000e+00 : f32
        %parallel_loop3A_1248 = vector.broadcast %parallel_loop3A_1247 : f32 to vector<16xf32>
        %parallel_loop3A_1249 = arith.mulf %parallel_loop3A_1246, %parallel_loop3A_1248 : vector<16xf32>
        %parallel_loop3A_1250 = arith.constant 0 : i32
        %parallel_loop3A_1251 = arith.constant 0 : i32
        %parallel_loop3A_1252 = arith.index_cast %parallel_loop3A_1250 : i32 to index
        %parallel_loop3A_1253 = arith.index_cast %parallel_loop3A_1186 : i32 to index
        %parallel_loop3A_1254 = arith.index_cast %parallel_loop3A_1251 : i32 to index
        %parallel_loop3A_1255 = arith.constant 48 : index
        %parallel_loop3A_1256 = tpu.vector_load %arg7[%parallel_loop3A_1252, %parallel_loop3A_1253, %parallel_loop3A_1254, %parallel_loop3A_1255] {strides = array<i32>} : memref<2x128x2x64xf32, #tpu.memory_space<vmem>>, vector<1x1x1x16xf32>,
        %parallel_loop3A_1257 = vector.shape_cast %parallel_loop3A_1256 : vector<1x1x1x16xf32> to vector<16xf32>
        %parallel_loop3A_1258 = vector.shape_cast %parallel_loop3A_1249 : vector<16xf32> to vector<1x1x1x16xf32>
        tpu.vector_store %arg7[%parallel_loop3A_1252, %parallel_loop3A_1253, %parallel_loop3A_1254, %parallel_loop3A_1255], %parallel_loop3A_1258 {strides = array<i32>} : memref<2x128x2x64xf32, #tpu.memory_space<vmem>>, vector<1x1x1x16xf32>,
      } {sc.loop_unroll_factor = 8 : i64, sc.parallel_access}
      %mul3A_822 = arith.constant 128 : i32
      %mul3A_823 = arith.muli %add3A_799, %mul3A_822 : i32
      %add3A_824 = arith.addi %mul3A_2, %mul3A_823 : i32
      %dma_start3A_825 = arith.constant 0 : i32
      %dma_start3A_826 = arith.constant 0 : i32
      %dma_start3A_827 = arith.constant 0 : i32
      %dma_start3A_828 = arith.constant 0 : i32
      %dma_start3A_829 = arith.constant 0 : i32
      %dma_start3A_830 = tpu.memref_slice %arg7[%dma_start3A_825, %dma_start3A_827, %dma_start3A_828, %dma_start3A_829] : memref<2x128x2x64xf32, #tpu.memory_space<vmem>> -> memref<1x128x2x64xf32, #tpu.memory_space<vmem>>
      %dma_start3A_831 = tpu.memref_squeeze %dma_start3A_830 : memref<1x128x2x64xf32, #tpu.memory_space<vmem>> -> memref<128x2x64xf32, #tpu.memory_space<vmem>>
      %dma_start3A_832 = arith.constant 0 : i32
      %dma_start3A_833 = arith.constant 0 : i32
      %dma_start3A_834 = tpu.memref_slice %arg4[%add3A_824, %dma_start3A_832, %dma_start3A_833] : memref<819200x2x64xf32, #tpu.memory_space<hbm>> -> memref<128x2x64xf32, #tpu.memory_space<hbm>>
      %dma_start3A_835 = tpu.memref_slice %arg9[%dma_start3A_826] : memref<2x!tpu.dma_semaphore, #tpu.memory_space<semaphore_mem>> -> memref<1x!tpu.dma_semaphore, #tpu.memory_space<semaphore_mem>>
      %dma_start3A_836 = tpu.memref_squeeze %dma_start3A_835 : memref<1x!tpu.dma_semaphore, #tpu.memory_space<semaphore_mem>> -> memref<!tpu.dma_semaphore, #tpu.memory_space<semaphore_mem>>
      %dma_start3A_837 = arith.constant 0 : i32
      %dma_start3A_838 = arith.constant 0 : i32
      %dma_start3A_839 = tpu.memref_slice %arg4[%add3A_824, %dma_start3A_837, %dma_start3A_838] : memref<819200x2x64xf32, #tpu.memory_space<hbm>> -> memref<128x2x64xf32, #tpu.memory_space<hbm>>
      %dma_start3A_840 = arith.constant 0 : i32
      %dma_start3A_841 = arith.constant 0 : i32
      %dma_start3A_842 = arith.constant 0 : i32
      %dma_start3A_843 = tpu.memref_slice %arg7[%dma_start3A_825, %dma_start3A_840, %dma_start3A_841, %dma_start3A_842] : memref<2x128x2x64xf32, #tpu.memory_space<vmem>> -> memref<1x128x2x64xf32, #tpu.memory_space<vmem>>
      %dma_start3A_844 = tpu.memref_squeeze %dma_start3A_843 : memref<1x128x2x64xf32, #tpu.memory_space<vmem>> -> memref<128x2x64xf32, #tpu.memory_space<vmem>>
      tpu.enqueue_dma source(%dma_start3A_844 : memref<128x2x64xf32, #tpu.memory_space<vmem>>) target(%dma_start3A_839 : memref<128x2x64xf32, #tpu.memory_space<hbm>>) target_semaphore(%dma_start3A_836 : memref<!tpu.dma_semaphore, #tpu.memory_space<semaphore_mem>>)
      %add3A_845 = arith.constant 8 : i32
      %add3A_846 = arith.addi %add3A_799, %add3A_845 : i32
      %dma_start3A_847 = arith.constant 2 : i32
      %dma_start3A_848 = arith.constant 2 : i32
      %dma_start3A_849 = arith.constant 0 : i32
      %dma_start3A_850 = arith.constant 0 : i32
      %dma_start3A_851 = tpu.memref_slice %arg6[%dma_start3A_847, %dma_start3A_849, %dma_start3A_850] : memref<8x128x64xf32, #tpu.memory_space<vmem>> -> memref<1x128x64xf32, #tpu.memory_space<vmem>>
      %dma_start3A_852 = tpu.memref_squeeze %dma_start3A_851 : memref<1x128x64xf32, #tpu.memory_space<vmem>> -> memref<128x64xf32, #tpu.memory_space<vmem>>
      %dma_start3A_853 = arith.constant 0 : i32
      %dma_start3A_854 = tpu.memref_slice %arg5[%add3A_846, %dma_start3A_853] : memref<200x128xi32, #tpu.memory_space<vmem>> -> memref<1x128xi32, #tpu.memory_space<vmem>>
      %dma_start3A_855 = tpu.memref_squeeze %dma_start3A_854 : memref<1x128xi32, #tpu.memory_space<vmem>> -> memref<128xi32, #tpu.memory_space<vmem>>
      %dma_start3A_856 = arith.constant 0 : i32
      %dma_start3A_857 = arith.constant 0 : i32
      %dma_start3A_858 = tpu.memref_slice %arg3[%dma_start3A_856, %dma_start3A_857] : memref<1000000x64xf32, #tpu.memory_space<hbm>> -> memref<1000000x64xf32, #tpu.memory_space<hbm>>
      %dma_start3A_859 = tpu.memref_slice %arg8[%dma_start3A_848] : memref<8x!tpu.dma_semaphore, #tpu.memory_space<semaphore_mem>> -> memref<1x!tpu.dma_semaphore, #tpu.memory_space<semaphore_mem>>
      %dma_start3A_860 = tpu.memref_squeeze %dma_start3A_859 : memref<1x!tpu.dma_semaphore, #tpu.memory_space<semaphore_mem>> -> memref<!tpu.dma_semaphore, #tpu.memory_space<semaphore_mem>>
      tpu.enqueue_indirect_dma source(%dma_start3A_858 : memref<1000000x64xf32, #tpu.memory_space<hbm>>) target(%dma_start3A_852 : memref<128x64xf32, #tpu.memory_space<vmem>>) offsets(%dma_start3A_855 : memref<128xi32, #tpu.memory_space<vmem>>) semaphore(%dma_start3A_860 : memref<!tpu.dma_semaphore, #tpu.memory_space<semaphore_mem>>)
      %mul3A_861 = arith.constant 8 : i32
      %mul3A_862 = arith.muli %add3A_668, %mul3A_861 : i32
      %add3A_863 = arith.constant 3 : i32
      %add3A_864 = arith.addi %mul3A_862, %add3A_863 : i32
      %dma_wait3A_865 = arith.constant 3 : i32
      %dma_wait3A_866 = arith.constant 3 : i32
      %dma_wait3A_867 = arith.constant 0 : i32
      %dma_wait3A_868 = arith.constant 0 : i32
      %dma_wait3A_869 = tpu.memref_slice %arg6[%dma_wait3A_865, %dma_wait3A_867, %dma_wait3A_868] : memref<8x128x64xf32, #tpu.memory_space<vmem>> -> memref<1x128x64xf32, #tpu.memory_space<vmem>>
      %dma_wait3A_870 = tpu.memref_squeeze %dma_wait3A_869 : memref<1x128x64xf32, #tpu.memory_space<vmem>> -> memref<128x64xf32, #tpu.memory_space<vmem>>
      %dma_wait3A_871 = arith.constant 0 : i32
      %dma_wait3A_872 = tpu.memref_slice %arg5[%add3A_864, %dma_wait3A_871] : memref<200x128xi32, #tpu.memory_space<vmem>> -> memref<1x128xi32, #tpu.memory_space<vmem>>
      %dma_wait3A_873 = tpu.memref_squeeze %dma_wait3A_872 : memref<1x128xi32, #tpu.memory_space<vmem>> -> memref<128xi32, #tpu.memory_space<vmem>>
      %dma_wait3A_874 = arith.constant 0 : i32
      %dma_wait3A_875 = arith.constant 0 : i32
      %dma_wait3A_876 = tpu.memref_slice %arg3[%dma_wait3A_874, %dma_wait3A_875] : memref<1000000x64xf32, #tpu.memory_space<hbm>> -> memref<1000000x64xf32, #tpu.memory_space<hbm>>
      %dma_wait3A_877 = tpu.memref_slice %arg8[%dma_wait3A_866] : memref<8x!tpu.dma_semaphore, #tpu.memory_space<semaphore_mem>> -> memref<1x!tpu.dma_semaphore, #tpu.memory_space<semaphore_mem>>
      %dma_wait3A_878 = tpu.memref_squeeze %dma_wait3A_877 : memref<1x!tpu.dma_semaphore, #tpu.memory_space<semaphore_mem>> -> memref<!tpu.dma_semaphore, #tpu.memory_space<semaphore_mem>>
      tpu.wait_indirect_dma semaphore(%dma_wait3A_878 : memref<!tpu.dma_semaphore, #tpu.memory_space<semaphore_mem>>) src(%dma_wait3A_876 : memref<1000000x64xf32, #tpu.memory_space<hbm>>) dst(%dma_wait3A_870 : memref<128x64xf32, #tpu.memory_space<vmem>>)
      %ge3A_879 = arith.constant 2 : i32
      %ge3A_880 = arith.cmpi sge, %add3A_864, %ge3A_879 : i32
      %convert_element_type3A_881 = arith.extui %ge3A_880 : i1 to i32
      %cond3A_882 = arith.constant 0 : i32
      %cond3A_883 = arith.cmpi ne, %convert_element_type3A_881, %cond3A_882 : i32
      scf.if %cond3A_883 {
        %sub3A = arith.constant 2 : i32
        %sub3A_1186 = arith.subi %add3A_864, %sub3A : i32
        %mul3A_1187 = arith.constant 128 : i32
        %mul3A_1188 = arith.muli %sub3A_1186, %mul3A_1187 : i32
        %add3A_1189 = arith.addi %mul3A_2, %mul3A_1188 : i32
        %dma_wait3A_1190 = arith.constant 1 : i32
        %dma_wait3A_1191 = arith.constant 1 : i32
        %dma_wait3A_1192 = arith.constant 0 : i32
        %dma_wait3A_1193 = arith.constant 0 : i32
        %dma_wait3A_1194 = arith.constant 0 : i32
        %dma_wait3A_1195 = tpu.memref_slice %arg7[%dma_wait3A_1190, %dma_wait3A_1192, %dma_wait3A_1193, %dma_wait3A_1194] : memref<2x128x2x64xf32, #tpu.memory_space<vmem>> -> memref<1x128x2x64xf32, #tpu.memory_space<vmem>>
        %dma_wait3A_1196 = tpu.memref_squeeze %dma_wait3A_1195 : memref<1x128x2x64xf32, #tpu.memory_space<vmem>> -> memref<128x2x64xf32, #tpu.memory_space<vmem>>
        %dma_wait3A_1197 = arith.constant 0 : i32
        %dma_wait3A_1198 = arith.constant 0 : i32
        %dma_wait3A_1199 = tpu.memref_slice %arg4[%add3A_1189, %dma_wait3A_1197, %dma_wait3A_1198] : memref<819200x2x64xf32, #tpu.memory_space<hbm>> -> memref<128x2x64xf32, #tpu.memory_space<hbm>>
        %dma_wait3A_1200 = tpu.memref_slice %arg9[%dma_wait3A_1191] : memref<2x!tpu.dma_semaphore, #tpu.memory_space<semaphore_mem>> -> memref<1x!tpu.dma_semaphore, #tpu.memory_space<semaphore_mem>>
        %dma_wait3A_1201 = tpu.memref_squeeze %dma_wait3A_1200 : memref<1x!tpu.dma_semaphore, #tpu.memory_space<semaphore_mem>> -> memref<!tpu.dma_semaphore, #tpu.memory_space<semaphore_mem>>
        %dma_wait3A_1202 = arith.constant 0 : i32
        %dma_wait3A_1203 = arith.constant 0 : i32
        %dma_wait3A_1204 = tpu.memref_slice %arg4[%add3A_1189, %dma_wait3A_1202, %dma_wait3A_1203] : memref<819200x2x64xf32, #tpu.memory_space<hbm>> -> memref<128x2x64xf32, #tpu.memory_space<hbm>>
        %dma_wait3A_1205 = arith.constant 0 : i32
        %dma_wait3A_1206 = arith.constant 0 : i32
        %dma_wait3A_1207 = arith.constant 0 : i32
        %dma_wait3A_1208 = tpu.memref_slice %arg7[%dma_wait3A_1190, %dma_wait3A_1205, %dma_wait3A_1206, %dma_wait3A_1207] : memref<2x128x2x64xf32, #tpu.memory_space<vmem>> -> memref<1x128x2x64xf32, #tpu.memory_space<vmem>>
        %dma_wait3A_1209 = tpu.memref_squeeze %dma_wait3A_1208 : memref<1x128x2x64xf32, #tpu.memory_space<vmem>> -> memref<128x2x64xf32, #tpu.memory_space<vmem>>
        tpu.wait_dma2 semaphore(%dma_wait3A_1201 : memref<!tpu.dma_semaphore, #tpu.memory_space<semaphore_mem>>) src(%dma_wait3A_1209 : memref<128x2x64xf32, #tpu.memory_space<vmem>>) dst(%dma_wait3A_1204 : memref<128x2x64xf32, #tpu.memory_space<hbm>>)
      } else {
      }
      %parallel_loop3A_884 = arith.constant 0 : i32
      %parallel_loop3A_885 = arith.constant 128 : i32
      %parallel_loop3A_886 = arith.constant 1 : i32
      scf.for %parallel_loop3A_1186 = %parallel_loop3A_884 to %parallel_loop3A_885 step %parallel_loop3A_886  : i32 {
        %parallel_loop3A_1187 = arith.constant 3 : i32
        %parallel_loop3A_1188 = arith.index_cast %parallel_loop3A_1187 : i32 to index
        %parallel_loop3A_1189 = arith.index_cast %parallel_loop3A_1186 : i32 to index
        %parallel_loop3A_1190 = arith.constant 0 : index
        %parallel_loop3A_1191 = tpu.vector_load %arg6[%parallel_loop3A_1188, %parallel_loop3A_1189, %parallel_loop3A_1190] {strides = array<i32>} : memref<8x128x64xf32, #tpu.memory_space<vmem>>, vector<1x1x16xf32>,
        %parallel_loop3A_1192 = vector.shape_cast %parallel_loop3A_1191 : vector<1x1x16xf32> to vector<16xf32>
        %parallel_loop3A_1193 = arith.constant 8.000000e+00 : f32
        %parallel_loop3A_1194 = vector.broadcast %parallel_loop3A_1193 : f32 to vector<16xf32>
        %parallel_loop3A_1195 = arith.mulf %parallel_loop3A_1192, %parallel_loop3A_1194 : vector<16xf32>
        %parallel_loop3A_1196 = arith.constant 1 : i32
        %parallel_loop3A_1197 = arith.constant 0 : i32
        %parallel_loop3A_1198 = arith.index_cast %parallel_loop3A_1196 : i32 to index
        %parallel_loop3A_1199 = arith.index_cast %parallel_loop3A_1186 : i32 to index
        %parallel_loop3A_1200 = arith.index_cast %parallel_loop3A_1197 : i32 to index
        %parallel_loop3A_1201 = arith.constant 0 : index
        %parallel_loop3A_1202 = tpu.vector_load %arg7[%parallel_loop3A_1198, %parallel_loop3A_1199, %parallel_loop3A_1200, %parallel_loop3A_1201] {strides = array<i32>} : memref<2x128x2x64xf32, #tpu.memory_space<vmem>>, vector<1x1x1x16xf32>,
        %parallel_loop3A_1203 = vector.shape_cast %parallel_loop3A_1202 : vector<1x1x1x16xf32> to vector<16xf32>
        %parallel_loop3A_1204 = vector.shape_cast %parallel_loop3A_1195 : vector<16xf32> to vector<1x1x1x16xf32>
        tpu.vector_store %arg7[%parallel_loop3A_1198, %parallel_loop3A_1199, %parallel_loop3A_1200, %parallel_loop3A_1201], %parallel_loop3A_1204 {strides = array<i32>} : memref<2x128x2x64xf32, #tpu.memory_space<vmem>>, vector<1x1x1x16xf32>,
        %parallel_loop3A_1205 = arith.constant 3 : i32
        %parallel_loop3A_1206 = arith.index_cast %parallel_loop3A_1205 : i32 to index
        %parallel_loop3A_1207 = arith.index_cast %parallel_loop3A_1186 : i32 to index
        %parallel_loop3A_1208 = arith.constant 16 : index
        %parallel_loop3A_1209 = tpu.vector_load %arg6[%parallel_loop3A_1206, %parallel_loop3A_1207, %parallel_loop3A_1208] {strides = array<i32>} : memref<8x128x64xf32, #tpu.memory_space<vmem>>, vector<1x1x16xf32>,
        %parallel_loop3A_1210 = vector.shape_cast %parallel_loop3A_1209 : vector<1x1x16xf32> to vector<16xf32>
        %parallel_loop3A_1211 = arith.constant 8.000000e+00 : f32
        %parallel_loop3A_1212 = vector.broadcast %parallel_loop3A_1211 : f32 to vector<16xf32>
        %parallel_loop3A_1213 = arith.mulf %parallel_loop3A_1210, %parallel_loop3A_1212 : vector<16xf32>
        %parallel_loop3A_1214 = arith.constant 1 : i32
        %parallel_loop3A_1215 = arith.constant 0 : i32
        %parallel_loop3A_1216 = arith.index_cast %parallel_loop3A_1214 : i32 to index
        %parallel_loop3A_1217 = arith.index_cast %parallel_loop3A_1186 : i32 to index
        %parallel_loop3A_1218 = arith.index_cast %parallel_loop3A_1215 : i32 to index
        %parallel_loop3A_1219 = arith.constant 16 : index
        %parallel_loop3A_1220 = tpu.vector_load %arg7[%parallel_loop3A_1216, %parallel_loop3A_1217, %parallel_loop3A_1218, %parallel_loop3A_1219] {strides = array<i32>} : memref<2x128x2x64xf32, #tpu.memory_space<vmem>>, vector<1x1x1x16xf32>,
        %parallel_loop3A_1221 = vector.shape_cast %parallel_loop3A_1220 : vector<1x1x1x16xf32> to vector<16xf32>
        %parallel_loop3A_1222 = vector.shape_cast %parallel_loop3A_1213 : vector<16xf32> to vector<1x1x1x16xf32>
        tpu.vector_store %arg7[%parallel_loop3A_1216, %parallel_loop3A_1217, %parallel_loop3A_1218, %parallel_loop3A_1219], %parallel_loop3A_1222 {strides = array<i32>} : memref<2x128x2x64xf32, #tpu.memory_space<vmem>>, vector<1x1x1x16xf32>,
        %parallel_loop3A_1223 = arith.constant 3 : i32
        %parallel_loop3A_1224 = arith.index_cast %parallel_loop3A_1223 : i32 to index
        %parallel_loop3A_1225 = arith.index_cast %parallel_loop3A_1186 : i32 to index
        %parallel_loop3A_1226 = arith.constant 32 : index
        %parallel_loop3A_1227 = tpu.vector_load %arg6[%parallel_loop3A_1224, %parallel_loop3A_1225, %parallel_loop3A_1226] {strides = array<i32>} : memref<8x128x64xf32, #tpu.memory_space<vmem>>, vector<1x1x16xf32>,
        %parallel_loop3A_1228 = vector.shape_cast %parallel_loop3A_1227 : vector<1x1x16xf32> to vector<16xf32>
        %parallel_loop3A_1229 = arith.constant 8.000000e+00 : f32
        %parallel_loop3A_1230 = vector.broadcast %parallel_loop3A_1229 : f32 to vector<16xf32>
        %parallel_loop3A_1231 = arith.mulf %parallel_loop3A_1228, %parallel_loop3A_1230 : vector<16xf32>
        %parallel_loop3A_1232 = arith.constant 1 : i32
        %parallel_loop3A_1233 = arith.constant 0 : i32
        %parallel_loop3A_1234 = arith.index_cast %parallel_loop3A_1232 : i32 to index
        %parallel_loop3A_1235 = arith.index_cast %parallel_loop3A_1186 : i32 to index
        %parallel_loop3A_1236 = arith.index_cast %parallel_loop3A_1233 : i32 to index
        %parallel_loop3A_1237 = arith.constant 32 : index
        %parallel_loop3A_1238 = tpu.vector_load %arg7[%parallel_loop3A_1234, %parallel_loop3A_1235, %parallel_loop3A_1236, %parallel_loop3A_1237] {strides = array<i32>} : memref<2x128x2x64xf32, #tpu.memory_space<vmem>>, vector<1x1x1x16xf32>,
        %parallel_loop3A_1239 = vector.shape_cast %parallel_loop3A_1238 : vector<1x1x1x16xf32> to vector<16xf32>
        %parallel_loop3A_1240 = vector.shape_cast %parallel_loop3A_1231 : vector<16xf32> to vector<1x1x1x16xf32>
        tpu.vector_store %arg7[%parallel_loop3A_1234, %parallel_loop3A_1235, %parallel_loop3A_1236, %parallel_loop3A_1237], %parallel_loop3A_1240 {strides = array<i32>} : memref<2x128x2x64xf32, #tpu.memory_space<vmem>>, vector<1x1x1x16xf32>,
        %parallel_loop3A_1241 = arith.constant 3 : i32
        %parallel_loop3A_1242 = arith.index_cast %parallel_loop3A_1241 : i32 to index
        %parallel_loop3A_1243 = arith.index_cast %parallel_loop3A_1186 : i32 to index
        %parallel_loop3A_1244 = arith.constant 48 : index
        %parallel_loop3A_1245 = tpu.vector_load %arg6[%parallel_loop3A_1242, %parallel_loop3A_1243, %parallel_loop3A_1244] {strides = array<i32>} : memref<8x128x64xf32, #tpu.memory_space<vmem>>, vector<1x1x16xf32>,
        %parallel_loop3A_1246 = vector.shape_cast %parallel_loop3A_1245 : vector<1x1x16xf32> to vector<16xf32>
        %parallel_loop3A_1247 = arith.constant 8.000000e+00 : f32
        %parallel_loop3A_1248 = vector.broadcast %parallel_loop3A_1247 : f32 to vector<16xf32>
        %parallel_loop3A_1249 = arith.mulf %parallel_loop3A_1246, %parallel_loop3A_1248 : vector<16xf32>
        %parallel_loop3A_1250 = arith.constant 1 : i32
        %parallel_loop3A_1251 = arith.constant 0 : i32
        %parallel_loop3A_1252 = arith.index_cast %parallel_loop3A_1250 : i32 to index
        %parallel_loop3A_1253 = arith.index_cast %parallel_loop3A_1186 : i32 to index
        %parallel_loop3A_1254 = arith.index_cast %parallel_loop3A_1251 : i32 to index
        %parallel_loop3A_1255 = arith.constant 48 : index
        %parallel_loop3A_1256 = tpu.vector_load %arg7[%parallel_loop3A_1252, %parallel_loop3A_1253, %parallel_loop3A_1254, %parallel_loop3A_1255] {strides = array<i32>} : memref<2x128x2x64xf32, #tpu.memory_space<vmem>>, vector<1x1x1x16xf32>,
        %parallel_loop3A_1257 = vector.shape_cast %parallel_loop3A_1256 : vector<1x1x1x16xf32> to vector<16xf32>
        %parallel_loop3A_1258 = vector.shape_cast %parallel_loop3A_1249 : vector<16xf32> to vector<1x1x1x16xf32>
        tpu.vector_store %arg7[%parallel_loop3A_1252, %parallel_loop3A_1253, %parallel_loop3A_1254, %parallel_loop3A_1255], %parallel_loop3A_1258 {strides = array<i32>} : memref<2x128x2x64xf32, #tpu.memory_space<vmem>>, vector<1x1x1x16xf32>,
      } {sc.loop_unroll_factor = 8 : i64, sc.parallel_access}
      %mul3A_887 = arith.constant 128 : i32
      %mul3A_888 = arith.muli %add3A_864, %mul3A_887 : i32
      %add3A_889 = arith.addi %mul3A_2, %mul3A_888 : i32
      %dma_start3A_890 = arith.constant 1 : i32
      %dma_start3A_891 = arith.constant 1 : i32
      %dma_start3A_892 = arith.constant 0 : i32
      %dma_start3A_893 = arith.constant 0 : i32
      %dma_start3A_894 = arith.constant 0 : i32
      %dma_start3A_895 = tpu.memref_slice %arg7[%dma_start3A_890, %dma_start3A_892, %dma_start3A_893, %dma_start3A_894] : memref<2x128x2x64xf32, #tpu.memory_space<vmem>> -> memref<1x128x2x64xf32, #tpu.memory_space<vmem>>
      %dma_start3A_896 = tpu.memref_squeeze %dma_start3A_895 : memref<1x128x2x64xf32, #tpu.memory_space<vmem>> -> memref<128x2x64xf32, #tpu.memory_space<vmem>>
      %dma_start3A_897 = arith.constant 0 : i32
      %dma_start3A_898 = arith.constant 0 : i32
      %dma_start3A_899 = tpu.memref_slice %arg4[%add3A_889, %dma_start3A_897, %dma_start3A_898] : memref<819200x2x64xf32, #tpu.memory_space<hbm>> -> memref<128x2x64xf32, #tpu.memory_space<hbm>>
      %dma_start3A_900 = tpu.memref_slice %arg9[%dma_start3A_891] : memref<2x!tpu.dma_semaphore, #tpu.memory_space<semaphore_mem>> -> memref<1x!tpu.dma_semaphore, #tpu.memory_space<semaphore_mem>>
      %dma_start3A_901 = tpu.memref_squeeze %dma_start3A_900 : memref<1x!tpu.dma_semaphore, #tpu.memory_space<semaphore_mem>> -> memref<!tpu.dma_semaphore, #tpu.memory_space<semaphore_mem>>
      %dma_start3A_902 = arith.constant 0 : i32
      %dma_start3A_903 = arith.constant 0 : i32
      %dma_start3A_904 = tpu.memref_slice %arg4[%add3A_889, %dma_start3A_902, %dma_start3A_903] : memref<819200x2x64xf32, #tpu.memory_space<hbm>> -> memref<128x2x64xf32, #tpu.memory_space<hbm>>
      %dma_start3A_905 = arith.constant 0 : i32
      %dma_start3A_906 = arith.constant 0 : i32
      %dma_start3A_907 = arith.constant 0 : i32
      %dma_start3A_908 = tpu.memref_slice %arg7[%dma_start3A_890, %dma_start3A_905, %dma_start3A_906, %dma_start3A_907] : memref<2x128x2x64xf32, #tpu.memory_space<vmem>> -> memref<1x128x2x64xf32, #tpu.memory_space<vmem>>
      %dma_start3A_909 = tpu.memref_squeeze %dma_start3A_908 : memref<1x128x2x64xf32, #tpu.memory_space<vmem>> -> memref<128x2x64xf32, #tpu.memory_space<vmem>>
      tpu.enqueue_dma source(%dma_start3A_909 : memref<128x2x64xf32, #tpu.memory_space<vmem>>) target(%dma_start3A_904 : memref<128x2x64xf32, #tpu.memory_space<hbm>>) target_semaphore(%dma_start3A_901 : memref<!tpu.dma_semaphore, #tpu.memory_space<semaphore_mem>>)
      %add3A_910 = arith.constant 8 : i32
      %add3A_911 = arith.addi %add3A_864, %add3A_910 : i32
      %dma_start3A_912 = arith.constant 3 : i32
      %dma_start3A_913 = arith.constant 3 : i32
      %dma_start3A_914 = arith.constant 0 : i32
      %dma_start3A_915 = arith.constant 0 : i32
      %dma_start3A_916 = tpu.memref_slice %arg6[%dma_start3A_912, %dma_start3A_914, %dma_start3A_915] : memref<8x128x64xf32, #tpu.memory_space<vmem>> -> memref<1x128x64xf32, #tpu.memory_space<vmem>>
      %dma_start3A_917 = tpu.memref_squeeze %dma_start3A_916 : memref<1x128x64xf32, #tpu.memory_space<vmem>> -> memref<128x64xf32, #tpu.memory_space<vmem>>
      %dma_start3A_918 = arith.constant 0 : i32
      %dma_start3A_919 = tpu.memref_slice %arg5[%add3A_911, %dma_start3A_918] : memref<200x128xi32, #tpu.memory_space<vmem>> -> memref<1x128xi32, #tpu.memory_space<vmem>>
      %dma_start3A_920 = tpu.memref_squeeze %dma_start3A_919 : memref<1x128xi32, #tpu.memory_space<vmem>> -> memref<128xi32, #tpu.memory_space<vmem>>
      %dma_start3A_921 = arith.constant 0 : i32
      %dma_start3A_922 = arith.constant 0 : i32
      %dma_start3A_923 = tpu.memref_slice %arg3[%dma_start3A_921, %dma_start3A_922] : memref<1000000x64xf32, #tpu.memory_space<hbm>> -> memref<1000000x64xf32, #tpu.memory_space<hbm>>
      %dma_start3A_924 = tpu.memref_slice %arg8[%dma_start3A_913] : memref<8x!tpu.dma_semaphore, #tpu.memory_space<semaphore_mem>> -> memref<1x!tpu.dma_semaphore, #tpu.memory_space<semaphore_mem>>
      %dma_start3A_925 = tpu.memref_squeeze %dma_start3A_924 : memref<1x!tpu.dma_semaphore, #tpu.memory_space<semaphore_mem>> -> memref<!tpu.dma_semaphore, #tpu.memory_space<semaphore_mem>>
      tpu.enqueue_indirect_dma source(%dma_start3A_923 : memref<1000000x64xf32, #tpu.memory_space<hbm>>) target(%dma_start3A_917 : memref<128x64xf32, #tpu.memory_space<vmem>>) offsets(%dma_start3A_920 : memref<128xi32, #tpu.memory_space<vmem>>) semaphore(%dma_start3A_925 : memref<!tpu.dma_semaphore, #tpu.memory_space<semaphore_mem>>)
      %mul3A_926 = arith.constant 8 : i32
      %mul3A_927 = arith.muli %add3A_668, %mul3A_926 : i32
      %add3A_928 = arith.constant 4 : i32
      %add3A_929 = arith.addi %mul3A_927, %add3A_928 : i32
      %dma_wait3A_930 = arith.constant 4 : i32
      %dma_wait3A_931 = arith.constant 4 : i32
      %dma_wait3A_932 = arith.constant 0 : i32
      %dma_wait3A_933 = arith.constant 0 : i32
      %dma_wait3A_934 = tpu.memref_slice %arg6[%dma_wait3A_930, %dma_wait3A_932, %dma_wait3A_933] : memref<8x128x64xf32, #tpu.memory_space<vmem>> -> memref<1x128x64xf32, #tpu.memory_space<vmem>>
      %dma_wait3A_935 = tpu.memref_squeeze %dma_wait3A_934 : memref<1x128x64xf32, #tpu.memory_space<vmem>> -> memref<128x64xf32, #tpu.memory_space<vmem>>
      %dma_wait3A_936 = arith.constant 0 : i32
      %dma_wait3A_937 = tpu.memref_slice %arg5[%add3A_929, %dma_wait3A_936] : memref<200x128xi32, #tpu.memory_space<vmem>> -> memref<1x128xi32, #tpu.memory_space<vmem>>
      %dma_wait3A_938 = tpu.memref_squeeze %dma_wait3A_937 : memref<1x128xi32, #tpu.memory_space<vmem>> -> memref<128xi32, #tpu.memory_space<vmem>>
      %dma_wait3A_939 = arith.constant 0 : i32
      %dma_wait3A_940 = arith.constant 0 : i32
      %dma_wait3A_941 = tpu.memref_slice %arg3[%dma_wait3A_939, %dma_wait3A_940] : memref<1000000x64xf32, #tpu.memory_space<hbm>> -> memref<1000000x64xf32, #tpu.memory_space<hbm>>
      %dma_wait3A_942 = tpu.memref_slice %arg8[%dma_wait3A_931] : memref<8x!tpu.dma_semaphore, #tpu.memory_space<semaphore_mem>> -> memref<1x!tpu.dma_semaphore, #tpu.memory_space<semaphore_mem>>
      %dma_wait3A_943 = tpu.memref_squeeze %dma_wait3A_942 : memref<1x!tpu.dma_semaphore, #tpu.memory_space<semaphore_mem>> -> memref<!tpu.dma_semaphore, #tpu.memory_space<semaphore_mem>>
      tpu.wait_indirect_dma semaphore(%dma_wait3A_943 : memref<!tpu.dma_semaphore, #tpu.memory_space<semaphore_mem>>) src(%dma_wait3A_941 : memref<1000000x64xf32, #tpu.memory_space<hbm>>) dst(%dma_wait3A_935 : memref<128x64xf32, #tpu.memory_space<vmem>>)
      %ge3A_944 = arith.constant 2 : i32
      %ge3A_945 = arith.cmpi sge, %add3A_929, %ge3A_944 : i32
      %convert_element_type3A_946 = arith.extui %ge3A_945 : i1 to i32
      %cond3A_947 = arith.constant 0 : i32
      %cond3A_948 = arith.cmpi ne, %convert_element_type3A_946, %cond3A_947 : i32
      scf.if %cond3A_948 {
        %sub3A = arith.constant 2 : i32
        %sub3A_1186 = arith.subi %add3A_929, %sub3A : i32
        %mul3A_1187 = arith.constant 128 : i32
        %mul3A_1188 = arith.muli %sub3A_1186, %mul3A_1187 : i32
        %add3A_1189 = arith.addi %mul3A_2, %mul3A_1188 : i32
        %dma_wait3A_1190 = arith.constant 0 : i32
        %dma_wait3A_1191 = arith.constant 0 : i32
        %dma_wait3A_1192 = arith.constant 0 : i32
        %dma_wait3A_1193 = arith.constant 0 : i32
        %dma_wait3A_1194 = arith.constant 0 : i32
        %dma_wait3A_1195 = tpu.memref_slice %arg7[%dma_wait3A_1190, %dma_wait3A_1192, %dma_wait3A_1193, %dma_wait3A_1194] : memref<2x128x2x64xf32, #tpu.memory_space<vmem>> -> memref<1x128x2x64xf32, #tpu.memory_space<vmem>>
        %dma_wait3A_1196 = tpu.memref_squeeze %dma_wait3A_1195 : memref<1x128x2x64xf32, #tpu.memory_space<vmem>> -> memref<128x2x64xf32, #tpu.memory_space<vmem>>
        %dma_wait3A_1197 = arith.constant 0 : i32
        %dma_wait3A_1198 = arith.constant 0 : i32
        %dma_wait3A_1199 = tpu.memref_slice %arg4[%add3A_1189, %dma_wait3A_1197, %dma_wait3A_1198] : memref<819200x2x64xf32, #tpu.memory_space<hbm>> -> memref<128x2x64xf32, #tpu.memory_space<hbm>>
        %dma_wait3A_1200 = tpu.memref_slice %arg9[%dma_wait3A_1191] : memref<2x!tpu.dma_semaphore, #tpu.memory_space<semaphore_mem>> -> memref<1x!tpu.dma_semaphore, #tpu.memory_space<semaphore_mem>>
        %dma_wait3A_1201 = tpu.memref_squeeze %dma_wait3A_1200 : memref<1x!tpu.dma_semaphore, #tpu.memory_space<semaphore_mem>> -> memref<!tpu.dma_semaphore, #tpu.memory_space<semaphore_mem>>
        %dma_wait3A_1202 = arith.constant 0 : i32
        %dma_wait3A_1203 = arith.constant 0 : i32
        %dma_wait3A_1204 = tpu.memref_slice %arg4[%add3A_1189, %dma_wait3A_1202, %dma_wait3A_1203] : memref<819200x2x64xf32, #tpu.memory_space<hbm>> -> memref<128x2x64xf32, #tpu.memory_space<hbm>>
        %dma_wait3A_1205 = arith.constant 0 : i32
        %dma_wait3A_1206 = arith.constant 0 : i32
        %dma_wait3A_1207 = arith.constant 0 : i32
        %dma_wait3A_1208 = tpu.memref_slice %arg7[%dma_wait3A_1190, %dma_wait3A_1205, %dma_wait3A_1206, %dma_wait3A_1207] : memref<2x128x2x64xf32, #tpu.memory_space<vmem>> -> memref<1x128x2x64xf32, #tpu.memory_space<vmem>>
        %dma_wait3A_1209 = tpu.memref_squeeze %dma_wait3A_1208 : memref<1x128x2x64xf32, #tpu.memory_space<vmem>> -> memref<128x2x64xf32, #tpu.memory_space<vmem>>
        tpu.wait_dma2 semaphore(%dma_wait3A_1201 : memref<!tpu.dma_semaphore, #tpu.memory_space<semaphore_mem>>) src(%dma_wait3A_1209 : memref<128x2x64xf32, #tpu.memory_space<vmem>>) dst(%dma_wait3A_1204 : memref<128x2x64xf32, #tpu.memory_space<hbm>>)
      } else {
      }
      %parallel_loop3A_949 = arith.constant 0 : i32
      %parallel_loop3A_950 = arith.constant 128 : i32
      %parallel_loop3A_951 = arith.constant 1 : i32
      scf.for %parallel_loop3A_1186 = %parallel_loop3A_949 to %parallel_loop3A_950 step %parallel_loop3A_951  : i32 {
        %parallel_loop3A_1187 = arith.constant 4 : i32
        %parallel_loop3A_1188 = arith.index_cast %parallel_loop3A_1187 : i32 to index
        %parallel_loop3A_1189 = arith.index_cast %parallel_loop3A_1186 : i32 to index
        %parallel_loop3A_1190 = arith.constant 0 : index
        %parallel_loop3A_1191 = tpu.vector_load %arg6[%parallel_loop3A_1188, %parallel_loop3A_1189, %parallel_loop3A_1190] {strides = array<i32>} : memref<8x128x64xf32, #tpu.memory_space<vmem>>, vector<1x1x16xf32>,
        %parallel_loop3A_1192 = vector.shape_cast %parallel_loop3A_1191 : vector<1x1x16xf32> to vector<16xf32>
        %parallel_loop3A_1193 = arith.constant 8.000000e+00 : f32
        %parallel_loop3A_1194 = vector.broadcast %parallel_loop3A_1193 : f32 to vector<16xf32>
        %parallel_loop3A_1195 = arith.mulf %parallel_loop3A_1192, %parallel_loop3A_1194 : vector<16xf32>
        %parallel_loop3A_1196 = arith.constant 0 : i32
        %parallel_loop3A_1197 = arith.constant 0 : i32
        %parallel_loop3A_1198 = arith.index_cast %parallel_loop3A_1196 : i32 to index
        %parallel_loop3A_1199 = arith.index_cast %parallel_loop3A_1186 : i32 to index
        %parallel_loop3A_1200 = arith.index_cast %parallel_loop3A_1197 : i32 to index
        %parallel_loop3A_1201 = arith.constant 0 : index
        %parallel_loop3A_1202 = tpu.vector_load %arg7[%parallel_loop3A_1198, %parallel_loop3A_1199, %parallel_loop3A_1200, %parallel_loop3A_1201] {strides = array<i32>} : memref<2x128x2x64xf32, #tpu.memory_space<vmem>>, vector<1x1x1x16xf32>,
        %parallel_loop3A_1203 = vector.shape_cast %parallel_loop3A_1202 : vector<1x1x1x16xf32> to vector<16xf32>
        %parallel_loop3A_1204 = vector.shape_cast %parallel_loop3A_1195 : vector<16xf32> to vector<1x1x1x16xf32>
        tpu.vector_store %arg7[%parallel_loop3A_1198, %parallel_loop3A_1199, %parallel_loop3A_1200, %parallel_loop3A_1201], %parallel_loop3A_1204 {strides = array<i32>} : memref<2x128x2x64xf32, #tpu.memory_space<vmem>>, vector<1x1x1x16xf32>,
        %parallel_loop3A_1205 = arith.constant 4 : i32
        %parallel_loop3A_1206 = arith.index_cast %parallel_loop3A_1205 : i32 to index
        %parallel_loop3A_1207 = arith.index_cast %parallel_loop3A_1186 : i32 to index
        %parallel_loop3A_1208 = arith.constant 16 : index
        %parallel_loop3A_1209 = tpu.vector_load %arg6[%parallel_loop3A_1206, %parallel_loop3A_1207, %parallel_loop3A_1208] {strides = array<i32>} : memref<8x128x64xf32, #tpu.memory_space<vmem>>, vector<1x1x16xf32>,
        %parallel_loop3A_1210 = vector.shape_cast %parallel_loop3A_1209 : vector<1x1x16xf32> to vector<16xf32>
        %parallel_loop3A_1211 = arith.constant 8.000000e+00 : f32
        %parallel_loop3A_1212 = vector.broadcast %parallel_loop3A_1211 : f32 to vector<16xf32>
        %parallel_loop3A_1213 = arith.mulf %parallel_loop3A_1210, %parallel_loop3A_1212 : vector<16xf32>
        %parallel_loop3A_1214 = arith.constant 0 : i32
        %parallel_loop3A_1215 = arith.constant 0 : i32
        %parallel_loop3A_1216 = arith.index_cast %parallel_loop3A_1214 : i32 to index
        %parallel_loop3A_1217 = arith.index_cast %parallel_loop3A_1186 : i32 to index
        %parallel_loop3A_1218 = arith.index_cast %parallel_loop3A_1215 : i32 to index
        %parallel_loop3A_1219 = arith.constant 16 : index
        %parallel_loop3A_1220 = tpu.vector_load %arg7[%parallel_loop3A_1216, %parallel_loop3A_1217, %parallel_loop3A_1218, %parallel_loop3A_1219] {strides = array<i32>} : memref<2x128x2x64xf32, #tpu.memory_space<vmem>>, vector<1x1x1x16xf32>,
        %parallel_loop3A_1221 = vector.shape_cast %parallel_loop3A_1220 : vector<1x1x1x16xf32> to vector<16xf32>
        %parallel_loop3A_1222 = vector.shape_cast %parallel_loop3A_1213 : vector<16xf32> to vector<1x1x1x16xf32>
        tpu.vector_store %arg7[%parallel_loop3A_1216, %parallel_loop3A_1217, %parallel_loop3A_1218, %parallel_loop3A_1219], %parallel_loop3A_1222 {strides = array<i32>} : memref<2x128x2x64xf32, #tpu.memory_space<vmem>>, vector<1x1x1x16xf32>,
        %parallel_loop3A_1223 = arith.constant 4 : i32
        %parallel_loop3A_1224 = arith.index_cast %parallel_loop3A_1223 : i32 to index
        %parallel_loop3A_1225 = arith.index_cast %parallel_loop3A_1186 : i32 to index
        %parallel_loop3A_1226 = arith.constant 32 : index
        %parallel_loop3A_1227 = tpu.vector_load %arg6[%parallel_loop3A_1224, %parallel_loop3A_1225, %parallel_loop3A_1226] {strides = array<i32>} : memref<8x128x64xf32, #tpu.memory_space<vmem>>, vector<1x1x16xf32>,
        %parallel_loop3A_1228 = vector.shape_cast %parallel_loop3A_1227 : vector<1x1x16xf32> to vector<16xf32>
        %parallel_loop3A_1229 = arith.constant 8.000000e+00 : f32
        %parallel_loop3A_1230 = vector.broadcast %parallel_loop3A_1229 : f32 to vector<16xf32>
        %parallel_loop3A_1231 = arith.mulf %parallel_loop3A_1228, %parallel_loop3A_1230 : vector<16xf32>
        %parallel_loop3A_1232 = arith.constant 0 : i32
        %parallel_loop3A_1233 = arith.constant 0 : i32
        %parallel_loop3A_1234 = arith.index_cast %parallel_loop3A_1232 : i32 to index
        %parallel_loop3A_1235 = arith.index_cast %parallel_loop3A_1186 : i32 to index
        %parallel_loop3A_1236 = arith.index_cast %parallel_loop3A_1233 : i32 to index
        %parallel_loop3A_1237 = arith.constant 32 : index
        %parallel_loop3A_1238 = tpu.vector_load %arg7[%parallel_loop3A_1234, %parallel_loop3A_1235, %parallel_loop3A_1236, %parallel_loop3A_1237] {strides = array<i32>} : memref<2x128x2x64xf32, #tpu.memory_space<vmem>>, vector<1x1x1x16xf32>,
        %parallel_loop3A_1239 = vector.shape_cast %parallel_loop3A_1238 : vector<1x1x1x16xf32> to vector<16xf32>
        %parallel_loop3A_1240 = vector.shape_cast %parallel_loop3A_1231 : vector<16xf32> to vector<1x1x1x16xf32>
        tpu.vector_store %arg7[%parallel_loop3A_1234, %parallel_loop3A_1235, %parallel_loop3A_1236, %parallel_loop3A_1237], %parallel_loop3A_1240 {strides = array<i32>} : memref<2x128x2x64xf32, #tpu.memory_space<vmem>>, vector<1x1x1x16xf32>,
        %parallel_loop3A_1241 = arith.constant 4 : i32
        %parallel_loop3A_1242 = arith.index_cast %parallel_loop3A_1241 : i32 to index
        %parallel_loop3A_1243 = arith.index_cast %parallel_loop3A_1186 : i32 to index
        %parallel_loop3A_1244 = arith.constant 48 : index
        %parallel_loop3A_1245 = tpu.vector_load %arg6[%parallel_loop3A_1242, %parallel_loop3A_1243, %parallel_loop3A_1244] {strides = array<i32>} : memref<8x128x64xf32, #tpu.memory_space<vmem>>, vector<1x1x16xf32>,
        %parallel_loop3A_1246 = vector.shape_cast %parallel_loop3A_1245 : vector<1x1x16xf32> to vector<16xf32>
        %parallel_loop3A_1247 = arith.constant 8.000000e+00 : f32
        %parallel_loop3A_1248 = vector.broadcast %parallel_loop3A_1247 : f32 to vector<16xf32>
        %parallel_loop3A_1249 = arith.mulf %parallel_loop3A_1246, %parallel_loop3A_1248 : vector<16xf32>
        %parallel_loop3A_1250 = arith.constant 0 : i32
        %parallel_loop3A_1251 = arith.constant 0 : i32
        %parallel_loop3A_1252 = arith.index_cast %parallel_loop3A_1250 : i32 to index
        %parallel_loop3A_1253 = arith.index_cast %parallel_loop3A_1186 : i32 to index
        %parallel_loop3A_1254 = arith.index_cast %parallel_loop3A_1251 : i32 to index
        %parallel_loop3A_1255 = arith.constant 48 : index
        %parallel_loop3A_1256 = tpu.vector_load %arg7[%parallel_loop3A_1252, %parallel_loop3A_1253, %parallel_loop3A_1254, %parallel_loop3A_1255] {strides = array<i32>} : memref<2x128x2x64xf32, #tpu.memory_space<vmem>>, vector<1x1x1x16xf32>,
        %parallel_loop3A_1257 = vector.shape_cast %parallel_loop3A_1256 : vector<1x1x1x16xf32> to vector<16xf32>
        %parallel_loop3A_1258 = vector.shape_cast %parallel_loop3A_1249 : vector<16xf32> to vector<1x1x1x16xf32>
        tpu.vector_store %arg7[%parallel_loop3A_1252, %parallel_loop3A_1253, %parallel_loop3A_1254, %parallel_loop3A_1255], %parallel_loop3A_1258 {strides = array<i32>} : memref<2x128x2x64xf32, #tpu.memory_space<vmem>>, vector<1x1x1x16xf32>,
      } {sc.loop_unroll_factor = 8 : i64, sc.parallel_access}
      %mul3A_952 = arith.constant 128 : i32
      %mul3A_953 = arith.muli %add3A_929, %mul3A_952 : i32
      %add3A_954 = arith.addi %mul3A_2, %mul3A_953 : i32
      %dma_start3A_955 = arith.constant 0 : i32
      %dma_start3A_956 = arith.constant 0 : i32
      %dma_start3A_957 = arith.constant 0 : i32
      %dma_start3A_958 = arith.constant 0 : i32
      %dma_start3A_959 = arith.constant 0 : i32
      %dma_start3A_960 = tpu.memref_slice %arg7[%dma_start3A_955, %dma_start3A_957, %dma_start3A_958, %dma_start3A_959] : memref<2x128x2x64xf32, #tpu.memory_space<vmem>> -> memref<1x128x2x64xf32, #tpu.memory_space<vmem>>
      %dma_start3A_961 = tpu.memref_squeeze %dma_start3A_960 : memref<1x128x2x64xf32, #tpu.memory_space<vmem>> -> memref<128x2x64xf32, #tpu.memory_space<vmem>>
      %dma_start3A_962 = arith.constant 0 : i32
      %dma_start3A_963 = arith.constant 0 : i32
      %dma_start3A_964 = tpu.memref_slice %arg4[%add3A_954, %dma_start3A_962, %dma_start3A_963] : memref<819200x2x64xf32, #tpu.memory_space<hbm>> -> memref<128x2x64xf32, #tpu.memory_space<hbm>>
      %dma_start3A_965 = tpu.memref_slice %arg9[%dma_start3A_956] : memref<2x!tpu.dma_semaphore, #tpu.memory_space<semaphore_mem>> -> memref<1x!tpu.dma_semaphore, #tpu.memory_space<semaphore_mem>>
      %dma_start3A_966 = tpu.memref_squeeze %dma_start3A_965 : memref<1x!tpu.dma_semaphore, #tpu.memory_space<semaphore_mem>> -> memref<!tpu.dma_semaphore, #tpu.memory_space<semaphore_mem>>
      %dma_start3A_967 = arith.constant 0 : i32
      %dma_start3A_968 = arith.constant 0 : i32
      %dma_start3A_969 = tpu.memref_slice %arg4[%add3A_954, %dma_start3A_967, %dma_start3A_968] : memref<819200x2x64xf32, #tpu.memory_space<hbm>> -> memref<128x2x64xf32, #tpu.memory_space<hbm>>
      %dma_start3A_970 = arith.constant 0 : i32
      %dma_start3A_971 = arith.constant 0 : i32
      %dma_start3A_972 = arith.constant 0 : i32
      %dma_start3A_973 = tpu.memref_slice %arg7[%dma_start3A_955, %dma_start3A_970, %dma_start3A_971, %dma_start3A_972] : memref<2x128x2x64xf32, #tpu.memory_space<vmem>> -> memref<1x128x2x64xf32, #tpu.memory_space<vmem>>
      %dma_start3A_974 = tpu.memref_squeeze %dma_start3A_973 : memref<1x128x2x64xf32, #tpu.memory_space<vmem>> -> memref<128x2x64xf32, #tpu.memory_space<vmem>>
      tpu.enqueue_dma source(%dma_start3A_974 : memref<128x2x64xf32, #tpu.memory_space<vmem>>) target(%dma_start3A_969 : memref<128x2x64xf32, #tpu.memory_space<hbm>>) target_semaphore(%dma_start3A_966 : memref<!tpu.dma_semaphore, #tpu.memory_space<semaphore_mem>>)
      %add3A_975 = arith.constant 8 : i32
      %add3A_976 = arith.addi %add3A_929, %add3A_975 : i32
      %dma_start3A_977 = arith.constant 4 : i32
      %dma_start3A_978 = arith.constant 4 : i32
      %dma_start3A_979 = arith.constant 0 : i32
      %dma_start3A_980 = arith.constant 0 : i32
      %dma_start3A_981 = tpu.memref_slice %arg6[%dma_start3A_977, %dma_start3A_979, %dma_start3A_980] : memref<8x128x64xf32, #tpu.memory_space<vmem>> -> memref<1x128x64xf32, #tpu.memory_space<vmem>>
      %dma_start3A_982 = tpu.memref_squeeze %dma_start3A_981 : memref<1x128x64xf32, #tpu.memory_space<vmem>> -> memref<128x64xf32, #tpu.memory_space<vmem>>
      %dma_start3A_983 = arith.constant 0 : i32
      %dma_start3A_984 = tpu.memref_slice %arg5[%add3A_976, %dma_start3A_983] : memref<200x128xi32, #tpu.memory_space<vmem>> -> memref<1x128xi32, #tpu.memory_space<vmem>>
      %dma_start3A_985 = tpu.memref_squeeze %dma_start3A_984 : memref<1x128xi32, #tpu.memory_space<vmem>> -> memref<128xi32, #tpu.memory_space<vmem>>
      %dma_start3A_986 = arith.constant 0 : i32
      %dma_start3A_987 = arith.constant 0 : i32
      %dma_start3A_988 = tpu.memref_slice %arg3[%dma_start3A_986, %dma_start3A_987] : memref<1000000x64xf32, #tpu.memory_space<hbm>> -> memref<1000000x64xf32, #tpu.memory_space<hbm>>
      %dma_start3A_989 = tpu.memref_slice %arg8[%dma_start3A_978] : memref<8x!tpu.dma_semaphore, #tpu.memory_space<semaphore_mem>> -> memref<1x!tpu.dma_semaphore, #tpu.memory_space<semaphore_mem>>
      %dma_start3A_990 = tpu.memref_squeeze %dma_start3A_989 : memref<1x!tpu.dma_semaphore, #tpu.memory_space<semaphore_mem>> -> memref<!tpu.dma_semaphore, #tpu.memory_space<semaphore_mem>>
      tpu.enqueue_indirect_dma source(%dma_start3A_988 : memref<1000000x64xf32, #tpu.memory_space<hbm>>) target(%dma_start3A_982 : memref<128x64xf32, #tpu.memory_space<vmem>>) offsets(%dma_start3A_985 : memref<128xi32, #tpu.memory_space<vmem>>) semaphore(%dma_start3A_990 : memref<!tpu.dma_semaphore, #tpu.memory_space<semaphore_mem>>)
      %mul3A_991 = arith.constant 8 : i32
      %mul3A_992 = arith.muli %add3A_668, %mul3A_991 : i32
      %add3A_993 = arith.constant 5 : i32
      %add3A_994 = arith.addi %mul3A_992, %add3A_993 : i32
      %dma_wait3A_995 = arith.constant 5 : i32
      %dma_wait3A_996 = arith.constant 5 : i32
      %dma_wait3A_997 = arith.constant 0 : i32
      %dma_wait3A_998 = arith.constant 0 : i32
      %dma_wait3A_999 = tpu.memref_slice %arg6[%dma_wait3A_995, %dma_wait3A_997, %dma_wait3A_998] : memref<8x128x64xf32, #tpu.memory_space<vmem>> -> memref<1x128x64xf32, #tpu.memory_space<vmem>>
      %dma_wait3A_1000 = tpu.memref_squeeze %dma_wait3A_999 : memref<1x128x64xf32, #tpu.memory_space<vmem>> -> memref<128x64xf32, #tpu.memory_space<vmem>>
      %dma_wait3A_1001 = arith.constant 0 : i32
      %dma_wait3A_1002 = tpu.memref_slice %arg5[%add3A_994, %dma_wait3A_1001] : memref<200x128xi32, #tpu.memory_space<vmem>> -> memref<1x128xi32, #tpu.memory_space<vmem>>
      %dma_wait3A_1003 = tpu.memref_squeeze %dma_wait3A_1002 : memref<1x128xi32, #tpu.memory_space<vmem>> -> memref<128xi32, #tpu.memory_space<vmem>>
      %dma_wait3A_1004 = arith.constant 0 : i32
      %dma_wait3A_1005 = arith.constant 0 : i32
      %dma_wait3A_1006 = tpu.memref_slice %arg3[%dma_wait3A_1004, %dma_wait3A_1005] : memref<1000000x64xf32, #tpu.memory_space<hbm>> -> memref<1000000x64xf32, #tpu.memory_space<hbm>>
      %dma_wait3A_1007 = tpu.memref_slice %arg8[%dma_wait3A_996] : memref<8x!tpu.dma_semaphore, #tpu.memory_space<semaphore_mem>> -> memref<1x!tpu.dma_semaphore, #tpu.memory_space<semaphore_mem>>
      %dma_wait3A_1008 = tpu.memref_squeeze %dma_wait3A_1007 : memref<1x!tpu.dma_semaphore, #tpu.memory_space<semaphore_mem>> -> memref<!tpu.dma_semaphore, #tpu.memory_space<semaphore_mem>>
      tpu.wait_indirect_dma semaphore(%dma_wait3A_1008 : memref<!tpu.dma_semaphore, #tpu.memory_space<semaphore_mem>>) src(%dma_wait3A_1006 : memref<1000000x64xf32, #tpu.memory_space<hbm>>) dst(%dma_wait3A_1000 : memref<128x64xf32, #tpu.memory_space<vmem>>)
      %ge3A_1009 = arith.constant 2 : i32
      %ge3A_1010 = arith.cmpi sge, %add3A_994, %ge3A_1009 : i32
      %convert_element_type3A_1011 = arith.extui %ge3A_1010 : i1 to i32
      %cond3A_1012 = arith.constant 0 : i32
      %cond3A_1013 = arith.cmpi ne, %convert_element_type3A_1011, %cond3A_1012 : i32
      scf.if %cond3A_1013 {
        %sub3A = arith.constant 2 : i32
        %sub3A_1186 = arith.subi %add3A_994, %sub3A : i32
        %mul3A_1187 = arith.constant 128 : i32
        %mul3A_1188 = arith.muli %sub3A_1186, %mul3A_1187 : i32
        %add3A_1189 = arith.addi %mul3A_2, %mul3A_1188 : i32
        %dma_wait3A_1190 = arith.constant 1 : i32
        %dma_wait3A_1191 = arith.constant 1 : i32
        %dma_wait3A_1192 = arith.constant 0 : i32
        %dma_wait3A_1193 = arith.constant 0 : i32
        %dma_wait3A_1194 = arith.constant 0 : i32
        %dma_wait3A_1195 = tpu.memref_slice %arg7[%dma_wait3A_1190, %dma_wait3A_1192, %dma_wait3A_1193, %dma_wait3A_1194] : memref<2x128x2x64xf32, #tpu.memory_space<vmem>> -> memref<1x128x2x64xf32, #tpu.memory_space<vmem>>
        %dma_wait3A_1196 = tpu.memref_squeeze %dma_wait3A_1195 : memref<1x128x2x64xf32, #tpu.memory_space<vmem>> -> memref<128x2x64xf32, #tpu.memory_space<vmem>>
        %dma_wait3A_1197 = arith.constant 0 : i32
        %dma_wait3A_1198 = arith.constant 0 : i32
        %dma_wait3A_1199 = tpu.memref_slice %arg4[%add3A_1189, %dma_wait3A_1197, %dma_wait3A_1198] : memref<819200x2x64xf32, #tpu.memory_space<hbm>> -> memref<128x2x64xf32, #tpu.memory_space<hbm>>
        %dma_wait3A_1200 = tpu.memref_slice %arg9[%dma_wait3A_1191] : memref<2x!tpu.dma_semaphore, #tpu.memory_space<semaphore_mem>> -> memref<1x!tpu.dma_semaphore, #tpu.memory_space<semaphore_mem>>
        %dma_wait3A_1201 = tpu.memref_squeeze %dma_wait3A_1200 : memref<1x!tpu.dma_semaphore, #tpu.memory_space<semaphore_mem>> -> memref<!tpu.dma_semaphore, #tpu.memory_space<semaphore_mem>>
        %dma_wait3A_1202 = arith.constant 0 : i32
        %dma_wait3A_1203 = arith.constant 0 : i32
        %dma_wait3A_1204 = tpu.memref_slice %arg4[%add3A_1189, %dma_wait3A_1202, %dma_wait3A_1203] : memref<819200x2x64xf32, #tpu.memory_space<hbm>> -> memref<128x2x64xf32, #tpu.memory_space<hbm>>
        %dma_wait3A_1205 = arith.constant 0 : i32
        %dma_wait3A_1206 = arith.constant 0 : i32
        %dma_wait3A_1207 = arith.constant 0 : i32
        %dma_wait3A_1208 = tpu.memref_slice %arg7[%dma_wait3A_1190, %dma_wait3A_1205, %dma_wait3A_1206, %dma_wait3A_1207] : memref<2x128x2x64xf32, #tpu.memory_space<vmem>> -> memref<1x128x2x64xf32, #tpu.memory_space<vmem>>
        %dma_wait3A_1209 = tpu.memref_squeeze %dma_wait3A_1208 : memref<1x128x2x64xf32, #tpu.memory_space<vmem>> -> memref<128x2x64xf32, #tpu.memory_space<vmem>>
        tpu.wait_dma2 semaphore(%dma_wait3A_1201 : memref<!tpu.dma_semaphore, #tpu.memory_space<semaphore_mem>>) src(%dma_wait3A_1209 : memref<128x2x64xf32, #tpu.memory_space<vmem>>) dst(%dma_wait3A_1204 : memref<128x2x64xf32, #tpu.memory_space<hbm>>)
      } else {
      }
      %parallel_loop3A_1014 = arith.constant 0 : i32
      %parallel_loop3A_1015 = arith.constant 128 : i32
      %parallel_loop3A_1016 = arith.constant 1 : i32
      scf.for %parallel_loop3A_1186 = %parallel_loop3A_1014 to %parallel_loop3A_1015 step %parallel_loop3A_1016  : i32 {
        %parallel_loop3A_1187 = arith.constant 5 : i32
        %parallel_loop3A_1188 = arith.index_cast %parallel_loop3A_1187 : i32 to index
        %parallel_loop3A_1189 = arith.index_cast %parallel_loop3A_1186 : i32 to index
        %parallel_loop3A_1190 = arith.constant 0 : index
        %parallel_loop3A_1191 = tpu.vector_load %arg6[%parallel_loop3A_1188, %parallel_loop3A_1189, %parallel_loop3A_1190] {strides = array<i32>} : memref<8x128x64xf32, #tpu.memory_space<vmem>>, vector<1x1x16xf32>,
        %parallel_loop3A_1192 = vector.shape_cast %parallel_loop3A_1191 : vector<1x1x16xf32> to vector<16xf32>
        %parallel_loop3A_1193 = arith.constant 8.000000e+00 : f32
        %parallel_loop3A_1194 = vector.broadcast %parallel_loop3A_1193 : f32 to vector<16xf32>
        %parallel_loop3A_1195 = arith.mulf %parallel_loop3A_1192, %parallel_loop3A_1194 : vector<16xf32>
        %parallel_loop3A_1196 = arith.constant 1 : i32
        %parallel_loop3A_1197 = arith.constant 0 : i32
        %parallel_loop3A_1198 = arith.index_cast %parallel_loop3A_1196 : i32 to index
        %parallel_loop3A_1199 = arith.index_cast %parallel_loop3A_1186 : i32 to index
        %parallel_loop3A_1200 = arith.index_cast %parallel_loop3A_1197 : i32 to index
        %parallel_loop3A_1201 = arith.constant 0 : index
        %parallel_loop3A_1202 = tpu.vector_load %arg7[%parallel_loop3A_1198, %parallel_loop3A_1199, %parallel_loop3A_1200, %parallel_loop3A_1201] {strides = array<i32>} : memref<2x128x2x64xf32, #tpu.memory_space<vmem>>, vector<1x1x1x16xf32>,
        %parallel_loop3A_1203 = vector.shape_cast %parallel_loop3A_1202 : vector<1x1x1x16xf32> to vector<16xf32>
        %parallel_loop3A_1204 = vector.shape_cast %parallel_loop3A_1195 : vector<16xf32> to vector<1x1x1x16xf32>
        tpu.vector_store %arg7[%parallel_loop3A_1198, %parallel_loop3A_1199, %parallel_loop3A_1200, %parallel_loop3A_1201], %parallel_loop3A_1204 {strides = array<i32>} : memref<2x128x2x64xf32, #tpu.memory_space<vmem>>, vector<1x1x1x16xf32>,
        %parallel_loop3A_1205 = arith.constant 5 : i32
        %parallel_loop3A_1206 = arith.index_cast %parallel_loop3A_1205 : i32 to index
        %parallel_loop3A_1207 = arith.index_cast %parallel_loop3A_1186 : i32 to index
        %parallel_loop3A_1208 = arith.constant 16 : index
        %parallel_loop3A_1209 = tpu.vector_load %arg6[%parallel_loop3A_1206, %parallel_loop3A_1207, %parallel_loop3A_1208] {strides = array<i32>} : memref<8x128x64xf32, #tpu.memory_space<vmem>>, vector<1x1x16xf32>,
        %parallel_loop3A_1210 = vector.shape_cast %parallel_loop3A_1209 : vector<1x1x16xf32> to vector<16xf32>
        %parallel_loop3A_1211 = arith.constant 8.000000e+00 : f32
        %parallel_loop3A_1212 = vector.broadcast %parallel_loop3A_1211 : f32 to vector<16xf32>
        %parallel_loop3A_1213 = arith.mulf %parallel_loop3A_1210, %parallel_loop3A_1212 : vector<16xf32>
        %parallel_loop3A_1214 = arith.constant 1 : i32
        %parallel_loop3A_1215 = arith.constant 0 : i32
        %parallel_loop3A_1216 = arith.index_cast %parallel_loop3A_1214 : i32 to index
        %parallel_loop3A_1217 = arith.index_cast %parallel_loop3A_1186 : i32 to index
        %parallel_loop3A_1218 = arith.index_cast %parallel_loop3A_1215 : i32 to index
        %parallel_loop3A_1219 = arith.constant 16 : index
        %parallel_loop3A_1220 = tpu.vector_load %arg7[%parallel_loop3A_1216, %parallel_loop3A_1217, %parallel_loop3A_1218, %parallel_loop3A_1219] {strides = array<i32>} : memref<2x128x2x64xf32, #tpu.memory_space<vmem>>, vector<1x1x1x16xf32>,
        %parallel_loop3A_1221 = vector.shape_cast %parallel_loop3A_1220 : vector<1x1x1x16xf32> to vector<16xf32>
        %parallel_loop3A_1222 = vector.shape_cast %parallel_loop3A_1213 : vector<16xf32> to vector<1x1x1x16xf32>
        tpu.vector_store %arg7[%parallel_loop3A_1216, %parallel_loop3A_1217, %parallel_loop3A_1218, %parallel_loop3A_1219], %parallel_loop3A_1222 {strides = array<i32>} : memref<2x128x2x64xf32, #tpu.memory_space<vmem>>, vector<1x1x1x16xf32>,
        %parallel_loop3A_1223 = arith.constant 5 : i32
        %parallel_loop3A_1224 = arith.index_cast %parallel_loop3A_1223 : i32 to index
        %parallel_loop3A_1225 = arith.index_cast %parallel_loop3A_1186 : i32 to index
        %parallel_loop3A_1226 = arith.constant 32 : index
        %parallel_loop3A_1227 = tpu.vector_load %arg6[%parallel_loop3A_1224, %parallel_loop3A_1225, %parallel_loop3A_1226] {strides = array<i32>} : memref<8x128x64xf32, #tpu.memory_space<vmem>>, vector<1x1x16xf32>,
        %parallel_loop3A_1228 = vector.shape_cast %parallel_loop3A_1227 : vector<1x1x16xf32> to vector<16xf32>
        %parallel_loop3A_1229 = arith.constant 8.000000e+00 : f32
        %parallel_loop3A_1230 = vector.broadcast %parallel_loop3A_1229 : f32 to vector<16xf32>
        %parallel_loop3A_1231 = arith.mulf %parallel_loop3A_1228, %parallel_loop3A_1230 : vector<16xf32>
        %parallel_loop3A_1232 = arith.constant 1 : i32
        %parallel_loop3A_1233 = arith.constant 0 : i32
        %parallel_loop3A_1234 = arith.index_cast %parallel_loop3A_1232 : i32 to index
        %parallel_loop3A_1235 = arith.index_cast %parallel_loop3A_1186 : i32 to index
        %parallel_loop3A_1236 = arith.index_cast %parallel_loop3A_1233 : i32 to index
        %parallel_loop3A_1237 = arith.constant 32 : index
        %parallel_loop3A_1238 = tpu.vector_load %arg7[%parallel_loop3A_1234, %parallel_loop3A_1235, %parallel_loop3A_1236, %parallel_loop3A_1237] {strides = array<i32>} : memref<2x128x2x64xf32, #tpu.memory_space<vmem>>, vector<1x1x1x16xf32>,
        %parallel_loop3A_1239 = vector.shape_cast %parallel_loop3A_1238 : vector<1x1x1x16xf32> to vector<16xf32>
        %parallel_loop3A_1240 = vector.shape_cast %parallel_loop3A_1231 : vector<16xf32> to vector<1x1x1x16xf32>
        tpu.vector_store %arg7[%parallel_loop3A_1234, %parallel_loop3A_1235, %parallel_loop3A_1236, %parallel_loop3A_1237], %parallel_loop3A_1240 {strides = array<i32>} : memref<2x128x2x64xf32, #tpu.memory_space<vmem>>, vector<1x1x1x16xf32>,
        %parallel_loop3A_1241 = arith.constant 5 : i32
        %parallel_loop3A_1242 = arith.index_cast %parallel_loop3A_1241 : i32 to index
        %parallel_loop3A_1243 = arith.index_cast %parallel_loop3A_1186 : i32 to index
        %parallel_loop3A_1244 = arith.constant 48 : index
        %parallel_loop3A_1245 = tpu.vector_load %arg6[%parallel_loop3A_1242, %parallel_loop3A_1243, %parallel_loop3A_1244] {strides = array<i32>} : memref<8x128x64xf32, #tpu.memory_space<vmem>>, vector<1x1x16xf32>,
        %parallel_loop3A_1246 = vector.shape_cast %parallel_loop3A_1245 : vector<1x1x16xf32> to vector<16xf32>
        %parallel_loop3A_1247 = arith.constant 8.000000e+00 : f32
        %parallel_loop3A_1248 = vector.broadcast %parallel_loop3A_1247 : f32 to vector<16xf32>
        %parallel_loop3A_1249 = arith.mulf %parallel_loop3A_1246, %parallel_loop3A_1248 : vector<16xf32>
        %parallel_loop3A_1250 = arith.constant 1 : i32
        %parallel_loop3A_1251 = arith.constant 0 : i32
        %parallel_loop3A_1252 = arith.index_cast %parallel_loop3A_1250 : i32 to index
        %parallel_loop3A_1253 = arith.index_cast %parallel_loop3A_1186 : i32 to index
        %parallel_loop3A_1254 = arith.index_cast %parallel_loop3A_1251 : i32 to index
        %parallel_loop3A_1255 = arith.constant 48 : index
        %parallel_loop3A_1256 = tpu.vector_load %arg7[%parallel_loop3A_1252, %parallel_loop3A_1253, %parallel_loop3A_1254, %parallel_loop3A_1255] {strides = array<i32>} : memref<2x128x2x64xf32, #tpu.memory_space<vmem>>, vector<1x1x1x16xf32>,
        %parallel_loop3A_1257 = vector.shape_cast %parallel_loop3A_1256 : vector<1x1x1x16xf32> to vector<16xf32>
        %parallel_loop3A_1258 = vector.shape_cast %parallel_loop3A_1249 : vector<16xf32> to vector<1x1x1x16xf32>
        tpu.vector_store %arg7[%parallel_loop3A_1252, %parallel_loop3A_1253, %parallel_loop3A_1254, %parallel_loop3A_1255], %parallel_loop3A_1258 {strides = array<i32>} : memref<2x128x2x64xf32, #tpu.memory_space<vmem>>, vector<1x1x1x16xf32>,
      } {sc.loop_unroll_factor = 8 : i64, sc.parallel_access}
      %mul3A_1017 = arith.constant 128 : i32
      %mul3A_1018 = arith.muli %add3A_994, %mul3A_1017 : i32
      %add3A_1019 = arith.addi %mul3A_2, %mul3A_1018 : i32
      %dma_start3A_1020 = arith.constant 1 : i32
      %dma_start3A_1021 = arith.constant 1 : i32
      %dma_start3A_1022 = arith.constant 0 : i32
      %dma_start3A_1023 = arith.constant 0 : i32
      %dma_start3A_1024 = arith.constant 0 : i32
      %dma_start3A_1025 = tpu.memref_slice %arg7[%dma_start3A_1020, %dma_start3A_1022, %dma_start3A_1023, %dma_start3A_1024] : memref<2x128x2x64xf32, #tpu.memory_space<vmem>> -> memref<1x128x2x64xf32, #tpu.memory_space<vmem>>
      %dma_start3A_1026 = tpu.memref_squeeze %dma_start3A_1025 : memref<1x128x2x64xf32, #tpu.memory_space<vmem>> -> memref<128x2x64xf32, #tpu.memory_space<vmem>>
      %dma_start3A_1027 = arith.constant 0 : i32
      %dma_start3A_1028 = arith.constant 0 : i32
      %dma_start3A_1029 = tpu.memref_slice %arg4[%add3A_1019, %dma_start3A_1027, %dma_start3A_1028] : memref<819200x2x64xf32, #tpu.memory_space<hbm>> -> memref<128x2x64xf32, #tpu.memory_space<hbm>>
      %dma_start3A_1030 = tpu.memref_slice %arg9[%dma_start3A_1021] : memref<2x!tpu.dma_semaphore, #tpu.memory_space<semaphore_mem>> -> memref<1x!tpu.dma_semaphore, #tpu.memory_space<semaphore_mem>>
      %dma_start3A_1031 = tpu.memref_squeeze %dma_start3A_1030 : memref<1x!tpu.dma_semaphore, #tpu.memory_space<semaphore_mem>> -> memref<!tpu.dma_semaphore, #tpu.memory_space<semaphore_mem>>
      %dma_start3A_1032 = arith.constant 0 : i32
      %dma_start3A_1033 = arith.constant 0 : i32
      %dma_start3A_1034 = tpu.memref_slice %arg4[%add3A_1019, %dma_start3A_1032, %dma_start3A_1033] : memref<819200x2x64xf32, #tpu.memory_space<hbm>> -> memref<128x2x64xf32, #tpu.memory_space<hbm>>
      %dma_start3A_1035 = arith.constant 0 : i32
      %dma_start3A_1036 = arith.constant 0 : i32
      %dma_start3A_1037 = arith.constant 0 : i32
      %dma_start3A_1038 = tpu.memref_slice %arg7[%dma_start3A_1020, %dma_start3A_1035, %dma_start3A_1036, %dma_start3A_1037] : memref<2x128x2x64xf32, #tpu.memory_space<vmem>> -> memref<1x128x2x64xf32, #tpu.memory_space<vmem>>
      %dma_start3A_1039 = tpu.memref_squeeze %dma_start3A_1038 : memref<1x128x2x64xf32, #tpu.memory_space<vmem>> -> memref<128x2x64xf32, #tpu.memory_space<vmem>>
      tpu.enqueue_dma source(%dma_start3A_1039 : memref<128x2x64xf32, #tpu.memory_space<vmem>>) target(%dma_start3A_1034 : memref<128x2x64xf32, #tpu.memory_space<hbm>>) target_semaphore(%dma_start3A_1031 : memref<!tpu.dma_semaphore, #tpu.memory_space<semaphore_mem>>)
      %add3A_1040 = arith.constant 8 : i32
      %add3A_1041 = arith.addi %add3A_994, %add3A_1040 : i32
      %dma_start3A_1042 = arith.constant 5 : i32
      %dma_start3A_1043 = arith.constant 5 : i32
      %dma_start3A_1044 = arith.constant 0 : i32
      %dma_start3A_1045 = arith.constant 0 : i32
      %dma_start3A_1046 = tpu.memref_slice %arg6[%dma_start3A_1042, %dma_start3A_1044, %dma_start3A_1045] : memref<8x128x64xf32, #tpu.memory_space<vmem>> -> memref<1x128x64xf32, #tpu.memory_space<vmem>>
      %dma_start3A_1047 = tpu.memref_squeeze %dma_start3A_1046 : memref<1x128x64xf32, #tpu.memory_space<vmem>> -> memref<128x64xf32, #tpu.memory_space<vmem>>
      %dma_start3A_1048 = arith.constant 0 : i32
      %dma_start3A_1049 = tpu.memref_slice %arg5[%add3A_1041, %dma_start3A_1048] : memref<200x128xi32, #tpu.memory_space<vmem>> -> memref<1x128xi32, #tpu.memory_space<vmem>>
      %dma_start3A_1050 = tpu.memref_squeeze %dma_start3A_1049 : memref<1x128xi32, #tpu.memory_space<vmem>> -> memref<128xi32, #tpu.memory_space<vmem>>
      %dma_start3A_1051 = arith.constant 0 : i32
      %dma_start3A_1052 = arith.constant 0 : i32
      %dma_start3A_1053 = tpu.memref_slice %arg3[%dma_start3A_1051, %dma_start3A_1052] : memref<1000000x64xf32, #tpu.memory_space<hbm>> -> memref<1000000x64xf32, #tpu.memory_space<hbm>>
      %dma_start3A_1054 = tpu.memref_slice %arg8[%dma_start3A_1043] : memref<8x!tpu.dma_semaphore, #tpu.memory_space<semaphore_mem>> -> memref<1x!tpu.dma_semaphore, #tpu.memory_space<semaphore_mem>>
      %dma_start3A_1055 = tpu.memref_squeeze %dma_start3A_1054 : memref<1x!tpu.dma_semaphore, #tpu.memory_space<semaphore_mem>> -> memref<!tpu.dma_semaphore, #tpu.memory_space<semaphore_mem>>
      tpu.enqueue_indirect_dma source(%dma_start3A_1053 : memref<1000000x64xf32, #tpu.memory_space<hbm>>) target(%dma_start3A_1047 : memref<128x64xf32, #tpu.memory_space<vmem>>) offsets(%dma_start3A_1050 : memref<128xi32, #tpu.memory_space<vmem>>) semaphore(%dma_start3A_1055 : memref<!tpu.dma_semaphore, #tpu.memory_space<semaphore_mem>>)
      %mul3A_1056 = arith.constant 8 : i32
      %mul3A_1057 = arith.muli %add3A_668, %mul3A_1056 : i32
      %add3A_1058 = arith.constant 6 : i32
      %add3A_1059 = arith.addi %mul3A_1057, %add3A_1058 : i32
      %dma_wait3A_1060 = arith.constant 6 : i32
      %dma_wait3A_1061 = arith.constant 6 : i32
      %dma_wait3A_1062 = arith.constant 0 : i32
      %dma_wait3A_1063 = arith.constant 0 : i32
      %dma_wait3A_1064 = tpu.memref_slice %arg6[%dma_wait3A_1060, %dma_wait3A_1062, %dma_wait3A_1063] : memref<8x128x64xf32, #tpu.memory_space<vmem>> -> memref<1x128x64xf32, #tpu.memory_space<vmem>>
      %dma_wait3A_1065 = tpu.memref_squeeze %dma_wait3A_1064 : memref<1x128x64xf32, #tpu.memory_space<vmem>> -> memref<128x64xf32, #tpu.memory_space<vmem>>
      %dma_wait3A_1066 = arith.constant 0 : i32
      %dma_wait3A_1067 = tpu.memref_slice %arg5[%add3A_1059, %dma_wait3A_1066] : memref<200x128xi32, #tpu.memory_space<vmem>> -> memref<1x128xi32, #tpu.memory_space<vmem>>
      %dma_wait3A_1068 = tpu.memref_squeeze %dma_wait3A_1067 : memref<1x128xi32, #tpu.memory_space<vmem>> -> memref<128xi32, #tpu.memory_space<vmem>>
      %dma_wait3A_1069 = arith.constant 0 : i32
      %dma_wait3A_1070 = arith.constant 0 : i32
      %dma_wait3A_1071 = tpu.memref_slice %arg3[%dma_wait3A_1069, %dma_wait3A_1070] : memref<1000000x64xf32, #tpu.memory_space<hbm>> -> memref<1000000x64xf32, #tpu.memory_space<hbm>>
      %dma_wait3A_1072 = tpu.memref_slice %arg8[%dma_wait3A_1061] : memref<8x!tpu.dma_semaphore, #tpu.memory_space<semaphore_mem>> -> memref<1x!tpu.dma_semaphore, #tpu.memory_space<semaphore_mem>>
      %dma_wait3A_1073 = tpu.memref_squeeze %dma_wait3A_1072 : memref<1x!tpu.dma_semaphore, #tpu.memory_space<semaphore_mem>> -> memref<!tpu.dma_semaphore, #tpu.memory_space<semaphore_mem>>
      tpu.wait_indirect_dma semaphore(%dma_wait3A_1073 : memref<!tpu.dma_semaphore, #tpu.memory_space<semaphore_mem>>) src(%dma_wait3A_1071 : memref<1000000x64xf32, #tpu.memory_space<hbm>>) dst(%dma_wait3A_1065 : memref<128x64xf32, #tpu.memory_space<vmem>>)
      %ge3A_1074 = arith.constant 2 : i32
      %ge3A_1075 = arith.cmpi sge, %add3A_1059, %ge3A_1074 : i32
      %convert_element_type3A_1076 = arith.extui %ge3A_1075 : i1 to i32
      %cond3A_1077 = arith.constant 0 : i32
      %cond3A_1078 = arith.cmpi ne, %convert_element_type3A_1076, %cond3A_1077 : i32
      scf.if %cond3A_1078 {
        %sub3A = arith.constant 2 : i32
        %sub3A_1186 = arith.subi %add3A_1059, %sub3A : i32
        %mul3A_1187 = arith.constant 128 : i32
        %mul3A_1188 = arith.muli %sub3A_1186, %mul3A_1187 : i32
        %add3A_1189 = arith.addi %mul3A_2, %mul3A_1188 : i32
        %dma_wait3A_1190 = arith.constant 0 : i32
        %dma_wait3A_1191 = arith.constant 0 : i32
        %dma_wait3A_1192 = arith.constant 0 : i32
        %dma_wait3A_1193 = arith.constant 0 : i32
        %dma_wait3A_1194 = arith.constant 0 : i32
        %dma_wait3A_1195 = tpu.memref_slice %arg7[%dma_wait3A_1190, %dma_wait3A_1192, %dma_wait3A_1193, %dma_wait3A_1194] : memref<2x128x2x64xf32, #tpu.memory_space<vmem>> -> memref<1x128x2x64xf32, #tpu.memory_space<vmem>>
        %dma_wait3A_1196 = tpu.memref_squeeze %dma_wait3A_1195 : memref<1x128x2x64xf32, #tpu.memory_space<vmem>> -> memref<128x2x64xf32, #tpu.memory_space<vmem>>
        %dma_wait3A_1197 = arith.constant 0 : i32
        %dma_wait3A_1198 = arith.constant 0 : i32
        %dma_wait3A_1199 = tpu.memref_slice %arg4[%add3A_1189, %dma_wait3A_1197, %dma_wait3A_1198] : memref<819200x2x64xf32, #tpu.memory_space<hbm>> -> memref<128x2x64xf32, #tpu.memory_space<hbm>>
        %dma_wait3A_1200 = tpu.memref_slice %arg9[%dma_wait3A_1191] : memref<2x!tpu.dma_semaphore, #tpu.memory_space<semaphore_mem>> -> memref<1x!tpu.dma_semaphore, #tpu.memory_space<semaphore_mem>>
        %dma_wait3A_1201 = tpu.memref_squeeze %dma_wait3A_1200 : memref<1x!tpu.dma_semaphore, #tpu.memory_space<semaphore_mem>> -> memref<!tpu.dma_semaphore, #tpu.memory_space<semaphore_mem>>
        %dma_wait3A_1202 = arith.constant 0 : i32
        %dma_wait3A_1203 = arith.constant 0 : i32
        %dma_wait3A_1204 = tpu.memref_slice %arg4[%add3A_1189, %dma_wait3A_1202, %dma_wait3A_1203] : memref<819200x2x64xf32, #tpu.memory_space<hbm>> -> memref<128x2x64xf32, #tpu.memory_space<hbm>>
        %dma_wait3A_1205 = arith.constant 0 : i32
        %dma_wait3A_1206 = arith.constant 0 : i32
        %dma_wait3A_1207 = arith.constant 0 : i32
        %dma_wait3A_1208 = tpu.memref_slice %arg7[%dma_wait3A_1190, %dma_wait3A_1205, %dma_wait3A_1206, %dma_wait3A_1207] : memref<2x128x2x64xf32, #tpu.memory_space<vmem>> -> memref<1x128x2x64xf32, #tpu.memory_space<vmem>>
        %dma_wait3A_1209 = tpu.memref_squeeze %dma_wait3A_1208 : memref<1x128x2x64xf32, #tpu.memory_space<vmem>> -> memref<128x2x64xf32, #tpu.memory_space<vmem>>
        tpu.wait_dma2 semaphore(%dma_wait3A_1201 : memref<!tpu.dma_semaphore, #tpu.memory_space<semaphore_mem>>) src(%dma_wait3A_1209 : memref<128x2x64xf32, #tpu.memory_space<vmem>>) dst(%dma_wait3A_1204 : memref<128x2x64xf32, #tpu.memory_space<hbm>>)
      } else {
      }
      %parallel_loop3A_1079 = arith.constant 0 : i32
      %parallel_loop3A_1080 = arith.constant 128 : i32
      %parallel_loop3A_1081 = arith.constant 1 : i32
      scf.for %parallel_loop3A_1186 = %parallel_loop3A_1079 to %parallel_loop3A_1080 step %parallel_loop3A_1081  : i32 {
        %parallel_loop3A_1187 = arith.constant 6 : i32
        %parallel_loop3A_1188 = arith.index_cast %parallel_loop3A_1187 : i32 to index
        %parallel_loop3A_1189 = arith.index_cast %parallel_loop3A_1186 : i32 to index
        %parallel_loop3A_1190 = arith.constant 0 : index
        %parallel_loop3A_1191 = tpu.vector_load %arg6[%parallel_loop3A_1188, %parallel_loop3A_1189, %parallel_loop3A_1190] {strides = array<i32>} : memref<8x128x64xf32, #tpu.memory_space<vmem>>, vector<1x1x16xf32>,
        %parallel_loop3A_1192 = vector.shape_cast %parallel_loop3A_1191 : vector<1x1x16xf32> to vector<16xf32>
        %parallel_loop3A_1193 = arith.constant 8.000000e+00 : f32
        %parallel_loop3A_1194 = vector.broadcast %parallel_loop3A_1193 : f32 to vector<16xf32>
        %parallel_loop3A_1195 = arith.mulf %parallel_loop3A_1192, %parallel_loop3A_1194 : vector<16xf32>
        %parallel_loop3A_1196 = arith.constant 0 : i32
        %parallel_loop3A_1197 = arith.constant 0 : i32
        %parallel_loop3A_1198 = arith.index_cast %parallel_loop3A_1196 : i32 to index
        %parallel_loop3A_1199 = arith.index_cast %parallel_loop3A_1186 : i32 to index
        %parallel_loop3A_1200 = arith.index_cast %parallel_loop3A_1197 : i32 to index
        %parallel_loop3A_1201 = arith.constant 0 : index
        %parallel_loop3A_1202 = tpu.vector_load %arg7[%parallel_loop3A_1198, %parallel_loop3A_1199, %parallel_loop3A_1200, %parallel_loop3A_1201] {strides = array<i32>} : memref<2x128x2x64xf32, #tpu.memory_space<vmem>>, vector<1x1x1x16xf32>,
        %parallel_loop3A_1203 = vector.shape_cast %parallel_loop3A_1202 : vector<1x1x1x16xf32> to vector<16xf32>
        %parallel_loop3A_1204 = vector.shape_cast %parallel_loop3A_1195 : vector<16xf32> to vector<1x1x1x16xf32>
        tpu.vector_store %arg7[%parallel_loop3A_1198, %parallel_loop3A_1199, %parallel_loop3A_1200, %parallel_loop3A_1201], %parallel_loop3A_1204 {strides = array<i32>} : memref<2x128x2x64xf32, #tpu.memory_space<vmem>>, vector<1x1x1x16xf32>,
        %parallel_loop3A_1205 = arith.constant 6 : i32
        %parallel_loop3A_1206 = arith.index_cast %parallel_loop3A_1205 : i32 to index
        %parallel_loop3A_1207 = arith.index_cast %parallel_loop3A_1186 : i32 to index
        %parallel_loop3A_1208 = arith.constant 16 : index
        %parallel_loop3A_1209 = tpu.vector_load %arg6[%parallel_loop3A_1206, %parallel_loop3A_1207, %parallel_loop3A_1208] {strides = array<i32>} : memref<8x128x64xf32, #tpu.memory_space<vmem>>, vector<1x1x16xf32>,
        %parallel_loop3A_1210 = vector.shape_cast %parallel_loop3A_1209 : vector<1x1x16xf32> to vector<16xf32>
        %parallel_loop3A_1211 = arith.constant 8.000000e+00 : f32
        %parallel_loop3A_1212 = vector.broadcast %parallel_loop3A_1211 : f32 to vector<16xf32>
        %parallel_loop3A_1213 = arith.mulf %parallel_loop3A_1210, %parallel_loop3A_1212 : vector<16xf32>
        %parallel_loop3A_1214 = arith.constant 0 : i32
        %parallel_loop3A_1215 = arith.constant 0 : i32
        %parallel_loop3A_1216 = arith.index_cast %parallel_loop3A_1214 : i32 to index
        %parallel_loop3A_1217 = arith.index_cast %parallel_loop3A_1186 : i32 to index
        %parallel_loop3A_1218 = arith.index_cast %parallel_loop3A_1215 : i32 to index
        %parallel_loop3A_1219 = arith.constant 16 : index
        %parallel_loop3A_1220 = tpu.vector_load %arg7[%parallel_loop3A_1216, %parallel_loop3A_1217, %parallel_loop3A_1218, %parallel_loop3A_1219] {strides = array<i32>} : memref<2x128x2x64xf32, #tpu.memory_space<vmem>>, vector<1x1x1x16xf32>,
        %parallel_loop3A_1221 = vector.shape_cast %parallel_loop3A_1220 : vector<1x1x1x16xf32> to vector<16xf32>
        %parallel_loop3A_1222 = vector.shape_cast %parallel_loop3A_1213 : vector<16xf32> to vector<1x1x1x16xf32>
        tpu.vector_store %arg7[%parallel_loop3A_1216, %parallel_loop3A_1217, %parallel_loop3A_1218, %parallel_loop3A_1219], %parallel_loop3A_1222 {strides = array<i32>} : memref<2x128x2x64xf32, #tpu.memory_space<vmem>>, vector<1x1x1x16xf32>,
        %parallel_loop3A_1223 = arith.constant 6 : i32
        %parallel_loop3A_1224 = arith.index_cast %parallel_loop3A_1223 : i32 to index
        %parallel_loop3A_1225 = arith.index_cast %parallel_loop3A_1186 : i32 to index
        %parallel_loop3A_1226 = arith.constant 32 : index
        %parallel_loop3A_1227 = tpu.vector_load %arg6[%parallel_loop3A_1224, %parallel_loop3A_1225, %parallel_loop3A_1226] {strides = array<i32>} : memref<8x128x64xf32, #tpu.memory_space<vmem>>, vector<1x1x16xf32>,
        %parallel_loop3A_1228 = vector.shape_cast %parallel_loop3A_1227 : vector<1x1x16xf32> to vector<16xf32>
        %parallel_loop3A_1229 = arith.constant 8.000000e+00 : f32
        %parallel_loop3A_1230 = vector.broadcast %parallel_loop3A_1229 : f32 to vector<16xf32>
        %parallel_loop3A_1231 = arith.mulf %parallel_loop3A_1228, %parallel_loop3A_1230 : vector<16xf32>
        %parallel_loop3A_1232 = arith.constant 0 : i32
        %parallel_loop3A_1233 = arith.constant 0 : i32
        %parallel_loop3A_1234 = arith.index_cast %parallel_loop3A_1232 : i32 to index
        %parallel_loop3A_1235 = arith.index_cast %parallel_loop3A_1186 : i32 to index
        %parallel_loop3A_1236 = arith.index_cast %parallel_loop3A_1233 : i32 to index
        %parallel_loop3A_1237 = arith.constant 32 : index
        %parallel_loop3A_1238 = tpu.vector_load %arg7[%parallel_loop3A_1234, %parallel_loop3A_1235, %parallel_loop3A_1236, %parallel_loop3A_1237] {strides = array<i32>} : memref<2x128x2x64xf32, #tpu.memory_space<vmem>>, vector<1x1x1x16xf32>,
        %parallel_loop3A_1239 = vector.shape_cast %parallel_loop3A_1238 : vector<1x1x1x16xf32> to vector<16xf32>
        %parallel_loop3A_1240 = vector.shape_cast %parallel_loop3A_1231 : vector<16xf32> to vector<1x1x1x16xf32>
        tpu.vector_store %arg7[%parallel_loop3A_1234, %parallel_loop3A_1235, %parallel_loop3A_1236, %parallel_loop3A_1237], %parallel_loop3A_1240 {strides = array<i32>} : memref<2x128x2x64xf32, #tpu.memory_space<vmem>>, vector<1x1x1x16xf32>,
        %parallel_loop3A_1241 = arith.constant 6 : i32
        %parallel_loop3A_1242 = arith.index_cast %parallel_loop3A_1241 : i32 to index
        %parallel_loop3A_1243 = arith.index_cast %parallel_loop3A_1186 : i32 to index
        %parallel_loop3A_1244 = arith.constant 48 : index
        %parallel_loop3A_1245 = tpu.vector_load %arg6[%parallel_loop3A_1242, %parallel_loop3A_1243, %parallel_loop3A_1244] {strides = array<i32>} : memref<8x128x64xf32, #tpu.memory_space<vmem>>, vector<1x1x16xf32>,
        %parallel_loop3A_1246 = vector.shape_cast %parallel_loop3A_1245 : vector<1x1x16xf32> to vector<16xf32>
        %parallel_loop3A_1247 = arith.constant 8.000000e+00 : f32
        %parallel_loop3A_1248 = vector.broadcast %parallel_loop3A_1247 : f32 to vector<16xf32>
        %parallel_loop3A_1249 = arith.mulf %parallel_loop3A_1246, %parallel_loop3A_1248 : vector<16xf32>
        %parallel_loop3A_1250 = arith.constant 0 : i32
        %parallel_loop3A_1251 = arith.constant 0 : i32
        %parallel_loop3A_1252 = arith.index_cast %parallel_loop3A_1250 : i32 to index
        %parallel_loop3A_1253 = arith.index_cast %parallel_loop3A_1186 : i32 to index
        %parallel_loop3A_1254 = arith.index_cast %parallel_loop3A_1251 : i32 to index
        %parallel_loop3A_1255 = arith.constant 48 : index
        %parallel_loop3A_1256 = tpu.vector_load %arg7[%parallel_loop3A_1252, %parallel_loop3A_1253, %parallel_loop3A_1254, %parallel_loop3A_1255] {strides = array<i32>} : memref<2x128x2x64xf32, #tpu.memory_space<vmem>>, vector<1x1x1x16xf32>,
        %parallel_loop3A_1257 = vector.shape_cast %parallel_loop3A_1256 : vector<1x1x1x16xf32> to vector<16xf32>
        %parallel_loop3A_1258 = vector.shape_cast %parallel_loop3A_1249 : vector<16xf32> to vector<1x1x1x16xf32>
        tpu.vector_store %arg7[%parallel_loop3A_1252, %parallel_loop3A_1253, %parallel_loop3A_1254, %parallel_loop3A_1255], %parallel_loop3A_1258 {strides = array<i32>} : memref<2x128x2x64xf32, #tpu.memory_space<vmem>>, vector<1x1x1x16xf32>,
      } {sc.loop_unroll_factor = 8 : i64, sc.parallel_access}
      %mul3A_1082 = arith.constant 128 : i32
      %mul3A_1083 = arith.muli %add3A_1059, %mul3A_1082 : i32
      %add3A_1084 = arith.addi %mul3A_2, %mul3A_1083 : i32
      %dma_start3A_1085 = arith.constant 0 : i32
      %dma_start3A_1086 = arith.constant 0 : i32
      %dma_start3A_1087 = arith.constant 0 : i32
      %dma_start3A_1088 = arith.constant 0 : i32
      %dma_start3A_1089 = arith.constant 0 : i32
      %dma_start3A_1090 = tpu.memref_slice %arg7[%dma_start3A_1085, %dma_start3A_1087, %dma_start3A_1088, %dma_start3A_1089] : memref<2x128x2x64xf32, #tpu.memory_space<vmem>> -> memref<1x128x2x64xf32, #tpu.memory_space<vmem>>
      %dma_start3A_1091 = tpu.memref_squeeze %dma_start3A_1090 : memref<1x128x2x64xf32, #tpu.memory_space<vmem>> -> memref<128x2x64xf32, #tpu.memory_space<vmem>>
      %dma_start3A_1092 = arith.constant 0 : i32
      %dma_start3A_1093 = arith.constant 0 : i32
      %dma_start3A_1094 = tpu.memref_slice %arg4[%add3A_1084, %dma_start3A_1092, %dma_start3A_1093] : memref<819200x2x64xf32, #tpu.memory_space<hbm>> -> memref<128x2x64xf32, #tpu.memory_space<hbm>>
      %dma_start3A_1095 = tpu.memref_slice %arg9[%dma_start3A_1086] : memref<2x!tpu.dma_semaphore, #tpu.memory_space<semaphore_mem>> -> memref<1x!tpu.dma_semaphore, #tpu.memory_space<semaphore_mem>>
      %dma_start3A_1096 = tpu.memref_squeeze %dma_start3A_1095 : memref<1x!tpu.dma_semaphore, #tpu.memory_space<semaphore_mem>> -> memref<!tpu.dma_semaphore, #tpu.memory_space<semaphore_mem>>
      %dma_start3A_1097 = arith.constant 0 : i32
      %dma_start3A_1098 = arith.constant 0 : i32
      %dma_start3A_1099 = tpu.memref_slice %arg4[%add3A_1084, %dma_start3A_1097, %dma_start3A_1098] : memref<819200x2x64xf32, #tpu.memory_space<hbm>> -> memref<128x2x64xf32, #tpu.memory_space<hbm>>
      %dma_start3A_1100 = arith.constant 0 : i32
      %dma_start3A_1101 = arith.constant 0 : i32
      %dma_start3A_1102 = arith.constant 0 : i32
      %dma_start3A_1103 = tpu.memref_slice %arg7[%dma_start3A_1085, %dma_start3A_1100, %dma_start3A_1101, %dma_start3A_1102] : memref<2x128x2x64xf32, #tpu.memory_space<vmem>> -> memref<1x128x2x64xf32, #tpu.memory_space<vmem>>
      %dma_start3A_1104 = tpu.memref_squeeze %dma_start3A_1103 : memref<1x128x2x64xf32, #tpu.memory_space<vmem>> -> memref<128x2x64xf32, #tpu.memory_space<vmem>>
      tpu.enqueue_dma source(%dma_start3A_1104 : memref<128x2x64xf32, #tpu.memory_space<vmem>>) target(%dma_start3A_1099 : memref<128x2x64xf32, #tpu.memory_space<hbm>>) target_semaphore(%dma_start3A_1096 : memref<!tpu.dma_semaphore, #tpu.memory_space<semaphore_mem>>)
      %add3A_1105 = arith.constant 8 : i32
      %add3A_1106 = arith.addi %add3A_1059, %add3A_1105 : i32
      %dma_start3A_1107 = arith.constant 6 : i32
      %dma_start3A_1108 = arith.constant 6 : i32
      %dma_start3A_1109 = arith.constant 0 : i32
      %dma_start3A_1110 = arith.constant 0 : i32
      %dma_start3A_1111 = tpu.memref_slice %arg6[%dma_start3A_1107, %dma_start3A_1109, %dma_start3A_1110] : memref<8x128x64xf32, #tpu.memory_space<vmem>> -> memref<1x128x64xf32, #tpu.memory_space<vmem>>
      %dma_start3A_1112 = tpu.memref_squeeze %dma_start3A_1111 : memref<1x128x64xf32, #tpu.memory_space<vmem>> -> memref<128x64xf32, #tpu.memory_space<vmem>>
      %dma_start3A_1113 = arith.constant 0 : i32
      %dma_start3A_1114 = tpu.memref_slice %arg5[%add3A_1106, %dma_start3A_1113] : memref<200x128xi32, #tpu.memory_space<vmem>> -> memref<1x128xi32, #tpu.memory_space<vmem>>
      %dma_start3A_1115 = tpu.memref_squeeze %dma_start3A_1114 : memref<1x128xi32, #tpu.memory_space<vmem>> -> memref<128xi32, #tpu.memory_space<vmem>>
      %dma_start3A_1116 = arith.constant 0 : i32
      %dma_start3A_1117 = arith.constant 0 : i32
      %dma_start3A_1118 = tpu.memref_slice %arg3[%dma_start3A_1116, %dma_start3A_1117] : memref<1000000x64xf32, #tpu.memory_space<hbm>> -> memref<1000000x64xf32, #tpu.memory_space<hbm>>
      %dma_start3A_1119 = tpu.memref_slice %arg8[%dma_start3A_1108] : memref<8x!tpu.dma_semaphore, #tpu.memory_space<semaphore_mem>> -> memref<1x!tpu.dma_semaphore, #tpu.memory_space<semaphore_mem>>
      %dma_start3A_1120 = tpu.memref_squeeze %dma_start3A_1119 : memref<1x!tpu.dma_semaphore, #tpu.memory_space<semaphore_mem>> -> memref<!tpu.dma_semaphore, #tpu.memory_space<semaphore_mem>>
      tpu.enqueue_indirect_dma source(%dma_start3A_1118 : memref<1000000x64xf32, #tpu.memory_space<hbm>>) target(%dma_start3A_1112 : memref<128x64xf32, #tpu.memory_space<vmem>>) offsets(%dma_start3A_1115 : memref<128xi32, #tpu.memory_space<vmem>>) semaphore(%dma_start3A_1120 : memref<!tpu.dma_semaphore, #tpu.memory_space<semaphore_mem>>)
      %mul3A_1121 = arith.constant 8 : i32
      %mul3A_1122 = arith.muli %add3A_668, %mul3A_1121 : i32
      %add3A_1123 = arith.constant 7 : i32
      %add3A_1124 = arith.addi %mul3A_1122, %add3A_1123 : i32
      %dma_wait3A_1125 = arith.constant 7 : i32
      %dma_wait3A_1126 = arith.constant 7 : i32
      %dma_wait3A_1127 = arith.constant 0 : i32
      %dma_wait3A_1128 = arith.constant 0 : i32
      %dma_wait3A_1129 = tpu.memref_slice %arg6[%dma_wait3A_1125, %dma_wait3A_1127, %dma_wait3A_1128] : memref<8x128x64xf32, #tpu.memory_space<vmem>> -> memref<1x128x64xf32, #tpu.memory_space<vmem>>
      %dma_wait3A_1130 = tpu.memref_squeeze %dma_wait3A_1129 : memref<1x128x64xf32, #tpu.memory_space<vmem>> -> memref<128x64xf32, #tpu.memory_space<vmem>>
      %dma_wait3A_1131 = arith.constant 0 : i32
      %dma_wait3A_1132 = tpu.memref_slice %arg5[%add3A_1124, %dma_wait3A_1131] : memref<200x128xi32, #tpu.memory_space<vmem>> -> memref<1x128xi32, #tpu.memory_space<vmem>>
      %dma_wait3A_1133 = tpu.memref_squeeze %dma_wait3A_1132 : memref<1x128xi32, #tpu.memory_space<vmem>> -> memref<128xi32, #tpu.memory_space<vmem>>
      %dma_wait3A_1134 = arith.constant 0 : i32
      %dma_wait3A_1135 = arith.constant 0 : i32
      %dma_wait3A_1136 = tpu.memref_slice %arg3[%dma_wait3A_1134, %dma_wait3A_1135] : memref<1000000x64xf32, #tpu.memory_space<hbm>> -> memref<1000000x64xf32, #tpu.memory_space<hbm>>
      %dma_wait3A_1137 = tpu.memref_slice %arg8[%dma_wait3A_1126] : memref<8x!tpu.dma_semaphore, #tpu.memory_space<semaphore_mem>> -> memref<1x!tpu.dma_semaphore, #tpu.memory_space<semaphore_mem>>
      %dma_wait3A_1138 = tpu.memref_squeeze %dma_wait3A_1137 : memref<1x!tpu.dma_semaphore, #tpu.memory_space<semaphore_mem>> -> memref<!tpu.dma_semaphore, #tpu.memory_space<semaphore_mem>>
      tpu.wait_indirect_dma semaphore(%dma_wait3A_1138 : memref<!tpu.dma_semaphore, #tpu.memory_space<semaphore_mem>>) src(%dma_wait3A_1136 : memref<1000000x64xf32, #tpu.memory_space<hbm>>) dst(%dma_wait3A_1130 : memref<128x64xf32, #tpu.memory_space<vmem>>)
      %ge3A_1139 = arith.constant 2 : i32
      %ge3A_1140 = arith.cmpi sge, %add3A_1124, %ge3A_1139 : i32
      %convert_element_type3A_1141 = arith.extui %ge3A_1140 : i1 to i32
      %cond3A_1142 = arith.constant 0 : i32
      %cond3A_1143 = arith.cmpi ne, %convert_element_type3A_1141, %cond3A_1142 : i32
      scf.if %cond3A_1143 {
        %sub3A = arith.constant 2 : i32
        %sub3A_1186 = arith.subi %add3A_1124, %sub3A : i32
        %mul3A_1187 = arith.constant 128 : i32
        %mul3A_1188 = arith.muli %sub3A_1186, %mul3A_1187 : i32
        %add3A_1189 = arith.addi %mul3A_2, %mul3A_1188 : i32
        %dma_wait3A_1190 = arith.constant 1 : i32
        %dma_wait3A_1191 = arith.constant 1 : i32
        %dma_wait3A_1192 = arith.constant 0 : i32
        %dma_wait3A_1193 = arith.constant 0 : i32
        %dma_wait3A_1194 = arith.constant 0 : i32
        %dma_wait3A_1195 = tpu.memref_slice %arg7[%dma_wait3A_1190, %dma_wait3A_1192, %dma_wait3A_1193, %dma_wait3A_1194] : memref<2x128x2x64xf32, #tpu.memory_space<vmem>> -> memref<1x128x2x64xf32, #tpu.memory_space<vmem>>
        %dma_wait3A_1196 = tpu.memref_squeeze %dma_wait3A_1195 : memref<1x128x2x64xf32, #tpu.memory_space<vmem>> -> memref<128x2x64xf32, #tpu.memory_space<vmem>>
        %dma_wait3A_1197 = arith.constant 0 : i32
        %dma_wait3A_1198 = arith.constant 0 : i32
        %dma_wait3A_1199 = tpu.memref_slice %arg4[%add3A_1189, %dma_wait3A_1197, %dma_wait3A_1198] : memref<819200x2x64xf32, #tpu.memory_space<hbm>> -> memref<128x2x64xf32, #tpu.memory_space<hbm>>
        %dma_wait3A_1200 = tpu.memref_slice %arg9[%dma_wait3A_1191] : memref<2x!tpu.dma_semaphore, #tpu.memory_space<semaphore_mem>> -> memref<1x!tpu.dma_semaphore, #tpu.memory_space<semaphore_mem>>
        %dma_wait3A_1201 = tpu.memref_squeeze %dma_wait3A_1200 : memref<1x!tpu.dma_semaphore, #tpu.memory_space<semaphore_mem>> -> memref<!tpu.dma_semaphore, #tpu.memory_space<semaphore_mem>>
        %dma_wait3A_1202 = arith.constant 0 : i32
        %dma_wait3A_1203 = arith.constant 0 : i32
        %dma_wait3A_1204 = tpu.memref_slice %arg4[%add3A_1189, %dma_wait3A_1202, %dma_wait3A_1203] : memref<819200x2x64xf32, #tpu.memory_space<hbm>> -> memref<128x2x64xf32, #tpu.memory_space<hbm>>
        %dma_wait3A_1205 = arith.constant 0 : i32
        %dma_wait3A_1206 = arith.constant 0 : i32
        %dma_wait3A_1207 = arith.constant 0 : i32
        %dma_wait3A_1208 = tpu.memref_slice %arg7[%dma_wait3A_1190, %dma_wait3A_1205, %dma_wait3A_1206, %dma_wait3A_1207] : memref<2x128x2x64xf32, #tpu.memory_space<vmem>> -> memref<1x128x2x64xf32, #tpu.memory_space<vmem>>
        %dma_wait3A_1209 = tpu.memref_squeeze %dma_wait3A_1208 : memref<1x128x2x64xf32, #tpu.memory_space<vmem>> -> memref<128x2x64xf32, #tpu.memory_space<vmem>>
        tpu.wait_dma2 semaphore(%dma_wait3A_1201 : memref<!tpu.dma_semaphore, #tpu.memory_space<semaphore_mem>>) src(%dma_wait3A_1209 : memref<128x2x64xf32, #tpu.memory_space<vmem>>) dst(%dma_wait3A_1204 : memref<128x2x64xf32, #tpu.memory_space<hbm>>)
      } else {
      }
      %parallel_loop3A_1144 = arith.constant 0 : i32
      %parallel_loop3A_1145 = arith.constant 128 : i32
      %parallel_loop3A_1146 = arith.constant 1 : i32
      scf.for %parallel_loop3A_1186 = %parallel_loop3A_1144 to %parallel_loop3A_1145 step %parallel_loop3A_1146  : i32 {
        %parallel_loop3A_1187 = arith.constant 7 : i32
        %parallel_loop3A_1188 = arith.index_cast %parallel_loop3A_1187 : i32 to index
        %parallel_loop3A_1189 = arith.index_cast %parallel_loop3A_1186 : i32 to index
        %parallel_loop3A_1190 = arith.constant 0 : index
        %parallel_loop3A_1191 = tpu.vector_load %arg6[%parallel_loop3A_1188, %parallel_loop3A_1189, %parallel_loop3A_1190] {strides = array<i32>} : memref<8x128x64xf32, #tpu.memory_space<vmem>>, vector<1x1x16xf32>,
        %parallel_loop3A_1192 = vector.shape_cast %parallel_loop3A_1191 : vector<1x1x16xf32> to vector<16xf32>
        %parallel_loop3A_1193 = arith.constant 8.000000e+00 : f32
        %parallel_loop3A_1194 = vector.broadcast %parallel_loop3A_1193 : f32 to vector<16xf32>
        %parallel_loop3A_1195 = arith.mulf %parallel_loop3A_1192, %parallel_loop3A_1194 : vector<16xf32>
        %parallel_loop3A_1196 = arith.constant 1 : i32
        %parallel_loop3A_1197 = arith.constant 0 : i32
        %parallel_loop3A_1198 = arith.index_cast %parallel_loop3A_1196 : i32 to index
        %parallel_loop3A_1199 = arith.index_cast %parallel_loop3A_1186 : i32 to index
        %parallel_loop3A_1200 = arith.index_cast %parallel_loop3A_1197 : i32 to index
        %parallel_loop3A_1201 = arith.constant 0 : index
        %parallel_loop3A_1202 = tpu.vector_load %arg7[%parallel_loop3A_1198, %parallel_loop3A_1199, %parallel_loop3A_1200, %parallel_loop3A_1201] {strides = array<i32>} : memref<2x128x2x64xf32, #tpu.memory_space<vmem>>, vector<1x1x1x16xf32>,
        %parallel_loop3A_1203 = vector.shape_cast %parallel_loop3A_1202 : vector<1x1x1x16xf32> to vector<16xf32>
        %parallel_loop3A_1204 = vector.shape_cast %parallel_loop3A_1195 : vector<16xf32> to vector<1x1x1x16xf32>
        tpu.vector_store %arg7[%parallel_loop3A_1198, %parallel_loop3A_1199, %parallel_loop3A_1200, %parallel_loop3A_1201], %parallel_loop3A_1204 {strides = array<i32>} : memref<2x128x2x64xf32, #tpu.memory_space<vmem>>, vector<1x1x1x16xf32>,
        %parallel_loop3A_1205 = arith.constant 7 : i32
        %parallel_loop3A_1206 = arith.index_cast %parallel_loop3A_1205 : i32 to index
        %parallel_loop3A_1207 = arith.index_cast %parallel_loop3A_1186 : i32 to index
        %parallel_loop3A_1208 = arith.constant 16 : index
        %parallel_loop3A_1209 = tpu.vector_load %arg6[%parallel_loop3A_1206, %parallel_loop3A_1207, %parallel_loop3A_1208] {strides = array<i32>} : memref<8x128x64xf32, #tpu.memory_space<vmem>>, vector<1x1x16xf32>,
        %parallel_loop3A_1210 = vector.shape_cast %parallel_loop3A_1209 : vector<1x1x16xf32> to vector<16xf32>
        %parallel_loop3A_1211 = arith.constant 8.000000e+00 : f32
        %parallel_loop3A_1212 = vector.broadcast %parallel_loop3A_1211 : f32 to vector<16xf32>
        %parallel_loop3A_1213 = arith.mulf %parallel_loop3A_1210, %parallel_loop3A_1212 : vector<16xf32>
        %parallel_loop3A_1214 = arith.constant 1 : i32
        %parallel_loop3A_1215 = arith.constant 0 : i32
        %parallel_loop3A_1216 = arith.index_cast %parallel_loop3A_1214 : i32 to index
        %parallel_loop3A_1217 = arith.index_cast %parallel_loop3A_1186 : i32 to index
        %parallel_loop3A_1218 = arith.index_cast %parallel_loop3A_1215 : i32 to index
        %parallel_loop3A_1219 = arith.constant 16 : index
        %parallel_loop3A_1220 = tpu.vector_load %arg7[%parallel_loop3A_1216, %parallel_loop3A_1217, %parallel_loop3A_1218, %parallel_loop3A_1219] {strides = array<i32>} : memref<2x128x2x64xf32, #tpu.memory_space<vmem>>, vector<1x1x1x16xf32>,
        %parallel_loop3A_1221 = vector.shape_cast %parallel_loop3A_1220 : vector<1x1x1x16xf32> to vector<16xf32>
        %parallel_loop3A_1222 = vector.shape_cast %parallel_loop3A_1213 : vector<16xf32> to vector<1x1x1x16xf32>
        tpu.vector_store %arg7[%parallel_loop3A_1216, %parallel_loop3A_1217, %parallel_loop3A_1218, %parallel_loop3A_1219], %parallel_loop3A_1222 {strides = array<i32>} : memref<2x128x2x64xf32, #tpu.memory_space<vmem>>, vector<1x1x1x16xf32>,
        %parallel_loop3A_1223 = arith.constant 7 : i32
        %parallel_loop3A_1224 = arith.index_cast %parallel_loop3A_1223 : i32 to index
        %parallel_loop3A_1225 = arith.index_cast %parallel_loop3A_1186 : i32 to index
        %parallel_loop3A_1226 = arith.constant 32 : index
        %parallel_loop3A_1227 = tpu.vector_load %arg6[%parallel_loop3A_1224, %parallel_loop3A_1225, %parallel_loop3A_1226] {strides = array<i32>} : memref<8x128x64xf32, #tpu.memory_space<vmem>>, vector<1x1x16xf32>,
        %parallel_loop3A_1228 = vector.shape_cast %parallel_loop3A_1227 : vector<1x1x16xf32> to vector<16xf32>
        %parallel_loop3A_1229 = arith.constant 8.000000e+00 : f32
        %parallel_loop3A_1230 = vector.broadcast %parallel_loop3A_1229 : f32 to vector<16xf32>
        %parallel_loop3A_1231 = arith.mulf %parallel_loop3A_1228, %parallel_loop3A_1230 : vector<16xf32>
        %parallel_loop3A_1232 = arith.constant 1 : i32
        %parallel_loop3A_1233 = arith.constant 0 : i32
        %parallel_loop3A_1234 = arith.index_cast %parallel_loop3A_1232 : i32 to index
        %parallel_loop3A_1235 = arith.index_cast %parallel_loop3A_1186 : i32 to index
        %parallel_loop3A_1236 = arith.index_cast %parallel_loop3A_1233 : i32 to index
        %parallel_loop3A_1237 = arith.constant 32 : index
        %parallel_loop3A_1238 = tpu.vector_load %arg7[%parallel_loop3A_1234, %parallel_loop3A_1235, %parallel_loop3A_1236, %parallel_loop3A_1237] {strides = array<i32>} : memref<2x128x2x64xf32, #tpu.memory_space<vmem>>, vector<1x1x1x16xf32>,
        %parallel_loop3A_1239 = vector.shape_cast %parallel_loop3A_1238 : vector<1x1x1x16xf32> to vector<16xf32>
        %parallel_loop3A_1240 = vector.shape_cast %parallel_loop3A_1231 : vector<16xf32> to vector<1x1x1x16xf32>
        tpu.vector_store %arg7[%parallel_loop3A_1234, %parallel_loop3A_1235, %parallel_loop3A_1236, %parallel_loop3A_1237], %parallel_loop3A_1240 {strides = array<i32>} : memref<2x128x2x64xf32, #tpu.memory_space<vmem>>, vector<1x1x1x16xf32>,
        %parallel_loop3A_1241 = arith.constant 7 : i32
        %parallel_loop3A_1242 = arith.index_cast %parallel_loop3A_1241 : i32 to index
        %parallel_loop3A_1243 = arith.index_cast %parallel_loop3A_1186 : i32 to index
        %parallel_loop3A_1244 = arith.constant 48 : index
        %parallel_loop3A_1245 = tpu.vector_load %arg6[%parallel_loop3A_1242, %parallel_loop3A_1243, %parallel_loop3A_1244] {strides = array<i32>} : memref<8x128x64xf32, #tpu.memory_space<vmem>>, vector<1x1x16xf32>,
        %parallel_loop3A_1246 = vector.shape_cast %parallel_loop3A_1245 : vector<1x1x16xf32> to vector<16xf32>
        %parallel_loop3A_1247 = arith.constant 8.000000e+00 : f32
        %parallel_loop3A_1248 = vector.broadcast %parallel_loop3A_1247 : f32 to vector<16xf32>
        %parallel_loop3A_1249 = arith.mulf %parallel_loop3A_1246, %parallel_loop3A_1248 : vector<16xf32>
        %parallel_loop3A_1250 = arith.constant 1 : i32
        %parallel_loop3A_1251 = arith.constant 0 : i32
        %parallel_loop3A_1252 = arith.index_cast %parallel_loop3A_1250 : i32 to index
        %parallel_loop3A_1253 = arith.index_cast %parallel_loop3A_1186 : i32 to index
        %parallel_loop3A_1254 = arith.index_cast %parallel_loop3A_1251 : i32 to index
        %parallel_loop3A_1255 = arith.constant 48 : index
        %parallel_loop3A_1256 = tpu.vector_load %arg7[%parallel_loop3A_1252, %parallel_loop3A_1253, %parallel_loop3A_1254, %parallel_loop3A_1255] {strides = array<i32>} : memref<2x128x2x64xf32, #tpu.memory_space<vmem>>, vector<1x1x1x16xf32>,
        %parallel_loop3A_1257 = vector.shape_cast %parallel_loop3A_1256 : vector<1x1x1x16xf32> to vector<16xf32>
        %parallel_loop3A_1258 = vector.shape_cast %parallel_loop3A_1249 : vector<16xf32> to vector<1x1x1x16xf32>
        tpu.vector_store %arg7[%parallel_loop3A_1252, %parallel_loop3A_1253, %parallel_loop3A_1254, %parallel_loop3A_1255], %parallel_loop3A_1258 {strides = array<i32>} : memref<2x128x2x64xf32, #tpu.memory_space<vmem>>, vector<1x1x1x16xf32>,
      } {sc.loop_unroll_factor = 8 : i64, sc.parallel_access}
      %mul3A_1147 = arith.constant 128 : i32
      %mul3A_1148 = arith.muli %add3A_1124, %mul3A_1147 : i32
      %add3A_1149 = arith.addi %mul3A_2, %mul3A_1148 : i32
      %dma_start3A_1150 = arith.constant 1 : i32
      %dma_start3A_1151 = arith.constant 1 : i32
      %dma_start3A_1152 = arith.constant 0 : i32
      %dma_start3A_1153 = arith.constant 0 : i32
      %dma_start3A_1154 = arith.constant 0 : i32
      %dma_start3A_1155 = tpu.memref_slice %arg7[%dma_start3A_1150, %dma_start3A_1152, %dma_start3A_1153, %dma_start3A_1154] : memref<2x128x2x64xf32, #tpu.memory_space<vmem>> -> memref<1x128x2x64xf32, #tpu.memory_space<vmem>>
      %dma_start3A_1156 = tpu.memref_squeeze %dma_start3A_1155 : memref<1x128x2x64xf32, #tpu.memory_space<vmem>> -> memref<128x2x64xf32, #tpu.memory_space<vmem>>
      %dma_start3A_1157 = arith.constant 0 : i32
      %dma_start3A_1158 = arith.constant 0 : i32
      %dma_start3A_1159 = tpu.memref_slice %arg4[%add3A_1149, %dma_start3A_1157, %dma_start3A_1158] : memref<819200x2x64xf32, #tpu.memory_space<hbm>> -> memref<128x2x64xf32, #tpu.memory_space<hbm>>
      %dma_start3A_1160 = tpu.memref_slice %arg9[%dma_start3A_1151] : memref<2x!tpu.dma_semaphore, #tpu.memory_space<semaphore_mem>> -> memref<1x!tpu.dma_semaphore, #tpu.memory_space<semaphore_mem>>
      %dma_start3A_1161 = tpu.memref_squeeze %dma_start3A_1160 : memref<1x!tpu.dma_semaphore, #tpu.memory_space<semaphore_mem>> -> memref<!tpu.dma_semaphore, #tpu.memory_space<semaphore_mem>>
      %dma_start3A_1162 = arith.constant 0 : i32
      %dma_start3A_1163 = arith.constant 0 : i32
      %dma_start3A_1164 = tpu.memref_slice %arg4[%add3A_1149, %dma_start3A_1162, %dma_start3A_1163] : memref<819200x2x64xf32, #tpu.memory_space<hbm>> -> memref<128x2x64xf32, #tpu.memory_space<hbm>>
      %dma_start3A_1165 = arith.constant 0 : i32
      %dma_start3A_1166 = arith.constant 0 : i32
      %dma_start3A_1167 = arith.constant 0 : i32
      %dma_start3A_1168 = tpu.memref_slice %arg7[%dma_start3A_1150, %dma_start3A_1165, %dma_start3A_1166, %dma_start3A_1167] : memref<2x128x2x64xf32, #tpu.memory_space<vmem>> -> memref<1x128x2x64xf32, #tpu.memory_space<vmem>>
      %dma_start3A_1169 = tpu.memref_squeeze %dma_start3A_1168 : memref<1x128x2x64xf32, #tpu.memory_space<vmem>> -> memref<128x2x64xf32, #tpu.memory_space<vmem>>
      tpu.enqueue_dma source(%dma_start3A_1169 : memref<128x2x64xf32, #tpu.memory_space<vmem>>) target(%dma_start3A_1164 : memref<128x2x64xf32, #tpu.memory_space<hbm>>) target_semaphore(%dma_start3A_1161 : memref<!tpu.dma_semaphore, #tpu.memory_space<semaphore_mem>>)
      %add3A_1170 = arith.constant 8 : i32
      %add3A_1171 = arith.addi %add3A_1124, %add3A_1170 : i32
      %dma_start3A_1172 = arith.constant 7 : i32
      %dma_start3A_1173 = arith.constant 7 : i32
      %dma_start3A_1174 = arith.constant 0 : i32
      %dma_start3A_1175 = arith.constant 0 : i32
      %dma_start3A_1176 = tpu.memref_slice %arg6[%dma_start3A_1172, %dma_start3A_1174, %dma_start3A_1175] : memref<8x128x64xf32, #tpu.memory_space<vmem>> -> memref<1x128x64xf32, #tpu.memory_space<vmem>>
      %dma_start3A_1177 = tpu.memref_squeeze %dma_start3A_1176 : memref<1x128x64xf32, #tpu.memory_space<vmem>> -> memref<128x64xf32, #tpu.memory_space<vmem>>
      %dma_start3A_1178 = arith.constant 0 : i32
      %dma_start3A_1179 = tpu.memref_slice %arg5[%add3A_1171, %dma_start3A_1178] : memref<200x128xi32, #tpu.memory_space<vmem>> -> memref<1x128xi32, #tpu.memory_space<vmem>>
      %dma_start3A_1180 = tpu.memref_squeeze %dma_start3A_1179 : memref<1x128xi32, #tpu.memory_space<vmem>> -> memref<128xi32, #tpu.memory_space<vmem>>
      %dma_start3A_1181 = arith.constant 0 : i32
      %dma_start3A_1182 = arith.constant 0 : i32
      %dma_start3A_1183 = tpu.memref_slice %arg3[%dma_start3A_1181, %dma_start3A_1182] : memref<1000000x64xf32, #tpu.memory_space<hbm>> -> memref<1000000x64xf32, #tpu.memory_space<hbm>>
      %dma_start3A_1184 = tpu.memref_slice %arg8[%dma_start3A_1173] : memref<8x!tpu.dma_semaphore, #tpu.memory_space<semaphore_mem>> -> memref<1x!tpu.dma_semaphore, #tpu.memory_space<semaphore_mem>>
      %dma_start3A_1185 = tpu.memref_squeeze %dma_start3A_1184 : memref<1x!tpu.dma_semaphore, #tpu.memory_space<semaphore_mem>> -> memref<!tpu.dma_semaphore, #tpu.memory_space<semaphore_mem>>
      tpu.enqueue_indirect_dma source(%dma_start3A_1183 : memref<1000000x64xf32, #tpu.memory_space<hbm>>) target(%dma_start3A_1177 : memref<128x64xf32, #tpu.memory_space<vmem>>) offsets(%dma_start3A_1180 : memref<128xi32, #tpu.memory_space<vmem>>) semaphore(%dma_start3A_1185 : memref<!tpu.dma_semaphore, #tpu.memory_space<semaphore_mem>>)
    }
    %scan3A_125 = arith.constant 24 : i32
    %dma_wait3A = arith.constant 192 : i32
    %dma_wait3A_126 = arith.constant 0 : i32
    %dma_wait3A_127 = arith.constant 0 : i32
    %dma_wait3A_128 = arith.constant 0 : i32
    %dma_wait3A_129 = arith.constant 0 : i32
    %dma_wait3A_130 = tpu.memref_slice %arg6[%dma_wait3A_126, %dma_wait3A_128, %dma_wait3A_129] : memref<8x128x64xf32, #tpu.memory_space<vmem>> -> memref<1x128x64xf32, #tpu.memory_space<vmem>>
    %dma_wait3A_131 = tpu.memref_squeeze %dma_wait3A_130 : memref<1x128x64xf32, #tpu.memory_space<vmem>> -> memref<128x64xf32, #tpu.memory_space<vmem>>
    %dma_wait3A_132 = arith.constant 0 : i32
    %dma_wait3A_133 = tpu.memref_slice %arg5[%dma_wait3A, %dma_wait3A_132] : memref<200x128xi32, #tpu.memory_space<vmem>> -> memref<1x128xi32, #tpu.memory_space<vmem>>
    %dma_wait3A_134 = tpu.memref_squeeze %dma_wait3A_133 : memref<1x128xi32, #tpu.memory_space<vmem>> -> memref<128xi32, #tpu.memory_space<vmem>>
    %dma_wait3A_135 = arith.constant 0 : i32
    %dma_wait3A_136 = arith.constant 0 : i32
    %dma_wait3A_137 = tpu.memref_slice %arg3[%dma_wait3A_135, %dma_wait3A_136] : memref<1000000x64xf32, #tpu.memory_space<hbm>> -> memref<1000000x64xf32, #tpu.memory_space<hbm>>
    %dma_wait3A_138 = tpu.memref_slice %arg8[%dma_wait3A_127] : memref<8x!tpu.dma_semaphore, #tpu.memory_space<semaphore_mem>> -> memref<1x!tpu.dma_semaphore, #tpu.memory_space<semaphore_mem>>
    %dma_wait3A_139 = tpu.memref_squeeze %dma_wait3A_138 : memref<1x!tpu.dma_semaphore, #tpu.memory_space<semaphore_mem>> -> memref<!tpu.dma_semaphore, #tpu.memory_space<semaphore_mem>>
    tpu.wait_indirect_dma semaphore(%dma_wait3A_139 : memref<!tpu.dma_semaphore, #tpu.memory_space<semaphore_mem>>) src(%dma_wait3A_137 : memref<1000000x64xf32, #tpu.memory_space<hbm>>) dst(%dma_wait3A_131 : memref<128x64xf32, #tpu.memory_space<vmem>>)
    %add3A_140 = arith.constant 24320 : i32
    %add3A_141 = arith.addi %mul3A_2, %add3A_140 : i32
    %dma_wait3A_142 = arith.constant 0 : i32
    %dma_wait3A_143 = arith.constant 0 : i32
    %dma_wait3A_144 = arith.constant 0 : i32
    %dma_wait3A_145 = arith.constant 0 : i32
    %dma_wait3A_146 = arith.constant 0 : i32
    %dma_wait3A_147 = tpu.memref_slice %arg7[%dma_wait3A_142, %dma_wait3A_144, %dma_wait3A_145, %dma_wait3A_146] : memref<2x128x2x64xf32, #tpu.memory_space<vmem>> -> memref<1x128x2x64xf32, #tpu.memory_space<vmem>>
    %dma_wait3A_148 = tpu.memref_squeeze %dma_wait3A_147 : memref<1x128x2x64xf32, #tpu.memory_space<vmem>> -> memref<128x2x64xf32, #tpu.memory_space<vmem>>
    %dma_wait3A_149 = arith.constant 0 : i32
    %dma_wait3A_150 = arith.constant 0 : i32
    %dma_wait3A_151 = tpu.memref_slice %arg4[%add3A_141, %dma_wait3A_149, %dma_wait3A_150] : memref<819200x2x64xf32, #tpu.memory_space<hbm>> -> memref<128x2x64xf32, #tpu.memory_space<hbm>>
    %dma_wait3A_152 = tpu.memref_slice %arg9[%dma_wait3A_143] : memref<2x!tpu.dma_semaphore, #tpu.memory_space<semaphore_mem>> -> memref<1x!tpu.dma_semaphore, #tpu.memory_space<semaphore_mem>>
    %dma_wait3A_153 = tpu.memref_squeeze %dma_wait3A_152 : memref<1x!tpu.dma_semaphore, #tpu.memory_space<semaphore_mem>> -> memref<!tpu.dma_semaphore, #tpu.memory_space<semaphore_mem>>
    %dma_wait3A_154 = arith.constant 0 : i32
    %dma_wait3A_155 = arith.constant 0 : i32
    %dma_wait3A_156 = tpu.memref_slice %arg4[%add3A_141, %dma_wait3A_154, %dma_wait3A_155] : memref<819200x2x64xf32, #tpu.memory_space<hbm>> -> memref<128x2x64xf32, #tpu.memory_space<hbm>>
    %dma_wait3A_157 = arith.constant 0 : i32
    %dma_wait3A_158 = arith.constant 0 : i32
    %dma_wait3A_159 = arith.constant 0 : i32
    %dma_wait3A_160 = tpu.memref_slice %arg7[%dma_wait3A_142, %dma_wait3A_157, %dma_wait3A_158, %dma_wait3A_159] : memref<2x128x2x64xf32, #tpu.memory_space<vmem>> -> memref<1x128x2x64xf32, #tpu.memory_space<vmem>>
    %dma_wait3A_161 = tpu.memref_squeeze %dma_wait3A_160 : memref<1x128x2x64xf32, #tpu.memory_space<vmem>> -> memref<128x2x64xf32, #tpu.memory_space<vmem>>
    tpu.wait_dma2 semaphore(%dma_wait3A_153 : memref<!tpu.dma_semaphore, #tpu.memory_space<semaphore_mem>>) src(%dma_wait3A_161 : memref<128x2x64xf32, #tpu.memory_space<vmem>>) dst(%dma_wait3A_156 : memref<128x2x64xf32, #tpu.memory_space<hbm>>)
    %parallel_loop3A = arith.constant 0 : i32
    %parallel_loop3A_162 = arith.constant 128 : i32
    %parallel_loop3A_163 = arith.constant 1 : i32
    scf.for %parallel_loop3A_664 = %parallel_loop3A to %parallel_loop3A_162 step %parallel_loop3A_163  : i32 {
      %parallel_loop3A_665 = arith.constant 0 : i32
      %parallel_loop3A_666 = arith.index_cast %parallel_loop3A_665 : i32 to index
      %parallel_loop3A_667 = arith.index_cast %parallel_loop3A_664 : i32 to index
      %parallel_loop3A_668 = arith.constant 0 : index
      %parallel_loop3A_669 = tpu.vector_load %arg6[%parallel_loop3A_666, %parallel_loop3A_667, %parallel_loop3A_668] {strides = array<i32>} : memref<8x128x64xf32, #tpu.memory_space<vmem>>, vector<1x1x16xf32>,
      %parallel_loop3A_670 = vector.shape_cast %parallel_loop3A_669 : vector<1x1x16xf32> to vector<16xf32>
      %parallel_loop3A_671 = arith.constant 8.000000e+00 : f32
      %parallel_loop3A_672 = vector.broadcast %parallel_loop3A_671 : f32 to vector<16xf32>
      %parallel_loop3A_673 = arith.mulf %parallel_loop3A_670, %parallel_loop3A_672 : vector<16xf32>
      %parallel_loop3A_674 = arith.constant 0 : i32
      %parallel_loop3A_675 = arith.constant 0 : i32
      %parallel_loop3A_676 = arith.index_cast %parallel_loop3A_674 : i32 to index
      %parallel_loop3A_677 = arith.index_cast %parallel_loop3A_664 : i32 to index
      %parallel_loop3A_678 = arith.index_cast %parallel_loop3A_675 : i32 to index
      %parallel_loop3A_679 = arith.constant 0 : index
      %parallel_loop3A_680 = tpu.vector_load %arg7[%parallel_loop3A_676, %parallel_loop3A_677, %parallel_loop3A_678, %parallel_loop3A_679] {strides = array<i32>} : memref<2x128x2x64xf32, #tpu.memory_space<vmem>>, vector<1x1x1x16xf32>,
      %parallel_loop3A_681 = vector.shape_cast %parallel_loop3A_680 : vector<1x1x1x16xf32> to vector<16xf32>
      %parallel_loop3A_682 = vector.shape_cast %parallel_loop3A_673 : vector<16xf32> to vector<1x1x1x16xf32>
      tpu.vector_store %arg7[%parallel_loop3A_676, %parallel_loop3A_677, %parallel_loop3A_678, %parallel_loop3A_679], %parallel_loop3A_682 {strides = array<i32>} : memref<2x128x2x64xf32, #tpu.memory_space<vmem>>, vector<1x1x1x16xf32>,
      %parallel_loop3A_683 = arith.constant 0 : i32
      %parallel_loop3A_684 = arith.index_cast %parallel_loop3A_683 : i32 to index
      %parallel_loop3A_685 = arith.index_cast %parallel_loop3A_664 : i32 to index
      %parallel_loop3A_686 = arith.constant 16 : index
      %parallel_loop3A_687 = tpu.vector_load %arg6[%parallel_loop3A_684, %parallel_loop3A_685, %parallel_loop3A_686] {strides = array<i32>} : memref<8x128x64xf32, #tpu.memory_space<vmem>>, vector<1x1x16xf32>,
      %parallel_loop3A_688 = vector.shape_cast %parallel_loop3A_687 : vector<1x1x16xf32> to vector<16xf32>
      %parallel_loop3A_689 = arith.constant 8.000000e+00 : f32
      %parallel_loop3A_690 = vector.broadcast %parallel_loop3A_689 : f32 to vector<16xf32>
      %parallel_loop3A_691 = arith.mulf %parallel_loop3A_688, %parallel_loop3A_690 : vector<16xf32>
      %parallel_loop3A_692 = arith.constant 0 : i32
      %parallel_loop3A_693 = arith.constant 0 : i32
      %parallel_loop3A_694 = arith.index_cast %parallel_loop3A_692 : i32 to index
      %parallel_loop3A_695 = arith.index_cast %parallel_loop3A_664 : i32 to index
      %parallel_loop3A_696 = arith.index_cast %parallel_loop3A_693 : i32 to index
      %parallel_loop3A_697 = arith.constant 16 : index
      %parallel_loop3A_698 = tpu.vector_load %arg7[%parallel_loop3A_694, %parallel_loop3A_695, %parallel_loop3A_696, %parallel_loop3A_697] {strides = array<i32>} : memref<2x128x2x64xf32, #tpu.memory_space<vmem>>, vector<1x1x1x16xf32>,
      %parallel_loop3A_699 = vector.shape_cast %parallel_loop3A_698 : vector<1x1x1x16xf32> to vector<16xf32>
      %parallel_loop3A_700 = vector.shape_cast %parallel_loop3A_691 : vector<16xf32> to vector<1x1x1x16xf32>
      tpu.vector_store %arg7[%parallel_loop3A_694, %parallel_loop3A_695, %parallel_loop3A_696, %parallel_loop3A_697], %parallel_loop3A_700 {strides = array<i32>} : memref<2x128x2x64xf32, #tpu.memory_space<vmem>>, vector<1x1x1x16xf32>,
      %parallel_loop3A_701 = arith.constant 0 : i32
      %parallel_loop3A_702 = arith.index_cast %parallel_loop3A_701 : i32 to index
      %parallel_loop3A_703 = arith.index_cast %parallel_loop3A_664 : i32 to index
      %parallel_loop3A_704 = arith.constant 32 : index
      %parallel_loop3A_705 = tpu.vector_load %arg6[%parallel_loop3A_702, %parallel_loop3A_703, %parallel_loop3A_704] {strides = array<i32>} : memref<8x128x64xf32, #tpu.memory_space<vmem>>, vector<1x1x16xf32>,
      %parallel_loop3A_706 = vector.shape_cast %parallel_loop3A_705 : vector<1x1x16xf32> to vector<16xf32>
      %parallel_loop3A_707 = arith.constant 8.000000e+00 : f32
      %parallel_loop3A_708 = vector.broadcast %parallel_loop3A_707 : f32 to vector<16xf32>
      %parallel_loop3A_709 = arith.mulf %parallel_loop3A_706, %parallel_loop3A_708 : vector<16xf32>
      %parallel_loop3A_710 = arith.constant 0 : i32
      %parallel_loop3A_711 = arith.constant 0 : i32
      %parallel_loop3A_712 = arith.index_cast %parallel_loop3A_710 : i32 to index
      %parallel_loop3A_713 = arith.index_cast %parallel_loop3A_664 : i32 to index
      %parallel_loop3A_714 = arith.index_cast %parallel_loop3A_711 : i32 to index
      %parallel_loop3A_715 = arith.constant 32 : index
      %parallel_loop3A_716 = tpu.vector_load %arg7[%parallel_loop3A_712, %parallel_loop3A_713, %parallel_loop3A_714, %parallel_loop3A_715] {strides = array<i32>} : memref<2x128x2x64xf32, #tpu.memory_space<vmem>>, vector<1x1x1x16xf32>,
      %parallel_loop3A_717 = vector.shape_cast %parallel_loop3A_716 : vector<1x1x1x16xf32> to vector<16xf32>
      %parallel_loop3A_718 = vector.shape_cast %parallel_loop3A_709 : vector<16xf32> to vector<1x1x1x16xf32>
      tpu.vector_store %arg7[%parallel_loop3A_712, %parallel_loop3A_713, %parallel_loop3A_714, %parallel_loop3A_715], %parallel_loop3A_718 {strides = array<i32>} : memref<2x128x2x64xf32, #tpu.memory_space<vmem>>, vector<1x1x1x16xf32>,
      %parallel_loop3A_719 = arith.constant 0 : i32
      %parallel_loop3A_720 = arith.index_cast %parallel_loop3A_719 : i32 to index
      %parallel_loop3A_721 = arith.index_cast %parallel_loop3A_664 : i32 to index
      %parallel_loop3A_722 = arith.constant 48 : index
      %parallel_loop3A_723 = tpu.vector_load %arg6[%parallel_loop3A_720, %parallel_loop3A_721, %parallel_loop3A_722] {strides = array<i32>} : memref<8x128x64xf32, #tpu.memory_space<vmem>>, vector<1x1x16xf32>,
      %parallel_loop3A_724 = vector.shape_cast %parallel_loop3A_723 : vector<1x1x16xf32> to vector<16xf32>
      %parallel_loop3A_725 = arith.constant 8.000000e+00 : f32
      %parallel_loop3A_726 = vector.broadcast %parallel_loop3A_725 : f32 to vector<16xf32>
      %parallel_loop3A_727 = arith.mulf %parallel_loop3A_724, %parallel_loop3A_726 : vector<16xf32>
      %parallel_loop3A_728 = arith.constant 0 : i32
      %parallel_loop3A_729 = arith.constant 0 : i32
      %parallel_loop3A_730 = arith.index_cast %parallel_loop3A_728 : i32 to index
      %parallel_loop3A_731 = arith.index_cast %parallel_loop3A_664 : i32 to index
      %parallel_loop3A_732 = arith.index_cast %parallel_loop3A_729 : i32 to index
      %parallel_loop3A_733 = arith.constant 48 : index
      %parallel_loop3A_734 = tpu.vector_load %arg7[%parallel_loop3A_730, %parallel_loop3A_731, %parallel_loop3A_732, %parallel_loop3A_733] {strides = array<i32>} : memref<2x128x2x64xf32, #tpu.memory_space<vmem>>, vector<1x1x1x16xf32>,
      %parallel_loop3A_735 = vector.shape_cast %parallel_loop3A_734 : vector<1x1x1x16xf32> to vector<16xf32>
      %parallel_loop3A_736 = vector.shape_cast %parallel_loop3A_727 : vector<16xf32> to vector<1x1x1x16xf32>
      tpu.vector_store %arg7[%parallel_loop3A_730, %parallel_loop3A_731, %parallel_loop3A_732, %parallel_loop3A_733], %parallel_loop3A_736 {strides = array<i32>} : memref<2x128x2x64xf32, #tpu.memory_space<vmem>>, vector<1x1x1x16xf32>,
    } {sc.loop_unroll_factor = 8 : i64, sc.parallel_access}
    %add3A_164 = arith.constant 24576 : i32
    %add3A_165 = arith.addi %mul3A_2, %add3A_164 : i32
    %dma_start3A_166 = arith.constant 0 : i32
    %dma_start3A_167 = arith.constant 0 : i32
    %dma_start3A_168 = arith.constant 0 : i32
    %dma_start3A_169 = arith.constant 0 : i32
    %dma_start3A_170 = arith.constant 0 : i32
    %dma_start3A_171 = tpu.memref_slice %arg7[%dma_start3A_166, %dma_start3A_168, %dma_start3A_169, %dma_start3A_170] : memref<2x128x2x64xf32, #tpu.memory_space<vmem>> -> memref<1x128x2x64xf32, #tpu.memory_space<vmem>>
    %dma_start3A_172 = tpu.memref_squeeze %dma_start3A_171 : memref<1x128x2x64xf32, #tpu.memory_space<vmem>> -> memref<128x2x64xf32, #tpu.memory_space<vmem>>
    %dma_start3A_173 = arith.constant 0 : i32
    %dma_start3A_174 = arith.constant 0 : i32
    %dma_start3A_175 = tpu.memref_slice %arg4[%add3A_165, %dma_start3A_173, %dma_start3A_174] : memref<819200x2x64xf32, #tpu.memory_space<hbm>> -> memref<128x2x64xf32, #tpu.memory_space<hbm>>
    %dma_start3A_176 = tpu.memref_slice %arg9[%dma_start3A_167] : memref<2x!tpu.dma_semaphore, #tpu.memory_space<semaphore_mem>> -> memref<1x!tpu.dma_semaphore, #tpu.memory_space<semaphore_mem>>
    %dma_start3A_177 = tpu.memref_squeeze %dma_start3A_176 : memref<1x!tpu.dma_semaphore, #tpu.memory_space<semaphore_mem>> -> memref<!tpu.dma_semaphore, #tpu.memory_space<semaphore_mem>>
    %dma_start3A_178 = arith.constant 0 : i32
    %dma_start3A_179 = arith.constant 0 : i32
    %dma_start3A_180 = tpu.memref_slice %arg4[%add3A_165, %dma_start3A_178, %dma_start3A_179] : memref<819200x2x64xf32, #tpu.memory_space<hbm>> -> memref<128x2x64xf32, #tpu.memory_space<hbm>>
    %dma_start3A_181 = arith.constant 0 : i32
    %dma_start3A_182 = arith.constant 0 : i32
    %dma_start3A_183 = arith.constant 0 : i32
    %dma_start3A_184 = tpu.memref_slice %arg7[%dma_start3A_166, %dma_start3A_181, %dma_start3A_182, %dma_start3A_183] : memref<2x128x2x64xf32, #tpu.memory_space<vmem>> -> memref<1x128x2x64xf32, #tpu.memory_space<vmem>>
    %dma_start3A_185 = tpu.memref_squeeze %dma_start3A_184 : memref<1x128x2x64xf32, #tpu.memory_space<vmem>> -> memref<128x2x64xf32, #tpu.memory_space<vmem>>
    tpu.enqueue_dma source(%dma_start3A_185 : memref<128x2x64xf32, #tpu.memory_space<vmem>>) target(%dma_start3A_180 : memref<128x2x64xf32, #tpu.memory_space<hbm>>) target_semaphore(%dma_start3A_177 : memref<!tpu.dma_semaphore, #tpu.memory_space<semaphore_mem>>)
    %dma_wait3A_186 = arith.constant 193 : i32
    %dma_wait3A_187 = arith.constant 1 : i32
    %dma_wait3A_188 = arith.constant 1 : i32
    %dma_wait3A_189 = arith.constant 0 : i32
    %dma_wait3A_190 = arith.constant 0 : i32
    %dma_wait3A_191 = tpu.memref_slice %arg6[%dma_wait3A_187, %dma_wait3A_189, %dma_wait3A_190] : memref<8x128x64xf32, #tpu.memory_space<vmem>> -> memref<1x128x64xf32, #tpu.memory_space<vmem>>
    %dma_wait3A_192 = tpu.memref_squeeze %dma_wait3A_191 : memref<1x128x64xf32, #tpu.memory_space<vmem>> -> memref<128x64xf32, #tpu.memory_space<vmem>>
    %dma_wait3A_193 = arith.constant 0 : i32
    %dma_wait3A_194 = tpu.memref_slice %arg5[%dma_wait3A_186, %dma_wait3A_193] : memref<200x128xi32, #tpu.memory_space<vmem>> -> memref<1x128xi32, #tpu.memory_space<vmem>>
    %dma_wait3A_195 = tpu.memref_squeeze %dma_wait3A_194 : memref<1x128xi32, #tpu.memory_space<vmem>> -> memref<128xi32, #tpu.memory_space<vmem>>
    %dma_wait3A_196 = arith.constant 0 : i32
    %dma_wait3A_197 = arith.constant 0 : i32
    %dma_wait3A_198 = tpu.memref_slice %arg3[%dma_wait3A_196, %dma_wait3A_197] : memref<1000000x64xf32, #tpu.memory_space<hbm>> -> memref<1000000x64xf32, #tpu.memory_space<hbm>>
    %dma_wait3A_199 = tpu.memref_slice %arg8[%dma_wait3A_188] : memref<8x!tpu.dma_semaphore, #tpu.memory_space<semaphore_mem>> -> memref<1x!tpu.dma_semaphore, #tpu.memory_space<semaphore_mem>>
    %dma_wait3A_200 = tpu.memref_squeeze %dma_wait3A_199 : memref<1x!tpu.dma_semaphore, #tpu.memory_space<semaphore_mem>> -> memref<!tpu.dma_semaphore, #tpu.memory_space<semaphore_mem>>
    tpu.wait_indirect_dma semaphore(%dma_wait3A_200 : memref<!tpu.dma_semaphore, #tpu.memory_space<semaphore_mem>>) src(%dma_wait3A_198 : memref<1000000x64xf32, #tpu.memory_space<hbm>>) dst(%dma_wait3A_192 : memref<128x64xf32, #tpu.memory_space<vmem>>)
    %add3A_201 = arith.constant 24448 : i32
    %add3A_202 = arith.addi %mul3A_2, %add3A_201 : i32
    %dma_wait3A_203 = arith.constant 1 : i32
    %dma_wait3A_204 = arith.constant 1 : i32
    %dma_wait3A_205 = arith.constant 0 : i32
    %dma_wait3A_206 = arith.constant 0 : i32
    %dma_wait3A_207 = arith.constant 0 : i32
    %dma_wait3A_208 = tpu.memref_slice %arg7[%dma_wait3A_203, %dma_wait3A_205, %dma_wait3A_206, %dma_wait3A_207] : memref<2x128x2x64xf32, #tpu.memory_space<vmem>> -> memref<1x128x2x64xf32, #tpu.memory_space<vmem>>
    %dma_wait3A_209 = tpu.memref_squeeze %dma_wait3A_208 : memref<1x128x2x64xf32, #tpu.memory_space<vmem>> -> memref<128x2x64xf32, #tpu.memory_space<vmem>>
    %dma_wait3A_210 = arith.constant 0 : i32
    %dma_wait3A_211 = arith.constant 0 : i32
    %dma_wait3A_212 = tpu.memref_slice %arg4[%add3A_202, %dma_wait3A_210, %dma_wait3A_211] : memref<819200x2x64xf32, #tpu.memory_space<hbm>> -> memref<128x2x64xf32, #tpu.memory_space<hbm>>
    %dma_wait3A_213 = tpu.memref_slice %arg9[%dma_wait3A_204] : memref<2x!tpu.dma_semaphore, #tpu.memory_space<semaphore_mem>> -> memref<1x!tpu.dma_semaphore, #tpu.memory_space<semaphore_mem>>
    %dma_wait3A_214 = tpu.memref_squeeze %dma_wait3A_213 : memref<1x!tpu.dma_semaphore, #tpu.memory_space<semaphore_mem>> -> memref<!tpu.dma_semaphore, #tpu.memory_space<semaphore_mem>>
    %dma_wait3A_215 = arith.constant 0 : i32
    %dma_wait3A_216 = arith.constant 0 : i32
    %dma_wait3A_217 = tpu.memref_slice %arg4[%add3A_202, %dma_wait3A_215, %dma_wait3A_216] : memref<819200x2x64xf32, #tpu.memory_space<hbm>> -> memref<128x2x64xf32, #tpu.memory_space<hbm>>
    %dma_wait3A_218 = arith.constant 0 : i32
    %dma_wait3A_219 = arith.constant 0 : i32
    %dma_wait3A_220 = arith.constant 0 : i32
    %dma_wait3A_221 = tpu.memref_slice %arg7[%dma_wait3A_203, %dma_wait3A_218, %dma_wait3A_219, %dma_wait3A_220] : memref<2x128x2x64xf32, #tpu.memory_space<vmem>> -> memref<1x128x2x64xf32, #tpu.memory_space<vmem>>
    %dma_wait3A_222 = tpu.memref_squeeze %dma_wait3A_221 : memref<1x128x2x64xf32, #tpu.memory_space<vmem>> -> memref<128x2x64xf32, #tpu.memory_space<vmem>>
    tpu.wait_dma2 semaphore(%dma_wait3A_214 : memref<!tpu.dma_semaphore, #tpu.memory_space<semaphore_mem>>) src(%dma_wait3A_222 : memref<128x2x64xf32, #tpu.memory_space<vmem>>) dst(%dma_wait3A_217 : memref<128x2x64xf32, #tpu.memory_space<hbm>>)
    %parallel_loop3A_223 = arith.constant 0 : i32
    %parallel_loop3A_224 = arith.constant 128 : i32
    %parallel_loop3A_225 = arith.constant 1 : i32
    scf.for %parallel_loop3A_664 = %parallel_loop3A_223 to %parallel_loop3A_224 step %parallel_loop3A_225  : i32 {
      %parallel_loop3A_665 = arith.constant 1 : i32
      %parallel_loop3A_666 = arith.index_cast %parallel_loop3A_665 : i32 to index
      %parallel_loop3A_667 = arith.index_cast %parallel_loop3A_664 : i32 to index
      %parallel_loop3A_668 = arith.constant 0 : index
      %parallel_loop3A_669 = tpu.vector_load %arg6[%parallel_loop3A_666, %parallel_loop3A_667, %parallel_loop3A_668] {strides = array<i32>} : memref<8x128x64xf32, #tpu.memory_space<vmem>>, vector<1x1x16xf32>,
      %parallel_loop3A_670 = vector.shape_cast %parallel_loop3A_669 : vector<1x1x16xf32> to vector<16xf32>
      %parallel_loop3A_671 = arith.constant 8.000000e+00 : f32
      %parallel_loop3A_672 = vector.broadcast %parallel_loop3A_671 : f32 to vector<16xf32>
      %parallel_loop3A_673 = arith.mulf %parallel_loop3A_670, %parallel_loop3A_672 : vector<16xf32>
      %parallel_loop3A_674 = arith.constant 1 : i32
      %parallel_loop3A_675 = arith.constant 0 : i32
      %parallel_loop3A_676 = arith.index_cast %parallel_loop3A_674 : i32 to index
      %parallel_loop3A_677 = arith.index_cast %parallel_loop3A_664 : i32 to index
      %parallel_loop3A_678 = arith.index_cast %parallel_loop3A_675 : i32 to index
      %parallel_loop3A_679 = arith.constant 0 : index
      %parallel_loop3A_680 = tpu.vector_load %arg7[%parallel_loop3A_676, %parallel_loop3A_677, %parallel_loop3A_678, %parallel_loop3A_679] {strides = array<i32>} : memref<2x128x2x64xf32, #tpu.memory_space<vmem>>, vector<1x1x1x16xf32>,
      %parallel_loop3A_681 = vector.shape_cast %parallel_loop3A_680 : vector<1x1x1x16xf32> to vector<16xf32>
      %parallel_loop3A_682 = vector.shape_cast %parallel_loop3A_673 : vector<16xf32> to vector<1x1x1x16xf32>
      tpu.vector_store %arg7[%parallel_loop3A_676, %parallel_loop3A_677, %parallel_loop3A_678, %parallel_loop3A_679], %parallel_loop3A_682 {strides = array<i32>} : memref<2x128x2x64xf32, #tpu.memory_space<vmem>>, vector<1x1x1x16xf32>,
      %parallel_loop3A_683 = arith.constant 1 : i32
      %parallel_loop3A_684 = arith.index_cast %parallel_loop3A_683 : i32 to index
      %parallel_loop3A_685 = arith.index_cast %parallel_loop3A_664 : i32 to index
      %parallel_loop3A_686 = arith.constant 16 : index
      %parallel_loop3A_687 = tpu.vector_load %arg6[%parallel_loop3A_684, %parallel_loop3A_685, %parallel_loop3A_686] {strides = array<i32>} : memref<8x128x64xf32, #tpu.memory_space<vmem>>, vector<1x1x16xf32>,
      %parallel_loop3A_688 = vector.shape_cast %parallel_loop3A_687 : vector<1x1x16xf32> to vector<16xf32>
      %parallel_loop3A_689 = arith.constant 8.000000e+00 : f32
      %parallel_loop3A_690 = vector.broadcast %parallel_loop3A_689 : f32 to vector<16xf32>
      %parallel_loop3A_691 = arith.mulf %parallel_loop3A_688, %parallel_loop3A_690 : vector<16xf32>
      %parallel_loop3A_692 = arith.constant 1 : i32
      %parallel_loop3A_693 = arith.constant 0 : i32
      %parallel_loop3A_694 = arith.index_cast %parallel_loop3A_692 : i32 to index
      %parallel_loop3A_695 = arith.index_cast %parallel_loop3A_664 : i32 to index
      %parallel_loop3A_696 = arith.index_cast %parallel_loop3A_693 : i32 to index
      %parallel_loop3A_697 = arith.constant 16 : index
      %parallel_loop3A_698 = tpu.vector_load %arg7[%parallel_loop3A_694, %parallel_loop3A_695, %parallel_loop3A_696, %parallel_loop3A_697] {strides = array<i32>} : memref<2x128x2x64xf32, #tpu.memory_space<vmem>>, vector<1x1x1x16xf32>,
      %parallel_loop3A_699 = vector.shape_cast %parallel_loop3A_698 : vector<1x1x1x16xf32> to vector<16xf32>
      %parallel_loop3A_700 = vector.shape_cast %parallel_loop3A_691 : vector<16xf32> to vector<1x1x1x16xf32>
      tpu.vector_store %arg7[%parallel_loop3A_694, %parallel_loop3A_695, %parallel_loop3A_696, %parallel_loop3A_697], %parallel_loop3A_700 {strides = array<i32>} : memref<2x128x2x64xf32, #tpu.memory_space<vmem>>, vector<1x1x1x16xf32>,
      %parallel_loop3A_701 = arith.constant 1 : i32
      %parallel_loop3A_702 = arith.index_cast %parallel_loop3A_701 : i32 to index
      %parallel_loop3A_703 = arith.index_cast %parallel_loop3A_664 : i32 to index
      %parallel_loop3A_704 = arith.constant 32 : index
      %parallel_loop3A_705 = tpu.vector_load %arg6[%parallel_loop3A_702, %parallel_loop3A_703, %parallel_loop3A_704] {strides = array<i32>} : memref<8x128x64xf32, #tpu.memory_space<vmem>>, vector<1x1x16xf32>,
      %parallel_loop3A_706 = vector.shape_cast %parallel_loop3A_705 : vector<1x1x16xf32> to vector<16xf32>
      %parallel_loop3A_707 = arith.constant 8.000000e+00 : f32
      %parallel_loop3A_708 = vector.broadcast %parallel_loop3A_707 : f32 to vector<16xf32>
      %parallel_loop3A_709 = arith.mulf %parallel_loop3A_706, %parallel_loop3A_708 : vector<16xf32>
      %parallel_loop3A_710 = arith.constant 1 : i32
      %parallel_loop3A_711 = arith.constant 0 : i32
      %parallel_loop3A_712 = arith.index_cast %parallel_loop3A_710 : i32 to index
      %parallel_loop3A_713 = arith.index_cast %parallel_loop3A_664 : i32 to index
      %parallel_loop3A_714 = arith.index_cast %parallel_loop3A_711 : i32 to index
      %parallel_loop3A_715 = arith.constant 32 : index
      %parallel_loop3A_716 = tpu.vector_load %arg7[%parallel_loop3A_712, %parallel_loop3A_713, %parallel_loop3A_714, %parallel_loop3A_715] {strides = array<i32>} : memref<2x128x2x64xf32, #tpu.memory_space<vmem>>, vector<1x1x1x16xf32>,
      %parallel_loop3A_717 = vector.shape_cast %parallel_loop3A_716 : vector<1x1x1x16xf32> to vector<16xf32>
      %parallel_loop3A_718 = vector.shape_cast %parallel_loop3A_709 : vector<16xf32> to vector<1x1x1x16xf32>
      tpu.vector_store %arg7[%parallel_loop3A_712, %parallel_loop3A_713, %parallel_loop3A_714, %parallel_loop3A_715], %parallel_loop3A_718 {strides = array<i32>} : memref<2x128x2x64xf32, #tpu.memory_space<vmem>>, vector<1x1x1x16xf32>,
      %parallel_loop3A_719 = arith.constant 1 : i32
      %parallel_loop3A_720 = arith.index_cast %parallel_loop3A_719 : i32 to index
      %parallel_loop3A_721 = arith.index_cast %parallel_loop3A_664 : i32 to index
      %parallel_loop3A_722 = arith.constant 48 : index
      %parallel_loop3A_723 = tpu.vector_load %arg6[%parallel_loop3A_720, %parallel_loop3A_721, %parallel_loop3A_722] {strides = array<i32>} : memref<8x128x64xf32, #tpu.memory_space<vmem>>, vector<1x1x16xf32>,
      %parallel_loop3A_724 = vector.shape_cast %parallel_loop3A_723 : vector<1x1x16xf32> to vector<16xf32>
      %parallel_loop3A_725 = arith.constant 8.000000e+00 : f32
      %parallel_loop3A_726 = vector.broadcast %parallel_loop3A_725 : f32 to vector<16xf32>
      %parallel_loop3A_727 = arith.mulf %parallel_loop3A_724, %parallel_loop3A_726 : vector<16xf32>
      %parallel_loop3A_728 = arith.constant 1 : i32
      %parallel_loop3A_729 = arith.constant 0 : i32
      %parallel_loop3A_730 = arith.index_cast %parallel_loop3A_728 : i32 to index
      %parallel_loop3A_731 = arith.index_cast %parallel_loop3A_664 : i32 to index
      %parallel_loop3A_732 = arith.index_cast %parallel_loop3A_729 : i32 to index
      %parallel_loop3A_733 = arith.constant 48 : index
      %parallel_loop3A_734 = tpu.vector_load %arg7[%parallel_loop3A_730, %parallel_loop3A_731, %parallel_loop3A_732, %parallel_loop3A_733] {strides = array<i32>} : memref<2x128x2x64xf32, #tpu.memory_space<vmem>>, vector<1x1x1x16xf32>,
      %parallel_loop3A_735 = vector.shape_cast %parallel_loop3A_734 : vector<1x1x1x16xf32> to vector<16xf32>
      %parallel_loop3A_736 = vector.shape_cast %parallel_loop3A_727 : vector<16xf32> to vector<1x1x1x16xf32>
      tpu.vector_store %arg7[%parallel_loop3A_730, %parallel_loop3A_731, %parallel_loop3A_732, %parallel_loop3A_733], %parallel_loop3A_736 {strides = array<i32>} : memref<2x128x2x64xf32, #tpu.memory_space<vmem>>, vector<1x1x1x16xf32>,
    } {sc.loop_unroll_factor = 8 : i64, sc.parallel_access}
    %add3A_226 = arith.constant 24704 : i32
    %add3A_227 = arith.addi %mul3A_2, %add3A_226 : i32
    %dma_start3A_228 = arith.constant 1 : i32
    %dma_start3A_229 = arith.constant 1 : i32
    %dma_start3A_230 = arith.constant 0 : i32
    %dma_start3A_231 = arith.constant 0 : i32
    %dma_start3A_232 = arith.constant 0 : i32
    %dma_start3A_233 = tpu.memref_slice %arg7[%dma_start3A_228, %dma_start3A_230, %dma_start3A_231, %dma_start3A_232] : memref<2x128x2x64xf32, #tpu.memory_space<vmem>> -> memref<1x128x2x64xf32, #tpu.memory_space<vmem>>
    %dma_start3A_234 = tpu.memref_squeeze %dma_start3A_233 : memref<1x128x2x64xf32, #tpu.memory_space<vmem>> -> memref<128x2x64xf32, #tpu.memory_space<vmem>>
    %dma_start3A_235 = arith.constant 0 : i32
    %dma_start3A_236 = arith.constant 0 : i32
    %dma_start3A_237 = tpu.memref_slice %arg4[%add3A_227, %dma_start3A_235, %dma_start3A_236] : memref<819200x2x64xf32, #tpu.memory_space<hbm>> -> memref<128x2x64xf32, #tpu.memory_space<hbm>>
    %dma_start3A_238 = tpu.memref_slice %arg9[%dma_start3A_229] : memref<2x!tpu.dma_semaphore, #tpu.memory_space<semaphore_mem>> -> memref<1x!tpu.dma_semaphore, #tpu.memory_space<semaphore_mem>>
    %dma_start3A_239 = tpu.memref_squeeze %dma_start3A_238 : memref<1x!tpu.dma_semaphore, #tpu.memory_space<semaphore_mem>> -> memref<!tpu.dma_semaphore, #tpu.memory_space<semaphore_mem>>
    %dma_start3A_240 = arith.constant 0 : i32
    %dma_start3A_241 = arith.constant 0 : i32
    %dma_start3A_242 = tpu.memref_slice %arg4[%add3A_227, %dma_start3A_240, %dma_start3A_241] : memref<819200x2x64xf32, #tpu.memory_space<hbm>> -> memref<128x2x64xf32, #tpu.memory_space<hbm>>
    %dma_start3A_243 = arith.constant 0 : i32
    %dma_start3A_244 = arith.constant 0 : i32
    %dma_start3A_245 = arith.constant 0 : i32
    %dma_start3A_246 = tpu.memref_slice %arg7[%dma_start3A_228, %dma_start3A_243, %dma_start3A_244, %dma_start3A_245] : memref<2x128x2x64xf32, #tpu.memory_space<vmem>> -> memref<1x128x2x64xf32, #tpu.memory_space<vmem>>
    %dma_start3A_247 = tpu.memref_squeeze %dma_start3A_246 : memref<1x128x2x64xf32, #tpu.memory_space<vmem>> -> memref<128x2x64xf32, #tpu.memory_space<vmem>>
    tpu.enqueue_dma source(%dma_start3A_247 : memref<128x2x64xf32, #tpu.memory_space<vmem>>) target(%dma_start3A_242 : memref<128x2x64xf32, #tpu.memory_space<hbm>>) target_semaphore(%dma_start3A_239 : memref<!tpu.dma_semaphore, #tpu.memory_space<semaphore_mem>>)
    %dma_wait3A_248 = arith.constant 194 : i32
    %dma_wait3A_249 = arith.constant 2 : i32
    %dma_wait3A_250 = arith.constant 2 : i32
    %dma_wait3A_251 = arith.constant 0 : i32
    %dma_wait3A_252 = arith.constant 0 : i32
    %dma_wait3A_253 = tpu.memref_slice %arg6[%dma_wait3A_249, %dma_wait3A_251, %dma_wait3A_252] : memref<8x128x64xf32, #tpu.memory_space<vmem>> -> memref<1x128x64xf32, #tpu.memory_space<vmem>>
    %dma_wait3A_254 = tpu.memref_squeeze %dma_wait3A_253 : memref<1x128x64xf32, #tpu.memory_space<vmem>> -> memref<128x64xf32, #tpu.memory_space<vmem>>
    %dma_wait3A_255 = arith.constant 0 : i32
    %dma_wait3A_256 = tpu.memref_slice %arg5[%dma_wait3A_248, %dma_wait3A_255] : memref<200x128xi32, #tpu.memory_space<vmem>> -> memref<1x128xi32, #tpu.memory_space<vmem>>
    %dma_wait3A_257 = tpu.memref_squeeze %dma_wait3A_256 : memref<1x128xi32, #tpu.memory_space<vmem>> -> memref<128xi32, #tpu.memory_space<vmem>>
    %dma_wait3A_258 = arith.constant 0 : i32
    %dma_wait3A_259 = arith.constant 0 : i32
    %dma_wait3A_260 = tpu.memref_slice %arg3[%dma_wait3A_258, %dma_wait3A_259] : memref<1000000x64xf32, #tpu.memory_space<hbm>> -> memref<1000000x64xf32, #tpu.memory_space<hbm>>
    %dma_wait3A_261 = tpu.memref_slice %arg8[%dma_wait3A_250] : memref<8x!tpu.dma_semaphore, #tpu.memory_space<semaphore_mem>> -> memref<1x!tpu.dma_semaphore, #tpu.memory_space<semaphore_mem>>
    %dma_wait3A_262 = tpu.memref_squeeze %dma_wait3A_261 : memref<1x!tpu.dma_semaphore, #tpu.memory_space<semaphore_mem>> -> memref<!tpu.dma_semaphore, #tpu.memory_space<semaphore_mem>>
    tpu.wait_indirect_dma semaphore(%dma_wait3A_262 : memref<!tpu.dma_semaphore, #tpu.memory_space<semaphore_mem>>) src(%dma_wait3A_260 : memref<1000000x64xf32, #tpu.memory_space<hbm>>) dst(%dma_wait3A_254 : memref<128x64xf32, #tpu.memory_space<vmem>>)
    %add3A_263 = arith.constant 24576 : i32
    %add3A_264 = arith.addi %mul3A_2, %add3A_263 : i32
    %dma_wait3A_265 = arith.constant 0 : i32
    %dma_wait3A_266 = arith.constant 0 : i32
    %dma_wait3A_267 = arith.constant 0 : i32
    %dma_wait3A_268 = arith.constant 0 : i32
    %dma_wait3A_269 = arith.constant 0 : i32
    %dma_wait3A_270 = tpu.memref_slice %arg7[%dma_wait3A_265, %dma_wait3A_267, %dma_wait3A_268, %dma_wait3A_269] : memref<2x128x2x64xf32, #tpu.memory_space<vmem>> -> memref<1x128x2x64xf32, #tpu.memory_space<vmem>>
    %dma_wait3A_271 = tpu.memref_squeeze %dma_wait3A_270 : memref<1x128x2x64xf32, #tpu.memory_space<vmem>> -> memref<128x2x64xf32, #tpu.memory_space<vmem>>
    %dma_wait3A_272 = arith.constant 0 : i32
    %dma_wait3A_273 = arith.constant 0 : i32
    %dma_wait3A_274 = tpu.memref_slice %arg4[%add3A_264, %dma_wait3A_272, %dma_wait3A_273] : memref<819200x2x64xf32, #tpu.memory_space<hbm>> -> memref<128x2x64xf32, #tpu.memory_space<hbm>>
    %dma_wait3A_275 = tpu.memref_slice %arg9[%dma_wait3A_266] : memref<2x!tpu.dma_semaphore, #tpu.memory_space<semaphore_mem>> -> memref<1x!tpu.dma_semaphore, #tpu.memory_space<semaphore_mem>>
    %dma_wait3A_276 = tpu.memref_squeeze %dma_wait3A_275 : memref<1x!tpu.dma_semaphore, #tpu.memory_space<semaphore_mem>> -> memref<!tpu.dma_semaphore, #tpu.memory_space<semaphore_mem>>
    %dma_wait3A_277 = arith.constant 0 : i32
    %dma_wait3A_278 = arith.constant 0 : i32
    %dma_wait3A_279 = tpu.memref_slice %arg4[%add3A_264, %dma_wait3A_277, %dma_wait3A_278] : memref<819200x2x64xf32, #tpu.memory_space<hbm>> -> memref<128x2x64xf32, #tpu.memory_space<hbm>>
    %dma_wait3A_280 = arith.constant 0 : i32
    %dma_wait3A_281 = arith.constant 0 : i32
    %dma_wait3A_282 = arith.constant 0 : i32
    %dma_wait3A_283 = tpu.memref_slice %arg7[%dma_wait3A_265, %dma_wait3A_280, %dma_wait3A_281, %dma_wait3A_282] : memref<2x128x2x64xf32, #tpu.memory_space<vmem>> -> memref<1x128x2x64xf32, #tpu.memory_space<vmem>>
    %dma_wait3A_284 = tpu.memref_squeeze %dma_wait3A_283 : memref<1x128x2x64xf32, #tpu.memory_space<vmem>> -> memref<128x2x64xf32, #tpu.memory_space<vmem>>
    tpu.wait_dma2 semaphore(%dma_wait3A_276 : memref<!tpu.dma_semaphore, #tpu.memory_space<semaphore_mem>>) src(%dma_wait3A_284 : memref<128x2x64xf32, #tpu.memory_space<vmem>>) dst(%dma_wait3A_279 : memref<128x2x64xf32, #tpu.memory_space<hbm>>)
    %parallel_loop3A_285 = arith.constant 0 : i32
    %parallel_loop3A_286 = arith.constant 128 : i32
    %parallel_loop3A_287 = arith.constant 1 : i32
    scf.for %parallel_loop3A_664 = %parallel_loop3A_285 to %parallel_loop3A_286 step %parallel_loop3A_287  : i32 {
      %parallel_loop3A_665 = arith.constant 2 : i32
      %parallel_loop3A_666 = arith.index_cast %parallel_loop3A_665 : i32 to index
      %parallel_loop3A_667 = arith.index_cast %parallel_loop3A_664 : i32 to index
      %parallel_loop3A_668 = arith.constant 0 : index
      %parallel_loop3A_669 = tpu.vector_load %arg6[%parallel_loop3A_666, %parallel_loop3A_667, %parallel_loop3A_668] {strides = array<i32>} : memref<8x128x64xf32, #tpu.memory_space<vmem>>, vector<1x1x16xf32>,
      %parallel_loop3A_670 = vector.shape_cast %parallel_loop3A_669 : vector<1x1x16xf32> to vector<16xf32>
      %parallel_loop3A_671 = arith.constant 8.000000e+00 : f32
      %parallel_loop3A_672 = vector.broadcast %parallel_loop3A_671 : f32 to vector<16xf32>
      %parallel_loop3A_673 = arith.mulf %parallel_loop3A_670, %parallel_loop3A_672 : vector<16xf32>
      %parallel_loop3A_674 = arith.constant 0 : i32
      %parallel_loop3A_675 = arith.constant 0 : i32
      %parallel_loop3A_676 = arith.index_cast %parallel_loop3A_674 : i32 to index
      %parallel_loop3A_677 = arith.index_cast %parallel_loop3A_664 : i32 to index
      %parallel_loop3A_678 = arith.index_cast %parallel_loop3A_675 : i32 to index
      %parallel_loop3A_679 = arith.constant 0 : index
      %parallel_loop3A_680 = tpu.vector_load %arg7[%parallel_loop3A_676, %parallel_loop3A_677, %parallel_loop3A_678, %parallel_loop3A_679] {strides = array<i32>} : memref<2x128x2x64xf32, #tpu.memory_space<vmem>>, vector<1x1x1x16xf32>,
      %parallel_loop3A_681 = vector.shape_cast %parallel_loop3A_680 : vector<1x1x1x16xf32> to vector<16xf32>
      %parallel_loop3A_682 = vector.shape_cast %parallel_loop3A_673 : vector<16xf32> to vector<1x1x1x16xf32>
      tpu.vector_store %arg7[%parallel_loop3A_676, %parallel_loop3A_677, %parallel_loop3A_678, %parallel_loop3A_679], %parallel_loop3A_682 {strides = array<i32>} : memref<2x128x2x64xf32, #tpu.memory_space<vmem>>, vector<1x1x1x16xf32>,
      %parallel_loop3A_683 = arith.constant 2 : i32
      %parallel_loop3A_684 = arith.index_cast %parallel_loop3A_683 : i32 to index
      %parallel_loop3A_685 = arith.index_cast %parallel_loop3A_664 : i32 to index
      %parallel_loop3A_686 = arith.constant 16 : index
      %parallel_loop3A_687 = tpu.vector_load %arg6[%parallel_loop3A_684, %parallel_loop3A_685, %parallel_loop3A_686] {strides = array<i32>} : memref<8x128x64xf32, #tpu.memory_space<vmem>>, vector<1x1x16xf32>,
      %parallel_loop3A_688 = vector.shape_cast %parallel_loop3A_687 : vector<1x1x16xf32> to vector<16xf32>
      %parallel_loop3A_689 = arith.constant 8.000000e+00 : f32
      %parallel_loop3A_690 = vector.broadcast %parallel_loop3A_689 : f32 to vector<16xf32>
      %parallel_loop3A_691 = arith.mulf %parallel_loop3A_688, %parallel_loop3A_690 : vector<16xf32>
      %parallel_loop3A_692 = arith.constant 0 : i32
      %parallel_loop3A_693 = arith.constant 0 : i32
      %parallel_loop3A_694 = arith.index_cast %parallel_loop3A_692 : i32 to index
      %parallel_loop3A_695 = arith.index_cast %parallel_loop3A_664 : i32 to index
      %parallel_loop3A_696 = arith.index_cast %parallel_loop3A_693 : i32 to index
      %parallel_loop3A_697 = arith.constant 16 : index
      %parallel_loop3A_698 = tpu.vector_load %arg7[%parallel_loop3A_694, %parallel_loop3A_695, %parallel_loop3A_696, %parallel_loop3A_697] {strides = array<i32>} : memref<2x128x2x64xf32, #tpu.memory_space<vmem>>, vector<1x1x1x16xf32>,
      %parallel_loop3A_699 = vector.shape_cast %parallel_loop3A_698 : vector<1x1x1x16xf32> to vector<16xf32>
      %parallel_loop3A_700 = vector.shape_cast %parallel_loop3A_691 : vector<16xf32> to vector<1x1x1x16xf32>
      tpu.vector_store %arg7[%parallel_loop3A_694, %parallel_loop3A_695, %parallel_loop3A_696, %parallel_loop3A_697], %parallel_loop3A_700 {strides = array<i32>} : memref<2x128x2x64xf32, #tpu.memory_space<vmem>>, vector<1x1x1x16xf32>,
      %parallel_loop3A_701 = arith.constant 2 : i32
      %parallel_loop3A_702 = arith.index_cast %parallel_loop3A_701 : i32 to index
      %parallel_loop3A_703 = arith.index_cast %parallel_loop3A_664 : i32 to index
      %parallel_loop3A_704 = arith.constant 32 : index
      %parallel_loop3A_705 = tpu.vector_load %arg6[%parallel_loop3A_702, %parallel_loop3A_703, %parallel_loop3A_704] {strides = array<i32>} : memref<8x128x64xf32, #tpu.memory_space<vmem>>, vector<1x1x16xf32>,
      %parallel_loop3A_706 = vector.shape_cast %parallel_loop3A_705 : vector<1x1x16xf32> to vector<16xf32>
      %parallel_loop3A_707 = arith.constant 8.000000e+00 : f32
      %parallel_loop3A_708 = vector.broadcast %parallel_loop3A_707 : f32 to vector<16xf32>
      %parallel_loop3A_709 = arith.mulf %parallel_loop3A_706, %parallel_loop3A_708 : vector<16xf32>
      %parallel_loop3A_710 = arith.constant 0 : i32
      %parallel_loop3A_711 = arith.constant 0 : i32
      %parallel_loop3A_712 = arith.index_cast %parallel_loop3A_710 : i32 to index
      %parallel_loop3A_713 = arith.index_cast %parallel_loop3A_664 : i32 to index
      %parallel_loop3A_714 = arith.index_cast %parallel_loop3A_711 : i32 to index
      %parallel_loop3A_715 = arith.constant 32 : index
      %parallel_loop3A_716 = tpu.vector_load %arg7[%parallel_loop3A_712, %parallel_loop3A_713, %parallel_loop3A_714, %parallel_loop3A_715] {strides = array<i32>} : memref<2x128x2x64xf32, #tpu.memory_space<vmem>>, vector<1x1x1x16xf32>,
      %parallel_loop3A_717 = vector.shape_cast %parallel_loop3A_716 : vector<1x1x1x16xf32> to vector<16xf32>
      %parallel_loop3A_718 = vector.shape_cast %parallel_loop3A_709 : vector<16xf32> to vector<1x1x1x16xf32>
      tpu.vector_store %arg7[%parallel_loop3A_712, %parallel_loop3A_713, %parallel_loop3A_714, %parallel_loop3A_715], %parallel_loop3A_718 {strides = array<i32>} : memref<2x128x2x64xf32, #tpu.memory_space<vmem>>, vector<1x1x1x16xf32>,
      %parallel_loop3A_719 = arith.constant 2 : i32
      %parallel_loop3A_720 = arith.index_cast %parallel_loop3A_719 : i32 to index
      %parallel_loop3A_721 = arith.index_cast %parallel_loop3A_664 : i32 to index
      %parallel_loop3A_722 = arith.constant 48 : index
      %parallel_loop3A_723 = tpu.vector_load %arg6[%parallel_loop3A_720, %parallel_loop3A_721, %parallel_loop3A_722] {strides = array<i32>} : memref<8x128x64xf32, #tpu.memory_space<vmem>>, vector<1x1x16xf32>,
      %parallel_loop3A_724 = vector.shape_cast %parallel_loop3A_723 : vector<1x1x16xf32> to vector<16xf32>
      %parallel_loop3A_725 = arith.constant 8.000000e+00 : f32
      %parallel_loop3A_726 = vector.broadcast %parallel_loop3A_725 : f32 to vector<16xf32>
      %parallel_loop3A_727 = arith.mulf %parallel_loop3A_724, %parallel_loop3A_726 : vector<16xf32>
      %parallel_loop3A_728 = arith.constant 0 : i32
      %parallel_loop3A_729 = arith.constant 0 : i32
      %parallel_loop3A_730 = arith.index_cast %parallel_loop3A_728 : i32 to index
      %parallel_loop3A_731 = arith.index_cast %parallel_loop3A_664 : i32 to index
      %parallel_loop3A_732 = arith.index_cast %parallel_loop3A_729 : i32 to index
      %parallel_loop3A_733 = arith.constant 48 : index
      %parallel_loop3A_734 = tpu.vector_load %arg7[%parallel_loop3A_730, %parallel_loop3A_731, %parallel_loop3A_732, %parallel_loop3A_733] {strides = array<i32>} : memref<2x128x2x64xf32, #tpu.memory_space<vmem>>, vector<1x1x1x16xf32>,
      %parallel_loop3A_735 = vector.shape_cast %parallel_loop3A_734 : vector<1x1x1x16xf32> to vector<16xf32>
      %parallel_loop3A_736 = vector.shape_cast %parallel_loop3A_727 : vector<16xf32> to vector<1x1x1x16xf32>
      tpu.vector_store %arg7[%parallel_loop3A_730, %parallel_loop3A_731, %parallel_loop3A_732, %parallel_loop3A_733], %parallel_loop3A_736 {strides = array<i32>} : memref<2x128x2x64xf32, #tpu.memory_space<vmem>>, vector<1x1x1x16xf32>,
    } {sc.loop_unroll_factor = 8 : i64, sc.parallel_access}
    %add3A_288 = arith.constant 24832 : i32
    %add3A_289 = arith.addi %mul3A_2, %add3A_288 : i32
    %dma_start3A_290 = arith.constant 0 : i32
    %dma_start3A_291 = arith.constant 0 : i32
    %dma_start3A_292 = arith.constant 0 : i32
    %dma_start3A_293 = arith.constant 0 : i32
    %dma_start3A_294 = arith.constant 0 : i32
    %dma_start3A_295 = tpu.memref_slice %arg7[%dma_start3A_290, %dma_start3A_292, %dma_start3A_293, %dma_start3A_294] : memref<2x128x2x64xf32, #tpu.memory_space<vmem>> -> memref<1x128x2x64xf32, #tpu.memory_space<vmem>>
    %dma_start3A_296 = tpu.memref_squeeze %dma_start3A_295 : memref<1x128x2x64xf32, #tpu.memory_space<vmem>> -> memref<128x2x64xf32, #tpu.memory_space<vmem>>
    %dma_start3A_297 = arith.constant 0 : i32
    %dma_start3A_298 = arith.constant 0 : i32
    %dma_start3A_299 = tpu.memref_slice %arg4[%add3A_289, %dma_start3A_297, %dma_start3A_298] : memref<819200x2x64xf32, #tpu.memory_space<hbm>> -> memref<128x2x64xf32, #tpu.memory_space<hbm>>
    %dma_start3A_300 = tpu.memref_slice %arg9[%dma_start3A_291] : memref<2x!tpu.dma_semaphore, #tpu.memory_space<semaphore_mem>> -> memref<1x!tpu.dma_semaphore, #tpu.memory_space<semaphore_mem>>
    %dma_start3A_301 = tpu.memref_squeeze %dma_start3A_300 : memref<1x!tpu.dma_semaphore, #tpu.memory_space<semaphore_mem>> -> memref<!tpu.dma_semaphore, #tpu.memory_space<semaphore_mem>>
    %dma_start3A_302 = arith.constant 0 : i32
    %dma_start3A_303 = arith.constant 0 : i32
    %dma_start3A_304 = tpu.memref_slice %arg4[%add3A_289, %dma_start3A_302, %dma_start3A_303] : memref<819200x2x64xf32, #tpu.memory_space<hbm>> -> memref<128x2x64xf32, #tpu.memory_space<hbm>>
    %dma_start3A_305 = arith.constant 0 : i32
    %dma_start3A_306 = arith.constant 0 : i32
    %dma_start3A_307 = arith.constant 0 : i32
    %dma_start3A_308 = tpu.memref_slice %arg7[%dma_start3A_290, %dma_start3A_305, %dma_start3A_306, %dma_start3A_307] : memref<2x128x2x64xf32, #tpu.memory_space<vmem>> -> memref<1x128x2x64xf32, #tpu.memory_space<vmem>>
    %dma_start3A_309 = tpu.memref_squeeze %dma_start3A_308 : memref<1x128x2x64xf32, #tpu.memory_space<vmem>> -> memref<128x2x64xf32, #tpu.memory_space<vmem>>
    tpu.enqueue_dma source(%dma_start3A_309 : memref<128x2x64xf32, #tpu.memory_space<vmem>>) target(%dma_start3A_304 : memref<128x2x64xf32, #tpu.memory_space<hbm>>) target_semaphore(%dma_start3A_301 : memref<!tpu.dma_semaphore, #tpu.memory_space<semaphore_mem>>)
    %dma_wait3A_310 = arith.constant 195 : i32
    %dma_wait3A_311 = arith.constant 3 : i32
    %dma_wait3A_312 = arith.constant 3 : i32
    %dma_wait3A_313 = arith.constant 0 : i32
    %dma_wait3A_314 = arith.constant 0 : i32
    %dma_wait3A_315 = tpu.memref_slice %arg6[%dma_wait3A_311, %dma_wait3A_313, %dma_wait3A_314] : memref<8x128x64xf32, #tpu.memory_space<vmem>> -> memref<1x128x64xf32, #tpu.memory_space<vmem>>
    %dma_wait3A_316 = tpu.memref_squeeze %dma_wait3A_315 : memref<1x128x64xf32, #tpu.memory_space<vmem>> -> memref<128x64xf32, #tpu.memory_space<vmem>>
    %dma_wait3A_317 = arith.constant 0 : i32
    %dma_wait3A_318 = tpu.memref_slice %arg5[%dma_wait3A_310, %dma_wait3A_317] : memref<200x128xi32, #tpu.memory_space<vmem>> -> memref<1x128xi32, #tpu.memory_space<vmem>>
    %dma_wait3A_319 = tpu.memref_squeeze %dma_wait3A_318 : memref<1x128xi32, #tpu.memory_space<vmem>> -> memref<128xi32, #tpu.memory_space<vmem>>
    %dma_wait3A_320 = arith.constant 0 : i32
    %dma_wait3A_321 = arith.constant 0 : i32
    %dma_wait3A_322 = tpu.memref_slice %arg3[%dma_wait3A_320, %dma_wait3A_321] : memref<1000000x64xf32, #tpu.memory_space<hbm>> -> memref<1000000x64xf32, #tpu.memory_space<hbm>>
    %dma_wait3A_323 = tpu.memref_slice %arg8[%dma_wait3A_312] : memref<8x!tpu.dma_semaphore, #tpu.memory_space<semaphore_mem>> -> memref<1x!tpu.dma_semaphore, #tpu.memory_space<semaphore_mem>>
    %dma_wait3A_324 = tpu.memref_squeeze %dma_wait3A_323 : memref<1x!tpu.dma_semaphore, #tpu.memory_space<semaphore_mem>> -> memref<!tpu.dma_semaphore, #tpu.memory_space<semaphore_mem>>
    tpu.wait_indirect_dma semaphore(%dma_wait3A_324 : memref<!tpu.dma_semaphore, #tpu.memory_space<semaphore_mem>>) src(%dma_wait3A_322 : memref<1000000x64xf32, #tpu.memory_space<hbm>>) dst(%dma_wait3A_316 : memref<128x64xf32, #tpu.memory_space<vmem>>)
    %add3A_325 = arith.constant 24704 : i32
    %add3A_326 = arith.addi %mul3A_2, %add3A_325 : i32
    %dma_wait3A_327 = arith.constant 1 : i32
    %dma_wait3A_328 = arith.constant 1 : i32
    %dma_wait3A_329 = arith.constant 0 : i32
    %dma_wait3A_330 = arith.constant 0 : i32
    %dma_wait3A_331 = arith.constant 0 : i32
    %dma_wait3A_332 = tpu.memref_slice %arg7[%dma_wait3A_327, %dma_wait3A_329, %dma_wait3A_330, %dma_wait3A_331] : memref<2x128x2x64xf32, #tpu.memory_space<vmem>> -> memref<1x128x2x64xf32, #tpu.memory_space<vmem>>
    %dma_wait3A_333 = tpu.memref_squeeze %dma_wait3A_332 : memref<1x128x2x64xf32, #tpu.memory_space<vmem>> -> memref<128x2x64xf32, #tpu.memory_space<vmem>>
    %dma_wait3A_334 = arith.constant 0 : i32
    %dma_wait3A_335 = arith.constant 0 : i32
    %dma_wait3A_336 = tpu.memref_slice %arg4[%add3A_326, %dma_wait3A_334, %dma_wait3A_335] : memref<819200x2x64xf32, #tpu.memory_space<hbm>> -> memref<128x2x64xf32, #tpu.memory_space<hbm>>
    %dma_wait3A_337 = tpu.memref_slice %arg9[%dma_wait3A_328] : memref<2x!tpu.dma_semaphore, #tpu.memory_space<semaphore_mem>> -> memref<1x!tpu.dma_semaphore, #tpu.memory_space<semaphore_mem>>
    %dma_wait3A_338 = tpu.memref_squeeze %dma_wait3A_337 : memref<1x!tpu.dma_semaphore, #tpu.memory_space<semaphore_mem>> -> memref<!tpu.dma_semaphore, #tpu.memory_space<semaphore_mem>>
    %dma_wait3A_339 = arith.constant 0 : i32
    %dma_wait3A_340 = arith.constant 0 : i32
    %dma_wait3A_341 = tpu.memref_slice %arg4[%add3A_326, %dma_wait3A_339, %dma_wait3A_340] : memref<819200x2x64xf32, #tpu.memory_space<hbm>> -> memref<128x2x64xf32, #tpu.memory_space<hbm>>
    %dma_wait3A_342 = arith.constant 0 : i32
    %dma_wait3A_343 = arith.constant 0 : i32
    %dma_wait3A_344 = arith.constant 0 : i32
    %dma_wait3A_345 = tpu.memref_slice %arg7[%dma_wait3A_327, %dma_wait3A_342, %dma_wait3A_343, %dma_wait3A_344] : memref<2x128x2x64xf32, #tpu.memory_space<vmem>> -> memref<1x128x2x64xf32, #tpu.memory_space<vmem>>
    %dma_wait3A_346 = tpu.memref_squeeze %dma_wait3A_345 : memref<1x128x2x64xf32, #tpu.memory_space<vmem>> -> memref<128x2x64xf32, #tpu.memory_space<vmem>>
    tpu.wait_dma2 semaphore(%dma_wait3A_338 : memref<!tpu.dma_semaphore, #tpu.memory_space<semaphore_mem>>) src(%dma_wait3A_346 : memref<128x2x64xf32, #tpu.memory_space<vmem>>) dst(%dma_wait3A_341 : memref<128x2x64xf32, #tpu.memory_space<hbm>>)
    %parallel_loop3A_347 = arith.constant 0 : i32
    %parallel_loop3A_348 = arith.constant 128 : i32
    %parallel_loop3A_349 = arith.constant 1 : i32
    scf.for %parallel_loop3A_664 = %parallel_loop3A_347 to %parallel_loop3A_348 step %parallel_loop3A_349  : i32 {
      %parallel_loop3A_665 = arith.constant 3 : i32
      %parallel_loop3A_666 = arith.index_cast %parallel_loop3A_665 : i32 to index
      %parallel_loop3A_667 = arith.index_cast %parallel_loop3A_664 : i32 to index
      %parallel_loop3A_668 = arith.constant 0 : index
      %parallel_loop3A_669 = tpu.vector_load %arg6[%parallel_loop3A_666, %parallel_loop3A_667, %parallel_loop3A_668] {strides = array<i32>} : memref<8x128x64xf32, #tpu.memory_space<vmem>>, vector<1x1x16xf32>,
      %parallel_loop3A_670 = vector.shape_cast %parallel_loop3A_669 : vector<1x1x16xf32> to vector<16xf32>
      %parallel_loop3A_671 = arith.constant 8.000000e+00 : f32
      %parallel_loop3A_672 = vector.broadcast %parallel_loop3A_671 : f32 to vector<16xf32>
      %parallel_loop3A_673 = arith.mulf %parallel_loop3A_670, %parallel_loop3A_672 : vector<16xf32>
      %parallel_loop3A_674 = arith.constant 1 : i32
      %parallel_loop3A_675 = arith.constant 0 : i32
      %parallel_loop3A_676 = arith.index_cast %parallel_loop3A_674 : i32 to index
      %parallel_loop3A_677 = arith.index_cast %parallel_loop3A_664 : i32 to index
      %parallel_loop3A_678 = arith.index_cast %parallel_loop3A_675 : i32 to index
      %parallel_loop3A_679 = arith.constant 0 : index
      %parallel_loop3A_680 = tpu.vector_load %arg7[%parallel_loop3A_676, %parallel_loop3A_677, %parallel_loop3A_678, %parallel_loop3A_679] {strides = array<i32>} : memref<2x128x2x64xf32, #tpu.memory_space<vmem>>, vector<1x1x1x16xf32>,
      %parallel_loop3A_681 = vector.shape_cast %parallel_loop3A_680 : vector<1x1x1x16xf32> to vector<16xf32>
      %parallel_loop3A_682 = vector.shape_cast %parallel_loop3A_673 : vector<16xf32> to vector<1x1x1x16xf32>
      tpu.vector_store %arg7[%parallel_loop3A_676, %parallel_loop3A_677, %parallel_loop3A_678, %parallel_loop3A_679], %parallel_loop3A_682 {strides = array<i32>} : memref<2x128x2x64xf32, #tpu.memory_space<vmem>>, vector<1x1x1x16xf32>,
      %parallel_loop3A_683 = arith.constant 3 : i32
      %parallel_loop3A_684 = arith.index_cast %parallel_loop3A_683 : i32 to index
      %parallel_loop3A_685 = arith.index_cast %parallel_loop3A_664 : i32 to index
      %parallel_loop3A_686 = arith.constant 16 : index
      %parallel_loop3A_687 = tpu.vector_load %arg6[%parallel_loop3A_684, %parallel_loop3A_685, %parallel_loop3A_686] {strides = array<i32>} : memref<8x128x64xf32, #tpu.memory_space<vmem>>, vector<1x1x16xf32>,
      %parallel_loop3A_688 = vector.shape_cast %parallel_loop3A_687 : vector<1x1x16xf32> to vector<16xf32>
      %parallel_loop3A_689 = arith.constant 8.000000e+00 : f32
      %parallel_loop3A_690 = vector.broadcast %parallel_loop3A_689 : f32 to vector<16xf32>
      %parallel_loop3A_691 = arith.mulf %parallel_loop3A_688, %parallel_loop3A_690 : vector<16xf32>
      %parallel_loop3A_692 = arith.constant 1 : i32
      %parallel_loop3A_693 = arith.constant 0 : i32
      %parallel_loop3A_694 = arith.index_cast %parallel_loop3A_692 : i32 to index
      %parallel_loop3A_695 = arith.index_cast %parallel_loop3A_664 : i32 to index
      %parallel_loop3A_696 = arith.index_cast %parallel_loop3A_693 : i32 to index
      %parallel_loop3A_697 = arith.constant 16 : index
      %parallel_loop3A_698 = tpu.vector_load %arg7[%parallel_loop3A_694, %parallel_loop3A_695, %parallel_loop3A_696, %parallel_loop3A_697] {strides = array<i32>} : memref<2x128x2x64xf32, #tpu.memory_space<vmem>>, vector<1x1x1x16xf32>,
      %parallel_loop3A_699 = vector.shape_cast %parallel_loop3A_698 : vector<1x1x1x16xf32> to vector<16xf32>
      %parallel_loop3A_700 = vector.shape_cast %parallel_loop3A_691 : vector<16xf32> to vector<1x1x1x16xf32>
      tpu.vector_store %arg7[%parallel_loop3A_694, %parallel_loop3A_695, %parallel_loop3A_696, %parallel_loop3A_697], %parallel_loop3A_700 {strides = array<i32>} : memref<2x128x2x64xf32, #tpu.memory_space<vmem>>, vector<1x1x1x16xf32>,
      %parallel_loop3A_701 = arith.constant 3 : i32
      %parallel_loop3A_702 = arith.index_cast %parallel_loop3A_701 : i32 to index
      %parallel_loop3A_703 = arith.index_cast %parallel_loop3A_664 : i32 to index
      %parallel_loop3A_704 = arith.constant 32 : index
      %parallel_loop3A_705 = tpu.vector_load %arg6[%parallel_loop3A_702, %parallel_loop3A_703, %parallel_loop3A_704] {strides = array<i32>} : memref<8x128x64xf32, #tpu.memory_space<vmem>>, vector<1x1x16xf32>,
      %parallel_loop3A_706 = vector.shape_cast %parallel_loop3A_705 : vector<1x1x16xf32> to vector<16xf32>
      %parallel_loop3A_707 = arith.constant 8.000000e+00 : f32
      %parallel_loop3A_708 = vector.broadcast %parallel_loop3A_707 : f32 to vector<16xf32>
      %parallel_loop3A_709 = arith.mulf %parallel_loop3A_706, %parallel_loop3A_708 : vector<16xf32>
      %parallel_loop3A_710 = arith.constant 1 : i32
      %parallel_loop3A_711 = arith.constant 0 : i32
      %parallel_loop3A_712 = arith.index_cast %parallel_loop3A_710 : i32 to index
      %parallel_loop3A_713 = arith.index_cast %parallel_loop3A_664 : i32 to index
      %parallel_loop3A_714 = arith.index_cast %parallel_loop3A_711 : i32 to index
      %parallel_loop3A_715 = arith.constant 32 : index
      %parallel_loop3A_716 = tpu.vector_load %arg7[%parallel_loop3A_712, %parallel_loop3A_713, %parallel_loop3A_714, %parallel_loop3A_715] {strides = array<i32>} : memref<2x128x2x64xf32, #tpu.memory_space<vmem>>, vector<1x1x1x16xf32>,
      %parallel_loop3A_717 = vector.shape_cast %parallel_loop3A_716 : vector<1x1x1x16xf32> to vector<16xf32>
      %parallel_loop3A_718 = vector.shape_cast %parallel_loop3A_709 : vector<16xf32> to vector<1x1x1x16xf32>
      tpu.vector_store %arg7[%parallel_loop3A_712, %parallel_loop3A_713, %parallel_loop3A_714, %parallel_loop3A_715], %parallel_loop3A_718 {strides = array<i32>} : memref<2x128x2x64xf32, #tpu.memory_space<vmem>>, vector<1x1x1x16xf32>,
      %parallel_loop3A_719 = arith.constant 3 : i32
      %parallel_loop3A_720 = arith.index_cast %parallel_loop3A_719 : i32 to index
      %parallel_loop3A_721 = arith.index_cast %parallel_loop3A_664 : i32 to index
      %parallel_loop3A_722 = arith.constant 48 : index
      %parallel_loop3A_723 = tpu.vector_load %arg6[%parallel_loop3A_720, %parallel_loop3A_721, %parallel_loop3A_722] {strides = array<i32>} : memref<8x128x64xf32, #tpu.memory_space<vmem>>, vector<1x1x16xf32>,
      %parallel_loop3A_724 = vector.shape_cast %parallel_loop3A_723 : vector<1x1x16xf32> to vector<16xf32>
      %parallel_loop3A_725 = arith.constant 8.000000e+00 : f32
      %parallel_loop3A_726 = vector.broadcast %parallel_loop3A_725 : f32 to vector<16xf32>
      %parallel_loop3A_727 = arith.mulf %parallel_loop3A_724, %parallel_loop3A_726 : vector<16xf32>
      %parallel_loop3A_728 = arith.constant 1 : i32
      %parallel_loop3A_729 = arith.constant 0 : i32
      %parallel_loop3A_730 = arith.index_cast %parallel_loop3A_728 : i32 to index
      %parallel_loop3A_731 = arith.index_cast %parallel_loop3A_664 : i32 to index
      %parallel_loop3A_732 = arith.index_cast %parallel_loop3A_729 : i32 to index
      %parallel_loop3A_733 = arith.constant 48 : index
      %parallel_loop3A_734 = tpu.vector_load %arg7[%parallel_loop3A_730, %parallel_loop3A_731, %parallel_loop3A_732, %parallel_loop3A_733] {strides = array<i32>} : memref<2x128x2x64xf32, #tpu.memory_space<vmem>>, vector<1x1x1x16xf32>,
      %parallel_loop3A_735 = vector.shape_cast %parallel_loop3A_734 : vector<1x1x1x16xf32> to vector<16xf32>
      %parallel_loop3A_736 = vector.shape_cast %parallel_loop3A_727 : vector<16xf32> to vector<1x1x1x16xf32>
      tpu.vector_store %arg7[%parallel_loop3A_730, %parallel_loop3A_731, %parallel_loop3A_732, %parallel_loop3A_733], %parallel_loop3A_736 {strides = array<i32>} : memref<2x128x2x64xf32, #tpu.memory_space<vmem>>, vector<1x1x1x16xf32>,
    } {sc.loop_unroll_factor = 8 : i64, sc.parallel_access}
    %add3A_350 = arith.constant 24960 : i32
    %add3A_351 = arith.addi %mul3A_2, %add3A_350 : i32
    %dma_start3A_352 = arith.constant 1 : i32
    %dma_start3A_353 = arith.constant 1 : i32
    %dma_start3A_354 = arith.constant 0 : i32
    %dma_start3A_355 = arith.constant 0 : i32
    %dma_start3A_356 = arith.constant 0 : i32
    %dma_start3A_357 = tpu.memref_slice %arg7[%dma_start3A_352, %dma_start3A_354, %dma_start3A_355, %dma_start3A_356] : memref<2x128x2x64xf32, #tpu.memory_space<vmem>> -> memref<1x128x2x64xf32, #tpu.memory_space<vmem>>
    %dma_start3A_358 = tpu.memref_squeeze %dma_start3A_357 : memref<1x128x2x64xf32, #tpu.memory_space<vmem>> -> memref<128x2x64xf32, #tpu.memory_space<vmem>>
    %dma_start3A_359 = arith.constant 0 : i32
    %dma_start3A_360 = arith.constant 0 : i32
    %dma_start3A_361 = tpu.memref_slice %arg4[%add3A_351, %dma_start3A_359, %dma_start3A_360] : memref<819200x2x64xf32, #tpu.memory_space<hbm>> -> memref<128x2x64xf32, #tpu.memory_space<hbm>>
    %dma_start3A_362 = tpu.memref_slice %arg9[%dma_start3A_353] : memref<2x!tpu.dma_semaphore, #tpu.memory_space<semaphore_mem>> -> memref<1x!tpu.dma_semaphore, #tpu.memory_space<semaphore_mem>>
    %dma_start3A_363 = tpu.memref_squeeze %dma_start3A_362 : memref<1x!tpu.dma_semaphore, #tpu.memory_space<semaphore_mem>> -> memref<!tpu.dma_semaphore, #tpu.memory_space<semaphore_mem>>
    %dma_start3A_364 = arith.constant 0 : i32
    %dma_start3A_365 = arith.constant 0 : i32
    %dma_start3A_366 = tpu.memref_slice %arg4[%add3A_351, %dma_start3A_364, %dma_start3A_365] : memref<819200x2x64xf32, #tpu.memory_space<hbm>> -> memref<128x2x64xf32, #tpu.memory_space<hbm>>
    %dma_start3A_367 = arith.constant 0 : i32
    %dma_start3A_368 = arith.constant 0 : i32
    %dma_start3A_369 = arith.constant 0 : i32
    %dma_start3A_370 = tpu.memref_slice %arg7[%dma_start3A_352, %dma_start3A_367, %dma_start3A_368, %dma_start3A_369] : memref<2x128x2x64xf32, #tpu.memory_space<vmem>> -> memref<1x128x2x64xf32, #tpu.memory_space<vmem>>
    %dma_start3A_371 = tpu.memref_squeeze %dma_start3A_370 : memref<1x128x2x64xf32, #tpu.memory_space<vmem>> -> memref<128x2x64xf32, #tpu.memory_space<vmem>>
    tpu.enqueue_dma source(%dma_start3A_371 : memref<128x2x64xf32, #tpu.memory_space<vmem>>) target(%dma_start3A_366 : memref<128x2x64xf32, #tpu.memory_space<hbm>>) target_semaphore(%dma_start3A_363 : memref<!tpu.dma_semaphore, #tpu.memory_space<semaphore_mem>>)
    %dma_wait3A_372 = arith.constant 196 : i32
    %dma_wait3A_373 = arith.constant 4 : i32
    %dma_wait3A_374 = arith.constant 4 : i32
    %dma_wait3A_375 = arith.constant 0 : i32
    %dma_wait3A_376 = arith.constant 0 : i32
    %dma_wait3A_377 = tpu.memref_slice %arg6[%dma_wait3A_373, %dma_wait3A_375, %dma_wait3A_376] : memref<8x128x64xf32, #tpu.memory_space<vmem>> -> memref<1x128x64xf32, #tpu.memory_space<vmem>>
    %dma_wait3A_378 = tpu.memref_squeeze %dma_wait3A_377 : memref<1x128x64xf32, #tpu.memory_space<vmem>> -> memref<128x64xf32, #tpu.memory_space<vmem>>
    %dma_wait3A_379 = arith.constant 0 : i32
    %dma_wait3A_380 = tpu.memref_slice %arg5[%dma_wait3A_372, %dma_wait3A_379] : memref<200x128xi32, #tpu.memory_space<vmem>> -> memref<1x128xi32, #tpu.memory_space<vmem>>
    %dma_wait3A_381 = tpu.memref_squeeze %dma_wait3A_380 : memref<1x128xi32, #tpu.memory_space<vmem>> -> memref<128xi32, #tpu.memory_space<vmem>>
    %dma_wait3A_382 = arith.constant 0 : i32
    %dma_wait3A_383 = arith.constant 0 : i32
    %dma_wait3A_384 = tpu.memref_slice %arg3[%dma_wait3A_382, %dma_wait3A_383] : memref<1000000x64xf32, #tpu.memory_space<hbm>> -> memref<1000000x64xf32, #tpu.memory_space<hbm>>
    %dma_wait3A_385 = tpu.memref_slice %arg8[%dma_wait3A_374] : memref<8x!tpu.dma_semaphore, #tpu.memory_space<semaphore_mem>> -> memref<1x!tpu.dma_semaphore, #tpu.memory_space<semaphore_mem>>
    %dma_wait3A_386 = tpu.memref_squeeze %dma_wait3A_385 : memref<1x!tpu.dma_semaphore, #tpu.memory_space<semaphore_mem>> -> memref<!tpu.dma_semaphore, #tpu.memory_space<semaphore_mem>>
    tpu.wait_indirect_dma semaphore(%dma_wait3A_386 : memref<!tpu.dma_semaphore, #tpu.memory_space<semaphore_mem>>) src(%dma_wait3A_384 : memref<1000000x64xf32, #tpu.memory_space<hbm>>) dst(%dma_wait3A_378 : memref<128x64xf32, #tpu.memory_space<vmem>>)
    %add3A_387 = arith.constant 24832 : i32
    %add3A_388 = arith.addi %mul3A_2, %add3A_387 : i32
    %dma_wait3A_389 = arith.constant 0 : i32
    %dma_wait3A_390 = arith.constant 0 : i32
    %dma_wait3A_391 = arith.constant 0 : i32
    %dma_wait3A_392 = arith.constant 0 : i32
    %dma_wait3A_393 = arith.constant 0 : i32
    %dma_wait3A_394 = tpu.memref_slice %arg7[%dma_wait3A_389, %dma_wait3A_391, %dma_wait3A_392, %dma_wait3A_393] : memref<2x128x2x64xf32, #tpu.memory_space<vmem>> -> memref<1x128x2x64xf32, #tpu.memory_space<vmem>>
    %dma_wait3A_395 = tpu.memref_squeeze %dma_wait3A_394 : memref<1x128x2x64xf32, #tpu.memory_space<vmem>> -> memref<128x2x64xf32, #tpu.memory_space<vmem>>
    %dma_wait3A_396 = arith.constant 0 : i32
    %dma_wait3A_397 = arith.constant 0 : i32
    %dma_wait3A_398 = tpu.memref_slice %arg4[%add3A_388, %dma_wait3A_396, %dma_wait3A_397] : memref<819200x2x64xf32, #tpu.memory_space<hbm>> -> memref<128x2x64xf32, #tpu.memory_space<hbm>>
    %dma_wait3A_399 = tpu.memref_slice %arg9[%dma_wait3A_390] : memref<2x!tpu.dma_semaphore, #tpu.memory_space<semaphore_mem>> -> memref<1x!tpu.dma_semaphore, #tpu.memory_space<semaphore_mem>>
    %dma_wait3A_400 = tpu.memref_squeeze %dma_wait3A_399 : memref<1x!tpu.dma_semaphore, #tpu.memory_space<semaphore_mem>> -> memref<!tpu.dma_semaphore, #tpu.memory_space<semaphore_mem>>
    %dma_wait3A_401 = arith.constant 0 : i32
    %dma_wait3A_402 = arith.constant 0 : i32
    %dma_wait3A_403 = tpu.memref_slice %arg4[%add3A_388, %dma_wait3A_401, %dma_wait3A_402] : memref<819200x2x64xf32, #tpu.memory_space<hbm>> -> memref<128x2x64xf32, #tpu.memory_space<hbm>>
    %dma_wait3A_404 = arith.constant 0 : i32
    %dma_wait3A_405 = arith.constant 0 : i32
    %dma_wait3A_406 = arith.constant 0 : i32
    %dma_wait3A_407 = tpu.memref_slice %arg7[%dma_wait3A_389, %dma_wait3A_404, %dma_wait3A_405, %dma_wait3A_406] : memref<2x128x2x64xf32, #tpu.memory_space<vmem>> -> memref<1x128x2x64xf32, #tpu.memory_space<vmem>>
    %dma_wait3A_408 = tpu.memref_squeeze %dma_wait3A_407 : memref<1x128x2x64xf32, #tpu.memory_space<vmem>> -> memref<128x2x64xf32, #tpu.memory_space<vmem>>
    tpu.wait_dma2 semaphore(%dma_wait3A_400 : memref<!tpu.dma_semaphore, #tpu.memory_space<semaphore_mem>>) src(%dma_wait3A_408 : memref<128x2x64xf32, #tpu.memory_space<vmem>>) dst(%dma_wait3A_403 : memref<128x2x64xf32, #tpu.memory_space<hbm>>)
    %parallel_loop3A_409 = arith.constant 0 : i32
    %parallel_loop3A_410 = arith.constant 128 : i32
    %parallel_loop3A_411 = arith.constant 1 : i32
    scf.for %parallel_loop3A_664 = %parallel_loop3A_409 to %parallel_loop3A_410 step %parallel_loop3A_411  : i32 {
      %parallel_loop3A_665 = arith.constant 4 : i32
      %parallel_loop3A_666 = arith.index_cast %parallel_loop3A_665 : i32 to index
      %parallel_loop3A_667 = arith.index_cast %parallel_loop3A_664 : i32 to index
      %parallel_loop3A_668 = arith.constant 0 : index
      %parallel_loop3A_669 = tpu.vector_load %arg6[%parallel_loop3A_666, %parallel_loop3A_667, %parallel_loop3A_668] {strides = array<i32>} : memref<8x128x64xf32, #tpu.memory_space<vmem>>, vector<1x1x16xf32>,
      %parallel_loop3A_670 = vector.shape_cast %parallel_loop3A_669 : vector<1x1x16xf32> to vector<16xf32>
      %parallel_loop3A_671 = arith.constant 8.000000e+00 : f32
      %parallel_loop3A_672 = vector.broadcast %parallel_loop3A_671 : f32 to vector<16xf32>
      %parallel_loop3A_673 = arith.mulf %parallel_loop3A_670, %parallel_loop3A_672 : vector<16xf32>
      %parallel_loop3A_674 = arith.constant 0 : i32
      %parallel_loop3A_675 = arith.constant 0 : i32
      %parallel_loop3A_676 = arith.index_cast %parallel_loop3A_674 : i32 to index
      %parallel_loop3A_677 = arith.index_cast %parallel_loop3A_664 : i32 to index
      %parallel_loop3A_678 = arith.index_cast %parallel_loop3A_675 : i32 to index
      %parallel_loop3A_679 = arith.constant 0 : index
      %parallel_loop3A_680 = tpu.vector_load %arg7[%parallel_loop3A_676, %parallel_loop3A_677, %parallel_loop3A_678, %parallel_loop3A_679] {strides = array<i32>} : memref<2x128x2x64xf32, #tpu.memory_space<vmem>>, vector<1x1x1x16xf32>,
      %parallel_loop3A_681 = vector.shape_cast %parallel_loop3A_680 : vector<1x1x1x16xf32> to vector<16xf32>
      %parallel_loop3A_682 = vector.shape_cast %parallel_loop3A_673 : vector<16xf32> to vector<1x1x1x16xf32>
      tpu.vector_store %arg7[%parallel_loop3A_676, %parallel_loop3A_677, %parallel_loop3A_678, %parallel_loop3A_679], %parallel_loop3A_682 {strides = array<i32>} : memref<2x128x2x64xf32, #tpu.memory_space<vmem>>, vector<1x1x1x16xf32>,
      %parallel_loop3A_683 = arith.constant 4 : i32
      %parallel_loop3A_684 = arith.index_cast %parallel_loop3A_683 : i32 to index
      %parallel_loop3A_685 = arith.index_cast %parallel_loop3A_664 : i32 to index
      %parallel_loop3A_686 = arith.constant 16 : index
      %parallel_loop3A_687 = tpu.vector_load %arg6[%parallel_loop3A_684, %parallel_loop3A_685, %parallel_loop3A_686] {strides = array<i32>} : memref<8x128x64xf32, #tpu.memory_space<vmem>>, vector<1x1x16xf32>,
      %parallel_loop3A_688 = vector.shape_cast %parallel_loop3A_687 : vector<1x1x16xf32> to vector<16xf32>
      %parallel_loop3A_689 = arith.constant 8.000000e+00 : f32
      %parallel_loop3A_690 = vector.broadcast %parallel_loop3A_689 : f32 to vector<16xf32>
      %parallel_loop3A_691 = arith.mulf %parallel_loop3A_688, %parallel_loop3A_690 : vector<16xf32>
      %parallel_loop3A_692 = arith.constant 0 : i32
      %parallel_loop3A_693 = arith.constant 0 : i32
      %parallel_loop3A_694 = arith.index_cast %parallel_loop3A_692 : i32 to index
      %parallel_loop3A_695 = arith.index_cast %parallel_loop3A_664 : i32 to index
      %parallel_loop3A_696 = arith.index_cast %parallel_loop3A_693 : i32 to index
      %parallel_loop3A_697 = arith.constant 16 : index
      %parallel_loop3A_698 = tpu.vector_load %arg7[%parallel_loop3A_694, %parallel_loop3A_695, %parallel_loop3A_696, %parallel_loop3A_697] {strides = array<i32>} : memref<2x128x2x64xf32, #tpu.memory_space<vmem>>, vector<1x1x1x16xf32>,
      %parallel_loop3A_699 = vector.shape_cast %parallel_loop3A_698 : vector<1x1x1x16xf32> to vector<16xf32>
      %parallel_loop3A_700 = vector.shape_cast %parallel_loop3A_691 : vector<16xf32> to vector<1x1x1x16xf32>
      tpu.vector_store %arg7[%parallel_loop3A_694, %parallel_loop3A_695, %parallel_loop3A_696, %parallel_loop3A_697], %parallel_loop3A_700 {strides = array<i32>} : memref<2x128x2x64xf32, #tpu.memory_space<vmem>>, vector<1x1x1x16xf32>,
      %parallel_loop3A_701 = arith.constant 4 : i32
      %parallel_loop3A_702 = arith.index_cast %parallel_loop3A_701 : i32 to index
      %parallel_loop3A_703 = arith.index_cast %parallel_loop3A_664 : i32 to index
      %parallel_loop3A_704 = arith.constant 32 : index
      %parallel_loop3A_705 = tpu.vector_load %arg6[%parallel_loop3A_702, %parallel_loop3A_703, %parallel_loop3A_704] {strides = array<i32>} : memref<8x128x64xf32, #tpu.memory_space<vmem>>, vector<1x1x16xf32>,
      %parallel_loop3A_706 = vector.shape_cast %parallel_loop3A_705 : vector<1x1x16xf32> to vector<16xf32>
      %parallel_loop3A_707 = arith.constant 8.000000e+00 : f32
      %parallel_loop3A_708 = vector.broadcast %parallel_loop3A_707 : f32 to vector<16xf32>
      %parallel_loop3A_709 = arith.mulf %parallel_loop3A_706, %parallel_loop3A_708 : vector<16xf32>
      %parallel_loop3A_710 = arith.constant 0 : i32
      %parallel_loop3A_711 = arith.constant 0 : i32
      %parallel_loop3A_712 = arith.index_cast %parallel_loop3A_710 : i32 to index
      %parallel_loop3A_713 = arith.index_cast %parallel_loop3A_664 : i32 to index
      %parallel_loop3A_714 = arith.index_cast %parallel_loop3A_711 : i32 to index
      %parallel_loop3A_715 = arith.constant 32 : index
      %parallel_loop3A_716 = tpu.vector_load %arg7[%parallel_loop3A_712, %parallel_loop3A_713, %parallel_loop3A_714, %parallel_loop3A_715] {strides = array<i32>} : memref<2x128x2x64xf32, #tpu.memory_space<vmem>>, vector<1x1x1x16xf32>,
      %parallel_loop3A_717 = vector.shape_cast %parallel_loop3A_716 : vector<1x1x1x16xf32> to vector<16xf32>
      %parallel_loop3A_718 = vector.shape_cast %parallel_loop3A_709 : vector<16xf32> to vector<1x1x1x16xf32>
      tpu.vector_store %arg7[%parallel_loop3A_712, %parallel_loop3A_713, %parallel_loop3A_714, %parallel_loop3A_715], %parallel_loop3A_718 {strides = array<i32>} : memref<2x128x2x64xf32, #tpu.memory_space<vmem>>, vector<1x1x1x16xf32>,
      %parallel_loop3A_719 = arith.constant 4 : i32
      %parallel_loop3A_720 = arith.index_cast %parallel_loop3A_719 : i32 to index
      %parallel_loop3A_721 = arith.index_cast %parallel_loop3A_664 : i32 to index
      %parallel_loop3A_722 = arith.constant 48 : index
      %parallel_loop3A_723 = tpu.vector_load %arg6[%parallel_loop3A_720, %parallel_loop3A_721, %parallel_loop3A_722] {strides = array<i32>} : memref<8x128x64xf32, #tpu.memory_space<vmem>>, vector<1x1x16xf32>,
      %parallel_loop3A_724 = vector.shape_cast %parallel_loop3A_723 : vector<1x1x16xf32> to vector<16xf32>
      %parallel_loop3A_725 = arith.constant 8.000000e+00 : f32
      %parallel_loop3A_726 = vector.broadcast %parallel_loop3A_725 : f32 to vector<16xf32>
      %parallel_loop3A_727 = arith.mulf %parallel_loop3A_724, %parallel_loop3A_726 : vector<16xf32>
      %parallel_loop3A_728 = arith.constant 0 : i32
      %parallel_loop3A_729 = arith.constant 0 : i32
      %parallel_loop3A_730 = arith.index_cast %parallel_loop3A_728 : i32 to index
      %parallel_loop3A_731 = arith.index_cast %parallel_loop3A_664 : i32 to index
      %parallel_loop3A_732 = arith.index_cast %parallel_loop3A_729 : i32 to index
      %parallel_loop3A_733 = arith.constant 48 : index
      %parallel_loop3A_734 = tpu.vector_load %arg7[%parallel_loop3A_730, %parallel_loop3A_731, %parallel_loop3A_732, %parallel_loop3A_733] {strides = array<i32>} : memref<2x128x2x64xf32, #tpu.memory_space<vmem>>, vector<1x1x1x16xf32>,
      %parallel_loop3A_735 = vector.shape_cast %parallel_loop3A_734 : vector<1x1x1x16xf32> to vector<16xf32>
      %parallel_loop3A_736 = vector.shape_cast %parallel_loop3A_727 : vector<16xf32> to vector<1x1x1x16xf32>
      tpu.vector_store %arg7[%parallel_loop3A_730, %parallel_loop3A_731, %parallel_loop3A_732, %parallel_loop3A_733], %parallel_loop3A_736 {strides = array<i32>} : memref<2x128x2x64xf32, #tpu.memory_space<vmem>>, vector<1x1x1x16xf32>,
    } {sc.loop_unroll_factor = 8 : i64, sc.parallel_access}
    %add3A_412 = arith.constant 25088 : i32
    %add3A_413 = arith.addi %mul3A_2, %add3A_412 : i32
    %dma_start3A_414 = arith.constant 0 : i32
    %dma_start3A_415 = arith.constant 0 : i32
    %dma_start3A_416 = arith.constant 0 : i32
    %dma_start3A_417 = arith.constant 0 : i32
    %dma_start3A_418 = arith.constant 0 : i32
    %dma_start3A_419 = tpu.memref_slice %arg7[%dma_start3A_414, %dma_start3A_416, %dma_start3A_417, %dma_start3A_418] : memref<2x128x2x64xf32, #tpu.memory_space<vmem>> -> memref<1x128x2x64xf32, #tpu.memory_space<vmem>>
    %dma_start3A_420 = tpu.memref_squeeze %dma_start3A_419 : memref<1x128x2x64xf32, #tpu.memory_space<vmem>> -> memref<128x2x64xf32, #tpu.memory_space<vmem>>
    %dma_start3A_421 = arith.constant 0 : i32
    %dma_start3A_422 = arith.constant 0 : i32
    %dma_start3A_423 = tpu.memref_slice %arg4[%add3A_413, %dma_start3A_421, %dma_start3A_422] : memref<819200x2x64xf32, #tpu.memory_space<hbm>> -> memref<128x2x64xf32, #tpu.memory_space<hbm>>
    %dma_start3A_424 = tpu.memref_slice %arg9[%dma_start3A_415] : memref<2x!tpu.dma_semaphore, #tpu.memory_space<semaphore_mem>> -> memref<1x!tpu.dma_semaphore, #tpu.memory_space<semaphore_mem>>
    %dma_start3A_425 = tpu.memref_squeeze %dma_start3A_424 : memref<1x!tpu.dma_semaphore, #tpu.memory_space<semaphore_mem>> -> memref<!tpu.dma_semaphore, #tpu.memory_space<semaphore_mem>>
    %dma_start3A_426 = arith.constant 0 : i32
    %dma_start3A_427 = arith.constant 0 : i32
    %dma_start3A_428 = tpu.memref_slice %arg4[%add3A_413, %dma_start3A_426, %dma_start3A_427] : memref<819200x2x64xf32, #tpu.memory_space<hbm>> -> memref<128x2x64xf32, #tpu.memory_space<hbm>>
    %dma_start3A_429 = arith.constant 0 : i32
    %dma_start3A_430 = arith.constant 0 : i32
    %dma_start3A_431 = arith.constant 0 : i32
    %dma_start3A_432 = tpu.memref_slice %arg7[%dma_start3A_414, %dma_start3A_429, %dma_start3A_430, %dma_start3A_431] : memref<2x128x2x64xf32, #tpu.memory_space<vmem>> -> memref<1x128x2x64xf32, #tpu.memory_space<vmem>>
    %dma_start3A_433 = tpu.memref_squeeze %dma_start3A_432 : memref<1x128x2x64xf32, #tpu.memory_space<vmem>> -> memref<128x2x64xf32, #tpu.memory_space<vmem>>
    tpu.enqueue_dma source(%dma_start3A_433 : memref<128x2x64xf32, #tpu.memory_space<vmem>>) target(%dma_start3A_428 : memref<128x2x64xf32, #tpu.memory_space<hbm>>) target_semaphore(%dma_start3A_425 : memref<!tpu.dma_semaphore, #tpu.memory_space<semaphore_mem>>)
    %dma_wait3A_434 = arith.constant 197 : i32
    %dma_wait3A_435 = arith.constant 5 : i32
    %dma_wait3A_436 = arith.constant 5 : i32
    %dma_wait3A_437 = arith.constant 0 : i32
    %dma_wait3A_438 = arith.constant 0 : i32
    %dma_wait3A_439 = tpu.memref_slice %arg6[%dma_wait3A_435, %dma_wait3A_437, %dma_wait3A_438] : memref<8x128x64xf32, #tpu.memory_space<vmem>> -> memref<1x128x64xf32, #tpu.memory_space<vmem>>
    %dma_wait3A_440 = tpu.memref_squeeze %dma_wait3A_439 : memref<1x128x64xf32, #tpu.memory_space<vmem>> -> memref<128x64xf32, #tpu.memory_space<vmem>>
    %dma_wait3A_441 = arith.constant 0 : i32
    %dma_wait3A_442 = tpu.memref_slice %arg5[%dma_wait3A_434, %dma_wait3A_441] : memref<200x128xi32, #tpu.memory_space<vmem>> -> memref<1x128xi32, #tpu.memory_space<vmem>>
    %dma_wait3A_443 = tpu.memref_squeeze %dma_wait3A_442 : memref<1x128xi32, #tpu.memory_space<vmem>> -> memref<128xi32, #tpu.memory_space<vmem>>
    %dma_wait3A_444 = arith.constant 0 : i32
    %dma_wait3A_445 = arith.constant 0 : i32
    %dma_wait3A_446 = tpu.memref_slice %arg3[%dma_wait3A_444, %dma_wait3A_445] : memref<1000000x64xf32, #tpu.memory_space<hbm>> -> memref<1000000x64xf32, #tpu.memory_space<hbm>>
    %dma_wait3A_447 = tpu.memref_slice %arg8[%dma_wait3A_436] : memref<8x!tpu.dma_semaphore, #tpu.memory_space<semaphore_mem>> -> memref<1x!tpu.dma_semaphore, #tpu.memory_space<semaphore_mem>>
    %dma_wait3A_448 = tpu.memref_squeeze %dma_wait3A_447 : memref<1x!tpu.dma_semaphore, #tpu.memory_space<semaphore_mem>> -> memref<!tpu.dma_semaphore, #tpu.memory_space<semaphore_mem>>
    tpu.wait_indirect_dma semaphore(%dma_wait3A_448 : memref<!tpu.dma_semaphore, #tpu.memory_space<semaphore_mem>>) src(%dma_wait3A_446 : memref<1000000x64xf32, #tpu.memory_space<hbm>>) dst(%dma_wait3A_440 : memref<128x64xf32, #tpu.memory_space<vmem>>)
    %add3A_449 = arith.constant 24960 : i32
    %add3A_450 = arith.addi %mul3A_2, %add3A_449 : i32
    %dma_wait3A_451 = arith.constant 1 : i32
    %dma_wait3A_452 = arith.constant 1 : i32
    %dma_wait3A_453 = arith.constant 0 : i32
    %dma_wait3A_454 = arith.constant 0 : i32
    %dma_wait3A_455 = arith.constant 0 : i32
    %dma_wait3A_456 = tpu.memref_slice %arg7[%dma_wait3A_451, %dma_wait3A_453, %dma_wait3A_454, %dma_wait3A_455] : memref<2x128x2x64xf32, #tpu.memory_space<vmem>> -> memref<1x128x2x64xf32, #tpu.memory_space<vmem>>
    %dma_wait3A_457 = tpu.memref_squeeze %dma_wait3A_456 : memref<1x128x2x64xf32, #tpu.memory_space<vmem>> -> memref<128x2x64xf32, #tpu.memory_space<vmem>>
    %dma_wait3A_458 = arith.constant 0 : i32
    %dma_wait3A_459 = arith.constant 0 : i32
    %dma_wait3A_460 = tpu.memref_slice %arg4[%add3A_450, %dma_wait3A_458, %dma_wait3A_459] : memref<819200x2x64xf32, #tpu.memory_space<hbm>> -> memref<128x2x64xf32, #tpu.memory_space<hbm>>
    %dma_wait3A_461 = tpu.memref_slice %arg9[%dma_wait3A_452] : memref<2x!tpu.dma_semaphore, #tpu.memory_space<semaphore_mem>> -> memref<1x!tpu.dma_semaphore, #tpu.memory_space<semaphore_mem>>
    %dma_wait3A_462 = tpu.memref_squeeze %dma_wait3A_461 : memref<1x!tpu.dma_semaphore, #tpu.memory_space<semaphore_mem>> -> memref<!tpu.dma_semaphore, #tpu.memory_space<semaphore_mem>>
    %dma_wait3A_463 = arith.constant 0 : i32
    %dma_wait3A_464 = arith.constant 0 : i32
    %dma_wait3A_465 = tpu.memref_slice %arg4[%add3A_450, %dma_wait3A_463, %dma_wait3A_464] : memref<819200x2x64xf32, #tpu.memory_space<hbm>> -> memref<128x2x64xf32, #tpu.memory_space<hbm>>
    %dma_wait3A_466 = arith.constant 0 : i32
    %dma_wait3A_467 = arith.constant 0 : i32
    %dma_wait3A_468 = arith.constant 0 : i32
    %dma_wait3A_469 = tpu.memref_slice %arg7[%dma_wait3A_451, %dma_wait3A_466, %dma_wait3A_467, %dma_wait3A_468] : memref<2x128x2x64xf32, #tpu.memory_space<vmem>> -> memref<1x128x2x64xf32, #tpu.memory_space<vmem>>
    %dma_wait3A_470 = tpu.memref_squeeze %dma_wait3A_469 : memref<1x128x2x64xf32, #tpu.memory_space<vmem>> -> memref<128x2x64xf32, #tpu.memory_space<vmem>>
    tpu.wait_dma2 semaphore(%dma_wait3A_462 : memref<!tpu.dma_semaphore, #tpu.memory_space<semaphore_mem>>) src(%dma_wait3A_470 : memref<128x2x64xf32, #tpu.memory_space<vmem>>) dst(%dma_wait3A_465 : memref<128x2x64xf32, #tpu.memory_space<hbm>>)
    %parallel_loop3A_471 = arith.constant 0 : i32
    %parallel_loop3A_472 = arith.constant 128 : i32
    %parallel_loop3A_473 = arith.constant 1 : i32
    scf.for %parallel_loop3A_664 = %parallel_loop3A_471 to %parallel_loop3A_472 step %parallel_loop3A_473  : i32 {
      %parallel_loop3A_665 = arith.constant 5 : i32
      %parallel_loop3A_666 = arith.index_cast %parallel_loop3A_665 : i32 to index
      %parallel_loop3A_667 = arith.index_cast %parallel_loop3A_664 : i32 to index
      %parallel_loop3A_668 = arith.constant 0 : index
      %parallel_loop3A_669 = tpu.vector_load %arg6[%parallel_loop3A_666, %parallel_loop3A_667, %parallel_loop3A_668] {strides = array<i32>} : memref<8x128x64xf32, #tpu.memory_space<vmem>>, vector<1x1x16xf32>,
      %parallel_loop3A_670 = vector.shape_cast %parallel_loop3A_669 : vector<1x1x16xf32> to vector<16xf32>
      %parallel_loop3A_671 = arith.constant 8.000000e+00 : f32
      %parallel_loop3A_672 = vector.broadcast %parallel_loop3A_671 : f32 to vector<16xf32>
      %parallel_loop3A_673 = arith.mulf %parallel_loop3A_670, %parallel_loop3A_672 : vector<16xf32>
      %parallel_loop3A_674 = arith.constant 1 : i32
      %parallel_loop3A_675 = arith.constant 0 : i32
      %parallel_loop3A_676 = arith.index_cast %parallel_loop3A_674 : i32 to index
      %parallel_loop3A_677 = arith.index_cast %parallel_loop3A_664 : i32 to index
      %parallel_loop3A_678 = arith.index_cast %parallel_loop3A_675 : i32 to index
      %parallel_loop3A_679 = arith.constant 0 : index
      %parallel_loop3A_680 = tpu.vector_load %arg7[%parallel_loop3A_676, %parallel_loop3A_677, %parallel_loop3A_678, %parallel_loop3A_679] {strides = array<i32>} : memref<2x128x2x64xf32, #tpu.memory_space<vmem>>, vector<1x1x1x16xf32>,
      %parallel_loop3A_681 = vector.shape_cast %parallel_loop3A_680 : vector<1x1x1x16xf32> to vector<16xf32>
      %parallel_loop3A_682 = vector.shape_cast %parallel_loop3A_673 : vector<16xf32> to vector<1x1x1x16xf32>
      tpu.vector_store %arg7[%parallel_loop3A_676, %parallel_loop3A_677, %parallel_loop3A_678, %parallel_loop3A_679], %parallel_loop3A_682 {strides = array<i32>} : memref<2x128x2x64xf32, #tpu.memory_space<vmem>>, vector<1x1x1x16xf32>,
      %parallel_loop3A_683 = arith.constant 5 : i32
      %parallel_loop3A_684 = arith.index_cast %parallel_loop3A_683 : i32 to index
      %parallel_loop3A_685 = arith.index_cast %parallel_loop3A_664 : i32 to index
      %parallel_loop3A_686 = arith.constant 16 : index
      %parallel_loop3A_687 = tpu.vector_load %arg6[%parallel_loop3A_684, %parallel_loop3A_685, %parallel_loop3A_686] {strides = array<i32>} : memref<8x128x64xf32, #tpu.memory_space<vmem>>, vector<1x1x16xf32>,
      %parallel_loop3A_688 = vector.shape_cast %parallel_loop3A_687 : vector<1x1x16xf32> to vector<16xf32>
      %parallel_loop3A_689 = arith.constant 8.000000e+00 : f32
      %parallel_loop3A_690 = vector.broadcast %parallel_loop3A_689 : f32 to vector<16xf32>
      %parallel_loop3A_691 = arith.mulf %parallel_loop3A_688, %parallel_loop3A_690 : vector<16xf32>
      %parallel_loop3A_692 = arith.constant 1 : i32
      %parallel_loop3A_693 = arith.constant 0 : i32
      %parallel_loop3A_694 = arith.index_cast %parallel_loop3A_692 : i32 to index
      %parallel_loop3A_695 = arith.index_cast %parallel_loop3A_664 : i32 to index
      %parallel_loop3A_696 = arith.index_cast %parallel_loop3A_693 : i32 to index
      %parallel_loop3A_697 = arith.constant 16 : index
      %parallel_loop3A_698 = tpu.vector_load %arg7[%parallel_loop3A_694, %parallel_loop3A_695, %parallel_loop3A_696, %parallel_loop3A_697] {strides = array<i32>} : memref<2x128x2x64xf32, #tpu.memory_space<vmem>>, vector<1x1x1x16xf32>,
      %parallel_loop3A_699 = vector.shape_cast %parallel_loop3A_698 : vector<1x1x1x16xf32> to vector<16xf32>
      %parallel_loop3A_700 = vector.shape_cast %parallel_loop3A_691 : vector<16xf32> to vector<1x1x1x16xf32>
      tpu.vector_store %arg7[%parallel_loop3A_694, %parallel_loop3A_695, %parallel_loop3A_696, %parallel_loop3A_697], %parallel_loop3A_700 {strides = array<i32>} : memref<2x128x2x64xf32, #tpu.memory_space<vmem>>, vector<1x1x1x16xf32>,
      %parallel_loop3A_701 = arith.constant 5 : i32
      %parallel_loop3A_702 = arith.index_cast %parallel_loop3A_701 : i32 to index
      %parallel_loop3A_703 = arith.index_cast %parallel_loop3A_664 : i32 to index
      %parallel_loop3A_704 = arith.constant 32 : index
      %parallel_loop3A_705 = tpu.vector_load %arg6[%parallel_loop3A_702, %parallel_loop3A_703, %parallel_loop3A_704] {strides = array<i32>} : memref<8x128x64xf32, #tpu.memory_space<vmem>>, vector<1x1x16xf32>,
      %parallel_loop3A_706 = vector.shape_cast %parallel_loop3A_705 : vector<1x1x16xf32> to vector<16xf32>
      %parallel_loop3A_707 = arith.constant 8.000000e+00 : f32
      %parallel_loop3A_708 = vector.broadcast %parallel_loop3A_707 : f32 to vector<16xf32>
      %parallel_loop3A_709 = arith.mulf %parallel_loop3A_706, %parallel_loop3A_708 : vector<16xf32>
      %parallel_loop3A_710 = arith.constant 1 : i32
      %parallel_loop3A_711 = arith.constant 0 : i32
      %parallel_loop3A_712 = arith.index_cast %parallel_loop3A_710 : i32 to index
      %parallel_loop3A_713 = arith.index_cast %parallel_loop3A_664 : i32 to index
      %parallel_loop3A_714 = arith.index_cast %parallel_loop3A_711 : i32 to index
      %parallel_loop3A_715 = arith.constant 32 : index
      %parallel_loop3A_716 = tpu.vector_load %arg7[%parallel_loop3A_712, %parallel_loop3A_713, %parallel_loop3A_714, %parallel_loop3A_715] {strides = array<i32>} : memref<2x128x2x64xf32, #tpu.memory_space<vmem>>, vector<1x1x1x16xf32>,
      %parallel_loop3A_717 = vector.shape_cast %parallel_loop3A_716 : vector<1x1x1x16xf32> to vector<16xf32>
      %parallel_loop3A_718 = vector.shape_cast %parallel_loop3A_709 : vector<16xf32> to vector<1x1x1x16xf32>
      tpu.vector_store %arg7[%parallel_loop3A_712, %parallel_loop3A_713, %parallel_loop3A_714, %parallel_loop3A_715], %parallel_loop3A_718 {strides = array<i32>} : memref<2x128x2x64xf32, #tpu.memory_space<vmem>>, vector<1x1x1x16xf32>,
      %parallel_loop3A_719 = arith.constant 5 : i32
      %parallel_loop3A_720 = arith.index_cast %parallel_loop3A_719 : i32 to index
      %parallel_loop3A_721 = arith.index_cast %parallel_loop3A_664 : i32 to index
      %parallel_loop3A_722 = arith.constant 48 : index
      %parallel_loop3A_723 = tpu.vector_load %arg6[%parallel_loop3A_720, %parallel_loop3A_721, %parallel_loop3A_722] {strides = array<i32>} : memref<8x128x64xf32, #tpu.memory_space<vmem>>, vector<1x1x16xf32>,
      %parallel_loop3A_724 = vector.shape_cast %parallel_loop3A_723 : vector<1x1x16xf32> to vector<16xf32>
      %parallel_loop3A_725 = arith.constant 8.000000e+00 : f32
      %parallel_loop3A_726 = vector.broadcast %parallel_loop3A_725 : f32 to vector<16xf32>
      %parallel_loop3A_727 = arith.mulf %parallel_loop3A_724, %parallel_loop3A_726 : vector<16xf32>
      %parallel_loop3A_728 = arith.constant 1 : i32
      %parallel_loop3A_729 = arith.constant 0 : i32
      %parallel_loop3A_730 = arith.index_cast %parallel_loop3A_728 : i32 to index
      %parallel_loop3A_731 = arith.index_cast %parallel_loop3A_664 : i32 to index
      %parallel_loop3A_732 = arith.index_cast %parallel_loop3A_729 : i32 to index
      %parallel_loop3A_733 = arith.constant 48 : index
      %parallel_loop3A_734 = tpu.vector_load %arg7[%parallel_loop3A_730, %parallel_loop3A_731, %parallel_loop3A_732, %parallel_loop3A_733] {strides = array<i32>} : memref<2x128x2x64xf32, #tpu.memory_space<vmem>>, vector<1x1x1x16xf32>,
      %parallel_loop3A_735 = vector.shape_cast %parallel_loop3A_734 : vector<1x1x1x16xf32> to vector<16xf32>
      %parallel_loop3A_736 = vector.shape_cast %parallel_loop3A_727 : vector<16xf32> to vector<1x1x1x16xf32>
      tpu.vector_store %arg7[%parallel_loop3A_730, %parallel_loop3A_731, %parallel_loop3A_732, %parallel_loop3A_733], %parallel_loop3A_736 {strides = array<i32>} : memref<2x128x2x64xf32, #tpu.memory_space<vmem>>, vector<1x1x1x16xf32>,
    } {sc.loop_unroll_factor = 8 : i64, sc.parallel_access}
    %add3A_474 = arith.constant 25216 : i32
    %add3A_475 = arith.addi %mul3A_2, %add3A_474 : i32
    %dma_start3A_476 = arith.constant 1 : i32
    %dma_start3A_477 = arith.constant 1 : i32
    %dma_start3A_478 = arith.constant 0 : i32
    %dma_start3A_479 = arith.constant 0 : i32
    %dma_start3A_480 = arith.constant 0 : i32
    %dma_start3A_481 = tpu.memref_slice %arg7[%dma_start3A_476, %dma_start3A_478, %dma_start3A_479, %dma_start3A_480] : memref<2x128x2x64xf32, #tpu.memory_space<vmem>> -> memref<1x128x2x64xf32, #tpu.memory_space<vmem>>
    %dma_start3A_482 = tpu.memref_squeeze %dma_start3A_481 : memref<1x128x2x64xf32, #tpu.memory_space<vmem>> -> memref<128x2x64xf32, #tpu.memory_space<vmem>>
    %dma_start3A_483 = arith.constant 0 : i32
    %dma_start3A_484 = arith.constant 0 : i32
    %dma_start3A_485 = tpu.memref_slice %arg4[%add3A_475, %dma_start3A_483, %dma_start3A_484] : memref<819200x2x64xf32, #tpu.memory_space<hbm>> -> memref<128x2x64xf32, #tpu.memory_space<hbm>>
    %dma_start3A_486 = tpu.memref_slice %arg9[%dma_start3A_477] : memref<2x!tpu.dma_semaphore, #tpu.memory_space<semaphore_mem>> -> memref<1x!tpu.dma_semaphore, #tpu.memory_space<semaphore_mem>>
    %dma_start3A_487 = tpu.memref_squeeze %dma_start3A_486 : memref<1x!tpu.dma_semaphore, #tpu.memory_space<semaphore_mem>> -> memref<!tpu.dma_semaphore, #tpu.memory_space<semaphore_mem>>
    %dma_start3A_488 = arith.constant 0 : i32
    %dma_start3A_489 = arith.constant 0 : i32
    %dma_start3A_490 = tpu.memref_slice %arg4[%add3A_475, %dma_start3A_488, %dma_start3A_489] : memref<819200x2x64xf32, #tpu.memory_space<hbm>> -> memref<128x2x64xf32, #tpu.memory_space<hbm>>
    %dma_start3A_491 = arith.constant 0 : i32
    %dma_start3A_492 = arith.constant 0 : i32
    %dma_start3A_493 = arith.constant 0 : i32
    %dma_start3A_494 = tpu.memref_slice %arg7[%dma_start3A_476, %dma_start3A_491, %dma_start3A_492, %dma_start3A_493] : memref<2x128x2x64xf32, #tpu.memory_space<vmem>> -> memref<1x128x2x64xf32, #tpu.memory_space<vmem>>
    %dma_start3A_495 = tpu.memref_squeeze %dma_start3A_494 : memref<1x128x2x64xf32, #tpu.memory_space<vmem>> -> memref<128x2x64xf32, #tpu.memory_space<vmem>>
    tpu.enqueue_dma source(%dma_start3A_495 : memref<128x2x64xf32, #tpu.memory_space<vmem>>) target(%dma_start3A_490 : memref<128x2x64xf32, #tpu.memory_space<hbm>>) target_semaphore(%dma_start3A_487 : memref<!tpu.dma_semaphore, #tpu.memory_space<semaphore_mem>>)
    %dma_wait3A_496 = arith.constant 198 : i32
    %dma_wait3A_497 = arith.constant 6 : i32
    %dma_wait3A_498 = arith.constant 6 : i32
    %dma_wait3A_499 = arith.constant 0 : i32
    %dma_wait3A_500 = arith.constant 0 : i32
    %dma_wait3A_501 = tpu.memref_slice %arg6[%dma_wait3A_497, %dma_wait3A_499, %dma_wait3A_500] : memref<8x128x64xf32, #tpu.memory_space<vmem>> -> memref<1x128x64xf32, #tpu.memory_space<vmem>>
    %dma_wait3A_502 = tpu.memref_squeeze %dma_wait3A_501 : memref<1x128x64xf32, #tpu.memory_space<vmem>> -> memref<128x64xf32, #tpu.memory_space<vmem>>
    %dma_wait3A_503 = arith.constant 0 : i32
    %dma_wait3A_504 = tpu.memref_slice %arg5[%dma_wait3A_496, %dma_wait3A_503] : memref<200x128xi32, #tpu.memory_space<vmem>> -> memref<1x128xi32, #tpu.memory_space<vmem>>
    %dma_wait3A_505 = tpu.memref_squeeze %dma_wait3A_504 : memref<1x128xi32, #tpu.memory_space<vmem>> -> memref<128xi32, #tpu.memory_space<vmem>>
    %dma_wait3A_506 = arith.constant 0 : i32
    %dma_wait3A_507 = arith.constant 0 : i32
    %dma_wait3A_508 = tpu.memref_slice %arg3[%dma_wait3A_506, %dma_wait3A_507] : memref<1000000x64xf32, #tpu.memory_space<hbm>> -> memref<1000000x64xf32, #tpu.memory_space<hbm>>
    %dma_wait3A_509 = tpu.memref_slice %arg8[%dma_wait3A_498] : memref<8x!tpu.dma_semaphore, #tpu.memory_space<semaphore_mem>> -> memref<1x!tpu.dma_semaphore, #tpu.memory_space<semaphore_mem>>
    %dma_wait3A_510 = tpu.memref_squeeze %dma_wait3A_509 : memref<1x!tpu.dma_semaphore, #tpu.memory_space<semaphore_mem>> -> memref<!tpu.dma_semaphore, #tpu.memory_space<semaphore_mem>>
    tpu.wait_indirect_dma semaphore(%dma_wait3A_510 : memref<!tpu.dma_semaphore, #tpu.memory_space<semaphore_mem>>) src(%dma_wait3A_508 : memref<1000000x64xf32, #tpu.memory_space<hbm>>) dst(%dma_wait3A_502 : memref<128x64xf32, #tpu.memory_space<vmem>>)
    %add3A_511 = arith.constant 25088 : i32
    %add3A_512 = arith.addi %mul3A_2, %add3A_511 : i32
    %dma_wait3A_513 = arith.constant 0 : i32
    %dma_wait3A_514 = arith.constant 0 : i32
    %dma_wait3A_515 = arith.constant 0 : i32
    %dma_wait3A_516 = arith.constant 0 : i32
    %dma_wait3A_517 = arith.constant 0 : i32
    %dma_wait3A_518 = tpu.memref_slice %arg7[%dma_wait3A_513, %dma_wait3A_515, %dma_wait3A_516, %dma_wait3A_517] : memref<2x128x2x64xf32, #tpu.memory_space<vmem>> -> memref<1x128x2x64xf32, #tpu.memory_space<vmem>>
    %dma_wait3A_519 = tpu.memref_squeeze %dma_wait3A_518 : memref<1x128x2x64xf32, #tpu.memory_space<vmem>> -> memref<128x2x64xf32, #tpu.memory_space<vmem>>
    %dma_wait3A_520 = arith.constant 0 : i32
    %dma_wait3A_521 = arith.constant 0 : i32
    %dma_wait3A_522 = tpu.memref_slice %arg4[%add3A_512, %dma_wait3A_520, %dma_wait3A_521] : memref<819200x2x64xf32, #tpu.memory_space<hbm>> -> memref<128x2x64xf32, #tpu.memory_space<hbm>>
    %dma_wait3A_523 = tpu.memref_slice %arg9[%dma_wait3A_514] : memref<2x!tpu.dma_semaphore, #tpu.memory_space<semaphore_mem>> -> memref<1x!tpu.dma_semaphore, #tpu.memory_space<semaphore_mem>>
    %dma_wait3A_524 = tpu.memref_squeeze %dma_wait3A_523 : memref<1x!tpu.dma_semaphore, #tpu.memory_space<semaphore_mem>> -> memref<!tpu.dma_semaphore, #tpu.memory_space<semaphore_mem>>
    %dma_wait3A_525 = arith.constant 0 : i32
    %dma_wait3A_526 = arith.constant 0 : i32
    %dma_wait3A_527 = tpu.memref_slice %arg4[%add3A_512, %dma_wait3A_525, %dma_wait3A_526] : memref<819200x2x64xf32, #tpu.memory_space<hbm>> -> memref<128x2x64xf32, #tpu.memory_space<hbm>>
    %dma_wait3A_528 = arith.constant 0 : i32
    %dma_wait3A_529 = arith.constant 0 : i32
    %dma_wait3A_530 = arith.constant 0 : i32
    %dma_wait3A_531 = tpu.memref_slice %arg7[%dma_wait3A_513, %dma_wait3A_528, %dma_wait3A_529, %dma_wait3A_530] : memref<2x128x2x64xf32, #tpu.memory_space<vmem>> -> memref<1x128x2x64xf32, #tpu.memory_space<vmem>>
    %dma_wait3A_532 = tpu.memref_squeeze %dma_wait3A_531 : memref<1x128x2x64xf32, #tpu.memory_space<vmem>> -> memref<128x2x64xf32, #tpu.memory_space<vmem>>
    tpu.wait_dma2 semaphore(%dma_wait3A_524 : memref<!tpu.dma_semaphore, #tpu.memory_space<semaphore_mem>>) src(%dma_wait3A_532 : memref<128x2x64xf32, #tpu.memory_space<vmem>>) dst(%dma_wait3A_527 : memref<128x2x64xf32, #tpu.memory_space<hbm>>)
    %parallel_loop3A_533 = arith.constant 0 : i32
    %parallel_loop3A_534 = arith.constant 128 : i32
    %parallel_loop3A_535 = arith.constant 1 : i32
    scf.for %parallel_loop3A_664 = %parallel_loop3A_533 to %parallel_loop3A_534 step %parallel_loop3A_535  : i32 {
      %parallel_loop3A_665 = arith.constant 6 : i32
      %parallel_loop3A_666 = arith.index_cast %parallel_loop3A_665 : i32 to index
      %parallel_loop3A_667 = arith.index_cast %parallel_loop3A_664 : i32 to index
      %parallel_loop3A_668 = arith.constant 0 : index
      %parallel_loop3A_669 = tpu.vector_load %arg6[%parallel_loop3A_666, %parallel_loop3A_667, %parallel_loop3A_668] {strides = array<i32>} : memref<8x128x64xf32, #tpu.memory_space<vmem>>, vector<1x1x16xf32>,
      %parallel_loop3A_670 = vector.shape_cast %parallel_loop3A_669 : vector<1x1x16xf32> to vector<16xf32>
      %parallel_loop3A_671 = arith.constant 8.000000e+00 : f32
      %parallel_loop3A_672 = vector.broadcast %parallel_loop3A_671 : f32 to vector<16xf32>
      %parallel_loop3A_673 = arith.mulf %parallel_loop3A_670, %parallel_loop3A_672 : vector<16xf32>
      %parallel_loop3A_674 = arith.constant 0 : i32
      %parallel_loop3A_675 = arith.constant 0 : i32
      %parallel_loop3A_676 = arith.index_cast %parallel_loop3A_674 : i32 to index
      %parallel_loop3A_677 = arith.index_cast %parallel_loop3A_664 : i32 to index
      %parallel_loop3A_678 = arith.index_cast %parallel_loop3A_675 : i32 to index
      %parallel_loop3A_679 = arith.constant 0 : index
      %parallel_loop3A_680 = tpu.vector_load %arg7[%parallel_loop3A_676, %parallel_loop3A_677, %parallel_loop3A_678, %parallel_loop3A_679] {strides = array<i32>} : memref<2x128x2x64xf32, #tpu.memory_space<vmem>>, vector<1x1x1x16xf32>,
      %parallel_loop3A_681 = vector.shape_cast %parallel_loop3A_680 : vector<1x1x1x16xf32> to vector<16xf32>
      %parallel_loop3A_682 = vector.shape_cast %parallel_loop3A_673 : vector<16xf32> to vector<1x1x1x16xf32>
      tpu.vector_store %arg7[%parallel_loop3A_676, %parallel_loop3A_677, %parallel_loop3A_678, %parallel_loop3A_679], %parallel_loop3A_682 {strides = array<i32>} : memref<2x128x2x64xf32, #tpu.memory_space<vmem>>, vector<1x1x1x16xf32>,
      %parallel_loop3A_683 = arith.constant 6 : i32
      %parallel_loop3A_684 = arith.index_cast %parallel_loop3A_683 : i32 to index
      %parallel_loop3A_685 = arith.index_cast %parallel_loop3A_664 : i32 to index
      %parallel_loop3A_686 = arith.constant 16 : index
      %parallel_loop3A_687 = tpu.vector_load %arg6[%parallel_loop3A_684, %parallel_loop3A_685, %parallel_loop3A_686] {strides = array<i32>} : memref<8x128x64xf32, #tpu.memory_space<vmem>>, vector<1x1x16xf32>,
      %parallel_loop3A_688 = vector.shape_cast %parallel_loop3A_687 : vector<1x1x16xf32> to vector<16xf32>
      %parallel_loop3A_689 = arith.constant 8.000000e+00 : f32
      %parallel_loop3A_690 = vector.broadcast %parallel_loop3A_689 : f32 to vector<16xf32>
      %parallel_loop3A_691 = arith.mulf %parallel_loop3A_688, %parallel_loop3A_690 : vector<16xf32>
      %parallel_loop3A_692 = arith.constant 0 : i32
      %parallel_loop3A_693 = arith.constant 0 : i32
      %parallel_loop3A_694 = arith.index_cast %parallel_loop3A_692 : i32 to index
      %parallel_loop3A_695 = arith.index_cast %parallel_loop3A_664 : i32 to index
      %parallel_loop3A_696 = arith.index_cast %parallel_loop3A_693 : i32 to index
      %parallel_loop3A_697 = arith.constant 16 : index
      %parallel_loop3A_698 = tpu.vector_load %arg7[%parallel_loop3A_694, %parallel_loop3A_695, %parallel_loop3A_696, %parallel_loop3A_697] {strides = array<i32>} : memref<2x128x2x64xf32, #tpu.memory_space<vmem>>, vector<1x1x1x16xf32>,
      %parallel_loop3A_699 = vector.shape_cast %parallel_loop3A_698 : vector<1x1x1x16xf32> to vector<16xf32>
      %parallel_loop3A_700 = vector.shape_cast %parallel_loop3A_691 : vector<16xf32> to vector<1x1x1x16xf32>
      tpu.vector_store %arg7[%parallel_loop3A_694, %parallel_loop3A_695, %parallel_loop3A_696, %parallel_loop3A_697], %parallel_loop3A_700 {strides = array<i32>} : memref<2x128x2x64xf32, #tpu.memory_space<vmem>>, vector<1x1x1x16xf32>,
      %parallel_loop3A_701 = arith.constant 6 : i32
      %parallel_loop3A_702 = arith.index_cast %parallel_loop3A_701 : i32 to index
      %parallel_loop3A_703 = arith.index_cast %parallel_loop3A_664 : i32 to index
      %parallel_loop3A_704 = arith.constant 32 : index
      %parallel_loop3A_705 = tpu.vector_load %arg6[%parallel_loop3A_702, %parallel_loop3A_703, %parallel_loop3A_704] {strides = array<i32>} : memref<8x128x64xf32, #tpu.memory_space<vmem>>, vector<1x1x16xf32>,
      %parallel_loop3A_706 = vector.shape_cast %parallel_loop3A_705 : vector<1x1x16xf32> to vector<16xf32>
      %parallel_loop3A_707 = arith.constant 8.000000e+00 : f32
      %parallel_loop3A_708 = vector.broadcast %parallel_loop3A_707 : f32 to vector<16xf32>
      %parallel_loop3A_709 = arith.mulf %parallel_loop3A_706, %parallel_loop3A_708 : vector<16xf32>
      %parallel_loop3A_710 = arith.constant 0 : i32
      %parallel_loop3A_711 = arith.constant 0 : i32
      %parallel_loop3A_712 = arith.index_cast %parallel_loop3A_710 : i32 to index
      %parallel_loop3A_713 = arith.index_cast %parallel_loop3A_664 : i32 to index
      %parallel_loop3A_714 = arith.index_cast %parallel_loop3A_711 : i32 to index
      %parallel_loop3A_715 = arith.constant 32 : index
      %parallel_loop3A_716 = tpu.vector_load %arg7[%parallel_loop3A_712, %parallel_loop3A_713, %parallel_loop3A_714, %parallel_loop3A_715] {strides = array<i32>} : memref<2x128x2x64xf32, #tpu.memory_space<vmem>>, vector<1x1x1x16xf32>,
      %parallel_loop3A_717 = vector.shape_cast %parallel_loop3A_716 : vector<1x1x1x16xf32> to vector<16xf32>
      %parallel_loop3A_718 = vector.shape_cast %parallel_loop3A_709 : vector<16xf32> to vector<1x1x1x16xf32>
      tpu.vector_store %arg7[%parallel_loop3A_712, %parallel_loop3A_713, %parallel_loop3A_714, %parallel_loop3A_715], %parallel_loop3A_718 {strides = array<i32>} : memref<2x128x2x64xf32, #tpu.memory_space<vmem>>, vector<1x1x1x16xf32>,
      %parallel_loop3A_719 = arith.constant 6 : i32
      %parallel_loop3A_720 = arith.index_cast %parallel_loop3A_719 : i32 to index
      %parallel_loop3A_721 = arith.index_cast %parallel_loop3A_664 : i32 to index
      %parallel_loop3A_722 = arith.constant 48 : index
      %parallel_loop3A_723 = tpu.vector_load %arg6[%parallel_loop3A_720, %parallel_loop3A_721, %parallel_loop3A_722] {strides = array<i32>} : memref<8x128x64xf32, #tpu.memory_space<vmem>>, vector<1x1x16xf32>,
      %parallel_loop3A_724 = vector.shape_cast %parallel_loop3A_723 : vector<1x1x16xf32> to vector<16xf32>
      %parallel_loop3A_725 = arith.constant 8.000000e+00 : f32
      %parallel_loop3A_726 = vector.broadcast %parallel_loop3A_725 : f32 to vector<16xf32>
      %parallel_loop3A_727 = arith.mulf %parallel_loop3A_724, %parallel_loop3A_726 : vector<16xf32>
      %parallel_loop3A_728 = arith.constant 0 : i32
      %parallel_loop3A_729 = arith.constant 0 : i32
      %parallel_loop3A_730 = arith.index_cast %parallel_loop3A_728 : i32 to index
      %parallel_loop3A_731 = arith.index_cast %parallel_loop3A_664 : i32 to index
      %parallel_loop3A_732 = arith.index_cast %parallel_loop3A_729 : i32 to index
      %parallel_loop3A_733 = arith.constant 48 : index
      %parallel_loop3A_734 = tpu.vector_load %arg7[%parallel_loop3A_730, %parallel_loop3A_731, %parallel_loop3A_732, %parallel_loop3A_733] {strides = array<i32>} : memref<2x128x2x64xf32, #tpu.memory_space<vmem>>, vector<1x1x1x16xf32>,
      %parallel_loop3A_735 = vector.shape_cast %parallel_loop3A_734 : vector<1x1x1x16xf32> to vector<16xf32>
      %parallel_loop3A_736 = vector.shape_cast %parallel_loop3A_727 : vector<16xf32> to vector<1x1x1x16xf32>
      tpu.vector_store %arg7[%parallel_loop3A_730, %parallel_loop3A_731, %parallel_loop3A_732, %parallel_loop3A_733], %parallel_loop3A_736 {strides = array<i32>} : memref<2x128x2x64xf32, #tpu.memory_space<vmem>>, vector<1x1x1x16xf32>,
    } {sc.loop_unroll_factor = 8 : i64, sc.parallel_access}
    %add3A_536 = arith.constant 25344 : i32
    %add3A_537 = arith.addi %mul3A_2, %add3A_536 : i32
    %dma_start3A_538 = arith.constant 0 : i32
    %dma_start3A_539 = arith.constant 0 : i32
    %dma_start3A_540 = arith.constant 0 : i32
    %dma_start3A_541 = arith.constant 0 : i32
    %dma_start3A_542 = arith.constant 0 : i32
    %dma_start3A_543 = tpu.memref_slice %arg7[%dma_start3A_538, %dma_start3A_540, %dma_start3A_541, %dma_start3A_542] : memref<2x128x2x64xf32, #tpu.memory_space<vmem>> -> memref<1x128x2x64xf32, #tpu.memory_space<vmem>>
    %dma_start3A_544 = tpu.memref_squeeze %dma_start3A_543 : memref<1x128x2x64xf32, #tpu.memory_space<vmem>> -> memref<128x2x64xf32, #tpu.memory_space<vmem>>
    %dma_start3A_545 = arith.constant 0 : i32
    %dma_start3A_546 = arith.constant 0 : i32
    %dma_start3A_547 = tpu.memref_slice %arg4[%add3A_537, %dma_start3A_545, %dma_start3A_546] : memref<819200x2x64xf32, #tpu.memory_space<hbm>> -> memref<128x2x64xf32, #tpu.memory_space<hbm>>
    %dma_start3A_548 = tpu.memref_slice %arg9[%dma_start3A_539] : memref<2x!tpu.dma_semaphore, #tpu.memory_space<semaphore_mem>> -> memref<1x!tpu.dma_semaphore, #tpu.memory_space<semaphore_mem>>
    %dma_start3A_549 = tpu.memref_squeeze %dma_start3A_548 : memref<1x!tpu.dma_semaphore, #tpu.memory_space<semaphore_mem>> -> memref<!tpu.dma_semaphore, #tpu.memory_space<semaphore_mem>>
    %dma_start3A_550 = arith.constant 0 : i32
    %dma_start3A_551 = arith.constant 0 : i32
    %dma_start3A_552 = tpu.memref_slice %arg4[%add3A_537, %dma_start3A_550, %dma_start3A_551] : memref<819200x2x64xf32, #tpu.memory_space<hbm>> -> memref<128x2x64xf32, #tpu.memory_space<hbm>>
    %dma_start3A_553 = arith.constant 0 : i32
    %dma_start3A_554 = arith.constant 0 : i32
    %dma_start3A_555 = arith.constant 0 : i32
    %dma_start3A_556 = tpu.memref_slice %arg7[%dma_start3A_538, %dma_start3A_553, %dma_start3A_554, %dma_start3A_555] : memref<2x128x2x64xf32, #tpu.memory_space<vmem>> -> memref<1x128x2x64xf32, #tpu.memory_space<vmem>>
    %dma_start3A_557 = tpu.memref_squeeze %dma_start3A_556 : memref<1x128x2x64xf32, #tpu.memory_space<vmem>> -> memref<128x2x64xf32, #tpu.memory_space<vmem>>
    tpu.enqueue_dma source(%dma_start3A_557 : memref<128x2x64xf32, #tpu.memory_space<vmem>>) target(%dma_start3A_552 : memref<128x2x64xf32, #tpu.memory_space<hbm>>) target_semaphore(%dma_start3A_549 : memref<!tpu.dma_semaphore, #tpu.memory_space<semaphore_mem>>)
    %dma_wait3A_558 = arith.constant 199 : i32
    %dma_wait3A_559 = arith.constant 7 : i32
    %dma_wait3A_560 = arith.constant 7 : i32
    %dma_wait3A_561 = arith.constant 0 : i32
    %dma_wait3A_562 = arith.constant 0 : i32
    %dma_wait3A_563 = tpu.memref_slice %arg6[%dma_wait3A_559, %dma_wait3A_561, %dma_wait3A_562] : memref<8x128x64xf32, #tpu.memory_space<vmem>> -> memref<1x128x64xf32, #tpu.memory_space<vmem>>
    %dma_wait3A_564 = tpu.memref_squeeze %dma_wait3A_563 : memref<1x128x64xf32, #tpu.memory_space<vmem>> -> memref<128x64xf32, #tpu.memory_space<vmem>>
    %dma_wait3A_565 = arith.constant 0 : i32
    %dma_wait3A_566 = tpu.memref_slice %arg5[%dma_wait3A_558, %dma_wait3A_565] : memref<200x128xi32, #tpu.memory_space<vmem>> -> memref<1x128xi32, #tpu.memory_space<vmem>>
    %dma_wait3A_567 = tpu.memref_squeeze %dma_wait3A_566 : memref<1x128xi32, #tpu.memory_space<vmem>> -> memref<128xi32, #tpu.memory_space<vmem>>
    %dma_wait3A_568 = arith.constant 0 : i32
    %dma_wait3A_569 = arith.constant 0 : i32
    %dma_wait3A_570 = tpu.memref_slice %arg3[%dma_wait3A_568, %dma_wait3A_569] : memref<1000000x64xf32, #tpu.memory_space<hbm>> -> memref<1000000x64xf32, #tpu.memory_space<hbm>>
    %dma_wait3A_571 = tpu.memref_slice %arg8[%dma_wait3A_560] : memref<8x!tpu.dma_semaphore, #tpu.memory_space<semaphore_mem>> -> memref<1x!tpu.dma_semaphore, #tpu.memory_space<semaphore_mem>>
    %dma_wait3A_572 = tpu.memref_squeeze %dma_wait3A_571 : memref<1x!tpu.dma_semaphore, #tpu.memory_space<semaphore_mem>> -> memref<!tpu.dma_semaphore, #tpu.memory_space<semaphore_mem>>
    tpu.wait_indirect_dma semaphore(%dma_wait3A_572 : memref<!tpu.dma_semaphore, #tpu.memory_space<semaphore_mem>>) src(%dma_wait3A_570 : memref<1000000x64xf32, #tpu.memory_space<hbm>>) dst(%dma_wait3A_564 : memref<128x64xf32, #tpu.memory_space<vmem>>)
    %add3A_573 = arith.constant 25216 : i32
    %add3A_574 = arith.addi %mul3A_2, %add3A_573 : i32
    %dma_wait3A_575 = arith.constant 1 : i32
    %dma_wait3A_576 = arith.constant 1 : i32
    %dma_wait3A_577 = arith.constant 0 : i32
    %dma_wait3A_578 = arith.constant 0 : i32
    %dma_wait3A_579 = arith.constant 0 : i32
    %dma_wait3A_580 = tpu.memref_slice %arg7[%dma_wait3A_575, %dma_wait3A_577, %dma_wait3A_578, %dma_wait3A_579] : memref<2x128x2x64xf32, #tpu.memory_space<vmem>> -> memref<1x128x2x64xf32, #tpu.memory_space<vmem>>
    %dma_wait3A_581 = tpu.memref_squeeze %dma_wait3A_580 : memref<1x128x2x64xf32, #tpu.memory_space<vmem>> -> memref<128x2x64xf32, #tpu.memory_space<vmem>>
    %dma_wait3A_582 = arith.constant 0 : i32
    %dma_wait3A_583 = arith.constant 0 : i32
    %dma_wait3A_584 = tpu.memref_slice %arg4[%add3A_574, %dma_wait3A_582, %dma_wait3A_583] : memref<819200x2x64xf32, #tpu.memory_space<hbm>> -> memref<128x2x64xf32, #tpu.memory_space<hbm>>
    %dma_wait3A_585 = tpu.memref_slice %arg9[%dma_wait3A_576] : memref<2x!tpu.dma_semaphore, #tpu.memory_space<semaphore_mem>> -> memref<1x!tpu.dma_semaphore, #tpu.memory_space<semaphore_mem>>
    %dma_wait3A_586 = tpu.memref_squeeze %dma_wait3A_585 : memref<1x!tpu.dma_semaphore, #tpu.memory_space<semaphore_mem>> -> memref<!tpu.dma_semaphore, #tpu.memory_space<semaphore_mem>>
    %dma_wait3A_587 = arith.constant 0 : i32
    %dma_wait3A_588 = arith.constant 0 : i32
    %dma_wait3A_589 = tpu.memref_slice %arg4[%add3A_574, %dma_wait3A_587, %dma_wait3A_588] : memref<819200x2x64xf32, #tpu.memory_space<hbm>> -> memref<128x2x64xf32, #tpu.memory_space<hbm>>
    %dma_wait3A_590 = arith.constant 0 : i32
    %dma_wait3A_591 = arith.constant 0 : i32
    %dma_wait3A_592 = arith.constant 0 : i32
    %dma_wait3A_593 = tpu.memref_slice %arg7[%dma_wait3A_575, %dma_wait3A_590, %dma_wait3A_591, %dma_wait3A_592] : memref<2x128x2x64xf32, #tpu.memory_space<vmem>> -> memref<1x128x2x64xf32, #tpu.memory_space<vmem>>
    %dma_wait3A_594 = tpu.memref_squeeze %dma_wait3A_593 : memref<1x128x2x64xf32, #tpu.memory_space<vmem>> -> memref<128x2x64xf32, #tpu.memory_space<vmem>>
    tpu.wait_dma2 semaphore(%dma_wait3A_586 : memref<!tpu.dma_semaphore, #tpu.memory_space<semaphore_mem>>) src(%dma_wait3A_594 : memref<128x2x64xf32, #tpu.memory_space<vmem>>) dst(%dma_wait3A_589 : memref<128x2x64xf32, #tpu.memory_space<hbm>>)
    %parallel_loop3A_595 = arith.constant 0 : i32
    %parallel_loop3A_596 = arith.constant 128 : i32
    %parallel_loop3A_597 = arith.constant 1 : i32
    scf.for %parallel_loop3A_664 = %parallel_loop3A_595 to %parallel_loop3A_596 step %parallel_loop3A_597  : i32 {
      %parallel_loop3A_665 = arith.constant 7 : i32
      %parallel_loop3A_666 = arith.index_cast %parallel_loop3A_665 : i32 to index
      %parallel_loop3A_667 = arith.index_cast %parallel_loop3A_664 : i32 to index
      %parallel_loop3A_668 = arith.constant 0 : index
      %parallel_loop3A_669 = tpu.vector_load %arg6[%parallel_loop3A_666, %parallel_loop3A_667, %parallel_loop3A_668] {strides = array<i32>} : memref<8x128x64xf32, #tpu.memory_space<vmem>>, vector<1x1x16xf32>,
      %parallel_loop3A_670 = vector.shape_cast %parallel_loop3A_669 : vector<1x1x16xf32> to vector<16xf32>
      %parallel_loop3A_671 = arith.constant 8.000000e+00 : f32
      %parallel_loop3A_672 = vector.broadcast %parallel_loop3A_671 : f32 to vector<16xf32>
      %parallel_loop3A_673 = arith.mulf %parallel_loop3A_670, %parallel_loop3A_672 : vector<16xf32>
      %parallel_loop3A_674 = arith.constant 1 : i32
      %parallel_loop3A_675 = arith.constant 0 : i32
      %parallel_loop3A_676 = arith.index_cast %parallel_loop3A_674 : i32 to index
      %parallel_loop3A_677 = arith.index_cast %parallel_loop3A_664 : i32 to index
      %parallel_loop3A_678 = arith.index_cast %parallel_loop3A_675 : i32 to index
      %parallel_loop3A_679 = arith.constant 0 : index
      %parallel_loop3A_680 = tpu.vector_load %arg7[%parallel_loop3A_676, %parallel_loop3A_677, %parallel_loop3A_678, %parallel_loop3A_679] {strides = array<i32>} : memref<2x128x2x64xf32, #tpu.memory_space<vmem>>, vector<1x1x1x16xf32>,
      %parallel_loop3A_681 = vector.shape_cast %parallel_loop3A_680 : vector<1x1x1x16xf32> to vector<16xf32>
      %parallel_loop3A_682 = vector.shape_cast %parallel_loop3A_673 : vector<16xf32> to vector<1x1x1x16xf32>
      tpu.vector_store %arg7[%parallel_loop3A_676, %parallel_loop3A_677, %parallel_loop3A_678, %parallel_loop3A_679], %parallel_loop3A_682 {strides = array<i32>} : memref<2x128x2x64xf32, #tpu.memory_space<vmem>>, vector<1x1x1x16xf32>,
      %parallel_loop3A_683 = arith.constant 7 : i32
      %parallel_loop3A_684 = arith.index_cast %parallel_loop3A_683 : i32 to index
      %parallel_loop3A_685 = arith.index_cast %parallel_loop3A_664 : i32 to index
      %parallel_loop3A_686 = arith.constant 16 : index
      %parallel_loop3A_687 = tpu.vector_load %arg6[%parallel_loop3A_684, %parallel_loop3A_685, %parallel_loop3A_686] {strides = array<i32>} : memref<8x128x64xf32, #tpu.memory_space<vmem>>, vector<1x1x16xf32>,
      %parallel_loop3A_688 = vector.shape_cast %parallel_loop3A_687 : vector<1x1x16xf32> to vector<16xf32>
      %parallel_loop3A_689 = arith.constant 8.000000e+00 : f32
      %parallel_loop3A_690 = vector.broadcast %parallel_loop3A_689 : f32 to vector<16xf32>
      %parallel_loop3A_691 = arith.mulf %parallel_loop3A_688, %parallel_loop3A_690 : vector<16xf32>
      %parallel_loop3A_692 = arith.constant 1 : i32
      %parallel_loop3A_693 = arith.constant 0 : i32
      %parallel_loop3A_694 = arith.index_cast %parallel_loop3A_692 : i32 to index
      %parallel_loop3A_695 = arith.index_cast %parallel_loop3A_664 : i32 to index
      %parallel_loop3A_696 = arith.index_cast %parallel_loop3A_693 : i32 to index
      %parallel_loop3A_697 = arith.constant 16 : index
      %parallel_loop3A_698 = tpu.vector_load %arg7[%parallel_loop3A_694, %parallel_loop3A_695, %parallel_loop3A_696, %parallel_loop3A_697] {strides = array<i32>} : memref<2x128x2x64xf32, #tpu.memory_space<vmem>>, vector<1x1x1x16xf32>,
      %parallel_loop3A_699 = vector.shape_cast %parallel_loop3A_698 : vector<1x1x1x16xf32> to vector<16xf32>
      %parallel_loop3A_700 = vector.shape_cast %parallel_loop3A_691 : vector<16xf32> to vector<1x1x1x16xf32>
      tpu.vector_store %arg7[%parallel_loop3A_694, %parallel_loop3A_695, %parallel_loop3A_696, %parallel_loop3A_697], %parallel_loop3A_700 {strides = array<i32>} : memref<2x128x2x64xf32, #tpu.memory_space<vmem>>, vector<1x1x1x16xf32>,
      %parallel_loop3A_701 = arith.constant 7 : i32
      %parallel_loop3A_702 = arith.index_cast %parallel_loop3A_701 : i32 to index
      %parallel_loop3A_703 = arith.index_cast %parallel_loop3A_664 : i32 to index
      %parallel_loop3A_704 = arith.constant 32 : index
      %parallel_loop3A_705 = tpu.vector_load %arg6[%parallel_loop3A_702, %parallel_loop3A_703, %parallel_loop3A_704] {strides = array<i32>} : memref<8x128x64xf32, #tpu.memory_space<vmem>>, vector<1x1x16xf32>,
      %parallel_loop3A_706 = vector.shape_cast %parallel_loop3A_705 : vector<1x1x16xf32> to vector<16xf32>
      %parallel_loop3A_707 = arith.constant 8.000000e+00 : f32
      %parallel_loop3A_708 = vector.broadcast %parallel_loop3A_707 : f32 to vector<16xf32>
      %parallel_loop3A_709 = arith.mulf %parallel_loop3A_706, %parallel_loop3A_708 : vector<16xf32>
      %parallel_loop3A_710 = arith.constant 1 : i32
      %parallel_loop3A_711 = arith.constant 0 : i32
      %parallel_loop3A_712 = arith.index_cast %parallel_loop3A_710 : i32 to index
      %parallel_loop3A_713 = arith.index_cast %parallel_loop3A_664 : i32 to index
      %parallel_loop3A_714 = arith.index_cast %parallel_loop3A_711 : i32 to index
      %parallel_loop3A_715 = arith.constant 32 : index
      %parallel_loop3A_716 = tpu.vector_load %arg7[%parallel_loop3A_712, %parallel_loop3A_713, %parallel_loop3A_714, %parallel_loop3A_715] {strides = array<i32>} : memref<2x128x2x64xf32, #tpu.memory_space<vmem>>, vector<1x1x1x16xf32>,
      %parallel_loop3A_717 = vector.shape_cast %parallel_loop3A_716 : vector<1x1x1x16xf32> to vector<16xf32>
      %parallel_loop3A_718 = vector.shape_cast %parallel_loop3A_709 : vector<16xf32> to vector<1x1x1x16xf32>
      tpu.vector_store %arg7[%parallel_loop3A_712, %parallel_loop3A_713, %parallel_loop3A_714, %parallel_loop3A_715], %parallel_loop3A_718 {strides = array<i32>} : memref<2x128x2x64xf32, #tpu.memory_space<vmem>>, vector<1x1x1x16xf32>,
      %parallel_loop3A_719 = arith.constant 7 : i32
      %parallel_loop3A_720 = arith.index_cast %parallel_loop3A_719 : i32 to index
      %parallel_loop3A_721 = arith.index_cast %parallel_loop3A_664 : i32 to index
      %parallel_loop3A_722 = arith.constant 48 : index
      %parallel_loop3A_723 = tpu.vector_load %arg6[%parallel_loop3A_720, %parallel_loop3A_721, %parallel_loop3A_722] {strides = array<i32>} : memref<8x128x64xf32, #tpu.memory_space<vmem>>, vector<1x1x16xf32>,
      %parallel_loop3A_724 = vector.shape_cast %parallel_loop3A_723 : vector<1x1x16xf32> to vector<16xf32>
      %parallel_loop3A_725 = arith.constant 8.000000e+00 : f32
      %parallel_loop3A_726 = vector.broadcast %parallel_loop3A_725 : f32 to vector<16xf32>
      %parallel_loop3A_727 = arith.mulf %parallel_loop3A_724, %parallel_loop3A_726 : vector<16xf32>
      %parallel_loop3A_728 = arith.constant 1 : i32
      %parallel_loop3A_729 = arith.constant 0 : i32
      %parallel_loop3A_730 = arith.index_cast %parallel_loop3A_728 : i32 to index
      %parallel_loop3A_731 = arith.index_cast %parallel_loop3A_664 : i32 to index
      %parallel_loop3A_732 = arith.index_cast %parallel_loop3A_729 : i32 to index
      %parallel_loop3A_733 = arith.constant 48 : index
      %parallel_loop3A_734 = tpu.vector_load %arg7[%parallel_loop3A_730, %parallel_loop3A_731, %parallel_loop3A_732, %parallel_loop3A_733] {strides = array<i32>} : memref<2x128x2x64xf32, #tpu.memory_space<vmem>>, vector<1x1x1x16xf32>,
      %parallel_loop3A_735 = vector.shape_cast %parallel_loop3A_734 : vector<1x1x1x16xf32> to vector<16xf32>
      %parallel_loop3A_736 = vector.shape_cast %parallel_loop3A_727 : vector<16xf32> to vector<1x1x1x16xf32>
      tpu.vector_store %arg7[%parallel_loop3A_730, %parallel_loop3A_731, %parallel_loop3A_732, %parallel_loop3A_733], %parallel_loop3A_736 {strides = array<i32>} : memref<2x128x2x64xf32, #tpu.memory_space<vmem>>, vector<1x1x1x16xf32>,
    } {sc.loop_unroll_factor = 8 : i64, sc.parallel_access}
    %add3A_598 = arith.constant 25472 : i32
    %add3A_599 = arith.addi %mul3A_2, %add3A_598 : i32
    %dma_start3A_600 = arith.constant 1 : i32
    %dma_start3A_601 = arith.constant 1 : i32
    %dma_start3A_602 = arith.constant 0 : i32
    %dma_start3A_603 = arith.constant 0 : i32
    %dma_start3A_604 = arith.constant 0 : i32
    %dma_start3A_605 = tpu.memref_slice %arg7[%dma_start3A_600, %dma_start3A_602, %dma_start3A_603, %dma_start3A_604] : memref<2x128x2x64xf32, #tpu.memory_space<vmem>> -> memref<1x128x2x64xf32, #tpu.memory_space<vmem>>
    %dma_start3A_606 = tpu.memref_squeeze %dma_start3A_605 : memref<1x128x2x64xf32, #tpu.memory_space<vmem>> -> memref<128x2x64xf32, #tpu.memory_space<vmem>>
    %dma_start3A_607 = arith.constant 0 : i32
    %dma_start3A_608 = arith.constant 0 : i32
    %dma_start3A_609 = tpu.memref_slice %arg4[%add3A_599, %dma_start3A_607, %dma_start3A_608] : memref<819200x2x64xf32, #tpu.memory_space<hbm>> -> memref<128x2x64xf32, #tpu.memory_space<hbm>>
    %dma_start3A_610 = tpu.memref_slice %arg9[%dma_start3A_601] : memref<2x!tpu.dma_semaphore, #tpu.memory_space<semaphore_mem>> -> memref<1x!tpu.dma_semaphore, #tpu.memory_space<semaphore_mem>>
    %dma_start3A_611 = tpu.memref_squeeze %dma_start3A_610 : memref<1x!tpu.dma_semaphore, #tpu.memory_space<semaphore_mem>> -> memref<!tpu.dma_semaphore, #tpu.memory_space<semaphore_mem>>
    %dma_start3A_612 = arith.constant 0 : i32
    %dma_start3A_613 = arith.constant 0 : i32
    %dma_start3A_614 = tpu.memref_slice %arg4[%add3A_599, %dma_start3A_612, %dma_start3A_613] : memref<819200x2x64xf32, #tpu.memory_space<hbm>> -> memref<128x2x64xf32, #tpu.memory_space<hbm>>
    %dma_start3A_615 = arith.constant 0 : i32
    %dma_start3A_616 = arith.constant 0 : i32
    %dma_start3A_617 = arith.constant 0 : i32
    %dma_start3A_618 = tpu.memref_slice %arg7[%dma_start3A_600, %dma_start3A_615, %dma_start3A_616, %dma_start3A_617] : memref<2x128x2x64xf32, #tpu.memory_space<vmem>> -> memref<1x128x2x64xf32, #tpu.memory_space<vmem>>
    %dma_start3A_619 = tpu.memref_squeeze %dma_start3A_618 : memref<1x128x2x64xf32, #tpu.memory_space<vmem>> -> memref<128x2x64xf32, #tpu.memory_space<vmem>>
    tpu.enqueue_dma source(%dma_start3A_619 : memref<128x2x64xf32, #tpu.memory_space<vmem>>) target(%dma_start3A_614 : memref<128x2x64xf32, #tpu.memory_space<hbm>>) target_semaphore(%dma_start3A_611 : memref<!tpu.dma_semaphore, #tpu.memory_space<semaphore_mem>>)
    %add3A_620 = arith.constant 25344 : i32
    %add3A_621 = arith.addi %mul3A_2, %add3A_620 : i32
    %dma_wait3A_622 = arith.constant 0 : i32
    %dma_wait3A_623 = arith.constant 0 : i32
    %dma_wait3A_624 = arith.constant 0 : i32
    %dma_wait3A_625 = arith.constant 0 : i32
    %dma_wait3A_626 = arith.constant 0 : i32
    %dma_wait3A_627 = tpu.memref_slice %arg7[%dma_wait3A_622, %dma_wait3A_624, %dma_wait3A_625, %dma_wait3A_626] : memref<2x128x2x64xf32, #tpu.memory_space<vmem>> -> memref<1x128x2x64xf32, #tpu.memory_space<vmem>>
    %dma_wait3A_628 = tpu.memref_squeeze %dma_wait3A_627 : memref<1x128x2x64xf32, #tpu.memory_space<vmem>> -> memref<128x2x64xf32, #tpu.memory_space<vmem>>
    %dma_wait3A_629 = arith.constant 0 : i32
    %dma_wait3A_630 = arith.constant 0 : i32
    %dma_wait3A_631 = tpu.memref_slice %arg4[%add3A_621, %dma_wait3A_629, %dma_wait3A_630] : memref<819200x2x64xf32, #tpu.memory_space<hbm>> -> memref<128x2x64xf32, #tpu.memory_space<hbm>>
    %dma_wait3A_632 = tpu.memref_slice %arg9[%dma_wait3A_623] : memref<2x!tpu.dma_semaphore, #tpu.memory_space<semaphore_mem>> -> memref<1x!tpu.dma_semaphore, #tpu.memory_space<semaphore_mem>>
    %dma_wait3A_633 = tpu.memref_squeeze %dma_wait3A_632 : memref<1x!tpu.dma_semaphore, #tpu.memory_space<semaphore_mem>> -> memref<!tpu.dma_semaphore, #tpu.memory_space<semaphore_mem>>
    %dma_wait3A_634 = arith.constant 0 : i32
    %dma_wait3A_635 = arith.constant 0 : i32
    %dma_wait3A_636 = tpu.memref_slice %arg4[%add3A_621, %dma_wait3A_634, %dma_wait3A_635] : memref<819200x2x64xf32, #tpu.memory_space<hbm>> -> memref<128x2x64xf32, #tpu.memory_space<hbm>>
    %dma_wait3A_637 = arith.constant 0 : i32
    %dma_wait3A_638 = arith.constant 0 : i32
    %dma_wait3A_639 = arith.constant 0 : i32
    %dma_wait3A_640 = tpu.memref_slice %arg7[%dma_wait3A_622, %dma_wait3A_637, %dma_wait3A_638, %dma_wait3A_639] : memref<2x128x2x64xf32, #tpu.memory_space<vmem>> -> memref<1x128x2x64xf32, #tpu.memory_space<vmem>>
    %dma_wait3A_641 = tpu.memref_squeeze %dma_wait3A_640 : memref<1x128x2x64xf32, #tpu.memory_space<vmem>> -> memref<128x2x64xf32, #tpu.memory_space<vmem>>
    tpu.wait_dma2 semaphore(%dma_wait3A_633 : memref<!tpu.dma_semaphore, #tpu.memory_space<semaphore_mem>>) src(%dma_wait3A_641 : memref<128x2x64xf32, #tpu.memory_space<vmem>>) dst(%dma_wait3A_636 : memref<128x2x64xf32, #tpu.memory_space<hbm>>)
    %add3A_642 = arith.constant 25472 : i32
    %add3A_643 = arith.addi %mul3A_2, %add3A_642 : i32
    %dma_wait3A_644 = arith.constant 1 : i32
    %dma_wait3A_645 = arith.constant 1 : i32
    %dma_wait3A_646 = arith.constant 0 : i32
    %dma_wait3A_647 = arith.constant 0 : i32
    %dma_wait3A_648 = arith.constant 0 : i32
    %dma_wait3A_649 = tpu.memref_slice %arg7[%dma_wait3A_644, %dma_wait3A_646, %dma_wait3A_647, %dma_wait3A_648] : memref<2x128x2x64xf32, #tpu.memory_space<vmem>> -> memref<1x128x2x64xf32, #tpu.memory_space<vmem>>
    %dma_wait3A_650 = tpu.memref_squeeze %dma_wait3A_649 : memref<1x128x2x64xf32, #tpu.memory_space<vmem>> -> memref<128x2x64xf32, #tpu.memory_space<vmem>>
    %dma_wait3A_651 = arith.constant 0 : i32
    %dma_wait3A_652 = arith.constant 0 : i32
    %dma_wait3A_653 = tpu.memref_slice %arg4[%add3A_643, %dma_wait3A_651, %dma_wait3A_652] : memref<819200x2x64xf32, #tpu.memory_space<hbm>> -> memref<128x2x64xf32, #tpu.memory_space<hbm>>
    %dma_wait3A_654 = tpu.memref_slice %arg9[%dma_wait3A_645] : memref<2x!tpu.dma_semaphore, #tpu.memory_space<semaphore_mem>> -> memref<1x!tpu.dma_semaphore, #tpu.memory_space<semaphore_mem>>
    %dma_wait3A_655 = tpu.memref_squeeze %dma_wait3A_654 : memref<1x!tpu.dma_semaphore, #tpu.memory_space<semaphore_mem>> -> memref<!tpu.dma_semaphore, #tpu.memory_space<semaphore_mem>>
    %dma_wait3A_656 = arith.constant 0 : i32
    %dma_wait3A_657 = arith.constant 0 : i32
    %dma_wait3A_658 = tpu.memref_slice %arg4[%add3A_643, %dma_wait3A_656, %dma_wait3A_657] : memref<819200x2x64xf32, #tpu.memory_space<hbm>> -> memref<128x2x64xf32, #tpu.memory_space<hbm>>
    %dma_wait3A_659 = arith.constant 0 : i32
    %dma_wait3A_660 = arith.constant 0 : i32
    %dma_wait3A_661 = arith.constant 0 : i32
    %dma_wait3A_662 = tpu.memref_slice %arg7[%dma_wait3A_644, %dma_wait3A_659, %dma_wait3A_660, %dma_wait3A_661] : memref<2x128x2x64xf32, #tpu.memory_space<vmem>> -> memref<1x128x2x64xf32, #tpu.memory_space<vmem>>
    %dma_wait3A_663 = tpu.memref_squeeze %dma_wait3A_662 : memref<1x128x2x64xf32, #tpu.memory_space<vmem>> -> memref<128x2x64xf32, #tpu.memory_space<vmem>>
    tpu.wait_dma2 semaphore(%dma_wait3A_655 : memref<!tpu.dma_semaphore, #tpu.memory_space<semaphore_mem>>) src(%dma_wait3A_663 : memref<128x2x64xf32, #tpu.memory_space<vmem>>) dst(%dma_wait3A_658 : memref<128x2x64xf32, #tpu.memory_space<hbm>>)
    return
  }
}

</mosaic_0001>

<sc_bundles>
// kernel: kernel.3.cloned.1.call-start
scs
__scs_entry_jumppad:
0x0: {  	(pc) =	sbr.rel $0x88, $3  }
0x1: {  	(tag) =	ssettag $0x0;
	lr =	simm.s32 $0x1  }
0x2: {  	[smem:$0x3F9F] =	sst lr;
	_ =	strace $0xD0000000  }
0x3: {  	_ = 	snop  }
0x4: {  	_ = 	snop  }
0x5: {  	_ = 	snop  }
0x6: {  	_ = 	snop  }
0x7: {  	_ = 	snop  }
__scs_overlays_trampoline_lowered:
0x8: {  	[smem:$0x3FAE] =	sst s0  }
0x9: {  	[smem:$0x3FAF] =	sst s1  }
0xa: {  	[smem:$0x3FB0] =	sst s2  }
0xb: {  	[smem:$0x3FB1] =	sst s3  }
0xc: {  	[smem:$0x3FB2] =	sst s4  }
0xd: {  	[smem:$0x3FB3] =	sst s5  }
0xe: {  	[smem:$0x3FB4] =	sst s6  }
0xf: {  	[smem:$0x3FB5] =	sst s7  }
0x10: {  	[smem:$0x3FB6] =	sst s8  }
0x11: {  	[smem:$0x3FB7] =	sst s9;
	s0 =	simm.s32 @!p0 $0x0  }
0x12: {  	s1 =	sld [smem:$0x3F9D];
	s0 =	simm.s32 @p0 $0x1  }
0x13: {  	[smem:$0x3FB8] =	sst s0;
	s0 =	simm.s32 @!p1 $0x0  }
0x14: {  	s2 =	sld [smem:$0x3F9C];
	s0 =	simm.s32 @p1 $0x1  }
0x15: {  	[smem:$0x3FB9] =	sst s0;
	s0 =	simm.s32 @!p2 $0x0  }
0x16: {  	s3 =	sld [smem:$0x3FDB];
	s0 =	simm.s32 @p2 $0x1  }
0x17: {  	s4 =	simm.s32 $0x1BF5;
	[smem:$0x3FBB] =	sst s0  }
0x18: {  	s0 =	sld [smem:$0x3F9E];
	_ =	swait.ge [sflag:s4], $0x0  }
0x19: {  	s7 =	sld [smem:$0x3F9F]  }
0x1a: {  	s8 =	sadd.s32 $0xFFFFE003, lr  }
0x1b: {  	s9 =	sadd.s32 $0xFFFFFEF7, lr;
	s5 =	simm.s32 $0xFFFFFFFF;
	p2 =	slt.u32 s8, $0xFFFFF086  }
0x1c: {  	p1 =	slt.u32 s9, $0xF7A;
	s5 =	simm.s32 @!p2 $0x0  }
0x1d: {  	s5 =	simm.s32 @p1 $0x1;
	p0 =	seq.s32 s7, s2  }
0x1e: {  	s7 =	smul.u32 @!p0 $0xF7A, s2;
	p2 =	seq.s32 @!p0 s5, $0x0  }
0x1f: {  	s9 =	smul.u32 $0xF7A, s1;
	s8 =	simm.s32 @!p0 $0x1BF5;
	p2 =	por !p2, p0  }
0x20: {  	[sflag:s8] =	ssyncset.s32 @!p0 $0xFFFFF086;
	s6 =	sadd.s32 @!p0 s3, s7;
	s7 =	simm.s32 @!p0 $0x108  }
0x21: {  	s3 =	sadd.s32 s3, s9;
	s6 =	sadd.s32 @!p0 $0x88, s6;
	s7 =	simm.s32 @p2 $0x1082  }
0x22: {  	[simem:s7], [sflag:s8] =	dma.local @!p0 [hbm:s6], $0xF7A  }
0x23: {  	s9 =	sor.u32 $0xD0000000, s2;
	s6 =	simm.s32 $0x108;
	_ =	swait.ge @!p0 [sflag:s8], $0x0  }
0x24: {  	s3 =	sadd.s32 $0x88, s3;
	s6 =	simm.s32 @!p1 $0x1082;
	[sflag:s4] =	ssyncset.s32 $0xFFFFF086  }
0x25: {  	[simem:s6], [sflag:s4] =	dma.local [hbm:s3], $0xF7A  }
0x26: {  	[smem:$0x3F9F] =	sst s1;
	(tag) =	ssettag s2;
	_ =	strace s9  }
0x27: {  	s1 =	sld [smem:$0x3FAF]  }
0x28: {  	s2 =	sld [smem:$0x3FB0]  }
0x29: {  	s4 =	sld [smem:$0x3FB2]  }
0x2a: {  	p0 =	seq.s32 s5, $0x0;
	s5 =	sld [smem:$0x3FB3]  }
0x2b: {  	s6 =	sld [smem:$0x3FB4]  }
0x2c: {  	s7 =	sld [smem:$0x3FB5]  }
0x2d: {  	s3 =	simm.s32 $0x108;
	s8 =	sld [smem:$0x3FB6]  }
0x2e: {  	s3 =	simm.s32 @!p0 $0x1082;
	s9 =	sld [smem:$0x3FB7]  }
0x2f: {  	lr =	sadd.s32 s0, s3;
	s0 =	sld [smem:$0x3FAE]  }
0x30: {  	s3 =	sld [smem:$0x3FB1]  }
0x31: {  	[smem:$0x3FBA] =	sst s10  }
0x32: {  	s10 =	sld [smem:$0x3FB8];
	_ =	sdelay $0x3  }
0x33: {  	p0 =	seq.s32 s10, $0x1;
	s10 =	sld [smem:$0x3FBA];
	_ =	sdelay $0x3  }
0x34: {  	[smem:$0x3FBA] =	sst s10  }
0x35: {  	s10 =	sld [smem:$0x3FB9];
	_ =	sdelay $0x3  }
0x36: {  	p1 =	seq.s32 s10, $0x1;
	s10 =	sld [smem:$0x3FBA];
	_ =	sdelay $0x3  }
0x37: {  	[smem:$0x3FBA] =	sst s10  }
0x38: {  	s10 =	sld [smem:$0x3FBB]  }
0x39: {  	_ = 	snop;
	(pc) =	sbr.ind lr, $3  }
0x3a: {  	_ = 	snop  }
0x3b: {  	_ = 	snop  }
0x3c: {  	p2 =	seq.s32 s10, $0x1;
	s10 =	sld [smem:$0x3FBA]  }
0x3d: {  	_ =	shalt  }
0x3e: {  	_ =	shalt  }
0x3f: {  	_ =	shalt  }
0x40: {  	_ =	shalt  }
0x41: {  	_ =	shalt  }
0x42: {  	_ =	shalt  }
0x43: {  	_ =	shalt  }
0x44: {  	_ =	shalt  }
0x45: {  	_ =	shalt  }
0x46: {  	_ =	shalt  }
0x47: {  	_ =	shalt  }
0x48: {  	_ =	shalt  }
0x49: {  	_ =	shalt  }
0x4a: {  	_ =	shalt  }
0x4b: {  	_ =	shalt  }
0x4c: {  	_ =	shalt  }
0x4d: {  	_ =	shalt  }
0x4e: {  	_ =	shalt  }
0x4f: {  	_ =	shalt  }
0x50: {  	_ =	shalt  }
0x51: {  	_ =	shalt  }
0x52: {  	_ =	shalt  }
0x53: {  	_ =	shalt  }
0x54: {  	_ =	shalt  }
0x55: {  	_ =	shalt  }
0x56: {  	_ =	shalt  }
0x57: {  	_ =	shalt  }
0x58: {  	_ =	shalt  }
0x59: {  	_ =	shalt  }
0x5a: {  	_ =	shalt  }
0x5b: {  	_ =	shalt  }
0x5c: {  	_ =	shalt  }
0x5d: {  	_ =	shalt  }
0x5e: {  	_ =	shalt  }
0x5f: {  	_ =	shalt  }
0x60: {  	_ =	shalt  }
0x61: {  	_ =	shalt  }
0x62: {  	_ =	shalt  }
0x63: {  	_ =	shalt  }
0x64: {  	_ =	shalt  }
0x65: {  	_ =	shalt  }
0x66: {  	_ =	shalt  }
0x67: {  	_ =	shalt  }
0x68: {  	_ =	shalt  }
0x69: {  	_ =	shalt  }
0x6a: {  	_ =	shalt  }
0x6b: {  	_ =	shalt  }
0x6c: {  	_ =	shalt  }
0x6d: {  	_ =	shalt  }
0x6e: {  	_ =	shalt  }
0x6f: {  	_ =	shalt  }
0x70: {  	_ =	shalt  }
0x71: {  	_ =	shalt  }
0x72: {  	_ =	shalt  }
0x73: {  	_ =	shalt  }
0x74: {  	_ =	shalt  }
0x75: {  	_ =	shalt  }
0x76: {  	_ =	shalt  }
0x77: {  	_ =	shalt  }
0x78: {  	_ =	shalt  }
0x79: {  	_ =	shalt  }
0x7a: {  	_ =	shalt  }
0x7b: {  	_ =	shalt  }
0x7c: {  	_ =	shalt  }
0x7d: {  	_ =	shalt  }
0x7e: {  	_ =	shalt  }
0x7f: {  	_ =	shalt  }
0x80: {  	_ =	shalt  }
0x81: {  	_ =	shalt  }
0x82: {  	_ =	shalt  }
0x83: {  	_ =	shalt  }
0x84: {  	_ =	shalt  }
0x85: {  	_ =	shalt  }
0x86: {  	_ =	shalt  }
0x87: {  	_ =	shalt  }
.Lfunc_end0:
.L_simem_size_0:
called_computation.1_lowered:
.L_overlay_start_0:
0x88: {  	s2 =	sld [smem:$0x3FD9]  }
0x89: {  	s3 =	sld [smem:$0x3FFE];
	_ =	sdelay $0x1  }
0x8a: {  	s1 =	srdreg.scid  }
0x8b: {  	s0 =	sand.u32 $0x1, s1  }
0x8c: {  	s17 =	sshll.u32 s0, $0xA;
	s2 =	sadd.s32 s3, s2  }
0x8d: {  	s2 =	sadd.s32 s2, s17  }
0x8e: {  	[smem:$0x3FC6] =	sst s2  }
0x8f: {  	_ = 	snop  }
0x90: {  	s2 =	sld [smem:$0x3FD0];
	(tm) =	ssettm $0x1  }
0x91: {  	s18 =	sld [smem:$0x3FFB];
	_ =	sdelay $0x3  }
0x92: {  	_ =	strace s18  }
0x93: {  	s3 =	sld [smem:$0x3FFC];
	_ =	sdelay $0x3  }
0x94: {  	_ =	strace s3  }
0x95: {  	s3 =	sld [smem:$0x3FFD];
	_ =	sdelay $0x3  }
0x96: {  	_ =	strace s3  }
0x97: {  	_ =	strace $0x8FFFFFFF  }
0x98: {  	s19 =	sld [smem:$0x3FDB];
	_ =	sdelay $0x1  }
0x99: {  	s4 =	simm.s32 $_scs_section_size  }
0x9a: {  	s5 =	simm.s32 $_size__tile_overlayer_lowered;
	s6 =	simm.s32 $_tile_overlayer_lowered  }
0x9b: {  	s22 =	simm.s32 $0x1BFF;
	s21 =	sshll.u32 s6, $0x1;
	s3 =	sadd.s32 s4, s19  }
0x9c: {  	s7 =	simm.s32 $0x0;
	s20 =	sshll.u32 s5, $0x1;
	s5 =	sadd.s32 s21, s3  }
0x9d: {  	[timem:s7], [sflag:s22] =	dma.local [hbm:s5], s20  }
0x9e: {  	_ =	swait.ge [sflag:s22], s20  }
0x9f: {  	s4 =	ssub.s32 $0x0, s20;
	[sflag:s22] =	ssyncset.done $0x0  }
0xa0: {  	[sflag:s22] =	ssyncadd.s32 s4;
	_ =	sdelay $0x1  }
0xa1: {  	s23 =	simm.s32 $0x1B8B  }
0xa2: {  	_ =	swait.ge [sflag:s23], $0x1  }
0xa3: {  	[sflag:s23] =	ssyncset.done $0x0  }
0xa4: {  	s25 =	simm.s32 $0x1B8E;
	s24 =	sld [smem:$0x3FFE];
	[sflag:s23] =	ssyncadd.s32 $0xFFFFFFFF  }
0xa5: {  	s26 =	simm.s32 $execute0_lowered;
	[smem:$0x3FD2] =	sst s25  }
0xa6: {  	s5 =	sshll.u32 s26, $0x1;
	_ =	strace $0x80000046;
	[dreg:$0x1] =	wrdreg $0xFFFFFFFF  }
0xa7: {  	s28 =	simm.s32 $_size_execute0_lowered;
	s3 =	sadd.s32 s3, s5;
	[dreg:$0x0] =	wrdreg $0x0  }
0xa8: {  	s5 =	sshll.u32 s28, $0x1;
	[dreg:$0x2] =	wrdreg s3  }
0xa9: {  	[dreg:$0x3] =	wrdreg s5  }
0xaa: {  	[dreg:$0x4] =	wrdreg $0xC0  }
0xab: {  	_ =	task [dreg:s7], $0x5FFFF  }
0xac: {  	[dreg:$0x1] =	wrdreg $0xFFFFFFFF  }
0xad: {  	[dreg:$0x0] =	wrdreg $0x60  }
0xae: {  	[dreg:$0x2] =	wrdreg s2  }
0xaf: {  	[dreg:$0x3] =	wrdreg s24  }
0xb0: {  	[dreg:$0x4] =	wrdreg $0x9  }
0xb1: {  	_ =	task.clear_ibuf [dreg:s7], $0x5FFFF;
	_ =	strace $0x90000046  }
0xb2: {  	s29 =	simm.s32 $0x9;
	_ =	strace $0x80000048  }
0xb3: {  	_ =	swait.ge [sflag:s29], $0x1  }
0xb4: {  	[sflag:s29] =	ssyncadd.s32 $0xFFFFFFFF  }
0xb5: {  	_ =	strace $0x90000048  }
0xb6: {  	_ =	sfence  }
0xb7: {  	s30 =	sld [smem:$0x0];
	_ =	sdelay $0x2  }
0xb8: {  	s31 =	sshll.u32 s1, $0xD;
	s1 =	sshrl.u32 s1, $0x2  }
0xb9: {  	s3 =	sand.u32 $0x4000, s31;
	s1 =	sadd.s32 s1, s30  }
0xba: {  	s0 =	sor.u32 s3, s0;
	s1 =	sshll.u32 s1, $0x11  }
0xbb: {  	s0 =	sor.u32 s1, s0  }
0xbc: {  	s0 =	sadd.s32 $0x8F2B, s0  }
0xbd: {  	[sflag:s0] =	ssyncadd.remote.s32 $0x1  }
0xbe: {  	_ =	sfence.sel $0xFFFF  }
0xbf: {  	[dreg:$0x0] =	wrdreg $0xFFFFFFFF;
	(pc) =	sbr.abs _section_cstart, $3  }
0xc0: {  	[dreg:$0x1] =	wrdreg $0xFFFFFFFF  }
0xc1: {  	_ =	task.clear_ibuf [dreg:s7], $0x2FFFF;
	_ =	strace $0x9FFFFFFF  }
0xc2: {  	(tm) =	ssettm $0x7FFFFFFF  }
0xc3: {  	_ =	shalt  }
tec
execute0_lowered:
.L_overlay_start_1:
0x0: {  	(tag) =	ssettag $0x1  }
0x1: {  	s0 =	rddreg [dreg:$0x0]  }
0x2: {  	s1 =	rddreg [dreg:$0x1]  }
0x3: {  	s3 =	srdreg.scid;
	s4 =	stileid.u32;
	s2 =	simm.s32 $0x0  }
0x4: {  	s14 =	simm.s32 $0x16400;
	s15 =	simm.s32 $0x2;
	s16 =	simm.s32 $0x1A400  }
0x5: {  	s17 =	simm.s32 $0x3;
	s18 =	simm.s32 $0x9;
	s19 =	simm.s32 $0x4  }
0x6: {  	s3 =	sand.u32 $0x1, s3;
	s4 =	sshll.u32 s4, $0x1;
	[smem:$0x7FF] =	sst s2  }
0x7: {  	s5 =	sor.u32 s3, s4;
	_ =	strace $0x80000047;
	s6 =	ssub.s32 $0x2, s3  }
0x8: {  	s3 =	sadd.s32 $0xF42C00, s1;
	s13 =	smul.u32 $0x6400, s5;
	s20 =	sshrl.u32 s6, $0x1  }
0x9: {  	s4 =	sadd.s32 $0x800, s1;
	s5 =	smul.u32 $0x320000, s5;
	s1 =	ssub.s32 s6, s20  }
0xa: {  	s6 =	simm.s32 $0x1;
	s20 =	simm.s32 $0xA;
	s21 =	sshrl.u32 s13, $0x3  }
0xb: {  	s7 =	sor.u32 $0x80, s13;
	s22 =	sshrl.u32 s5, $0x3;
	s0 =	sadd.s32 s0, s21  }
0xc: {  	s31 =	smax.u32 s1, $0x1;
	[dreg:$0x3] =	wrdreg s0;
	s0 =	sadd.s32 s4, s22  }
0xd: {  	s8 =	sor.u32 $0x100, s13;
	[dreg:$0xc] =	wrdreg s31;
	s23 =	sadd.s32 $0x60000, s0  }
0xe: {  	s9 =	sor.u32 $0x180, s13;
	s24 =	sadd.s32 $0x60800, s0;
	[dreg:$0x4] =	wrdreg s23  }
0xf: {  	s10 =	sor.u32 $0x200, s13;
	s25 =	sadd.s32 $0x61000, s0;
	[dreg:$0x5] =	wrdreg s24  }
0x10: {  	s11 =	sor.u32 $0x280, s13;
	s26 =	sadd.s32 $0x61800, s0;
	[dreg:$0x6] =	wrdreg s25  }
0x11: {  	s12 =	sor.u32 $0x300, s13;
	s28 =	sadd.s32 $0x62000, s0;
	[dreg:$0x7] =	wrdreg s26  }
0x12: {  	s13 =	sor.u32 $0x380, s13;
	s29 =	sadd.s32 $0x62800, s0;
	[dreg:$0x8] =	wrdreg s28  }
0x13: {  	s21 =	simm.s32 $0x5;
	s30 =	sadd.s32 $0x63000, s0;
	[dreg:$0x9] =	wrdreg s29  }
0x14: {  	s22 =	simm.s32 $0x6;
	s0 =	sadd.s32 $0x63800, s0;
	[dreg:$0xa] =	wrdreg s30  }
0x15: {  	[dreg:$0xb] =	wrdreg s0;
	s24 =	simm.s32 $0x80;
	s0 =	simm.s32 $0x14400  }
0x16: {  	s23 =	simm.s32 $0x7;
	s25 =	simm.s32 $0x8;
	s26 =	simm.s32 $0x0  }
.LBB2_1:
0x17: {  	[dreg:$0xd] =	wrdreg s26  }
0x18: {  	s1 =	rddreg [dreg:$0x3];
	s26 =	simm.s32 $0xB  }
0x19: {  	[tilespmem:s2], [sflag:$0xB] =	stream.linear.gather [hbm4b:s1+s2], $0x6400, $0x38;
	[tilespmem:$0x1E400] =	vst v63  }
0x1a: {  	_ =	swait.ge [sflag:s26], $0x6400  }
0x1b: {  	[sflag:s26] =	ssyncset.done $0x0  }
0x1c: {  	s28 =	simm.s32 $0x6400;
	[sflag:s26] =	ssyncadd.s32 $0xFFFF9C00  }
0x1d: {  	[tilespmem:s28], [sflag:$0x1] =	stream.indirect.gather [hbm4b:s3+s24], $0x40, s2, s24, $0xb8;
	[tilespmem:$0x1E400] =	vst v63  }
0x1e: {  	s29 =	simm.s32 $0x8400  }
0x1f: {  	[tilespmem:s29], [sflag:$0x2] =	stream.indirect.gather [hbm4b:s3+s24], $0x40, s24, s24, $0xb8;
	[tilespmem:$0x1E400] =	vst v63  }
0x20: {  	s30 =	simm.s32 $0x100;
	s31 =	simm.s32 $0xA400  }
0x21: {  	[tilespmem:s31], [sflag:$0x3] =	stream.indirect.gather [hbm4b:s3+s24], $0x40, s30, s24, $0xb8;
	[tilespmem:$0x1E400] =	vst v63  }
0x22: {  	s28 =	simm.s32 $0x180;
	s29 =	simm.s32 $0xC400  }
0x23: {  	[tilespmem:s29], [sflag:$0x4] =	stream.indirect.gather [hbm4b:s3+s24], $0x40, s28, s24, $0xb8;
	[tilespmem:$0x1E400] =	vst v63  }
0x24: {  	s30 =	simm.s32 $0x200;
	s31 =	simm.s32 $0xE400  }
0x25: {  	[tilespmem:s31], [sflag:$0x5] =	stream.indirect.gather [hbm4b:s3+s24], $0x40, s30, s24, $0xb8;
	[tilespmem:$0x1E400] =	vst v63  }
0x26: {  	s26 =	simm.s32 $0x280;
	s28 =	simm.s32 $0x10400  }
0x27: {  	[tilespmem:s28], [sflag:$0x6] =	stream.indirect.gather [hbm4b:s3+s24], $0x40, s26, s24, $0xb8;
	[tilespmem:$0x1E400] =	vst v63  }
0x28: {  	s29 =	simm.s32 $0x300;
	s30 =	simm.s32 $0x12400  }
0x29: {  	[tilespmem:s30], [sflag:$0x7] =	stream.indirect.gather [hbm4b:s3+s24], $0x40, s29, s24, $0xb8;
	[tilespmem:$0x1E400] =	vst v63  }
0x2a: {  	s31 =	simm.s32 $0x380;
	s26 =	simm.s32 $0x0  }
0x2b: {  	[tilespmem:s0], [sflag:$0x8] =	stream.indirect.gather [hbm4b:s3+s24], $0x40, s31, s24, $0xb8;
	[tilespmem:$0x1E400] =	vst v63  }
.LBB2_2:
0x2c: {  	_ =	swait.ge [sflag:s6], $0x2000  }
0x2d: {  	p0 =	seq.s32 s26, $0x0;
	[sflag:s6] =	ssyncset.done $0x0  }
0x2e: {  	s1 =	simm.s32 @!p0 $0x9;
	[sflag:s6] =	ssyncadd.s32 $0xFFFFE000  }
0x2f: {  	_ =	swait.ge @!p0 [sflag:s1], $0x4000  }
0x30: {  	[sflag:s1] =	ssyncset.done @!p0 $0x0  }
0x31: {  	s28 =	simm.s32 $0x6500;
	[sflag:s1] =	ssyncadd.s32 @!p0 $0xFFFFC000  }
0x32: {  	v0 =	vld [tilespmem:s28+$0xC0]  }
0x33: {  	v1 =	vld [tilespmem:s28+$0xFFFFFF40]  }
0x34: {  	v2 =	vld [tilespmem:s28+$0xFFFFFF80]  }
0x35: {  	v3 =	vld [tilespmem:s28+$0xFFFFFFC0]  }
0x36: {  	v4 =	vld [tilespmem:s28+$0x0]  }
0x37: {  	v5 =	vld [tilespmem:s28+$0x40];
	v0 =	vmul.f32 $8.000000000e+00, v0  }
0x38: {  	s29 =	simm.s32 $0x16600;
	v6 =	vld [tilespmem:s28+$0x80];
	v1 =	vmul.f32 $8.000000000e+00, v1  }
0x39: {  	v7 =	vld [tilespmem:s28+$0xFFFFFF00];
	v2 =	vmul.f32 $8.000000000e+00, v2;
	[tilespmem:s29+$0x180] =	vst v0  }
0x3a: {  	[tilespmem:s29+$0xFFFFFE80] =	vst v1;
	v0 =	vmul.f32 $8.000000000e+00, v3;
	v1 =	vld [tilespmem:s28+$0xD0]  }
0x3b: {  	[tilespmem:s29+$0xFFFFFF00] =	vst v2;
	v2 =	vmul.f32 $8.000000000e+00, v4;
	v3 =	vld [tilespmem:s28+$0xFFFFFF50]  }
0x3c: {  	v4 =	vld [tilespmem:s28+$0xFFFFFF90];
	[tilespmem:s29+$0xFFFFFF80] =	vst v0;
	v0 =	vmul.f32 $8.000000000e+00, v5  }
0x3d: {  	[tilespmem:s29+$0x0] =	vst v2;
	v2 =	vmul.f32 $8.000000000e+00, v6;
	v5 =	vld [tilespmem:s28+$0xFFFFFFD0]  }
0x3e: {  	v6 =	vmul.f32 $8.000000000e+00, v7;
	v7 =	vld [tilespmem:s28+$0x10];
	[tilespmem:s29+$0x80] =	vst v0  }
0x3f: {  	[tilespmem:s29+$0x100] =	vst v2;
	v0 =	vld [tilespmem:s28+$0x50];
	v1 =	vmul.f32 $8.000000000e+00, v1  }
0x40: {  	[tilespmem:s29+$0xFFFFFE00] =	vst v6;
	v2 =	vmul.f32 $8.000000000e+00, v3;
	v3 =	vld [tilespmem:s28+$0x90]  }
0x41: {  	v6 =	vld [tilespmem:s28+$0xFFFFFF10];
	v4 =	vmul.f32 $8.000000000e+00, v4;
	[tilespmem:s29+$0x190] =	vst v1  }
0x42: {  	[tilespmem:s29+$0xFFFFFE90] =	vst v2;
	v1 =	vmul.f32 $8.000000000e+00, v5;
	v2 =	vld [tilespmem:s28+$0xE0]  }
0x43: {  	[tilespmem:s29+$0xFFFFFF10] =	vst v4;
	v4 =	vmul.f32 $8.000000000e+00, v7;
	v5 =	vld [tilespmem:s28+$0xFFFFFF60]  }
0x44: {  	v7 =	vld [tilespmem:s28+$0xFFFFFFA0];
	[tilespmem:s29+$0xFFFFFF90] =	vst v1;
	v0 =	vmul.f32 $8.000000000e+00, v0  }
0x45: {  	[tilespmem:s29+$0x10] =	vst v4;
	v1 =	vld [tilespmem:s28+$0xFFFFFFE0];
	v3 =	vmul.f32 $8.000000000e+00, v3  }
0x46: {  	v4 =	vmul.f32 $8.000000000e+00, v6;
	v6 =	vld [tilespmem:s28+$0x20];
	[tilespmem:s29+$0x90] =	vst v0  }
0x47: {  	v0 =	vld [tilespmem:s28+$0x60];
	[tilespmem:s29+$0x110] =	vst v3;
	v2 =	vmul.f32 $8.000000000e+00, v2  }
0x48: {  	[tilespmem:s29+$0xFFFFFE10] =	vst v4;
	v3 =	vmul.f32 $8.000000000e+00, v5;
	v4 =	vld [tilespmem:s28+$0xA0]  }
0x49: {  	v5 =	vld [tilespmem:s28+$0xFFFFFF20];
	v7 =	vmul.f32 $8.000000000e+00, v7;
	[tilespmem:s29+$0x1A0] =	vst v2  }
0x4a: {  	[tilespmem:s29+$0xFFFFFEA0] =	vst v3;
	v1 =	vmul.f32 $8.000000000e+00, v1;
	v3 =	vld [tilespmem:s28+$0xF0]  }
0x4b: {  	[tilespmem:s29+$0xFFFFFF20] =	vst v7;
	v2 =	vmul.f32 $8.000000000e+00, v6;
	v8 =	vld [tilespmem:s28+$0xFFFFFF70]  }
0x4c: {  	v7 =	vld [tilespmem:s28+$0xFFFFFFB0];
	[tilespmem:s29+$0xFFFFFFA0] =	vst v1;
	v1 =	vmul.f32 $8.000000000e+00, v0  }
0x4d: {  	[tilespmem:s29+$0x20] =	vst v2;
	v0 =	vld [tilespmem:s28+$0xFFFFFFF0];
	v4 =	vmul.f32 $8.000000000e+00, v4  }
0x4e: {  	v5 =	vmul.f32 $8.000000000e+00, v5;
	v2 =	vld [tilespmem:s28+$0x30];
	[tilespmem:s29+$0xA0] =	vst v1  }
0x4f: {  	v1 =	vld [tilespmem:s28+$0x70];
	[tilespmem:s29+$0x120] =	vst v4;
	v9 =	vmul.f32 $8.000000000e+00, v3  }
0x50: {  	[tilespmem:s29+$0xFFFFFE20] =	vst v5;
	v3 =	vld [tilespmem:s28+$0xB0];
	v6 =	vmul.f32 $8.000000000e+00, v8  }
0x51: {  	s30 =	simm.s32 $0x6700;
	s1 =	simm.s32 $0x0;
	v4 =	vld [tilespmem:s28+$0xFFFFFF30];
	v5 =	vmul.f32 $8.000000000e+00, v7;
	[tilespmem:s29+$0x1B0] =	vst v9  }
.LBB2_3:
0x52: {  	v7 =	vld [tilespmem:s30+$0xC0];
	s1 =	sadd.s32 $0x8, s1;
	[tilespmem:s29+$0xFFFFFEB0] =	vst v6;
	v0 =	vmul.f32 $8.000000000e+00, v0  }
0x53: {  	v6 =	vld [tilespmem:s30+$0xFFFFFF40];
	p1 =	slt.u32 s1, $0x78;
	[tilespmem:s29+$0xFFFFFF30] =	vst v5;
	v2 =	vmul.f32 $8.000000000e+00, v2  }
0x54: {  	v5 =	vld [tilespmem:s30+$0xFFFFFF80];
	[tilespmem:s29+$0xFFFFFFB0] =	vst v0;
	v0 =	vmul.f32 $8.000000000e+00, v1  }
0x55: {  	v1 =	vld [tilespmem:s30+$0xFFFFFFC0];
	[tilespmem:s29+$0x30] =	vst v2;
	v2 =	vmul.f32 $8.000000000e+00, v3  }
0x56: {  	v3 =	vld [tilespmem:s30+$0x0];
	v4 =	vmul.f32 $8.000000000e+00, v4;
	[tilespmem:s29+$0xB0] =	vst v0  }
0x57: {  	v0 =	vld [tilespmem:s30+$0x40];
	v7 =	vmul.f32 $8.000000000e+00, v7;
	[tilespmem:s29+$0x130] =	vst v2  }
0x58: {  	v2 =	vmul.f32 $8.000000000e+00, v6;
	v6 =	vld [tilespmem:s30+$0x80];
	[tilespmem:s29+$0xFFFFFE30] =	vst v4;
	s29 =	sadd.s32 $0x400, s29  }
0x59: {  	v4 =	vld [tilespmem:s30+$0xFFFFFF00];
	v5 =	vmul.f32 $8.000000000e+00, v5;
	[tilespmem:s29+$0x180] =	vst v7  }
0x5a: {  	[tilespmem:s29+$0xFFFFFE80] =	vst v2;
	v1 =	vmul.f32 $8.000000000e+00, v1;
	v2 =	vld [tilespmem:s30+$0xD0]  }
0x5b: {  	v7 =	vld [tilespmem:s30+$0xFFFFFF50];
	[tilespmem:s29+$0xFFFFFF00] =	vst v5;
	v3 =	vmul.f32 $8.000000000e+00, v3  }
0x5c: {  	v5 =	vld [tilespmem:s30+$0xFFFFFF90];
	[tilespmem:s29+$0xFFFFFF80] =	vst v1;
	v0 =	vmul.f32 $8.000000000e+00, v0  }
0x5d: {  	v1 =	vld [tilespmem:s30+$0xFFFFFFD0];
	[tilespmem:s29+$0x0] =	vst v3;
	v3 =	vmul.f32 $8.000000000e+00, v6  }
0x5e: {  	v4 =	vmul.f32 $8.000000000e+00, v4;
	v6 =	vld [tilespmem:s30+$0x10];
	[tilespmem:s29+$0x80] =	vst v0  }
0x5f: {  	v0 =	vld [tilespmem:s30+$0x50];
	[tilespmem:s29+$0x100] =	vst v3;
	v2 =	vmul.f32 $8.000000000e+00, v2  }
0x60: {  	[tilespmem:s29+$0xFFFFFE00] =	vst v4;
	v3 =	vmul.f32 $8.000000000e+00, v7;
	v4 =	vld [tilespmem:s30+$0x90]  }
0x61: {  	v7 =	vld [tilespmem:s30+$0xFFFFFF10];
	v5 =	vmul.f32 $8.000000000e+00, v5;
	[tilespmem:s29+$0x190] =	vst v2  }
0x62: {  	[tilespmem:s29+$0xFFFFFE90] =	vst v3;
	v1 =	vmul.f32 $8.000000000e+00, v1;
	v2 =	vld [tilespmem:s30+$0xE0]  }
0x63: {  	v3 =	vld [tilespmem:s30+$0xFFFFFF60];
	[tilespmem:s29+$0xFFFFFF10] =	vst v5;
	v5 =	vmul.f32 $8.000000000e+00, v6  }
0x64: {  	v6 =	vld [tilespmem:s30+$0xFFFFFFA0];
	[tilespmem:s29+$0xFFFFFF90] =	vst v1;
	v0 =	vmul.f32 $8.000000000e+00, v0  }
0x65: {  	v1 =	vld [tilespmem:s30+$0xFFFFFFE0];
	[tilespmem:s29+$0x10] =	vst v5;
	v4 =	vmul.f32 $8.000000000e+00, v4  }
0x66: {  	v5 =	vmul.f32 $8.000000000e+00, v7;
	v7 =	vld [tilespmem:s30+$0x20];
	[tilespmem:s29+$0x90] =	vst v0  }
0x67: {  	v0 =	vld [tilespmem:s30+$0x60];
	[tilespmem:s29+$0x110] =	vst v4;
	v2 =	vmul.f32 $8.000000000e+00, v2  }
0x68: {  	[tilespmem:s29+$0xFFFFFE10] =	vst v5;
	v3 =	vmul.f32 $8.000000000e+00, v3;
	v4 =	vld [tilespmem:s30+$0xA0]  }
0x69: {  	v5 =	vld [tilespmem:s30+$0xFFFFFF20];
	v6 =	vmul.f32 $8.000000000e+00, v6;
	[tilespmem:s29+$0x1A0] =	vst v2  }
0x6a: {  	[tilespmem:s29+$0xFFFFFEA0] =	vst v3;
	v1 =	vmul.f32 $8.000000000e+00, v1;
	v3 =	vld [tilespmem:s30+$0xF0]  }
0x6b: {  	v8 =	vld [tilespmem:s30+$0xFFFFFF70];
	[tilespmem:s29+$0xFFFFFF20] =	vst v6;
	v2 =	vmul.f32 $8.000000000e+00, v7  }
0x6c: {  	v7 =	vld [tilespmem:s30+$0xFFFFFFB0];
	[tilespmem:s29+$0xFFFFFFA0] =	vst v1;
	v1 =	vmul.f32 $8.000000000e+00, v0  }
.Ltmp0:
0x6d: {  	v0 =	vld [tilespmem:s30+$0xFFFFFFF0];
	[tilespmem:s29+$0x20] =	vst v2;
	v4 =	vmul.f32 $8.000000000e+00, v4;
	(pc) =	sbr.rel @p1 .LBB2_3-.Ltmp0, $4  }
0x6e: {  	v5 =	vmul.f32 $8.000000000e+00, v5;
	v2 =	vld [tilespmem:s30+$0x30];
	[tilespmem:s29+$0xA0] =	vst v1  }
0x6f: {  	v1 =	vld [tilespmem:s30+$0x70];
	[tilespmem:s29+$0x120] =	vst v4;
	v9 =	vmul.f32 $8.000000000e+00, v3  }
0x70: {  	[tilespmem:s29+$0xFFFFFE20] =	vst v5;
	v6 =	vmul.f32 $8.000000000e+00, v8;
	v3 =	vld [tilespmem:s30+$0xB0]  }
0x71: {  	v4 =	vld [tilespmem:s30+$0xFFFFFF30];
	v5 =	vmul.f32 $8.000000000e+00, v7;
	[tilespmem:s29+$0x1B0] =	vst v9;
	s30 =	sadd.s32 $0x200, s30  }
0x72: {  	[tilespmem:s29+$0xFFFFFEB0] =	vst v6;
	v0 =	vmul.f32 $8.000000000e+00, v0  }
0x73: {  	[tilespmem:s29+$0xFFFFFF30] =	vst v5;
	v2 =	vmul.f32 $8.000000000e+00, v2  }
0x74: {  	[tilespmem:s29+$0xFFFFFFB0] =	vst v0;
	v0 =	vmul.f32 $8.000000000e+00, v1  }
0x75: {  	s1 =	sshll.u32 s26, $0x11;
	[tilespmem:s29+$0x30] =	vst v2;
	v1 =	vmul.f32 $8.000000000e+00, v3  }
0x76: {  	s1 =	sadd.s32 s5, s1;
	v2 =	vmul.f32 $8.000000000e+00, v4;
	[tilespmem:s29+$0xB0] =	vst v0  }
0x77: {  	s31 =	sshll.u32 s26, $0xA;
	s1 =	sshrl.u32 s1, $0x3;
	[tilespmem:s29+$0x130] =	vst v1  }
0x78: {  	s1 =	sadd.s32 s4, s1;
	[tilespmem:s29+$0xFFFFFE30] =	vst v2;
	s29 =	sand.u32 $0x3FFFFC00, s31  }
0x79: {  	[hbm4b:s1+s2] =	stream.linear.scatter [tilespmem:s14], [sflag:$0x9], $0x4000, $0x38;
	[tilespmem:$0x1E400] =	vst v63  }
0x7a: {  	s28 =	simm.s32 $0x6400;
	s1 =	sadd.s32 $0x400, s29  }
0x7b: {  	[tilespmem:s28], [sflag:$0x1] =	stream.indirect.gather [hbm4b:s3+s24], $0x40, s1, s24, $0xb8;
	[tilespmem:$0x1E400] =	vst v63  }
0x7c: {  	_ =	swait.ge [sflag:s15], $0x2000  }
0x7d: {  	[sflag:s15] =	ssyncset.done $0x0  }
0x7e: {  	s1 =	simm.s32 @!p0 $0xA;
	[sflag:s15] =	ssyncadd.s32 $0xFFFFE000  }
0x7f: {  	_ =	swait.ge @!p0 [sflag:s1], $0x4000  }
0x80: {  	[sflag:s1] =	ssyncset.done @!p0 $0x0  }
0x81: {  	s28 =	simm.s32 $0x85F0;
	[sflag:s1] =	ssyncadd.s32 @!p0 $0xFFFFC000  }
0x82: {  	v0 =	vld [tilespmem:s28+$0xFFFFFFD0]  }
0x83: {  	v1 =	vld [tilespmem:s28+$0xFFFFFE50]  }
0x84: {  	v2 =	vld [tilespmem:s28+$0xFFFFFE90]  }
0x85: {  	v3 =	vld [tilespmem:s28+$0xFFFFFED0]  }
0x86: {  	v4 =	vld [tilespmem:s28+$0xFFFFFF10]  }
0x87: {  	v5 =	vld [tilespmem:s28+$0xFFFFFF50];
	v0 =	vmul.f32 $8.000000000e+00, v0  }
0x88: {  	s1 =	simm.s32 $0x1A7B0;
	v6 =	vld [tilespmem:s28+$0xFFFFFF90];
	v1 =	vmul.f32 $8.000000000e+00, v1  }
0x89: {  	v7 =	vld [tilespmem:s28+$0xFFFFFE10];
	v2 =	vmul.f32 $8.000000000e+00, v2;
	[tilespmem:s1+$0xFFFFFFD0] =	vst v0  }
0x8a: {  	[tilespmem:s1+$0xFFFFFCD0] =	vst v1;
	v0 =	vmul.f32 $8.000000000e+00, v3;
	v1 =	vld [tilespmem:s28+$0xFFFFFFE0]  }
0x8b: {  	[tilespmem:s1+$0xFFFFFD50] =	vst v2;
	v2 =	vmul.f32 $8.000000000e+00, v4;
	v3 =	vld [tilespmem:s28+$0xFFFFFE60]  }
0x8c: {  	v4 =	vld [tilespmem:s28+$0xFFFFFEA0];
	[tilespmem:s1+$0xFFFFFDD0] =	vst v0;
	v0 =	vmul.f32 $8.000000000e+00, v5  }
0x8d: {  	[tilespmem:s1+$0xFFFFFE50] =	vst v2;
	v2 =	vmul.f32 $8.000000000e+00, v6;
	v5 =	vld [tilespmem:s28+$0xFFFFFEE0]  }
0x8e: {  	v6 =	vmul.f32 $8.000000000e+00, v7;
	v7 =	vld [tilespmem:s28+$0xFFFFFF20];
	[tilespmem:s1+$0xFFFFFED0] =	vst v0  }
0x8f: {  	[tilespmem:s1+$0xFFFFFF50] =	vst v2;
	v0 =	vld [tilespmem:s28+$0xFFFFFF60];
	v1 =	vmul.f32 $8.000000000e+00, v1  }
0x90: {  	[tilespmem:s1+$0xFFFFFC50] =	vst v6;
	v2 =	vmul.f32 $8.000000000e+00, v3;
	v3 =	vld [tilespmem:s28+$0xFFFFFFA0]  }
0x91: {  	v6 =	vld [tilespmem:s28+$0xFFFFFE20];
	v4 =	vmul.f32 $8.000000000e+00, v4;
	[tilespmem:s1+$0xFFFFFFE0] =	vst v1  }
0x92: {  	[tilespmem:s1+$0xFFFFFCE0] =	vst v2;
	v1 =	vmul.f32 $8.000000000e+00, v5;
	v2 =	vld [tilespmem:s28+$0xFFFFFFF0]  }
0x93: {  	[tilespmem:s1+$0xFFFFFD60] =	vst v4;
	v4 =	vmul.f32 $8.000000000e+00, v7;
	v5 =	vld [tilespmem:s28+$0xFFFFFE70]  }
0x94: {  	v7 =	vld [tilespmem:s28+$0xFFFFFEB0];
	[tilespmem:s1+$0xFFFFFDE0] =	vst v1;
	v0 =	vmul.f32 $8.000000000e+00, v0  }
0x95: {  	[tilespmem:s1+$0xFFFFFE60] =	vst v4;
	v1 =	vld [tilespmem:s28+$0xFFFFFEF0];
	v3 =	vmul.f32 $8.000000000e+00, v3  }
0x96: {  	v4 =	vmul.f32 $8.000000000e+00, v6;
	v6 =	vld [tilespmem:s28+$0xFFFFFF30];
	[tilespmem:s1+$0xFFFFFEE0] =	vst v0  }
0x97: {  	v0 =	vld [tilespmem:s28+$0xFFFFFF70];
	[tilespmem:s1+$0xFFFFFF60] =	vst v3;
	v2 =	vmul.f32 $8.000000000e+00, v2  }
0x98: {  	[tilespmem:s1+$0xFFFFFC60] =	vst v4;
	v3 =	vmul.f32 $8.000000000e+00, v5;
	v4 =	vld [tilespmem:s28+$0xFFFFFFB0]  }
0x99: {  	v5 =	vld [tilespmem:s28+$0xFFFFFE30];
	v7 =	vmul.f32 $8.000000000e+00, v7;
	[tilespmem:s1+$0xFFFFFFF0] =	vst v2  }
0x9a: {  	[tilespmem:s1+$0xFFFFFCF0] =	vst v3;
	v1 =	vmul.f32 $8.000000000e+00, v1;
	v3 =	vld [tilespmem:s28+$0x0]  }
0x9b: {  	[tilespmem:s1+$0xFFFFFD70] =	vst v7;
	v2 =	vmul.f32 $8.000000000e+00, v6;
	v8 =	vld [tilespmem:s28+$0xFFFFFE80]  }
0x9c: {  	v7 =	vld [tilespmem:s28+$0xFFFFFEC0];
	[tilespmem:s1+$0xFFFFFDF0] =	vst v1;
	v1 =	vmul.f32 $8.000000000e+00, v0  }
0x9d: {  	[tilespmem:s1+$0xFFFFFE70] =	vst v2;
	v0 =	vld [tilespmem:s28+$0xFFFFFF00];
	v4 =	vmul.f32 $8.000000000e+00, v4  }
0x9e: {  	v5 =	vmul.f32 $8.000000000e+00, v5;
	v2 =	vld [tilespmem:s28+$0xFFFFFF40];
	[tilespmem:s1+$0xFFFFFEF0] =	vst v1  }
0x9f: {  	v1 =	vld [tilespmem:s28+$0xFFFFFF80];
	[tilespmem:s1+$0xFFFFFF70] =	vst v4;
	v9 =	vmul.f32 $8.000000000e+00, v3  }
0xa0: {  	[tilespmem:s1+$0xFFFFFC70] =	vst v5;
	v3 =	vld [tilespmem:s28+$0xFFFFFFC0];
	v6 =	vmul.f32 $8.000000000e+00, v8  }
0xa1: {  	s30 =	simm.s32 $0x0;
	v4 =	vld [tilespmem:s28+$0xFFFFFE40];
	v5 =	vmul.f32 $8.000000000e+00, v7;
	s28 =	simm.s32 $0x87F0;
	[tilespmem:s1+$0x0] =	vst v9  }
.LBB2_5:
0xa2: {  	v7 =	vld [tilespmem:s28+$0xFFFFFFD0];
	s30 =	sadd.s32 $0x8, s30;
	[tilespmem:s1+$0xFFFFFD00] =	vst v6;
	v0 =	vmul.f32 $8.000000000e+00, v0  }
0xa3: {  	v6 =	vld [tilespmem:s28+$0xFFFFFE50];
	p0 =	slt.u32 s30, $0x78;
	[tilespmem:s1+$0xFFFFFD80] =	vst v5;
	v2 =	vmul.f32 $8.000000000e+00, v2  }
0xa4: {  	v5 =	vld [tilespmem:s28+$0xFFFFFE90];
	[tilespmem:s1+$0xFFFFFE00] =	vst v0;
	v0 =	vmul.f32 $8.000000000e+00, v1  }
0xa5: {  	v1 =	vld [tilespmem:s28+$0xFFFFFED0];
	[tilespmem:s1+$0xFFFFFE80] =	vst v2;
	v2 =	vmul.f32 $8.000000000e+00, v3  }
0xa6: {  	v3 =	vld [tilespmem:s28+$0xFFFFFF10];
	v4 =	vmul.f32 $8.000000000e+00, v4;
	[tilespmem:s1+$0xFFFFFF00] =	vst v0  }
0xa7: {  	v0 =	vld [tilespmem:s28+$0xFFFFFF50];
	v7 =	vmul.f32 $8.000000000e+00, v7;
	[tilespmem:s1+$0xFFFFFF80] =	vst v2  }
0xa8: {  	v2 =	vmul.f32 $8.000000000e+00, v6;
	v6 =	vld [tilespmem:s28+$0xFFFFFF90];
	[tilespmem:s1+$0xFFFFFC80] =	vst v4;
	s1 =	sadd.s32 $0x400, s1  }
0xa9: {  	v4 =	vld [tilespmem:s28+$0xFFFFFE10];
	v5 =	vmul.f32 $8.000000000e+00, v5;
	[tilespmem:s1+$0xFFFFFFD0] =	vst v7  }
0xaa: {  	[tilespmem:s1+$0xFFFFFCD0] =	vst v2;
	v1 =	vmul.f32 $8.000000000e+00, v1;
	v2 =	vld [tilespmem:s28+$0xFFFFFFE0]  }
0xab: {  	v7 =	vld [tilespmem:s28+$0xFFFFFE60];
	[tilespmem:s1+$0xFFFFFD50] =	vst v5;
	v3 =	vmul.f32 $8.000000000e+00, v3  }
0xac: {  	v5 =	vld [tilespmem:s28+$0xFFFFFEA0];
	[tilespmem:s1+$0xFFFFFDD0] =	vst v1;
	v0 =	vmul.f32 $8.000000000e+00, v0  }
0xad: {  	v1 =	vld [tilespmem:s28+$0xFFFFFEE0];
	[tilespmem:s1+$0xFFFFFE50] =	vst v3;
	v3 =	vmul.f32 $8.000000000e+00, v6  }
0xae: {  	v4 =	vmul.f32 $8.000000000e+00, v4;
	v6 =	vld [tilespmem:s28+$0xFFFFFF20];
	[tilespmem:s1+$0xFFFFFED0] =	vst v0  }
0xaf: {  	v0 =	vld [tilespmem:s28+$0xFFFFFF60];
	[tilespmem:s1+$0xFFFFFF50] =	vst v3;
	v2 =	vmul.f32 $8.000000000e+00, v2  }
0xb0: {  	[tilespmem:s1+$0xFFFFFC50] =	vst v4;
	v3 =	vmul.f32 $8.000000000e+00, v7;
	v4 =	vld [tilespmem:s28+$0xFFFFFFA0]  }
0xb1: {  	v7 =	vld [tilespmem:s28+$0xFFFFFE20];
	v5 =	vmul.f32 $8.000000000e+00, v5;
	[tilespmem:s1+$0xFFFFFFE0] =	vst v2  }
0xb2: {  	[tilespmem:s1+$0xFFFFFCE0] =	vst v3;
	v1 =	vmul.f32 $8.000000000e+00, v1;
	v2 =	vld [tilespmem:s28+$0xFFFFFFF0]  }
0xb3: {  	v3 =	vld [tilespmem:s28+$0xFFFFFE70];
	[tilespmem:s1+$0xFFFFFD60] =	vst v5;
	v5 =	vmul.f32 $8.000000000e+00, v6  }
0xb4: {  	v6 =	vld [tilespmem:s28+$0xFFFFFEB0];
	[tilespmem:s1+$0xFFFFFDE0] =	vst v1;
	v0 =	vmul.f32 $8.000000000e+00, v0  }
0xb5: {  	v1 =	vld [tilespmem:s28+$0xFFFFFEF0];
	[tilespmem:s1+$0xFFFFFE60] =	vst v5;
	v4 =	vmul.f32 $8.000000000e+00, v4  }
0xb6: {  	v5 =	vmul.f32 $8.000000000e+00, v7;
	v7 =	vld [tilespmem:s28+$0xFFFFFF30];
	[tilespmem:s1+$0xFFFFFEE0] =	vst v0  }
0xb7: {  	v0 =	vld [tilespmem:s28+$0xFFFFFF70];
	[tilespmem:s1+$0xFFFFFF60] =	vst v4;
	v2 =	vmul.f32 $8.000000000e+00, v2  }
0xb8: {  	[tilespmem:s1+$0xFFFFFC60] =	vst v5;
	v3 =	vmul.f32 $8.000000000e+00, v3;
	v4 =	vld [tilespmem:s28+$0xFFFFFFB0]  }
0xb9: {  	v5 =	vld [tilespmem:s28+$0xFFFFFE30];
	v6 =	vmul.f32 $8.000000000e+00, v6;
	[tilespmem:s1+$0xFFFFFFF0] =	vst v2  }
0xba: {  	[tilespmem:s1+$0xFFFFFCF0] =	vst v3;
	v1 =	vmul.f32 $8.000000000e+00, v1;
	v3 =	vld [tilespmem:s28+$0x0]  }
0xbb: {  	v8 =	vld [tilespmem:s28+$0xFFFFFE80];
	[tilespmem:s1+$0xFFFFFD70] =	vst v6;
	v2 =	vmul.f32 $8.000000000e+00, v7  }
0xbc: {  	v7 =	vld [tilespmem:s28+$0xFFFFFEC0];
	[tilespmem:s1+$0xFFFFFDF0] =	vst v1;
	v1 =	vmul.f32 $8.000000000e+00, v0  }
.Ltmp1:
0xbd: {  	v0 =	vld [tilespmem:s28+$0xFFFFFF00];
	[tilespmem:s1+$0xFFFFFE70] =	vst v2;
	v4 =	vmul.f32 $8.000000000e+00, v4;
	(pc) =	sbr.rel @p0 .LBB2_5-.Ltmp1, $4  }
0xbe: {  	v5 =	vmul.f32 $8.000000000e+00, v5;
	v2 =	vld [tilespmem:s28+$0xFFFFFF40];
	[tilespmem:s1+$0xFFFFFEF0] =	vst v1  }
0xbf: {  	v1 =	vld [tilespmem:s28+$0xFFFFFF80];
	[tilespmem:s1+$0xFFFFFF70] =	vst v4;
	v9 =	vmul.f32 $8.000000000e+00, v3  }
0xc0: {  	[tilespmem:s1+$0xFFFFFC70] =	vst v5;
	v6 =	vmul.f32 $8.000000000e+00, v8;
	v3 =	vld [tilespmem:s28+$0xFFFFFFC0]  }
0xc1: {  	v4 =	vld [tilespmem:s28+$0xFFFFFE40];
	v5 =	vmul.f32 $8.000000000e+00, v7;
	[tilespmem:s1+$0x0] =	vst v9;
	s28 =	sadd.s32 $0x200, s28  }
0xc2: {  	[tilespmem:s1+$0xFFFFFD00] =	vst v6;
	v0 =	vmul.f32 $8.000000000e+00, v0  }
0xc3: {  	[tilespmem:s1+$0xFFFFFD80] =	vst v5;
	v2 =	vmul.f32 $8.000000000e+00, v2  }
0xc4: {  	[tilespmem:s1+$0xFFFFFE00] =	vst v0;
	v0 =	vmul.f32 $8.000000000e+00, v1  }
0xc5: {  	s28 =	sadd.s32 s31, s7;
	[tilespmem:s1+$0xFFFFFE80] =	vst v2;
	v1 =	vmul.f32 $8.000000000e+00, v3  }
0xc6: {  	s28 =	sshll.u32 s28, $0x4;
	v2 =	vmul.f32 $8.000000000e+00, v4;
	[tilespmem:s1+$0xFFFFFF00] =	vst v0  }
0xc7: {  	s28 =	sand.u32 $0x1FFFC800, s28;
	[tilespmem:s1+$0xFFFFFF80] =	vst v1  }
0xc8: {  	[tilespmem:s1+$0xFFFFFC80] =	vst v2;
	s1 =	sadd.s32 s4, s28  }
0xc9: {  	[hbm4b:s1+s2] =	stream.linear.scatter [tilespmem:s16], [sflag:$0xA], $0x4000, $0x38;
	[tilespmem:$0x1E400] =	vst v63  }
0xca: {  	s28 =	simm.s32 $0x8400;
	s1 =	sadd.s32 $0x480, s29  }
0xcb: {  	[tilespmem:s28], [sflag:$0x2] =	stream.indirect.gather [hbm4b:s3+s24], $0x40, s1, s24, $0xb8;
	[tilespmem:$0x1E400] =	vst v63  }
0xcc: {  	_ =	swait.ge [sflag:s17], $0x2000  }
0xcd: {  	[sflag:s17] =	ssyncset.done $0x0  }
0xce: {  	[sflag:s17] =	ssyncadd.s32 $0xFFFFE000  }
0xcf: {  	_ =	swait.ge [sflag:s18], $0x4000  }
0xd0: {  	[sflag:s18] =	ssyncset.done $0x0  }
0xd1: {  	s28 =	simm.s32 $0xA5F0;
	[sflag:s18] =	ssyncadd.s32 $0xFFFFC000  }
0xd2: {  	v0 =	vld [tilespmem:s28+$0xFFFFFFD0]  }
0xd3: {  	v1 =	vld [tilespmem:s28+$0xFFFFFE50]  }
0xd4: {  	v2 =	vld [tilespmem:s28+$0xFFFFFE90]  }
0xd5: {  	v3 =	vld [tilespmem:s28+$0xFFFFFED0]  }
0xd6: {  	v4 =	vld [tilespmem:s28+$0xFFFFFF10]  }
0xd7: {  	v5 =	vld [tilespmem:s28+$0xFFFFFF50];
	v0 =	vmul.f32 $8.000000000e+00, v0  }
0xd8: {  	s1 =	simm.s32 $0x16600;
	v6 =	vld [tilespmem:s28+$0xFFFFFF90];
	v1 =	vmul.f32 $8.000000000e+00, v1  }
0xd9: {  	v7 =	vld [tilespmem:s28+$0xFFFFFE10];
	v2 =	vmul.f32 $8.000000000e+00, v2;
	[tilespmem:s1+$0x180] =	vst v0  }
0xda: {  	[tilespmem:s1+$0xFFFFFE80] =	vst v1;
	v0 =	vmul.f32 $8.000000000e+00, v3;
	v1 =	vld [tilespmem:s28+$0xFFFFFFE0]  }
0xdb: {  	[tilespmem:s1+$0xFFFFFF00] =	vst v2;
	v2 =	vmul.f32 $8.000000000e+00, v4;
	v3 =	vld [tilespmem:s28+$0xFFFFFE60]  }
0xdc: {  	v4 =	vld [tilespmem:s28+$0xFFFFFEA0];
	[tilespmem:s1+$0xFFFFFF80] =	vst v0;
	v0 =	vmul.f32 $8.000000000e+00, v5  }
0xdd: {  	[tilespmem:s1+$0x0] =	vst v2;
	v2 =	vmul.f32 $8.000000000e+00, v6;
	v5 =	vld [tilespmem:s28+$0xFFFFFEE0]  }
0xde: {  	v6 =	vmul.f32 $8.000000000e+00, v7;
	v7 =	vld [tilespmem:s28+$0xFFFFFF20];
	[tilespmem:s1+$0x80] =	vst v0  }
0xdf: {  	[tilespmem:s1+$0x100] =	vst v2;
	v0 =	vld [tilespmem:s28+$0xFFFFFF60];
	v1 =	vmul.f32 $8.000000000e+00, v1  }
0xe0: {  	[tilespmem:s1+$0xFFFFFE00] =	vst v6;
	v2 =	vmul.f32 $8.000000000e+00, v3;
	v3 =	vld [tilespmem:s28+$0xFFFFFFA0]  }
0xe1: {  	v6 =	vld [tilespmem:s28+$0xFFFFFE20];
	v4 =	vmul.f32 $8.000000000e+00, v4;
	[tilespmem:s1+$0x190] =	vst v1  }
0xe2: {  	[tilespmem:s1+$0xFFFFFE90] =	vst v2;
	v1 =	vmul.f32 $8.000000000e+00, v5;
	v2 =	vld [tilespmem:s28+$0xFFFFFFF0]  }
0xe3: {  	[tilespmem:s1+$0xFFFFFF10] =	vst v4;
	v4 =	vmul.f32 $8.000000000e+00, v7;
	v5 =	vld [tilespmem:s28+$0xFFFFFE70]  }
0xe4: {  	v7 =	vld [tilespmem:s28+$0xFFFFFEB0];
	[tilespmem:s1+$0xFFFFFF90] =	vst v1;
	v0 =	vmul.f32 $8.000000000e+00, v0  }
0xe5: {  	[tilespmem:s1+$0x10] =	vst v4;
	v1 =	vld [tilespmem:s28+$0xFFFFFEF0];
	v3 =	vmul.f32 $8.000000000e+00, v3  }
0xe6: {  	v4 =	vmul.f32 $8.000000000e+00, v6;
	v6 =	vld [tilespmem:s28+$0xFFFFFF30];
	[tilespmem:s1+$0x90] =	vst v0  }
0xe7: {  	v0 =	vld [tilespmem:s28+$0xFFFFFF70];
	[tilespmem:s1+$0x110] =	vst v3;
	v2 =	vmul.f32 $8.000000000e+00, v2  }
0xe8: {  	[tilespmem:s1+$0xFFFFFE10] =	vst v4;
	v3 =	vmul.f32 $8.000000000e+00, v5;
	v4 =	vld [tilespmem:s28+$0xFFFFFFB0]  }
0xe9: {  	v5 =	vld [tilespmem:s28+$0xFFFFFE30];
	v7 =	vmul.f32 $8.000000000e+00, v7;
	[tilespmem:s1+$0x1A0] =	vst v2  }
0xea: {  	[tilespmem:s1+$0xFFFFFEA0] =	vst v3;
	v1 =	vmul.f32 $8.000000000e+00, v1;
	v3 =	vld [tilespmem:s28+$0x0]  }
0xeb: {  	[tilespmem:s1+$0xFFFFFF20] =	vst v7;
	v2 =	vmul.f32 $8.000000000e+00, v6;
	v8 =	vld [tilespmem:s28+$0xFFFFFE80]  }
0xec: {  	v7 =	vld [tilespmem:s28+$0xFFFFFEC0];
	[tilespmem:s1+$0xFFFFFFA0] =	vst v1;
	v1 =	vmul.f32 $8.000000000e+00, v0  }
0xed: {  	[tilespmem:s1+$0x20] =	vst v2;
	v0 =	vld [tilespmem:s28+$0xFFFFFF00];
	v4 =	vmul.f32 $8.000000000e+00, v4  }
0xee: {  	v5 =	vmul.f32 $8.000000000e+00, v5;
	v2 =	vld [tilespmem:s28+$0xFFFFFF40];
	[tilespmem:s1+$0xA0] =	vst v1  }
0xef: {  	v1 =	vld [tilespmem:s28+$0xFFFFFF80];
	[tilespmem:s1+$0x120] =	vst v4;
	v9 =	vmul.f32 $8.000000000e+00, v3  }
0xf0: {  	[tilespmem:s1+$0xFFFFFE20] =	vst v5;
	v3 =	vld [tilespmem:s28+$0xFFFFFFC0];
	v6 =	vmul.f32 $8.000000000e+00, v8  }
0xf1: {  	s30 =	simm.s32 $0x0;
	v4 =	vld [tilespmem:s28+$0xFFFFFE40];
	v5 =	vmul.f32 $8.000000000e+00, v7;
	s28 =	simm.s32 $0xA7F0;
	[tilespmem:s1+$0x1B0] =	vst v9  }
.LBB2_7:
0xf2: {  	v7 =	vld [tilespmem:s28+$0xFFFFFFD0];
	s30 =	sadd.s32 $0x8, s30;
	[tilespmem:s1+$0xFFFFFEB0] =	vst v6;
	v0 =	vmul.f32 $8.000000000e+00, v0  }
0xf3: {  	v6 =	vld [tilespmem:s28+$0xFFFFFE50];
	p0 =	slt.u32 s30, $0x78;
	[tilespmem:s1+$0xFFFFFF30] =	vst v5;
	v2 =	vmul.f32 $8.000000000e+00, v2  }
0xf4: {  	v5 =	vld [tilespmem:s28+$0xFFFFFE90];
	[tilespmem:s1+$0xFFFFFFB0] =	vst v0;
	v0 =	vmul.f32 $8.000000000e+00, v1  }
0xf5: {  	v1 =	vld [tilespmem:s28+$0xFFFFFED0];
	[tilespmem:s1+$0x30] =	vst v2;
	v2 =	vmul.f32 $8.000000000e+00, v3  }
0xf6: {  	v3 =	vld [tilespmem:s28+$0xFFFFFF10];
	v4 =	vmul.f32 $8.000000000e+00, v4;
	[tilespmem:s1+$0xB0] =	vst v0  }
0xf7: {  	v0 =	vld [tilespmem:s28+$0xFFFFFF50];
	v7 =	vmul.f32 $8.000000000e+00, v7;
	[tilespmem:s1+$0x130] =	vst v2  }
0xf8: {  	v2 =	vmul.f32 $8.000000000e+00, v6;
	v6 =	vld [tilespmem:s28+$0xFFFFFF90];
	[tilespmem:s1+$0xFFFFFE30] =	vst v4;
	s1 =	sadd.s32 $0x400, s1  }
0xf9: {  	v4 =	vld [tilespmem:s28+$0xFFFFFE10];
	v5 =	vmul.f32 $8.000000000e+00, v5;
	[tilespmem:s1+$0x180] =	vst v7  }
0xfa: {  	[tilespmem:s1+$0xFFFFFE80] =	vst v2;
	v1 =	vmul.f32 $8.000000000e+00, v1;
	v2 =	vld [tilespmem:s28+$0xFFFFFFE0]  }
0xfb: {  	v7 =	vld [tilespmem:s28+$0xFFFFFE60];
	[tilespmem:s1+$0xFFFFFF00] =	vst v5;
	v3 =	vmul.f32 $8.000000000e+00, v3  }
0xfc: {  	v5 =	vld [tilespmem:s28+$0xFFFFFEA0];
	[tilespmem:s1+$0xFFFFFF80] =	vst v1;
	v0 =	vmul.f32 $8.000000000e+00, v0  }
0xfd: {  	v1 =	vld [tilespmem:s28+$0xFFFFFEE0];
	[tilespmem:s1+$0x0] =	vst v3;
	v3 =	vmul.f32 $8.000000000e+00, v6  }
0xfe: {  	v4 =	vmul.f32 $8.000000000e+00, v4;
	v6 =	vld [tilespmem:s28+$0xFFFFFF20];
	[tilespmem:s1+$0x80] =	vst v0  }
0xff: {  	v0 =	vld [tilespmem:s28+$0xFFFFFF60];
	[tilespmem:s1+$0x100] =	vst v3;
	v2 =	vmul.f32 $8.000000000e+00, v2  }
0x100: {  	[tilespmem:s1+$0xFFFFFE00] =	vst v4;
	v3 =	vmul.f32 $8.000000000e+00, v7;
	v4 =	vld [tilespmem:s28+$0xFFFFFFA0]  }
0x101: {  	v7 =	vld [tilespmem:s28+$0xFFFFFE20];
	v5 =	vmul.f32 $8.000000000e+00, v5;
	[tilespmem:s1+$0x190] =	vst v2  }
0x102: {  	[tilespmem:s1+$0xFFFFFE90] =	vst v3;
	v1 =	vmul.f32 $8.000000000e+00, v1;
	v2 =	vld [tilespmem:s28+$0xFFFFFFF0]  }
0x103: {  	v3 =	vld [tilespmem:s28+$0xFFFFFE70];
	[tilespmem:s1+$0xFFFFFF10] =	vst v5;
	v5 =	vmul.f32 $8.000000000e+00, v6  }
0x104: {  	v6 =	vld [tilespmem:s28+$0xFFFFFEB0];
	[tilespmem:s1+$0xFFFFFF90] =	vst v1;
	v0 =	vmul.f32 $8.000000000e+00, v0  }
0x105: {  	v1 =	vld [tilespmem:s28+$0xFFFFFEF0];
	[tilespmem:s1+$0x10] =	vst v5;
	v4 =	vmul.f32 $8.000000000e+00, v4  }
0x106: {  	v5 =	vmul.f32 $8.000000000e+00, v7;
	v7 =	vld [tilespmem:s28+$0xFFFFFF30];
	[tilespmem:s1+$0x90] =	vst v0  }
0x107: {  	v0 =	vld [tilespmem:s28+$0xFFFFFF70];
	[tilespmem:s1+$0x110] =	vst v4;
	v2 =	vmul.f32 $8.000000000e+00, v2  }
0x108: {  	[tilespmem:s1+$0xFFFFFE10] =	vst v5;
	v3 =	vmul.f32 $8.000000000e+00, v3;
	v4 =	vld [tilespmem:s28+$0xFFFFFFB0]  }
0x109: {  	v5 =	vld [tilespmem:s28+$0xFFFFFE30];
	v6 =	vmul.f32 $8.000000000e+00, v6;
	[tilespmem:s1+$0x1A0] =	vst v2  }
0x10a: {  	[tilespmem:s1+$0xFFFFFEA0] =	vst v3;
	v1 =	vmul.f32 $8.000000000e+00, v1;
	v3 =	vld [tilespmem:s28+$0x0]  }
0x10b: {  	v8 =	vld [tilespmem:s28+$0xFFFFFE80];
	[tilespmem:s1+$0xFFFFFF20] =	vst v6;
	v2 =	vmul.f32 $8.000000000e+00, v7  }
0x10c: {  	v7 =	vld [tilespmem:s28+$0xFFFFFEC0];
	[tilespmem:s1+$0xFFFFFFA0] =	vst v1;
	v1 =	vmul.f32 $8.000000000e+00, v0  }
.Ltmp2:
0x10d: {  	v0 =	vld [tilespmem:s28+$0xFFFFFF00];
	[tilespmem:s1+$0x20] =	vst v2;
	v4 =	vmul.f32 $8.000000000e+00, v4;
	(pc) =	sbr.rel @p0 .LBB2_7-.Ltmp2, $4  }
0x10e: {  	v5 =	vmul.f32 $8.000000000e+00, v5;
	v2 =	vld [tilespmem:s28+$0xFFFFFF40];
	[tilespmem:s1+$0xA0] =	vst v1  }
0x10f: {  	v1 =	vld [tilespmem:s28+$0xFFFFFF80];
	[tilespmem:s1+$0x120] =	vst v4;
	v9 =	vmul.f32 $8.000000000e+00, v3  }
0x110: {  	[tilespmem:s1+$0xFFFFFE20] =	vst v5;
	v6 =	vmul.f32 $8.000000000e+00, v8;
	v3 =	vld [tilespmem:s28+$0xFFFFFFC0]  }
0x111: {  	v4 =	vld [tilespmem:s28+$0xFFFFFE40];
	v5 =	vmul.f32 $8.000000000e+00, v7;
	[tilespmem:s1+$0x1B0] =	vst v9;
	s28 =	sadd.s32 $0x200, s28  }
0x112: {  	[tilespmem:s1+$0xFFFFFEB0] =	vst v6;
	v0 =	vmul.f32 $8.000000000e+00, v0  }
0x113: {  	[tilespmem:s1+$0xFFFFFF30] =	vst v5;
	v2 =	vmul.f32 $8.000000000e+00, v2  }
0x114: {  	[tilespmem:s1+$0xFFFFFFB0] =	vst v0;
	v0 =	vmul.f32 $8.000000000e+00, v1  }
0x115: {  	s28 =	sadd.s32 s31, s8;
	[tilespmem:s1+$0x30] =	vst v2;
	v1 =	vmul.f32 $8.000000000e+00, v3  }
0x116: {  	s28 =	sshll.u32 s28, $0x4;
	v2 =	vmul.f32 $8.000000000e+00, v4;
	[tilespmem:s1+$0xB0] =	vst v0  }
0x117: {  	s28 =	sand.u32 $0x1FFFD000, s28;
	[tilespmem:s1+$0x130] =	vst v1  }
0x118: {  	[tilespmem:s1+$0xFFFFFE30] =	vst v2;
	s1 =	sadd.s32 s4, s28  }
0x119: {  	[hbm4b:s1+s2] =	stream.linear.scatter [tilespmem:s14], [sflag:$0x9], $0x4000, $0x38;
	[tilespmem:$0x1E400] =	vst v63  }
0x11a: {  	s28 =	simm.s32 $0xA400;
	s1 =	sadd.s32 $0x500, s29  }
0x11b: {  	[tilespmem:s28], [sflag:$0x3] =	stream.indirect.gather [hbm4b:s3+s24], $0x40, s1, s24, $0xb8;
	[tilespmem:$0x1E400] =	vst v63  }
0x11c: {  	_ =	swait.ge [sflag:s19], $0x2000  }
0x11d: {  	[sflag:s19] =	ssyncset.done $0x0  }
0x11e: {  	[sflag:s19] =	ssyncadd.s32 $0xFFFFE000  }
0x11f: {  	_ =	swait.ge [sflag:s20], $0x4000  }
0x120: {  	[sflag:s20] =	ssyncset.done $0x0  }
0x121: {  	s28 =	simm.s32 $0xC5F0;
	[sflag:s20] =	ssyncadd.s32 $0xFFFFC000  }
0x122: {  	v0 =	vld [tilespmem:s28+$0xFFFFFFD0]  }
0x123: {  	v1 =	vld [tilespmem:s28+$0xFFFFFE50]  }
0x124: {  	v2 =	vld [tilespmem:s28+$0xFFFFFE90]  }
0x125: {  	v3 =	vld [tilespmem:s28+$0xFFFFFED0]  }
0x126: {  	v4 =	vld [tilespmem:s28+$0xFFFFFF10]  }
0x127: {  	v5 =	vld [tilespmem:s28+$0xFFFFFF50];
	v0 =	vmul.f32 $8.000000000e+00, v0  }
0x128: {  	s1 =	simm.s32 $0x1A7B0;
	v6 =	vld [tilespmem:s28+$0xFFFFFF90];
	v1 =	vmul.f32 $8.000000000e+00, v1  }
0x129: {  	v7 =	vld [tilespmem:s28+$0xFFFFFE10];
	v2 =	vmul.f32 $8.000000000e+00, v2;
	[tilespmem:s1+$0xFFFFFFD0] =	vst v0  }
0x12a: {  	[tilespmem:s1+$0xFFFFFCD0] =	vst v1;
	v0 =	vmul.f32 $8.000000000e+00, v3;
	v1 =	vld [tilespmem:s28+$0xFFFFFFE0]  }
0x12b: {  	[tilespmem:s1+$0xFFFFFD50] =	vst v2;
	v2 =	vmul.f32 $8.000000000e+00, v4;
	v3 =	vld [tilespmem:s28+$0xFFFFFE60]  }
0x12c: {  	v4 =	vld [tilespmem:s28+$0xFFFFFEA0];
	[tilespmem:s1+$0xFFFFFDD0] =	vst v0;
	v0 =	vmul.f32 $8.000000000e+00, v5  }
0x12d: {  	[tilespmem:s1+$0xFFFFFE50] =	vst v2;
	v2 =	vmul.f32 $8.000000000e+00, v6;
	v5 =	vld [tilespmem:s28+$0xFFFFFEE0]  }
0x12e: {  	v6 =	vmul.f32 $8.000000000e+00, v7;
	v7 =	vld [tilespmem:s28+$0xFFFFFF20];
	[tilespmem:s1+$0xFFFFFED0] =	vst v0  }
0x12f: {  	[tilespmem:s1+$0xFFFFFF50] =	vst v2;
	v0 =	vld [tilespmem:s28+$0xFFFFFF60];
	v1 =	vmul.f32 $8.000000000e+00, v1  }
0x130: {  	[tilespmem:s1+$0xFFFFFC50] =	vst v6;
	v2 =	vmul.f32 $8.000000000e+00, v3;
	v3 =	vld [tilespmem:s28+$0xFFFFFFA0]  }
0x131: {  	v6 =	vld [tilespmem:s28+$0xFFFFFE20];
	v4 =	vmul.f32 $8.000000000e+00, v4;
	[tilespmem:s1+$0xFFFFFFE0] =	vst v1  }
0x132: {  	[tilespmem:s1+$0xFFFFFCE0] =	vst v2;
	v1 =	vmul.f32 $8.000000000e+00, v5;
	v2 =	vld [tilespmem:s28+$0xFFFFFFF0]  }
0x133: {  	[tilespmem:s1+$0xFFFFFD60] =	vst v4;
	v4 =	vmul.f32 $8.000000000e+00, v7;
	v5 =	vld [tilespmem:s28+$0xFFFFFE70]  }
0x134: {  	v7 =	vld [tilespmem:s28+$0xFFFFFEB0];
	[tilespmem:s1+$0xFFFFFDE0] =	vst v1;
	v0 =	vmul.f32 $8.000000000e+00, v0  }
0x135: {  	[tilespmem:s1+$0xFFFFFE60] =	vst v4;
	v1 =	vld [tilespmem:s28+$0xFFFFFEF0];
	v3 =	vmul.f32 $8.000000000e+00, v3  }
0x136: {  	v4 =	vmul.f32 $8.000000000e+00, v6;
	v6 =	vld [tilespmem:s28+$0xFFFFFF30];
	[tilespmem:s1+$0xFFFFFEE0] =	vst v0  }
0x137: {  	v0 =	vld [tilespmem:s28+$0xFFFFFF70];
	[tilespmem:s1+$0xFFFFFF60] =	vst v3;
	v2 =	vmul.f32 $8.000000000e+00, v2  }
0x138: {  	[tilespmem:s1+$0xFFFFFC60] =	vst v4;
	v3 =	vmul.f32 $8.000000000e+00, v5;
	v4 =	vld [tilespmem:s28+$0xFFFFFFB0]  }
0x139: {  	v5 =	vld [tilespmem:s28+$0xFFFFFE30];
	v7 =	vmul.f32 $8.000000000e+00, v7;
	[tilespmem:s1+$0xFFFFFFF0] =	vst v2  }
0x13a: {  	[tilespmem:s1+$0xFFFFFCF0] =	vst v3;
	v1 =	vmul.f32 $8.000000000e+00, v1;
	v3 =	vld [tilespmem:s28+$0x0]  }
0x13b: {  	[tilespmem:s1+$0xFFFFFD70] =	vst v7;
	v2 =	vmul.f32 $8.000000000e+00, v6;
	v8 =	vld [tilespmem:s28+$0xFFFFFE80]  }
0x13c: {  	v7 =	vld [tilespmem:s28+$0xFFFFFEC0];
	[tilespmem:s1+$0xFFFFFDF0] =	vst v1;
	v1 =	vmul.f32 $8.000000000e+00, v0  }
0x13d: {  	[tilespmem:s1+$0xFFFFFE70] =	vst v2;
	v0 =	vld [tilespmem:s28+$0xFFFFFF00];
	v4 =	vmul.f32 $8.000000000e+00, v4  }
0x13e: {  	v5 =	vmul.f32 $8.000000000e+00, v5;
	v2 =	vld [tilespmem:s28+$0xFFFFFF40];
	[tilespmem:s1+$0xFFFFFEF0] =	vst v1  }
0x13f: {  	v1 =	vld [tilespmem:s28+$0xFFFFFF80];
	[tilespmem:s1+$0xFFFFFF70] =	vst v4;
	v9 =	vmul.f32 $8.000000000e+00, v3  }
0x140: {  	[tilespmem:s1+$0xFFFFFC70] =	vst v5;
	v3 =	vld [tilespmem:s28+$0xFFFFFFC0];
	v6 =	vmul.f32 $8.000000000e+00, v8  }
0x141: {  	s30 =	simm.s32 $0x0;
	v4 =	vld [tilespmem:s28+$0xFFFFFE40];
	v5 =	vmul.f32 $8.000000000e+00, v7;
	s28 =	simm.s32 $0xC7F0;
	[tilespmem:s1+$0x0] =	vst v9  }
.LBB2_9:
0x142: {  	v7 =	vld [tilespmem:s28+$0xFFFFFFD0];
	s30 =	sadd.s32 $0x8, s30;
	[tilespmem:s1+$0xFFFFFD00] =	vst v6;
	v0 =	vmul.f32 $8.000000000e+00, v0  }
0x143: {  	v6 =	vld [tilespmem:s28+$0xFFFFFE50];
	p0 =	slt.u32 s30, $0x78;
	[tilespmem:s1+$0xFFFFFD80] =	vst v5;
	v2 =	vmul.f32 $8.000000000e+00, v2  }
0x144: {  	v5 =	vld [tilespmem:s28+$0xFFFFFE90];
	[tilespmem:s1+$0xFFFFFE00] =	vst v0;
	v0 =	vmul.f32 $8.000000000e+00, v1  }
0x145: {  	v1 =	vld [tilespmem:s28+$0xFFFFFED0];
	[tilespmem:s1+$0xFFFFFE80] =	vst v2;
	v2 =	vmul.f32 $8.000000000e+00, v3  }
0x146: {  	v3 =	vld [tilespmem:s28+$0xFFFFFF10];
	v4 =	vmul.f32 $8.000000000e+00, v4;
	[tilespmem:s1+$0xFFFFFF00] =	vst v0  }
0x147: {  	v0 =	vld [tilespmem:s28+$0xFFFFFF50];
	v7 =	vmul.f32 $8.000000000e+00, v7;
	[tilespmem:s1+$0xFFFFFF80] =	vst v2  }
0x148: {  	v2 =	vmul.f32 $8.000000000e+00, v6;
	v6 =	vld [tilespmem:s28+$0xFFFFFF90];
	[tilespmem:s1+$0xFFFFFC80] =	vst v4;
	s1 =	sadd.s32 $0x400, s1  }
0x149: {  	v4 =	vld [tilespmem:s28+$0xFFFFFE10];
	v5 =	vmul.f32 $8.000000000e+00, v5;
	[tilespmem:s1+$0xFFFFFFD0] =	vst v7  }
0x14a: {  	[tilespmem:s1+$0xFFFFFCD0] =	vst v2;
	v1 =	vmul.f32 $8.000000000e+00, v1;
	v2 =	vld [tilespmem:s28+$0xFFFFFFE0]  }
0x14b: {  	v7 =	vld [tilespmem:s28+$0xFFFFFE60];
	[tilespmem:s1+$0xFFFFFD50] =	vst v5;
	v3 =	vmul.f32 $8.000000000e+00, v3  }
0x14c: {  	v5 =	vld [tilespmem:s28+$0xFFFFFEA0];
	[tilespmem:s1+$0xFFFFFDD0] =	vst v1;
	v0 =	vmul.f32 $8.000000000e+00, v0  }
0x14d: {  	v1 =	vld [tilespmem:s28+$0xFFFFFEE0];
	[tilespmem:s1+$0xFFFFFE50] =	vst v3;
	v3 =	vmul.f32 $8.000000000e+00, v6  }
0x14e: {  	v4 =	vmul.f32 $8.000000000e+00, v4;
	v6 =	vld [tilespmem:s28+$0xFFFFFF20];
	[tilespmem:s1+$0xFFFFFED0] =	vst v0  }
0x14f: {  	v0 =	vld [tilespmem:s28+$0xFFFFFF60];
	[tilespmem:s1+$0xFFFFFF50] =	vst v3;
	v2 =	vmul.f32 $8.000000000e+00, v2  }
0x150: {  	[tilespmem:s1+$0xFFFFFC50] =	vst v4;
	v3 =	vmul.f32 $8.000000000e+00, v7;
	v4 =	vld [tilespmem:s28+$0xFFFFFFA0]  }
0x151: {  	v7 =	vld [tilespmem:s28+$0xFFFFFE20];
	v5 =	vmul.f32 $8.000000000e+00, v5;
	[tilespmem:s1+$0xFFFFFFE0] =	vst v2  }
0x152: {  	[tilespmem:s1+$0xFFFFFCE0] =	vst v3;
	v1 =	vmul.f32 $8.000000000e+00, v1;
	v2 =	vld [tilespmem:s28+$0xFFFFFFF0]  }
0x153: {  	v3 =	vld [tilespmem:s28+$0xFFFFFE70];
	[tilespmem:s1+$0xFFFFFD60] =	vst v5;
	v5 =	vmul.f32 $8.000000000e+00, v6  }
0x154: {  	v6 =	vld [tilespmem:s28+$0xFFFFFEB0];
	[tilespmem:s1+$0xFFFFFDE0] =	vst v1;
	v0 =	vmul.f32 $8.000000000e+00, v0  }
0x155: {  	v1 =	vld [tilespmem:s28+$0xFFFFFEF0];
	[tilespmem:s1+$0xFFFFFE60] =	vst v5;
	v4 =	vmul.f32 $8.000000000e+00, v4  }
0x156: {  	v5 =	vmul.f32 $8.000000000e+00, v7;
	v7 =	vld [tilespmem:s28+$0xFFFFFF30];
	[tilespmem:s1+$0xFFFFFEE0] =	vst v0  }
0x157: {  	v0 =	vld [tilespmem:s28+$0xFFFFFF70];
	[tilespmem:s1+$0xFFFFFF60] =	vst v4;
	v2 =	vmul.f32 $8.000000000e+00, v2  }
0x158: {  	[tilespmem:s1+$0xFFFFFC60] =	vst v5;
	v3 =	vmul.f32 $8.000000000e+00, v3;
	v4 =	vld [tilespmem:s28+$0xFFFFFFB0]  }
0x159: {  	v5 =	vld [tilespmem:s28+$0xFFFFFE30];
	v6 =	vmul.f32 $8.000000000e+00, v6;
	[tilespmem:s1+$0xFFFFFFF0] =	vst v2  }
0x15a: {  	[tilespmem:s1+$0xFFFFFCF0] =	vst v3;
	v1 =	vmul.f32 $8.000000000e+00, v1;
	v3 =	vld [tilespmem:s28+$0x0]  }
0x15b: {  	v8 =	vld [tilespmem:s28+$0xFFFFFE80];
	[tilespmem:s1+$0xFFFFFD70] =	vst v6;
	v2 =	vmul.f32 $8.000000000e+00, v7  }
0x15c: {  	v7 =	vld [tilespmem:s28+$0xFFFFFEC0];
	[tilespmem:s1+$0xFFFFFDF0] =	vst v1;
	v1 =	vmul.f32 $8.000000000e+00, v0  }
.Ltmp3:
0x15d: {  	v0 =	vld [tilespmem:s28+$0xFFFFFF00];
	[tilespmem:s1+$0xFFFFFE70] =	vst v2;
	v4 =	vmul.f32 $8.000000000e+00, v4;
	(pc) =	sbr.rel @p0 .LBB2_9-.Ltmp3, $4  }
0x15e: {  	v5 =	vmul.f32 $8.000000000e+00, v5;
	v2 =	vld [tilespmem:s28+$0xFFFFFF40];
	[tilespmem:s1+$0xFFFFFEF0] =	vst v1  }
0x15f: {  	v1 =	vld [tilespmem:s28+$0xFFFFFF80];
	[tilespmem:s1+$0xFFFFFF70] =	vst v4;
	v9 =	vmul.f32 $8.000000000e+00, v3  }
0x160: {  	[tilespmem:s1+$0xFFFFFC70] =	vst v5;
	v6 =	vmul.f32 $8.000000000e+00, v8;
	v3 =	vld [tilespmem:s28+$0xFFFFFFC0]  }
0x161: {  	v4 =	vld [tilespmem:s28+$0xFFFFFE40];
	v5 =	vmul.f32 $8.000000000e+00, v7;
	[tilespmem:s1+$0x0] =	vst v9;
	s28 =	sadd.s32 $0x200, s28  }
0x162: {  	[tilespmem:s1+$0xFFFFFD00] =	vst v6;
	v0 =	vmul.f32 $8.000000000e+00, v0  }
0x163: {  	[tilespmem:s1+$0xFFFFFD80] =	vst v5;
	v2 =	vmul.f32 $8.000000000e+00, v2  }
0x164: {  	[tilespmem:s1+$0xFFFFFE00] =	vst v0;
	v0 =	vmul.f32 $8.000000000e+00, v1  }
0x165: {  	s28 =	sadd.s32 s31, s9;
	[tilespmem:s1+$0xFFFFFE80] =	vst v2;
	v1 =	vmul.f32 $8.000000000e+00, v3  }
0x166: {  	s28 =	sshll.u32 s28, $0x4;
	v2 =	vmul.f32 $8.000000000e+00, v4;
	[tilespmem:s1+$0xFFFFFF00] =	vst v0  }
0x167: {  	s28 =	sand.u32 $0x1FFFD800, s28;
	[tilespmem:s1+$0xFFFFFF80] =	vst v1  }
0x168: {  	[tilespmem:s1+$0xFFFFFC80] =	vst v2;
	s1 =	sadd.s32 s4, s28  }
0x169: {  	[hbm4b:s1+s2] =	stream.linear.scatter [tilespmem:s16], [sflag:$0xA], $0x4000, $0x38;
	[tilespmem:$0x1E400] =	vst v63  }
0x16a: {  	s28 =	simm.s32 $0xC400;
	s1 =	sadd.s32 $0x580, s29  }
0x16b: {  	[tilespmem:s28], [sflag:$0x4] =	stream.indirect.gather [hbm4b:s3+s24], $0x40, s1, s24, $0xb8;
	[tilespmem:$0x1E400] =	vst v63  }
0x16c: {  	_ =	swait.ge [sflag:s21], $0x2000  }
0x16d: {  	[sflag:s21] =	ssyncset.done $0x0  }
0x16e: {  	[sflag:s21] =	ssyncadd.s32 $0xFFFFE000  }
0x16f: {  	_ =	swait.ge [sflag:s18], $0x4000  }
0x170: {  	[sflag:s18] =	ssyncset.done $0x0  }
0x171: {  	s28 =	simm.s32 $0xE5F0;
	[sflag:s18] =	ssyncadd.s32 $0xFFFFC000  }
0x172: {  	v0 =	vld [tilespmem:s28+$0xFFFFFFD0]  }
0x173: {  	v1 =	vld [tilespmem:s28+$0xFFFFFE50]  }
0x174: {  	v2 =	vld [tilespmem:s28+$0xFFFFFE90]  }
0x175: {  	v3 =	vld [tilespmem:s28+$0xFFFFFED0]  }
0x176: {  	v4 =	vld [tilespmem:s28+$0xFFFFFF10]  }
0x177: {  	v5 =	vld [tilespmem:s28+$0xFFFFFF50];
	v0 =	vmul.f32 $8.000000000e+00, v0  }
0x178: {  	s1 =	simm.s32 $0x16600;
	v6 =	vld [tilespmem:s28+$0xFFFFFF90];
	v1 =	vmul.f32 $8.000000000e+00, v1  }
0x179: {  	v7 =	vld [tilespmem:s28+$0xFFFFFE10];
	v2 =	vmul.f32 $8.000000000e+00, v2;
	[tilespmem:s1+$0x180] =	vst v0  }
0x17a: {  	[tilespmem:s1+$0xFFFFFE80] =	vst v1;
	v0 =	vmul.f32 $8.000000000e+00, v3;
	v1 =	vld [tilespmem:s28+$0xFFFFFFE0]  }
0x17b: {  	[tilespmem:s1+$0xFFFFFF00] =	vst v2;
	v2 =	vmul.f32 $8.000000000e+00, v4;
	v3 =	vld [tilespmem:s28+$0xFFFFFE60]  }
0x17c: {  	v4 =	vld [tilespmem:s28+$0xFFFFFEA0];
	[tilespmem:s1+$0xFFFFFF80] =	vst v0;
	v0 =	vmul.f32 $8.000000000e+00, v5  }
0x17d: {  	[tilespmem:s1+$0x0] =	vst v2;
	v2 =	vmul.f32 $8.000000000e+00, v6;
	v5 =	vld [tilespmem:s28+$0xFFFFFEE0]  }
0x17e: {  	v6 =	vmul.f32 $8.000000000e+00, v7;
	v7 =	vld [tilespmem:s28+$0xFFFFFF20];
	[tilespmem:s1+$0x80] =	vst v0  }
0x17f: {  	[tilespmem:s1+$0x100] =	vst v2;
	v0 =	vld [tilespmem:s28+$0xFFFFFF60];
	v1 =	vmul.f32 $8.000000000e+00, v1  }
0x180: {  	[tilespmem:s1+$0xFFFFFE00] =	vst v6;
	v2 =	vmul.f32 $8.000000000e+00, v3;
	v3 =	vld [tilespmem:s28+$0xFFFFFFA0]  }
0x181: {  	v6 =	vld [tilespmem:s28+$0xFFFFFE20];
	v4 =	vmul.f32 $8.000000000e+00, v4;
	[tilespmem:s1+$0x190] =	vst v1  }
0x182: {  	[tilespmem:s1+$0xFFFFFE90] =	vst v2;
	v1 =	vmul.f32 $8.000000000e+00, v5;
	v2 =	vld [tilespmem:s28+$0xFFFFFFF0]  }
0x183: {  	[tilespmem:s1+$0xFFFFFF10] =	vst v4;
	v4 =	vmul.f32 $8.000000000e+00, v7;
	v5 =	vld [tilespmem:s28+$0xFFFFFE70]  }
0x184: {  	v7 =	vld [tilespmem:s28+$0xFFFFFEB0];
	[tilespmem:s1+$0xFFFFFF90] =	vst v1;
	v0 =	vmul.f32 $8.000000000e+00, v0  }
0x185: {  	[tilespmem:s1+$0x10] =	vst v4;
	v1 =	vld [tilespmem:s28+$0xFFFFFEF0];
	v3 =	vmul.f32 $8.000000000e+00, v3  }
0x186: {  	v4 =	vmul.f32 $8.000000000e+00, v6;
	v6 =	vld [tilespmem:s28+$0xFFFFFF30];
	[tilespmem:s1+$0x90] =	vst v0  }
0x187: {  	v0 =	vld [tilespmem:s28+$0xFFFFFF70];
	[tilespmem:s1+$0x110] =	vst v3;
	v2 =	vmul.f32 $8.000000000e+00, v2  }
0x188: {  	[tilespmem:s1+$0xFFFFFE10] =	vst v4;
	v3 =	vmul.f32 $8.000000000e+00, v5;
	v4 =	vld [tilespmem:s28+$0xFFFFFFB0]  }
0x189: {  	v5 =	vld [tilespmem:s28+$0xFFFFFE30];
	v7 =	vmul.f32 $8.000000000e+00, v7;
	[tilespmem:s1+$0x1A0] =	vst v2  }
0x18a: {  	[tilespmem:s1+$0xFFFFFEA0] =	vst v3;
	v1 =	vmul.f32 $8.000000000e+00, v1;
	v3 =	vld [tilespmem:s28+$0x0]  }
0x18b: {  	[tilespmem:s1+$0xFFFFFF20] =	vst v7;
	v2 =	vmul.f32 $8.000000000e+00, v6;
	v8 =	vld [tilespmem:s28+$0xFFFFFE80]  }
0x18c: {  	v7 =	vld [tilespmem:s28+$0xFFFFFEC0];
	[tilespmem:s1+$0xFFFFFFA0] =	vst v1;
	v1 =	vmul.f32 $8.000000000e+00, v0  }
0x18d: {  	[tilespmem:s1+$0x20] =	vst v2;
	v0 =	vld [tilespmem:s28+$0xFFFFFF00];
	v4 =	vmul.f32 $8.000000000e+00, v4  }
0x18e: {  	v5 =	vmul.f32 $8.000000000e+00, v5;
	v2 =	vld [tilespmem:s28+$0xFFFFFF40];
	[tilespmem:s1+$0xA0] =	vst v1  }
0x18f: {  	v1 =	vld [tilespmem:s28+$0xFFFFFF80];
	[tilespmem:s1+$0x120] =	vst v4;
	v9 =	vmul.f32 $8.000000000e+00, v3  }
0x190: {  	[tilespmem:s1+$0xFFFFFE20] =	vst v5;
	v3 =	vld [tilespmem:s28+$0xFFFFFFC0];
	v6 =	vmul.f32 $8.000000000e+00, v8  }
0x191: {  	s30 =	simm.s32 $0x0;
	v4 =	vld [tilespmem:s28+$0xFFFFFE40];
	v5 =	vmul.f32 $8.000000000e+00, v7;
	s28 =	simm.s32 $0xE7F0;
	[tilespmem:s1+$0x1B0] =	vst v9  }
.LBB2_11:
0x192: {  	v7 =	vld [tilespmem:s28+$0xFFFFFFD0];
	s30 =	sadd.s32 $0x8, s30;
	[tilespmem:s1+$0xFFFFFEB0] =	vst v6;
	v0 =	vmul.f32 $8.000000000e+00, v0  }
0x193: {  	v6 =	vld [tilespmem:s28+$0xFFFFFE50];
	p0 =	slt.u32 s30, $0x78;
	[tilespmem:s1+$0xFFFFFF30] =	vst v5;
	v2 =	vmul.f32 $8.000000000e+00, v2  }
0x194: {  	v5 =	vld [tilespmem:s28+$0xFFFFFE90];
	[tilespmem:s1+$0xFFFFFFB0] =	vst v0;
	v0 =	vmul.f32 $8.000000000e+00, v1  }
0x195: {  	v1 =	vld [tilespmem:s28+$0xFFFFFED0];
	[tilespmem:s1+$0x30] =	vst v2;
	v2 =	vmul.f32 $8.000000000e+00, v3  }
0x196: {  	v3 =	vld [tilespmem:s28+$0xFFFFFF10];
	v4 =	vmul.f32 $8.000000000e+00, v4;
	[tilespmem:s1+$0xB0] =	vst v0  }
0x197: {  	v0 =	vld [tilespmem:s28+$0xFFFFFF50];
	v7 =	vmul.f32 $8.000000000e+00, v7;
	[tilespmem:s1+$0x130] =	vst v2  }
0x198: {  	v2 =	vmul.f32 $8.000000000e+00, v6;
	v6 =	vld [tilespmem:s28+$0xFFFFFF90];
	[tilespmem:s1+$0xFFFFFE30] =	vst v4;
	s1 =	sadd.s32 $0x400, s1  }
0x199: {  	v4 =	vld [tilespmem:s28+$0xFFFFFE10];
	v5 =	vmul.f32 $8.000000000e+00, v5;
	[tilespmem:s1+$0x180] =	vst v7  }
0x19a: {  	[tilespmem:s1+$0xFFFFFE80] =	vst v2;
	v1 =	vmul.f32 $8.000000000e+00, v1;
	v2 =	vld [tilespmem:s28+$0xFFFFFFE0]  }
0x19b: {  	v7 =	vld [tilespmem:s28+$0xFFFFFE60];
	[tilespmem:s1+$0xFFFFFF00] =	vst v5;
	v3 =	vmul.f32 $8.000000000e+00, v3  }
0x19c: {  	v5 =	vld [tilespmem:s28+$0xFFFFFEA0];
	[tilespmem:s1+$0xFFFFFF80] =	vst v1;
	v0 =	vmul.f32 $8.000000000e+00, v0  }
0x19d: {  	v1 =	vld [tilespmem:s28+$0xFFFFFEE0];
	[tilespmem:s1+$0x0] =	vst v3;
	v3 =	vmul.f32 $8.000000000e+00, v6  }
0x19e: {  	v4 =	vmul.f32 $8.000000000e+00, v4;
	v6 =	vld [tilespmem:s28+$0xFFFFFF20];
	[tilespmem:s1+$0x80] =	vst v0  }
0x19f: {  	v0 =	vld [tilespmem:s28+$0xFFFFFF60];
	[tilespmem:s1+$0x100] =	vst v3;
	v2 =	vmul.f32 $8.000000000e+00, v2  }
0x1a0: {  	[tilespmem:s1+$0xFFFFFE00] =	vst v4;
	v3 =	vmul.f32 $8.000000000e+00, v7;
	v4 =	vld [tilespmem:s28+$0xFFFFFFA0]  }
0x1a1: {  	v7 =	vld [tilespmem:s28+$0xFFFFFE20];
	v5 =	vmul.f32 $8.000000000e+00, v5;
	[tilespmem:s1+$0x190] =	vst v2  }
0x1a2: {  	[tilespmem:s1+$0xFFFFFE90] =	vst v3;
	v1 =	vmul.f32 $8.000000000e+00, v1;
	v2 =	vld [tilespmem:s28+$0xFFFFFFF0]  }
0x1a3: {  	v3 =	vld [tilespmem:s28+$0xFFFFFE70];
	[tilespmem:s1+$0xFFFFFF10] =	vst v5;
	v5 =	vmul.f32 $8.000000000e+00, v6  }
0x1a4: {  	v6 =	vld [tilespmem:s28+$0xFFFFFEB0];
	[tilespmem:s1+$0xFFFFFF90] =	vst v1;
	v0 =	vmul.f32 $8.000000000e+00, v0  }
0x1a5: {  	v1 =	vld [tilespmem:s28+$0xFFFFFEF0];
	[tilespmem:s1+$0x10] =	vst v5;
	v4 =	vmul.f32 $8.000000000e+00, v4  }
0x1a6: {  	v5 =	vmul.f32 $8.000000000e+00, v7;
	v7 =	vld [tilespmem:s28+$0xFFFFFF30];
	[tilespmem:s1+$0x90] =	vst v0  }
0x1a7: {  	v0 =	vld [tilespmem:s28+$0xFFFFFF70];
	[tilespmem:s1+$0x110] =	vst v4;
	v2 =	vmul.f32 $8.000000000e+00, v2  }
0x1a8: {  	[tilespmem:s1+$0xFFFFFE10] =	vst v5;
	v3 =	vmul.f32 $8.000000000e+00, v3;
	v4 =	vld [tilespmem:s28+$0xFFFFFFB0]  }
0x1a9: {  	v5 =	vld [tilespmem:s28+$0xFFFFFE30];
	v6 =	vmul.f32 $8.000000000e+00, v6;
	[tilespmem:s1+$0x1A0] =	vst v2  }
0x1aa: {  	[tilespmem:s1+$0xFFFFFEA0] =	vst v3;
	v1 =	vmul.f32 $8.000000000e+00, v1;
	v3 =	vld [tilespmem:s28+$0x0]  }
0x1ab: {  	v8 =	vld [tilespmem:s28+$0xFFFFFE80];
	[tilespmem:s1+$0xFFFFFF20] =	vst v6;
	v2 =	vmul.f32 $8.000000000e+00, v7  }
0x1ac: {  	v7 =	vld [tilespmem:s28+$0xFFFFFEC0];
	[tilespmem:s1+$0xFFFFFFA0] =	vst v1;
	v1 =	vmul.f32 $8.000000000e+00, v0  }
.Ltmp4:
0x1ad: {  	v0 =	vld [tilespmem:s28+$0xFFFFFF00];
	[tilespmem:s1+$0x20] =	vst v2;
	v4 =	vmul.f32 $8.000000000e+00, v4;
	(pc) =	sbr.rel @p0 .LBB2_11-.Ltmp4, $4  }
0x1ae: {  	v5 =	vmul.f32 $8.000000000e+00, v5;
	v2 =	vld [tilespmem:s28+$0xFFFFFF40];
	[tilespmem:s1+$0xA0] =	vst v1  }
0x1af: {  	v1 =	vld [tilespmem:s28+$0xFFFFFF80];
	[tilespmem:s1+$0x120] =	vst v4;
	v9 =	vmul.f32 $8.000000000e+00, v3  }
0x1b0: {  	[tilespmem:s1+$0xFFFFFE20] =	vst v5;
	v6 =	vmul.f32 $8.000000000e+00, v8;
	v3 =	vld [tilespmem:s28+$0xFFFFFFC0]  }
0x1b1: {  	v4 =	vld [tilespmem:s28+$0xFFFFFE40];
	v5 =	vmul.f32 $8.000000000e+00, v7;
	[tilespmem:s1+$0x1B0] =	vst v9;
	s28 =	sadd.s32 $0x200, s28  }
0x1b2: {  	[tilespmem:s1+$0xFFFFFEB0] =	vst v6;
	v0 =	vmul.f32 $8.000000000e+00, v0  }
0x1b3: {  	[tilespmem:s1+$0xFFFFFF30] =	vst v5;
	v2 =	vmul.f32 $8.000000000e+00, v2  }
0x1b4: {  	[tilespmem:s1+$0xFFFFFFB0] =	vst v0;
	v0 =	vmul.f32 $8.000000000e+00, v1  }
0x1b5: {  	s28 =	sadd.s32 s31, s10;
	[tilespmem:s1+$0x30] =	vst v2;
	v1 =	vmul.f32 $8.000000000e+00, v3  }
0x1b6: {  	s28 =	sshll.u32 s28, $0x4;
	v2 =	vmul.f32 $8.000000000e+00, v4;
	[tilespmem:s1+$0xB0] =	vst v0  }
0x1b7: {  	s28 =	sand.u32 $0x1FFFE000, s28;
	[tilespmem:s1+$0x130] =	vst v1  }
0x1b8: {  	[tilespmem:s1+$0xFFFFFE30] =	vst v2;
	s1 =	sadd.s32 s4, s28  }
0x1b9: {  	[hbm4b:s1+s2] =	stream.linear.scatter [tilespmem:s14], [sflag:$0x9], $0x4000, $0x38;
	[tilespmem:$0x1E400] =	vst v63  }
0x1ba: {  	s28 =	simm.s32 $0xE400;
	s1 =	sadd.s32 $0x600, s29  }
0x1bb: {  	[tilespmem:s28], [sflag:$0x5] =	stream.indirect.gather [hbm4b:s3+s24], $0x40, s1, s24, $0xb8;
	[tilespmem:$0x1E400] =	vst v63  }
0x1bc: {  	_ =	swait.ge [sflag:s22], $0x2000  }
0x1bd: {  	[sflag:s22] =	ssyncset.done $0x0  }
0x1be: {  	[sflag:s22] =	ssyncadd.s32 $0xFFFFE000  }
0x1bf: {  	_ =	swait.ge [sflag:s20], $0x4000  }
0x1c0: {  	[sflag:s20] =	ssyncset.done $0x0  }
0x1c1: {  	s28 =	simm.s32 $0x105F0;
	[sflag:s20] =	ssyncadd.s32 $0xFFFFC000  }
0x1c2: {  	v0 =	vld [tilespmem:s28+$0xFFFFFFD0]  }
0x1c3: {  	v1 =	vld [tilespmem:s28+$0xFFFFFE50]  }
0x1c4: {  	v2 =	vld [tilespmem:s28+$0xFFFFFE90]  }
0x1c5: {  	v3 =	vld [tilespmem:s28+$0xFFFFFED0]  }
0x1c6: {  	v4 =	vld [tilespmem:s28+$0xFFFFFF10]  }
0x1c7: {  	v5 =	vld [tilespmem:s28+$0xFFFFFF50];
	v0 =	vmul.f32 $8.000000000e+00, v0  }
0x1c8: {  	s1 =	simm.s32 $0x1A7B0;
	v6 =	vld [tilespmem:s28+$0xFFFFFF90];
	v1 =	vmul.f32 $8.000000000e+00, v1  }
0x1c9: {  	v7 =	vld [tilespmem:s28+$0xFFFFFE10];
	v2 =	vmul.f32 $8.000000000e+00, v2;
	[tilespmem:s1+$0xFFFFFFD0] =	vst v0  }
0x1ca: {  	[tilespmem:s1+$0xFFFFFCD0] =	vst v1;
	v0 =	vmul.f32 $8.000000000e+00, v3;
	v1 =	vld [tilespmem:s28+$0xFFFFFFE0]  }
0x1cb: {  	[tilespmem:s1+$0xFFFFFD50] =	vst v2;
	v2 =	vmul.f32 $8.000000000e+00, v4;
	v3 =	vld [tilespmem:s28+$0xFFFFFE60]  }
0x1cc: {  	v4 =	vld [tilespmem:s28+$0xFFFFFEA0];
	[tilespmem:s1+$0xFFFFFDD0] =	vst v0;
	v0 =	vmul.f32 $8.000000000e+00, v5  }
0x1cd: {  	[tilespmem:s1+$0xFFFFFE50] =	vst v2;
	v2 =	vmul.f32 $8.000000000e+00, v6;
	v5 =	vld [tilespmem:s28+$0xFFFFFEE0]  }
0x1ce: {  	v6 =	vmul.f32 $8.000000000e+00, v7;
	v7 =	vld [tilespmem:s28+$0xFFFFFF20];
	[tilespmem:s1+$0xFFFFFED0] =	vst v0  }
0x1cf: {  	[tilespmem:s1+$0xFFFFFF50] =	vst v2;
	v0 =	vld [tilespmem:s28+$0xFFFFFF60];
	v1 =	vmul.f32 $8.000000000e+00, v1  }
0x1d0: {  	[tilespmem:s1+$0xFFFFFC50] =	vst v6;
	v2 =	vmul.f32 $8.000000000e+00, v3;
	v3 =	vld [tilespmem:s28+$0xFFFFFFA0]  }
0x1d1: {  	v6 =	vld [tilespmem:s28+$0xFFFFFE20];
	v4 =	vmul.f32 $8.000000000e+00, v4;
	[tilespmem:s1+$0xFFFFFFE0] =	vst v1  }
0x1d2: {  	[tilespmem:s1+$0xFFFFFCE0] =	vst v2;
	v1 =	vmul.f32 $8.000000000e+00, v5;
	v2 =	vld [tilespmem:s28+$0xFFFFFFF0]  }
0x1d3: {  	[tilespmem:s1+$0xFFFFFD60] =	vst v4;
	v4 =	vmul.f32 $8.000000000e+00, v7;
	v5 =	vld [tilespmem:s28+$0xFFFFFE70]  }
0x1d4: {  	v7 =	vld [tilespmem:s28+$0xFFFFFEB0];
	[tilespmem:s1+$0xFFFFFDE0] =	vst v1;
	v0 =	vmul.f32 $8.000000000e+00, v0  }
0x1d5: {  	[tilespmem:s1+$0xFFFFFE60] =	vst v4;
	v1 =	vld [tilespmem:s28+$0xFFFFFEF0];
	v3 =	vmul.f32 $8.000000000e+00, v3  }
0x1d6: {  	v4 =	vmul.f32 $8.000000000e+00, v6;
	v6 =	vld [tilespmem:s28+$0xFFFFFF30];
	[tilespmem:s1+$0xFFFFFEE0] =	vst v0  }
0x1d7: {  	v0 =	vld [tilespmem:s28+$0xFFFFFF70];
	[tilespmem:s1+$0xFFFFFF60] =	vst v3;
	v2 =	vmul.f32 $8.000000000e+00, v2  }
0x1d8: {  	[tilespmem:s1+$0xFFFFFC60] =	vst v4;
	v3 =	vmul.f32 $8.000000000e+00, v5;
	v4 =	vld [tilespmem:s28+$0xFFFFFFB0]  }
0x1d9: {  	v5 =	vld [tilespmem:s28+$0xFFFFFE30];
	v7 =	vmul.f32 $8.000000000e+00, v7;
	[tilespmem:s1+$0xFFFFFFF0] =	vst v2  }
0x1da: {  	[tilespmem:s1+$0xFFFFFCF0] =	vst v3;
	v1 =	vmul.f32 $8.000000000e+00, v1;
	v3 =	vld [tilespmem:s28+$0x0]  }
0x1db: {  	[tilespmem:s1+$0xFFFFFD70] =	vst v7;
	v2 =	vmul.f32 $8.000000000e+00, v6;
	v8 =	vld [tilespmem:s28+$0xFFFFFE80]  }
0x1dc: {  	v7 =	vld [tilespmem:s28+$0xFFFFFEC0];
	[tilespmem:s1+$0xFFFFFDF0] =	vst v1;
	v1 =	vmul.f32 $8.000000000e+00, v0  }
0x1dd: {  	[tilespmem:s1+$0xFFFFFE70] =	vst v2;
	v0 =	vld [tilespmem:s28+$0xFFFFFF00];
	v4 =	vmul.f32 $8.000000000e+00, v4  }
0x1de: {  	v5 =	vmul.f32 $8.000000000e+00, v5;
	v2 =	vld [tilespmem:s28+$0xFFFFFF40];
	[tilespmem:s1+$0xFFFFFEF0] =	vst v1  }
0x1df: {  	v1 =	vld [tilespmem:s28+$0xFFFFFF80];
	[tilespmem:s1+$0xFFFFFF70] =	vst v4;
	v9 =	vmul.f32 $8.000000000e+00, v3  }
0x1e0: {  	[tilespmem:s1+$0xFFFFFC70] =	vst v5;
	v3 =	vld [tilespmem:s28+$0xFFFFFFC0];
	v6 =	vmul.f32 $8.000000000e+00, v8  }
0x1e1: {  	s30 =	simm.s32 $0x0;
	v4 =	vld [tilespmem:s28+$0xFFFFFE40];
	v5 =	vmul.f32 $8.000000000e+00, v7;
	s28 =	simm.s32 $0x107F0;
	[tilespmem:s1+$0x0] =	vst v9  }
.LBB2_13:
0x1e2: {  	v7 =	vld [tilespmem:s28+$0xFFFFFFD0];
	s30 =	sadd.s32 $0x8, s30;
	[tilespmem:s1+$0xFFFFFD00] =	vst v6;
	v0 =	vmul.f32 $8.000000000e+00, v0  }
0x1e3: {  	v6 =	vld [tilespmem:s28+$0xFFFFFE50];
	p0 =	slt.u32 s30, $0x78;
	[tilespmem:s1+$0xFFFFFD80] =	vst v5;
	v2 =	vmul.f32 $8.000000000e+00, v2  }
0x1e4: {  	v5 =	vld [tilespmem:s28+$0xFFFFFE90];
	[tilespmem:s1+$0xFFFFFE00] =	vst v0;
	v0 =	vmul.f32 $8.000000000e+00, v1  }
0x1e5: {  	v1 =	vld [tilespmem:s28+$0xFFFFFED0];
	[tilespmem:s1+$0xFFFFFE80] =	vst v2;
	v2 =	vmul.f32 $8.000000000e+00, v3  }
0x1e6: {  	v3 =	vld [tilespmem:s28+$0xFFFFFF10];
	v4 =	vmul.f32 $8.000000000e+00, v4;
	[tilespmem:s1+$0xFFFFFF00] =	vst v0  }
0x1e7: {  	v0 =	vld [tilespmem:s28+$0xFFFFFF50];
	v7 =	vmul.f32 $8.000000000e+00, v7;
	[tilespmem:s1+$0xFFFFFF80] =	vst v2  }
0x1e8: {  	v2 =	vmul.f32 $8.000000000e+00, v6;
	v6 =	vld [tilespmem:s28+$0xFFFFFF90];
	[tilespmem:s1+$0xFFFFFC80] =	vst v4;
	s1 =	sadd.s32 $0x400, s1  }
0x1e9: {  	v4 =	vld [tilespmem:s28+$0xFFFFFE10];
	v5 =	vmul.f32 $8.000000000e+00, v5;
	[tilespmem:s1+$0xFFFFFFD0] =	vst v7  }
0x1ea: {  	[tilespmem:s1+$0xFFFFFCD0] =	vst v2;
	v1 =	vmul.f32 $8.000000000e+00, v1;
	v2 =	vld [tilespmem:s28+$0xFFFFFFE0]  }
0x1eb: {  	v7 =	vld [tilespmem:s28+$0xFFFFFE60];
	[tilespmem:s1+$0xFFFFFD50] =	vst v5;
	v3 =	vmul.f32 $8.000000000e+00, v3  }
0x1ec: {  	v5 =	vld [tilespmem:s28+$0xFFFFFEA0];
	[tilespmem:s1+$0xFFFFFDD0] =	vst v1;
	v0 =	vmul.f32 $8.000000000e+00, v0  }
0x1ed: {  	v1 =	vld [tilespmem:s28+$0xFFFFFEE0];
	[tilespmem:s1+$0xFFFFFE50] =	vst v3;
	v3 =	vmul.f32 $8.000000000e+00, v6  }
0x1ee: {  	v4 =	vmul.f32 $8.000000000e+00, v4;
	v6 =	vld [tilespmem:s28+$0xFFFFFF20];
	[tilespmem:s1+$0xFFFFFED0] =	vst v0  }
0x1ef: {  	v0 =	vld [tilespmem:s28+$0xFFFFFF60];
	[tilespmem:s1+$0xFFFFFF50] =	vst v3;
	v2 =	vmul.f32 $8.000000000e+00, v2  }
0x1f0: {  	[tilespmem:s1+$0xFFFFFC50] =	vst v4;
	v3 =	vmul.f32 $8.000000000e+00, v7;
	v4 =	vld [tilespmem:s28+$0xFFFFFFA0]  }
0x1f1: {  	v7 =	vld [tilespmem:s28+$0xFFFFFE20];
	v5 =	vmul.f32 $8.000000000e+00, v5;
	[tilespmem:s1+$0xFFFFFFE0] =	vst v2  }
0x1f2: {  	[tilespmem:s1+$0xFFFFFCE0] =	vst v3;
	v1 =	vmul.f32 $8.000000000e+00, v1;
	v2 =	vld [tilespmem:s28+$0xFFFFFFF0]  }
0x1f3: {  	v3 =	vld [tilespmem:s28+$0xFFFFFE70];
	[tilespmem:s1+$0xFFFFFD60] =	vst v5;
	v5 =	vmul.f32 $8.000000000e+00, v6  }
0x1f4: {  	v6 =	vld [tilespmem:s28+$0xFFFFFEB0];
	[tilespmem:s1+$0xFFFFFDE0] =	vst v1;
	v0 =	vmul.f32 $8.000000000e+00, v0  }
0x1f5: {  	v1 =	vld [tilespmem:s28+$0xFFFFFEF0];
	[tilespmem:s1+$0xFFFFFE60] =	vst v5;
	v4 =	vmul.f32 $8.000000000e+00, v4  }
0x1f6: {  	v5 =	vmul.f32 $8.000000000e+00, v7;
	v7 =	vld [tilespmem:s28+$0xFFFFFF30];
	[tilespmem:s1+$0xFFFFFEE0] =	vst v0  }
0x1f7: {  	v0 =	vld [tilespmem:s28+$0xFFFFFF70];
	[tilespmem:s1+$0xFFFFFF60] =	vst v4;
	v2 =	vmul.f32 $8.000000000e+00, v2  }
0x1f8: {  	[tilespmem:s1+$0xFFFFFC60] =	vst v5;
	v3 =	vmul.f32 $8.000000000e+00, v3;
	v4 =	vld [tilespmem:s28+$0xFFFFFFB0]  }
0x1f9: {  	v5 =	vld [tilespmem:s28+$0xFFFFFE30];
	v6 =	vmul.f32 $8.000000000e+00, v6;
	[tilespmem:s1+$0xFFFFFFF0] =	vst v2  }
0x1fa: {  	[tilespmem:s1+$0xFFFFFCF0] =	vst v3;
	v1 =	vmul.f32 $8.000000000e+00, v1;
	v3 =	vld [tilespmem:s28+$0x0]  }
0x1fb: {  	v8 =	vld [tilespmem:s28+$0xFFFFFE80];
	[tilespmem:s1+$0xFFFFFD70] =	vst v6;
	v2 =	vmul.f32 $8.000000000e+00, v7  }
0x1fc: {  	v7 =	vld [tilespmem:s28+$0xFFFFFEC0];
	[tilespmem:s1+$0xFFFFFDF0] =	vst v1;
	v1 =	vmul.f32 $8.000000000e+00, v0  }
.Ltmp5:
0x1fd: {  	v0 =	vld [tilespmem:s28+$0xFFFFFF00];
	[tilespmem:s1+$0xFFFFFE70] =	vst v2;
	v4 =	vmul.f32 $8.000000000e+00, v4;
	(pc) =	sbr.rel @p0 .LBB2_13-.Ltmp5, $4  }
0x1fe: {  	v5 =	vmul.f32 $8.000000000e+00, v5;
	v2 =	vld [tilespmem:s28+$0xFFFFFF40];
	[tilespmem:s1+$0xFFFFFEF0] =	vst v1  }
0x1ff: {  	v1 =	vld [tilespmem:s28+$0xFFFFFF80];
	[tilespmem:s1+$0xFFFFFF70] =	vst v4;
	v9 =	vmul.f32 $8.000000000e+00, v3  }
0x200: {  	[tilespmem:s1+$0xFFFFFC70] =	vst v5;
	v6 =	vmul.f32 $8.000000000e+00, v8;
	v3 =	vld [tilespmem:s28+$0xFFFFFFC0]  }
0x201: {  	v4 =	vld [tilespmem:s28+$0xFFFFFE40];
	v5 =	vmul.f32 $8.000000000e+00, v7;
	[tilespmem:s1+$0x0] =	vst v9;
	s28 =	sadd.s32 $0x200, s28  }
0x202: {  	[tilespmem:s1+$0xFFFFFD00] =	vst v6;
	v0 =	vmul.f32 $8.000000000e+00, v0  }
0x203: {  	[tilespmem:s1+$0xFFFFFD80] =	vst v5;
	v2 =	vmul.f32 $8.000000000e+00, v2  }
0x204: {  	[tilespmem:s1+$0xFFFFFE00] =	vst v0;
	v0 =	vmul.f32 $8.000000000e+00, v1  }
0x205: {  	s28 =	sadd.s32 s31, s11;
	[tilespmem:s1+$0xFFFFFE80] =	vst v2;
	v1 =	vmul.f32 $8.000000000e+00, v3  }
0x206: {  	s28 =	sshll.u32 s28, $0x4;
	v2 =	vmul.f32 $8.000000000e+00, v4;
	[tilespmem:s1+$0xFFFFFF00] =	vst v0  }
0x207: {  	s28 =	sand.u32 $0x1FFFE800, s28;
	[tilespmem:s1+$0xFFFFFF80] =	vst v1  }
0x208: {  	[tilespmem:s1+$0xFFFFFC80] =	vst v2;
	s1 =	sadd.s32 s4, s28  }
0x209: {  	[hbm4b:s1+s2] =	stream.linear.scatter [tilespmem:s16], [sflag:$0xA], $0x4000, $0x38;
	[tilespmem:$0x1E400] =	vst v63  }
0x20a: {  	s28 =	simm.s32 $0x10400;
	s1 =	sadd.s32 $0x680, s29  }
0x20b: {  	[tilespmem:s28], [sflag:$0x6] =	stream.indirect.gather [hbm4b:s3+s24], $0x40, s1, s24, $0xb8;
	[tilespmem:$0x1E400] =	vst v63  }
0x20c: {  	_ =	swait.ge [sflag:s23], $0x2000  }
0x20d: {  	[sflag:s23] =	ssyncset.done $0x0  }
0x20e: {  	[sflag:s23] =	ssyncadd.s32 $0xFFFFE000  }
0x20f: {  	_ =	swait.ge [sflag:s18], $0x4000  }
0x210: {  	[sflag:s18] =	ssyncset.done $0x0  }
0x211: {  	s28 =	simm.s32 $0x125F0;
	[sflag:s18] =	ssyncadd.s32 $0xFFFFC000  }
0x212: {  	v0 =	vld [tilespmem:s28+$0xFFFFFFD0]  }
0x213: {  	v1 =	vld [tilespmem:s28+$0xFFFFFE50]  }
0x214: {  	v2 =	vld [tilespmem:s28+$0xFFFFFE90]  }
0x215: {  	v3 =	vld [tilespmem:s28+$0xFFFFFED0]  }
0x216: {  	v4 =	vld [tilespmem:s28+$0xFFFFFF10]  }
0x217: {  	v5 =	vld [tilespmem:s28+$0xFFFFFF50];
	v0 =	vmul.f32 $8.000000000e+00, v0  }
0x218: {  	s1 =	simm.s32 $0x16600;
	v6 =	vld [tilespmem:s28+$0xFFFFFF90];
	v1 =	vmul.f32 $8.000000000e+00, v1  }
0x219: {  	v7 =	vld [tilespmem:s28+$0xFFFFFE10];
	v2 =	vmul.f32 $8.000000000e+00, v2;
	[tilespmem:s1+$0x180] =	vst v0  }
0x21a: {  	[tilespmem:s1+$0xFFFFFE80] =	vst v1;
	v0 =	vmul.f32 $8.000000000e+00, v3;
	v1 =	vld [tilespmem:s28+$0xFFFFFFE0]  }
0x21b: {  	[tilespmem:s1+$0xFFFFFF00] =	vst v2;
	v2 =	vmul.f32 $8.000000000e+00, v4;
	v3 =	vld [tilespmem:s28+$0xFFFFFE60]  }
0x21c: {  	v4 =	vld [tilespmem:s28+$0xFFFFFEA0];
	[tilespmem:s1+$0xFFFFFF80] =	vst v0;
	v0 =	vmul.f32 $8.000000000e+00, v5  }
0x21d: {  	[tilespmem:s1+$0x0] =	vst v2;
	v2 =	vmul.f32 $8.000000000e+00, v6;
	v5 =	vld [tilespmem:s28+$0xFFFFFEE0]  }
0x21e: {  	v6 =	vmul.f32 $8.000000000e+00, v7;
	v7 =	vld [tilespmem:s28+$0xFFFFFF20];
	[tilespmem:s1+$0x80] =	vst v0  }
0x21f: {  	[tilespmem:s1+$0x100] =	vst v2;
	v0 =	vld [tilespmem:s28+$0xFFFFFF60];
	v1 =	vmul.f32 $8.000000000e+00, v1  }
0x220: {  	[tilespmem:s1+$0xFFFFFE00] =	vst v6;
	v2 =	vmul.f32 $8.000000000e+00, v3;
	v3 =	vld [tilespmem:s28+$0xFFFFFFA0]  }
0x221: {  	v6 =	vld [tilespmem:s28+$0xFFFFFE20];
	v4 =	vmul.f32 $8.000000000e+00, v4;
	[tilespmem:s1+$0x190] =	vst v1  }
0x222: {  	[tilespmem:s1+$0xFFFFFE90] =	vst v2;
	v1 =	vmul.f32 $8.000000000e+00, v5;
	v2 =	vld [tilespmem:s28+$0xFFFFFFF0]  }
0x223: {  	[tilespmem:s1+$0xFFFFFF10] =	vst v4;
	v4 =	vmul.f32 $8.000000000e+00, v7;
	v5 =	vld [tilespmem:s28+$0xFFFFFE70]  }
0x224: {  	v7 =	vld [tilespmem:s28+$0xFFFFFEB0];
	[tilespmem:s1+$0xFFFFFF90] =	vst v1;
	v0 =	vmul.f32 $8.000000000e+00, v0  }
0x225: {  	[tilespmem:s1+$0x10] =	vst v4;
	v1 =	vld [tilespmem:s28+$0xFFFFFEF0];
	v3 =	vmul.f32 $8.000000000e+00, v3  }
0x226: {  	v4 =	vmul.f32 $8.000000000e+00, v6;
	v6 =	vld [tilespmem:s28+$0xFFFFFF30];
	[tilespmem:s1+$0x90] =	vst v0  }
0x227: {  	v0 =	vld [tilespmem:s28+$0xFFFFFF70];
	[tilespmem:s1+$0x110] =	vst v3;
	v2 =	vmul.f32 $8.000000000e+00, v2  }
0x228: {  	[tilespmem:s1+$0xFFFFFE10] =	vst v4;
	v3 =	vmul.f32 $8.000000000e+00, v5;
	v4 =	vld [tilespmem:s28+$0xFFFFFFB0]  }
0x229: {  	v5 =	vld [tilespmem:s28+$0xFFFFFE30];
	v7 =	vmul.f32 $8.000000000e+00, v7;
	[tilespmem:s1+$0x1A0] =	vst v2  }
0x22a: {  	[tilespmem:s1+$0xFFFFFEA0] =	vst v3;
	v1 =	vmul.f32 $8.000000000e+00, v1;
	v3 =	vld [tilespmem:s28+$0x0]  }
0x22b: {  	[tilespmem:s1+$0xFFFFFF20] =	vst v7;
	v2 =	vmul.f32 $8.000000000e+00, v6;
	v8 =	vld [tilespmem:s28+$0xFFFFFE80]  }
0x22c: {  	v7 =	vld [tilespmem:s28+$0xFFFFFEC0];
	[tilespmem:s1+$0xFFFFFFA0] =	vst v1;
	v1 =	vmul.f32 $8.000000000e+00, v0  }
0x22d: {  	[tilespmem:s1+$0x20] =	vst v2;
	v0 =	vld [tilespmem:s28+$0xFFFFFF00];
	v4 =	vmul.f32 $8.000000000e+00, v4  }
0x22e: {  	v5 =	vmul.f32 $8.000000000e+00, v5;
	v2 =	vld [tilespmem:s28+$0xFFFFFF40];
	[tilespmem:s1+$0xA0] =	vst v1  }
0x22f: {  	v1 =	vld [tilespmem:s28+$0xFFFFFF80];
	[tilespmem:s1+$0x120] =	vst v4;
	v9 =	vmul.f32 $8.000000000e+00, v3  }
0x230: {  	[tilespmem:s1+$0xFFFFFE20] =	vst v5;
	v3 =	vld [tilespmem:s28+$0xFFFFFFC0];
	v6 =	vmul.f32 $8.000000000e+00, v8  }
0x231: {  	s30 =	simm.s32 $0x0;
	v4 =	vld [tilespmem:s28+$0xFFFFFE40];
	v5 =	vmul.f32 $8.000000000e+00, v7;
	s28 =	simm.s32 $0x127F0;
	[tilespmem:s1+$0x1B0] =	vst v9  }
.LBB2_15:
0x232: {  	v7 =	vld [tilespmem:s28+$0xFFFFFFD0];
	s30 =	sadd.s32 $0x8, s30;
	[tilespmem:s1+$0xFFFFFEB0] =	vst v6;
	v0 =	vmul.f32 $8.000000000e+00, v0  }
0x233: {  	v6 =	vld [tilespmem:s28+$0xFFFFFE50];
	p0 =	slt.u32 s30, $0x78;
	[tilespmem:s1+$0xFFFFFF30] =	vst v5;
	v2 =	vmul.f32 $8.000000000e+00, v2  }
0x234: {  	v5 =	vld [tilespmem:s28+$0xFFFFFE90];
	[tilespmem:s1+$0xFFFFFFB0] =	vst v0;
	v0 =	vmul.f32 $8.000000000e+00, v1  }
0x235: {  	v1 =	vld [tilespmem:s28+$0xFFFFFED0];
	[tilespmem:s1+$0x30] =	vst v2;
	v2 =	vmul.f32 $8.000000000e+00, v3  }
0x236: {  	v3 =	vld [tilespmem:s28+$0xFFFFFF10];
	v4 =	vmul.f32 $8.000000000e+00, v4;
	[tilespmem:s1+$0xB0] =	vst v0  }
0x237: {  	v0 =	vld [tilespmem:s28+$0xFFFFFF50];
	v7 =	vmul.f32 $8.000000000e+00, v7;
	[tilespmem:s1+$0x130] =	vst v2  }
0x238: {  	v2 =	vmul.f32 $8.000000000e+00, v6;
	v6 =	vld [tilespmem:s28+$0xFFFFFF90];
	[tilespmem:s1+$0xFFFFFE30] =	vst v4;
	s1 =	sadd.s32 $0x400, s1  }
0x239: {  	v4 =	vld [tilespmem:s28+$0xFFFFFE10];
	v5 =	vmul.f32 $8.000000000e+00, v5;
	[tilespmem:s1+$0x180] =	vst v7  }
0x23a: {  	[tilespmem:s1+$0xFFFFFE80] =	vst v2;
	v1 =	vmul.f32 $8.000000000e+00, v1;
	v2 =	vld [tilespmem:s28+$0xFFFFFFE0]  }
0x23b: {  	v7 =	vld [tilespmem:s28+$0xFFFFFE60];
	[tilespmem:s1+$0xFFFFFF00] =	vst v5;
	v3 =	vmul.f32 $8.000000000e+00, v3  }
0x23c: {  	v5 =	vld [tilespmem:s28+$0xFFFFFEA0];
	[tilespmem:s1+$0xFFFFFF80] =	vst v1;
	v0 =	vmul.f32 $8.000000000e+00, v0  }
0x23d: {  	v1 =	vld [tilespmem:s28+$0xFFFFFEE0];
	[tilespmem:s1+$0x0] =	vst v3;
	v3 =	vmul.f32 $8.000000000e+00, v6  }
0x23e: {  	v4 =	vmul.f32 $8.000000000e+00, v4;
	v6 =	vld [tilespmem:s28+$0xFFFFFF20];
	[tilespmem:s1+$0x80] =	vst v0  }
0x23f: {  	v0 =	vld [tilespmem:s28+$0xFFFFFF60];
	[tilespmem:s1+$0x100] =	vst v3;
	v2 =	vmul.f32 $8.000000000e+00, v2  }
0x240: {  	[tilespmem:s1+$0xFFFFFE00] =	vst v4;
	v3 =	vmul.f32 $8.000000000e+00, v7;
	v4 =	vld [tilespmem:s28+$0xFFFFFFA0]  }
0x241: {  	v7 =	vld [tilespmem:s28+$0xFFFFFE20];
	v5 =	vmul.f32 $8.000000000e+00, v5;
	[tilespmem:s1+$0x190] =	vst v2  }
0x242: {  	[tilespmem:s1+$0xFFFFFE90] =	vst v3;
	v1 =	vmul.f32 $8.000000000e+00, v1;
	v2 =	vld [tilespmem:s28+$0xFFFFFFF0]  }
0x243: {  	v3 =	vld [tilespmem:s28+$0xFFFFFE70];
	[tilespmem:s1+$0xFFFFFF10] =	vst v5;
	v5 =	vmul.f32 $8.000000000e+00, v6  }
0x244: {  	v6 =	vld [tilespmem:s28+$0xFFFFFEB0];
	[tilespmem:s1+$0xFFFFFF90] =	vst v1;
	v0 =	vmul.f32 $8.000000000e+00, v0  }
0x245: {  	v1 =	vld [tilespmem:s28+$0xFFFFFEF0];
	[tilespmem:s1+$0x10] =	vst v5;
	v4 =	vmul.f32 $8.000000000e+00, v4  }
0x246: {  	v5 =	vmul.f32 $8.000000000e+00, v7;
	v7 =	vld [tilespmem:s28+$0xFFFFFF30];
	[tilespmem:s1+$0x90] =	vst v0  }
0x247: {  	v0 =	vld [tilespmem:s28+$0xFFFFFF70];
	[tilespmem:s1+$0x110] =	vst v4;
	v2 =	vmul.f32 $8.000000000e+00, v2  }
0x248: {  	[tilespmem:s1+$0xFFFFFE10] =	vst v5;
	v3 =	vmul.f32 $8.000000000e+00, v3;
	v4 =	vld [tilespmem:s28+$0xFFFFFFB0]  }
0x249: {  	v5 =	vld [tilespmem:s28+$0xFFFFFE30];
	v6 =	vmul.f32 $8.000000000e+00, v6;
	[tilespmem:s1+$0x1A0] =	vst v2  }
0x24a: {  	[tilespmem:s1+$0xFFFFFEA0] =	vst v3;
	v1 =	vmul.f32 $8.000000000e+00, v1;
	v3 =	vld [tilespmem:s28+$0x0]  }
0x24b: {  	v8 =	vld [tilespmem:s28+$0xFFFFFE80];
	[tilespmem:s1+$0xFFFFFF20] =	vst v6;
	v2 =	vmul.f32 $8.000000000e+00, v7  }
0x24c: {  	v7 =	vld [tilespmem:s28+$0xFFFFFEC0];
	[tilespmem:s1+$0xFFFFFFA0] =	vst v1;
	v1 =	vmul.f32 $8.000000000e+00, v0  }
.Ltmp6:
0x24d: {  	v0 =	vld [tilespmem:s28+$0xFFFFFF00];
	[tilespmem:s1+$0x20] =	vst v2;
	v4 =	vmul.f32 $8.000000000e+00, v4;
	(pc) =	sbr.rel @p0 .LBB2_15-.Ltmp6, $4  }
0x24e: {  	v5 =	vmul.f32 $8.000000000e+00, v5;
	v2 =	vld [tilespmem:s28+$0xFFFFFF40];
	[tilespmem:s1+$0xA0] =	vst v1  }
0x24f: {  	v1 =	vld [tilespmem:s28+$0xFFFFFF80];
	[tilespmem:s1+$0x120] =	vst v4;
	v9 =	vmul.f32 $8.000000000e+00, v3  }
0x250: {  	[tilespmem:s1+$0xFFFFFE20] =	vst v5;
	v6 =	vmul.f32 $8.000000000e+00, v8;
	v3 =	vld [tilespmem:s28+$0xFFFFFFC0]  }
0x251: {  	v4 =	vld [tilespmem:s28+$0xFFFFFE40];
	v5 =	vmul.f32 $8.000000000e+00, v7;
	[tilespmem:s1+$0x1B0] =	vst v9;
	s28 =	sadd.s32 $0x200, s28  }
0x252: {  	[tilespmem:s1+$0xFFFFFEB0] =	vst v6;
	v0 =	vmul.f32 $8.000000000e+00, v0  }
0x253: {  	[tilespmem:s1+$0xFFFFFF30] =	vst v5;
	v2 =	vmul.f32 $8.000000000e+00, v2  }
0x254: {  	[tilespmem:s1+$0xFFFFFFB0] =	vst v0;
	v0 =	vmul.f32 $8.000000000e+00, v1  }
0x255: {  	s28 =	sadd.s32 s31, s12;
	[tilespmem:s1+$0x30] =	vst v2;
	v1 =	vmul.f32 $8.000000000e+00, v3  }
0x256: {  	s28 =	sshll.u32 s28, $0x4;
	v2 =	vmul.f32 $8.000000000e+00, v4;
	[tilespmem:s1+$0xB0] =	vst v0  }
0x257: {  	s28 =	sand.u32 $0x1FFFF000, s28;
	[tilespmem:s1+$0x130] =	vst v1  }
0x258: {  	[tilespmem:s1+$0xFFFFFE30] =	vst v2;
	s1 =	sadd.s32 s4, s28  }
0x259: {  	[hbm4b:s1+s2] =	stream.linear.scatter [tilespmem:s14], [sflag:$0x9], $0x4000, $0x38;
	[tilespmem:$0x1E400] =	vst v63  }
0x25a: {  	s28 =	simm.s32 $0x12400;
	s1 =	sadd.s32 $0x700, s29  }
0x25b: {  	[tilespmem:s28], [sflag:$0x7] =	stream.indirect.gather [hbm4b:s3+s24], $0x40, s1, s24, $0xb8;
	[tilespmem:$0x1E400] =	vst v63  }
0x25c: {  	_ =	swait.ge [sflag:s25], $0x2000  }
0x25d: {  	[sflag:s25] =	ssyncset.done $0x0  }
0x25e: {  	[sflag:s25] =	ssyncadd.s32 $0xFFFFE000  }
0x25f: {  	_ =	swait.ge [sflag:s20], $0x4000  }
0x260: {  	[sflag:s20] =	ssyncset.done $0x0  }
0x261: {  	s28 =	simm.s32 $0x145F0;
	[sflag:s20] =	ssyncadd.s32 $0xFFFFC000  }
0x262: {  	v0 =	vld [tilespmem:s28+$0xFFFFFFD0]  }
0x263: {  	v1 =	vld [tilespmem:s28+$0xFFFFFE50]  }
0x264: {  	v2 =	vld [tilespmem:s28+$0xFFFFFE90]  }
0x265: {  	v3 =	vld [tilespmem:s28+$0xFFFFFED0]  }
0x266: {  	v4 =	vld [tilespmem:s28+$0xFFFFFF10]  }
0x267: {  	v5 =	vld [tilespmem:s28+$0xFFFFFF50];
	v0 =	vmul.f32 $8.000000000e+00, v0  }
0x268: {  	s1 =	simm.s32 $0x1A7B0;
	v6 =	vld [tilespmem:s28+$0xFFFFFF90];
	v1 =	vmul.f32 $8.000000000e+00, v1  }
0x269: {  	v7 =	vld [tilespmem:s28+$0xFFFFFE10];
	v2 =	vmul.f32 $8.000000000e+00, v2;
	[tilespmem:s1+$0xFFFFFFD0] =	vst v0  }
0x26a: {  	[tilespmem:s1+$0xFFFFFCD0] =	vst v1;
	v0 =	vmul.f32 $8.000000000e+00, v3;
	v1 =	vld [tilespmem:s28+$0xFFFFFFE0]  }
0x26b: {  	[tilespmem:s1+$0xFFFFFD50] =	vst v2;
	v2 =	vmul.f32 $8.000000000e+00, v4;
	v3 =	vld [tilespmem:s28+$0xFFFFFE60]  }
0x26c: {  	v4 =	vld [tilespmem:s28+$0xFFFFFEA0];
	[tilespmem:s1+$0xFFFFFDD0] =	vst v0;
	v0 =	vmul.f32 $8.000000000e+00, v5  }
0x26d: {  	[tilespmem:s1+$0xFFFFFE50] =	vst v2;
	v2 =	vmul.f32 $8.000000000e+00, v6;
	v5 =	vld [tilespmem:s28+$0xFFFFFEE0]  }
0x26e: {  	v6 =	vmul.f32 $8.000000000e+00, v7;
	v7 =	vld [tilespmem:s28+$0xFFFFFF20];
	[tilespmem:s1+$0xFFFFFED0] =	vst v0  }
0x26f: {  	[tilespmem:s1+$0xFFFFFF50] =	vst v2;
	v0 =	vld [tilespmem:s28+$0xFFFFFF60];
	v1 =	vmul.f32 $8.000000000e+00, v1  }
0x270: {  	[tilespmem:s1+$0xFFFFFC50] =	vst v6;
	v2 =	vmul.f32 $8.000000000e+00, v3;
	v3 =	vld [tilespmem:s28+$0xFFFFFFA0]  }
0x271: {  	v6 =	vld [tilespmem:s28+$0xFFFFFE20];
	v4 =	vmul.f32 $8.000000000e+00, v4;
	[tilespmem:s1+$0xFFFFFFE0] =	vst v1  }
0x272: {  	[tilespmem:s1+$0xFFFFFCE0] =	vst v2;
	v1 =	vmul.f32 $8.000000000e+00, v5;
	v2 =	vld [tilespmem:s28+$0xFFFFFFF0]  }
0x273: {  	[tilespmem:s1+$0xFFFFFD60] =	vst v4;
	v4 =	vmul.f32 $8.000000000e+00, v7;
	v5 =	vld [tilespmem:s28+$0xFFFFFE70]  }
0x274: {  	v7 =	vld [tilespmem:s28+$0xFFFFFEB0];
	[tilespmem:s1+$0xFFFFFDE0] =	vst v1;
	v0 =	vmul.f32 $8.000000000e+00, v0  }
0x275: {  	[tilespmem:s1+$0xFFFFFE60] =	vst v4;
	v1 =	vld [tilespmem:s28+$0xFFFFFEF0];
	v3 =	vmul.f32 $8.000000000e+00, v3  }
0x276: {  	v4 =	vmul.f32 $8.000000000e+00, v6;
	v6 =	vld [tilespmem:s28+$0xFFFFFF30];
	[tilespmem:s1+$0xFFFFFEE0] =	vst v0  }
0x277: {  	v0 =	vld [tilespmem:s28+$0xFFFFFF70];
	[tilespmem:s1+$0xFFFFFF60] =	vst v3;
	v2 =	vmul.f32 $8.000000000e+00, v2  }
0x278: {  	[tilespmem:s1+$0xFFFFFC60] =	vst v4;
	v3 =	vmul.f32 $8.000000000e+00, v5;
	v4 =	vld [tilespmem:s28+$0xFFFFFFB0]  }
0x279: {  	v5 =	vld [tilespmem:s28+$0xFFFFFE30];
	v7 =	vmul.f32 $8.000000000e+00, v7;
	[tilespmem:s1+$0xFFFFFFF0] =	vst v2  }
0x27a: {  	[tilespmem:s1+$0xFFFFFCF0] =	vst v3;
	v1 =	vmul.f32 $8.000000000e+00, v1;
	v3 =	vld [tilespmem:s28+$0x0]  }
0x27b: {  	[tilespmem:s1+$0xFFFFFD70] =	vst v7;
	v2 =	vmul.f32 $8.000000000e+00, v6;
	v8 =	vld [tilespmem:s28+$0xFFFFFE80]  }
0x27c: {  	v7 =	vld [tilespmem:s28+$0xFFFFFEC0];
	[tilespmem:s1+$0xFFFFFDF0] =	vst v1;
	v1 =	vmul.f32 $8.000000000e+00, v0  }
0x27d: {  	[tilespmem:s1+$0xFFFFFE70] =	vst v2;
	v0 =	vld [tilespmem:s28+$0xFFFFFF00];
	v4 =	vmul.f32 $8.000000000e+00, v4  }
0x27e: {  	v5 =	vmul.f32 $8.000000000e+00, v5;
	v2 =	vld [tilespmem:s28+$0xFFFFFF40];
	[tilespmem:s1+$0xFFFFFEF0] =	vst v1  }
0x27f: {  	v1 =	vld [tilespmem:s28+$0xFFFFFF80];
	[tilespmem:s1+$0xFFFFFF70] =	vst v4;
	v9 =	vmul.f32 $8.000000000e+00, v3  }
0x280: {  	[tilespmem:s1+$0xFFFFFC70] =	vst v5;
	v3 =	vld [tilespmem:s28+$0xFFFFFFC0];
	v6 =	vmul.f32 $8.000000000e+00, v8  }
0x281: {  	s30 =	simm.s32 $0x0;
	v4 =	vld [tilespmem:s28+$0xFFFFFE40];
	v5 =	vmul.f32 $8.000000000e+00, v7;
	s28 =	simm.s32 $0x147F0;
	[tilespmem:s1+$0x0] =	vst v9  }
.LBB2_17:
0x282: {  	v7 =	vld [tilespmem:s28+$0xFFFFFFD0];
	s30 =	sadd.s32 $0x8, s30;
	[tilespmem:s1+$0xFFFFFD00] =	vst v6;
	v0 =	vmul.f32 $8.000000000e+00, v0  }
0x283: {  	v6 =	vld [tilespmem:s28+$0xFFFFFE50];
	p0 =	slt.u32 s30, $0x78;
	[tilespmem:s1+$0xFFFFFD80] =	vst v5;
	v2 =	vmul.f32 $8.000000000e+00, v2  }
0x284: {  	v5 =	vld [tilespmem:s28+$0xFFFFFE90];
	[tilespmem:s1+$0xFFFFFE00] =	vst v0;
	v0 =	vmul.f32 $8.000000000e+00, v1  }
0x285: {  	v1 =	vld [tilespmem:s28+$0xFFFFFED0];
	[tilespmem:s1+$0xFFFFFE80] =	vst v2;
	v2 =	vmul.f32 $8.000000000e+00, v3  }
0x286: {  	v3 =	vld [tilespmem:s28+$0xFFFFFF10];
	v4 =	vmul.f32 $8.000000000e+00, v4;
	[tilespmem:s1+$0xFFFFFF00] =	vst v0  }
0x287: {  	v0 =	vld [tilespmem:s28+$0xFFFFFF50];
	v7 =	vmul.f32 $8.000000000e+00, v7;
	[tilespmem:s1+$0xFFFFFF80] =	vst v2  }
0x288: {  	v2 =	vmul.f32 $8.000000000e+00, v6;
	v6 =	vld [tilespmem:s28+$0xFFFFFF90];
	[tilespmem:s1+$0xFFFFFC80] =	vst v4;
	s1 =	sadd.s32 $0x400, s1  }
0x289: {  	v4 =	vld [tilespmem:s28+$0xFFFFFE10];
	v5 =	vmul.f32 $8.000000000e+00, v5;
	[tilespmem:s1+$0xFFFFFFD0] =	vst v7  }
0x28a: {  	[tilespmem:s1+$0xFFFFFCD0] =	vst v2;
	v1 =	vmul.f32 $8.000000000e+00, v1;
	v2 =	vld [tilespmem:s28+$0xFFFFFFE0]  }
0x28b: {  	v7 =	vld [tilespmem:s28+$0xFFFFFE60];
	[tilespmem:s1+$0xFFFFFD50] =	vst v5;
	v3 =	vmul.f32 $8.000000000e+00, v3  }
0x28c: {  	v5 =	vld [tilespmem:s28+$0xFFFFFEA0];
	[tilespmem:s1+$0xFFFFFDD0] =	vst v1;
	v0 =	vmul.f32 $8.000000000e+00, v0  }
0x28d: {  	v1 =	vld [tilespmem:s28+$0xFFFFFEE0];
	[tilespmem:s1+$0xFFFFFE50] =	vst v3;
	v3 =	vmul.f32 $8.000000000e+00, v6  }
0x28e: {  	v4 =	vmul.f32 $8.000000000e+00, v4;
	v6 =	vld [tilespmem:s28+$0xFFFFFF20];
	[tilespmem:s1+$0xFFFFFED0] =	vst v0  }
0x28f: {  	v0 =	vld [tilespmem:s28+$0xFFFFFF60];
	[tilespmem:s1+$0xFFFFFF50] =	vst v3;
	v2 =	vmul.f32 $8.000000000e+00, v2  }
0x290: {  	[tilespmem:s1+$0xFFFFFC50] =	vst v4;
	v3 =	vmul.f32 $8.000000000e+00, v7;
	v4 =	vld [tilespmem:s28+$0xFFFFFFA0]  }
0x291: {  	v7 =	vld [tilespmem:s28+$0xFFFFFE20];
	v5 =	vmul.f32 $8.000000000e+00, v5;
	[tilespmem:s1+$0xFFFFFFE0] =	vst v2  }
0x292: {  	[tilespmem:s1+$0xFFFFFCE0] =	vst v3;
	v1 =	vmul.f32 $8.000000000e+00, v1;
	v2 =	vld [tilespmem:s28+$0xFFFFFFF0]  }
0x293: {  	v3 =	vld [tilespmem:s28+$0xFFFFFE70];
	[tilespmem:s1+$0xFFFFFD60] =	vst v5;
	v5 =	vmul.f32 $8.000000000e+00, v6  }
0x294: {  	v6 =	vld [tilespmem:s28+$0xFFFFFEB0];
	[tilespmem:s1+$0xFFFFFDE0] =	vst v1;
	v0 =	vmul.f32 $8.000000000e+00, v0  }
0x295: {  	v1 =	vld [tilespmem:s28+$0xFFFFFEF0];
	[tilespmem:s1+$0xFFFFFE60] =	vst v5;
	v4 =	vmul.f32 $8.000000000e+00, v4  }
0x296: {  	v5 =	vmul.f32 $8.000000000e+00, v7;
	v7 =	vld [tilespmem:s28+$0xFFFFFF30];
	[tilespmem:s1+$0xFFFFFEE0] =	vst v0  }
0x297: {  	v0 =	vld [tilespmem:s28+$0xFFFFFF70];
	[tilespmem:s1+$0xFFFFFF60] =	vst v4;
	v2 =	vmul.f32 $8.000000000e+00, v2  }
0x298: {  	[tilespmem:s1+$0xFFFFFC60] =	vst v5;
	v3 =	vmul.f32 $8.000000000e+00, v3;
	v4 =	vld [tilespmem:s28+$0xFFFFFFB0]  }
0x299: {  	v5 =	vld [tilespmem:s28+$0xFFFFFE30];
	v6 =	vmul.f32 $8.000000000e+00, v6;
	[tilespmem:s1+$0xFFFFFFF0] =	vst v2  }
0x29a: {  	[tilespmem:s1+$0xFFFFFCF0] =	vst v3;
	v1 =	vmul.f32 $8.000000000e+00, v1;
	v3 =	vld [tilespmem:s28+$0x0]  }
0x29b: {  	v8 =	vld [tilespmem:s28+$0xFFFFFE80];
	[tilespmem:s1+$0xFFFFFD70] =	vst v6;
	v2 =	vmul.f32 $8.000000000e+00, v7  }
0x29c: {  	v7 =	vld [tilespmem:s28+$0xFFFFFEC0];
	[tilespmem:s1+$0xFFFFFDF0] =	vst v1;
	v1 =	vmul.f32 $8.000000000e+00, v0  }
.Ltmp7:
0x29d: {  	v0 =	vld [tilespmem:s28+$0xFFFFFF00];
	[tilespmem:s1+$0xFFFFFE70] =	vst v2;
	v4 =	vmul.f32 $8.000000000e+00, v4;
	(pc) =	sbr.rel @p0 .LBB2_17-.Ltmp7, $4  }
0x29e: {  	v5 =	vmul.f32 $8.000000000e+00, v5;
	v2 =	vld [tilespmem:s28+$0xFFFFFF40];
	[tilespmem:s1+$0xFFFFFEF0] =	vst v1  }
0x29f: {  	v1 =	vld [tilespmem:s28+$0xFFFFFF80];
	[tilespmem:s1+$0xFFFFFF70] =	vst v4;
	v9 =	vmul.f32 $8.000000000e+00, v3  }
0x2a0: {  	[tilespmem:s1+$0xFFFFFC70] =	vst v5;
	v6 =	vmul.f32 $8.000000000e+00, v8;
	v3 =	vld [tilespmem:s28+$0xFFFFFFC0]  }
0x2a1: {  	v4 =	vld [tilespmem:s28+$0xFFFFFE40];
	v5 =	vmul.f32 $8.000000000e+00, v7;
	[tilespmem:s1+$0x0] =	vst v9;
	s28 =	sadd.s32 $0x200, s28  }
0x2a2: {  	[tilespmem:s1+$0xFFFFFD00] =	vst v6;
	v0 =	vmul.f32 $8.000000000e+00, v0  }
0x2a3: {  	[tilespmem:s1+$0xFFFFFD80] =	vst v5;
	v2 =	vmul.f32 $8.000000000e+00, v2  }
0x2a4: {  	[tilespmem:s1+$0xFFFFFE00] =	vst v0;
	v61 =	vmul.f32 $8.000000000e+00, v1  }
0x2a5: {  	s28 =	sadd.s32 s31, s13;
	s26 =	sadd.s32 $0x1, s26;
	[tilespmem:s1+$0xFFFFFE80] =	vst v2;
	v62 =	vmul.f32 $8.000000000e+00, v3  }
0x2a6: {  	s28 =	sshll.u32 s28, $0x4;
	p0 =	sne.s32 s26, $0x18;
	v63 =	vmul.f32 $8.000000000e+00, v4;
	[tilespmem:s1+$0xFFFFFF00] =	vst v61  }
.Ltmp8:
0x2a7: {  	s28 =	sand.u32 $0x1FFFF800, s28;
	[tilespmem:s1+$0xFFFFFF80] =	vst v62;
	(pc) =	sbr.rel @p0 .LBB2_2-.Ltmp8, $4  }
0x2a8: {  	s30 =	sadd.s32 s4, s28;
	[tilespmem:s1+$0xFFFFFC80] =	vst v63  }
0x2a9: {  	[hbm4b:s30+s2] =	stream.linear.scatter [tilespmem:s16], [sflag:$0xA], $0x4000, $0x38;
	[tilespmem:$0x1E400] =	vst v63  }
0x2aa: {  	s31 =	sadd.s32 $0x780, s29  }
0x2ab: {  	[tilespmem:s0], [sflag:$0x8] =	stream.indirect.gather [hbm4b:s3+s24], $0x40, s31, s24, $0xb8;
	[tilespmem:$0x1E400] =	vst v63  }
0x2ac: {  	_ =	swait.ge [sflag:s6], $0x2000  }
0x2ad: {  	[sflag:s6] =	ssyncset.done $0x0  }
0x2ae: {  	[sflag:s6] =	ssyncadd.s32 $0xFFFFE000  }
0x2af: {  	_ =	swait.ge [sflag:s18], $0x4000  }
0x2b0: {  	[sflag:s18] =	ssyncset.done $0x0  }
0x2b1: {  	s28 =	simm.s32 $0x6500;
	[sflag:s18] =	ssyncadd.s32 $0xFFFFC000  }
0x2b2: {  	v0 =	vld [tilespmem:s28+$0xC0]  }
0x2b3: {  	v1 =	vld [tilespmem:s28+$0xFFFFFF40]  }
0x2b4: {  	v2 =	vld [tilespmem:s28+$0xFFFFFF80]  }
0x2b5: {  	v3 =	vld [tilespmem:s28+$0xFFFFFFC0]  }
0x2b6: {  	v4 =	vld [tilespmem:s28+$0x0]  }
0x2b7: {  	v5 =	vld [tilespmem:s28+$0x40];
	v0 =	vmul.f32 $8.000000000e+00, v0  }
0x2b8: {  	s1 =	simm.s32 $0x16600;
	v6 =	vld [tilespmem:s28+$0x80];
	v1 =	vmul.f32 $8.000000000e+00, v1  }
0x2b9: {  	v7 =	vld [tilespmem:s28+$0xFFFFFF00];
	v2 =	vmul.f32 $8.000000000e+00, v2;
	[tilespmem:s1+$0x180] =	vst v0  }
0x2ba: {  	[tilespmem:s1+$0xFFFFFE80] =	vst v1;
	v0 =	vmul.f32 $8.000000000e+00, v3;
	v1 =	vld [tilespmem:s28+$0xD0]  }
0x2bb: {  	[tilespmem:s1+$0xFFFFFF00] =	vst v2;
	v2 =	vmul.f32 $8.000000000e+00, v4;
	v3 =	vld [tilespmem:s28+$0xFFFFFF50]  }
0x2bc: {  	v4 =	vld [tilespmem:s28+$0xFFFFFF90];
	[tilespmem:s1+$0xFFFFFF80] =	vst v0;
	v0 =	vmul.f32 $8.000000000e+00, v5  }
0x2bd: {  	[tilespmem:s1+$0x0] =	vst v2;
	v2 =	vmul.f32 $8.000000000e+00, v6;
	v5 =	vld [tilespmem:s28+$0xFFFFFFD0]  }
0x2be: {  	v6 =	vmul.f32 $8.000000000e+00, v7;
	v7 =	vld [tilespmem:s28+$0x10];
	[tilespmem:s1+$0x80] =	vst v0  }
0x2bf: {  	[tilespmem:s1+$0x100] =	vst v2;
	v0 =	vld [tilespmem:s28+$0x50];
	v1 =	vmul.f32 $8.000000000e+00, v1  }
0x2c0: {  	[tilespmem:s1+$0xFFFFFE00] =	vst v6;
	v2 =	vmul.f32 $8.000000000e+00, v3;
	v3 =	vld [tilespmem:s28+$0x90]  }
0x2c1: {  	v6 =	vld [tilespmem:s28+$0xFFFFFF10];
	v4 =	vmul.f32 $8.000000000e+00, v4;
	[tilespmem:s1+$0x190] =	vst v1  }
0x2c2: {  	[tilespmem:s1+$0xFFFFFE90] =	vst v2;
	v1 =	vmul.f32 $8.000000000e+00, v5;
	v2 =	vld [tilespmem:s28+$0xE0]  }
0x2c3: {  	[tilespmem:s1+$0xFFFFFF10] =	vst v4;
	v4 =	vmul.f32 $8.000000000e+00, v7;
	v5 =	vld [tilespmem:s28+$0xFFFFFF60]  }
0x2c4: {  	v7 =	vld [tilespmem:s28+$0xFFFFFFA0];
	[tilespmem:s1+$0xFFFFFF90] =	vst v1;
	v0 =	vmul.f32 $8.000000000e+00, v0  }
0x2c5: {  	[tilespmem:s1+$0x10] =	vst v4;
	v1 =	vld [tilespmem:s28+$0xFFFFFFE0];
	v3 =	vmul.f32 $8.000000000e+00, v3  }
0x2c6: {  	v4 =	vmul.f32 $8.000000000e+00, v6;
	v6 =	vld [tilespmem:s28+$0x20];
	[tilespmem:s1+$0x90] =	vst v0  }
0x2c7: {  	v0 =	vld [tilespmem:s28+$0x60];
	[tilespmem:s1+$0x110] =	vst v3;
	v2 =	vmul.f32 $8.000000000e+00, v2  }
0x2c8: {  	[tilespmem:s1+$0xFFFFFE10] =	vst v4;
	v3 =	vmul.f32 $8.000000000e+00, v5;
	v4 =	vld [tilespmem:s28+$0xA0]  }
0x2c9: {  	v5 =	vld [tilespmem:s28+$0xFFFFFF20];
	v7 =	vmul.f32 $8.000000000e+00, v7;
	[tilespmem:s1+$0x1A0] =	vst v2  }
0x2ca: {  	[tilespmem:s1+$0xFFFFFEA0] =	vst v3;
	v1 =	vmul.f32 $8.000000000e+00, v1;
	v3 =	vld [tilespmem:s28+$0xF0]  }
0x2cb: {  	[tilespmem:s1+$0xFFFFFF20] =	vst v7;
	v2 =	vmul.f32 $8.000000000e+00, v6;
	v8 =	vld [tilespmem:s28+$0xFFFFFF70]  }
0x2cc: {  	v7 =	vld [tilespmem:s28+$0xFFFFFFB0];
	[tilespmem:s1+$0xFFFFFFA0] =	vst v1;
	v1 =	vmul.f32 $8.000000000e+00, v0  }
0x2cd: {  	[tilespmem:s1+$0x20] =	vst v2;
	v0 =	vld [tilespmem:s28+$0xFFFFFFF0];
	v4 =	vmul.f32 $8.000000000e+00, v4  }
0x2ce: {  	v5 =	vmul.f32 $8.000000000e+00, v5;
	v2 =	vld [tilespmem:s28+$0x30];
	[tilespmem:s1+$0xA0] =	vst v1  }
0x2cf: {  	v1 =	vld [tilespmem:s28+$0x70];
	[tilespmem:s1+$0x120] =	vst v4;
	v9 =	vmul.f32 $8.000000000e+00, v3  }
0x2d0: {  	[tilespmem:s1+$0xFFFFFE20] =	vst v5;
	v3 =	vld [tilespmem:s28+$0xB0];
	v6 =	vmul.f32 $8.000000000e+00, v8  }
0x2d1: {  	s26 =	simm.s32 $0x0;
	v4 =	vld [tilespmem:s28+$0xFFFFFF30];
	v5 =	vmul.f32 $8.000000000e+00, v7;
	s28 =	simm.s32 $0x6700;
	[tilespmem:s1+$0x1B0] =	vst v9  }
.LBB2_20:
0x2d2: {  	v7 =	vld [tilespmem:s28+$0xC0];
	s26 =	sadd.s32 $0x8, s26;
	[tilespmem:s1+$0xFFFFFEB0] =	vst v6;
	v0 =	vmul.f32 $8.000000000e+00, v0  }
0x2d3: {  	v6 =	vld [tilespmem:s28+$0xFFFFFF40];
	p0 =	slt.u32 s26, $0x78;
	[tilespmem:s1+$0xFFFFFF30] =	vst v5;
	v2 =	vmul.f32 $8.000000000e+00, v2  }
0x2d4: {  	v5 =	vld [tilespmem:s28+$0xFFFFFF80];
	[tilespmem:s1+$0xFFFFFFB0] =	vst v0;
	v0 =	vmul.f32 $8.000000000e+00, v1  }
0x2d5: {  	v1 =	vld [tilespmem:s28+$0xFFFFFFC0];
	[tilespmem:s1+$0x30] =	vst v2;
	v2 =	vmul.f32 $8.000000000e+00, v3  }
0x2d6: {  	v3 =	vld [tilespmem:s28+$0x0];
	v4 =	vmul.f32 $8.000000000e+00, v4;
	[tilespmem:s1+$0xB0] =	vst v0  }
0x2d7: {  	v0 =	vld [tilespmem:s28+$0x40];
	v7 =	vmul.f32 $8.000000000e+00, v7;
	[tilespmem:s1+$0x130] =	vst v2  }
0x2d8: {  	v2 =	vmul.f32 $8.000000000e+00, v6;
	v6 =	vld [tilespmem:s28+$0x80];
	[tilespmem:s1+$0xFFFFFE30] =	vst v4;
	s1 =	sadd.s32 $0x400, s1  }
0x2d9: {  	v4 =	vld [tilespmem:s28+$0xFFFFFF00];
	v5 =	vmul.f32 $8.000000000e+00, v5;
	[tilespmem:s1+$0x180] =	vst v7  }
0x2da: {  	[tilespmem:s1+$0xFFFFFE80] =	vst v2;
	v1 =	vmul.f32 $8.000000000e+00, v1;
	v2 =	vld [tilespmem:s28+$0xD0]  }
0x2db: {  	v7 =	vld [tilespmem:s28+$0xFFFFFF50];
	[tilespmem:s1+$0xFFFFFF00] =	vst v5;
	v3 =	vmul.f32 $8.000000000e+00, v3  }
0x2dc: {  	v5 =	vld [tilespmem:s28+$0xFFFFFF90];
	[tilespmem:s1+$0xFFFFFF80] =	vst v1;
	v0 =	vmul.f32 $8.000000000e+00, v0  }
0x2dd: {  	v1 =	vld [tilespmem:s28+$0xFFFFFFD0];
	[tilespmem:s1+$0x0] =	vst v3;
	v3 =	vmul.f32 $8.000000000e+00, v6  }
0x2de: {  	v4 =	vmul.f32 $8.000000000e+00, v4;
	v6 =	vld [tilespmem:s28+$0x10];
	[tilespmem:s1+$0x80] =	vst v0  }
0x2df: {  	v0 =	vld [tilespmem:s28+$0x50];
	[tilespmem:s1+$0x100] =	vst v3;
	v2 =	vmul.f32 $8.000000000e+00, v2  }
0x2e0: {  	[tilespmem:s1+$0xFFFFFE00] =	vst v4;
	v3 =	vmul.f32 $8.000000000e+00, v7;
	v4 =	vld [tilespmem:s28+$0x90]  }
0x2e1: {  	v7 =	vld [tilespmem:s28+$0xFFFFFF10];
	v5 =	vmul.f32 $8.000000000e+00, v5;
	[tilespmem:s1+$0x190] =	vst v2  }
0x2e2: {  	[tilespmem:s1+$0xFFFFFE90] =	vst v3;
	v1 =	vmul.f32 $8.000000000e+00, v1;
	v2 =	vld [tilespmem:s28+$0xE0]  }
0x2e3: {  	v3 =	vld [tilespmem:s28+$0xFFFFFF60];
	[tilespmem:s1+$0xFFFFFF10] =	vst v5;
	v5 =	vmul.f32 $8.000000000e+00, v6  }
0x2e4: {  	v6 =	vld [tilespmem:s28+$0xFFFFFFA0];
	[tilespmem:s1+$0xFFFFFF90] =	vst v1;
	v0 =	vmul.f32 $8.000000000e+00, v0  }
0x2e5: {  	v1 =	vld [tilespmem:s28+$0xFFFFFFE0];
	[tilespmem:s1+$0x10] =	vst v5;
	v4 =	vmul.f32 $8.000000000e+00, v4  }
0x2e6: {  	v5 =	vmul.f32 $8.000000000e+00, v7;
	v7 =	vld [tilespmem:s28+$0x20];
	[tilespmem:s1+$0x90] =	vst v0  }
0x2e7: {  	v0 =	vld [tilespmem:s28+$0x60];
	[tilespmem:s1+$0x110] =	vst v4;
	v2 =	vmul.f32 $8.000000000e+00, v2  }
0x2e8: {  	[tilespmem:s1+$0xFFFFFE10] =	vst v5;
	v3 =	vmul.f32 $8.000000000e+00, v3;
	v4 =	vld [tilespmem:s28+$0xA0]  }
0x2e9: {  	v5 =	vld [tilespmem:s28+$0xFFFFFF20];
	v6 =	vmul.f32 $8.000000000e+00, v6;
	[tilespmem:s1+$0x1A0] =	vst v2  }
0x2ea: {  	[tilespmem:s1+$0xFFFFFEA0] =	vst v3;
	v1 =	vmul.f32 $8.000000000e+00, v1;
	v3 =	vld [tilespmem:s28+$0xF0]  }
0x2eb: {  	v8 =	vld [tilespmem:s28+$0xFFFFFF70];
	[tilespmem:s1+$0xFFFFFF20] =	vst v6;
	v2 =	vmul.f32 $8.000000000e+00, v7  }
0x2ec: {  	v7 =	vld [tilespmem:s28+$0xFFFFFFB0];
	[tilespmem:s1+$0xFFFFFFA0] =	vst v1;
	v1 =	vmul.f32 $8.000000000e+00, v0  }
.Ltmp9:
0x2ed: {  	v0 =	vld [tilespmem:s28+$0xFFFFFFF0];
	[tilespmem:s1+$0x20] =	vst v2;
	v4 =	vmul.f32 $8.000000000e+00, v4;
	(pc) =	sbr.rel @p0 .LBB2_20-.Ltmp9, $4  }
0x2ee: {  	v5 =	vmul.f32 $8.000000000e+00, v5;
	v2 =	vld [tilespmem:s28+$0x30];
	[tilespmem:s1+$0xA0] =	vst v1  }
0x2ef: {  	v1 =	vld [tilespmem:s28+$0x70];
	[tilespmem:s1+$0x120] =	vst v4;
	v9 =	vmul.f32 $8.000000000e+00, v3  }
0x2f0: {  	[tilespmem:s1+$0xFFFFFE20] =	vst v5;
	v6 =	vmul.f32 $8.000000000e+00, v8;
	v3 =	vld [tilespmem:s28+$0xB0]  }
0x2f1: {  	v4 =	vld [tilespmem:s28+$0xFFFFFF30];
	v5 =	vmul.f32 $8.000000000e+00, v7;
	[tilespmem:s1+$0x1B0] =	vst v9;
	s28 =	sadd.s32 $0x200, s28  }
0x2f2: {  	[tilespmem:s1+$0xFFFFFEB0] =	vst v6;
	v0 =	vmul.f32 $8.000000000e+00, v0  }
0x2f3: {  	[tilespmem:s1+$0xFFFFFF30] =	vst v5;
	v2 =	vmul.f32 $8.000000000e+00, v2  }
0x2f4: {  	[tilespmem:s1+$0xFFFFFFB0] =	vst v0;
	v0 =	vmul.f32 $8.000000000e+00, v1  }
0x2f5: {  	[tilespmem:s1+$0x30] =	vst v2;
	v1 =	vmul.f32 $8.000000000e+00, v3  }
0x2f6: {  	v2 =	vmul.f32 $8.000000000e+00, v4;
	[tilespmem:s1+$0xB0] =	vst v0  }
0x2f7: {  	[tilespmem:s1+$0x130] =	vst v1  }
0x2f8: {  	[tilespmem:s1+$0xFFFFFE30] =	vst v2  }
0x2f9: {  	s1 =	rddreg [dreg:$0x4]  }
0x2fa: {  	[hbm4b:s1+s2] =	stream.linear.scatter [tilespmem:s14], [sflag:$0x9], $0x4000, $0x38;
	[tilespmem:$0x1E400] =	vst v63  }
0x2fb: {  	_ =	swait.ge [sflag:s15], $0x2000  }
0x2fc: {  	[sflag:s15] =	ssyncset.done $0x0  }
0x2fd: {  	[sflag:s15] =	ssyncadd.s32 $0xFFFFE000  }
0x2fe: {  	_ =	swait.ge [sflag:s20], $0x4000  }
0x2ff: {  	[sflag:s20] =	ssyncset.done $0x0  }
0x300: {  	s28 =	simm.s32 $0x85F0;
	[sflag:s20] =	ssyncadd.s32 $0xFFFFC000  }
0x301: {  	v0 =	vld [tilespmem:s28+$0xFFFFFFD0]  }
0x302: {  	v1 =	vld [tilespmem:s28+$0xFFFFFE50]  }
0x303: {  	v2 =	vld [tilespmem:s28+$0xFFFFFE90]  }
0x304: {  	v3 =	vld [tilespmem:s28+$0xFFFFFED0]  }
0x305: {  	v4 =	vld [tilespmem:s28+$0xFFFFFF10]  }
0x306: {  	v5 =	vld [tilespmem:s28+$0xFFFFFF50];
	v0 =	vmul.f32 $8.000000000e+00, v0  }
0x307: {  	s1 =	simm.s32 $0x1A7B0;
	v6 =	vld [tilespmem:s28+$0xFFFFFF90];
	v1 =	vmul.f32 $8.000000000e+00, v1  }
0x308: {  	v7 =	vld [tilespmem:s28+$0xFFFFFE10];
	v2 =	vmul.f32 $8.000000000e+00, v2;
	[tilespmem:s1+$0xFFFFFFD0] =	vst v0  }
0x309: {  	[tilespmem:s1+$0xFFFFFCD0] =	vst v1;
	v0 =	vmul.f32 $8.000000000e+00, v3;
	v1 =	vld [tilespmem:s28+$0xFFFFFFE0]  }
0x30a: {  	[tilespmem:s1+$0xFFFFFD50] =	vst v2;
	v2 =	vmul.f32 $8.000000000e+00, v4;
	v3 =	vld [tilespmem:s28+$0xFFFFFE60]  }
0x30b: {  	v4 =	vld [tilespmem:s28+$0xFFFFFEA0];
	[tilespmem:s1+$0xFFFFFDD0] =	vst v0;
	v0 =	vmul.f32 $8.000000000e+00, v5  }
0x30c: {  	[tilespmem:s1+$0xFFFFFE50] =	vst v2;
	v2 =	vmul.f32 $8.000000000e+00, v6;
	v5 =	vld [tilespmem:s28+$0xFFFFFEE0]  }
0x30d: {  	v6 =	vmul.f32 $8.000000000e+00, v7;
	v7 =	vld [tilespmem:s28+$0xFFFFFF20];
	[tilespmem:s1+$0xFFFFFED0] =	vst v0  }
0x30e: {  	[tilespmem:s1+$0xFFFFFF50] =	vst v2;
	v0 =	vld [tilespmem:s28+$0xFFFFFF60];
	v1 =	vmul.f32 $8.000000000e+00, v1  }
0x30f: {  	[tilespmem:s1+$0xFFFFFC50] =	vst v6;
	v2 =	vmul.f32 $8.000000000e+00, v3;
	v3 =	vld [tilespmem:s28+$0xFFFFFFA0]  }
0x310: {  	v6 =	vld [tilespmem:s28+$0xFFFFFE20];
	v4 =	vmul.f32 $8.000000000e+00, v4;
	[tilespmem:s1+$0xFFFFFFE0] =	vst v1  }
0x311: {  	[tilespmem:s1+$0xFFFFFCE0] =	vst v2;
	v1 =	vmul.f32 $8.000000000e+00, v5;
	v2 =	vld [tilespmem:s28+$0xFFFFFFF0]  }
0x312: {  	[tilespmem:s1+$0xFFFFFD60] =	vst v4;
	v4 =	vmul.f32 $8.000000000e+00, v7;
	v5 =	vld [tilespmem:s28+$0xFFFFFE70]  }
0x313: {  	v7 =	vld [tilespmem:s28+$0xFFFFFEB0];
	[tilespmem:s1+$0xFFFFFDE0] =	vst v1;
	v0 =	vmul.f32 $8.000000000e+00, v0  }
0x314: {  	[tilespmem:s1+$0xFFFFFE60] =	vst v4;
	v1 =	vld [tilespmem:s28+$0xFFFFFEF0];
	v3 =	vmul.f32 $8.000000000e+00, v3  }
0x315: {  	v4 =	vmul.f32 $8.000000000e+00, v6;
	v6 =	vld [tilespmem:s28+$0xFFFFFF30];
	[tilespmem:s1+$0xFFFFFEE0] =	vst v0  }
0x316: {  	v0 =	vld [tilespmem:s28+$0xFFFFFF70];
	[tilespmem:s1+$0xFFFFFF60] =	vst v3;
	v2 =	vmul.f32 $8.000000000e+00, v2  }
0x317: {  	[tilespmem:s1+$0xFFFFFC60] =	vst v4;
	v3 =	vmul.f32 $8.000000000e+00, v5;
	v4 =	vld [tilespmem:s28+$0xFFFFFFB0]  }
0x318: {  	v5 =	vld [tilespmem:s28+$0xFFFFFE30];
	v7 =	vmul.f32 $8.000000000e+00, v7;
	[tilespmem:s1+$0xFFFFFFF0] =	vst v2  }
0x319: {  	[tilespmem:s1+$0xFFFFFCF0] =	vst v3;
	v1 =	vmul.f32 $8.000000000e+00, v1;
	v3 =	vld [tilespmem:s28+$0x0]  }
0x31a: {  	[tilespmem:s1+$0xFFFFFD70] =	vst v7;
	v2 =	vmul.f32 $8.000000000e+00, v6;
	v8 =	vld [tilespmem:s28+$0xFFFFFE80]  }
0x31b: {  	v7 =	vld [tilespmem:s28+$0xFFFFFEC0];
	[tilespmem:s1+$0xFFFFFDF0] =	vst v1;
	v1 =	vmul.f32 $8.000000000e+00, v0  }
0x31c: {  	[tilespmem:s1+$0xFFFFFE70] =	vst v2;
	v0 =	vld [tilespmem:s28+$0xFFFFFF00];
	v4 =	vmul.f32 $8.000000000e+00, v4  }
0x31d: {  	v5 =	vmul.f32 $8.000000000e+00, v5;
	v2 =	vld [tilespmem:s28+$0xFFFFFF40];
	[tilespmem:s1+$0xFFFFFEF0] =	vst v1  }
0x31e: {  	v1 =	vld [tilespmem:s28+$0xFFFFFF80];
	[tilespmem:s1+$0xFFFFFF70] =	vst v4;
	v9 =	vmul.f32 $8.000000000e+00, v3  }
0x31f: {  	[tilespmem:s1+$0xFFFFFC70] =	vst v5;
	v3 =	vld [tilespmem:s28+$0xFFFFFFC0];
	v6 =	vmul.f32 $8.000000000e+00, v8  }
0x320: {  	s26 =	simm.s32 $0x0;
	v4 =	vld [tilespmem:s28+$0xFFFFFE40];
	v5 =	vmul.f32 $8.000000000e+00, v7;
	s28 =	simm.s32 $0x87F0;
	[tilespmem:s1+$0x0] =	vst v9  }
.LBB2_22:
0x321: {  	v7 =	vld [tilespmem:s28+$0xFFFFFFD0];
	s26 =	sadd.s32 $0x8, s26;
	[tilespmem:s1+$0xFFFFFD00] =	vst v6;
	v0 =	vmul.f32 $8.000000000e+00, v0  }
0x322: {  	v6 =	vld [tilespmem:s28+$0xFFFFFE50];
	p0 =	slt.u32 s26, $0x78;
	[tilespmem:s1+$0xFFFFFD80] =	vst v5;
	v2 =	vmul.f32 $8.000000000e+00, v2  }
0x323: {  	v5 =	vld [tilespmem:s28+$0xFFFFFE90];
	[tilespmem:s1+$0xFFFFFE00] =	vst v0;
	v0 =	vmul.f32 $8.000000000e+00, v1  }
0x324: {  	v1 =	vld [tilespmem:s28+$0xFFFFFED0];
	[tilespmem:s1+$0xFFFFFE80] =	vst v2;
	v2 =	vmul.f32 $8.000000000e+00, v3  }
0x325: {  	v3 =	vld [tilespmem:s28+$0xFFFFFF10];
	v4 =	vmul.f32 $8.000000000e+00, v4;
	[tilespmem:s1+$0xFFFFFF00] =	vst v0  }
0x326: {  	v0 =	vld [tilespmem:s28+$0xFFFFFF50];
	v7 =	vmul.f32 $8.000000000e+00, v7;
	[tilespmem:s1+$0xFFFFFF80] =	vst v2  }
0x327: {  	v2 =	vmul.f32 $8.000000000e+00, v6;
	v6 =	vld [tilespmem:s28+$0xFFFFFF90];
	[tilespmem:s1+$0xFFFFFC80] =	vst v4;
	s1 =	sadd.s32 $0x400, s1  }
0x328: {  	v4 =	vld [tilespmem:s28+$0xFFFFFE10];
	v5 =	vmul.f32 $8.000000000e+00, v5;
	[tilespmem:s1+$0xFFFFFFD0] =	vst v7  }
0x329: {  	[tilespmem:s1+$0xFFFFFCD0] =	vst v2;
	v1 =	vmul.f32 $8.000000000e+00, v1;
	v2 =	vld [tilespmem:s28+$0xFFFFFFE0]  }
0x32a: {  	v7 =	vld [tilespmem:s28+$0xFFFFFE60];
	[tilespmem:s1+$0xFFFFFD50] =	vst v5;
	v3 =	vmul.f32 $8.000000000e+00, v3  }
0x32b: {  	v5 =	vld [tilespmem:s28+$0xFFFFFEA0];
	[tilespmem:s1+$0xFFFFFDD0] =	vst v1;
	v0 =	vmul.f32 $8.000000000e+00, v0  }
0x32c: {  	v1 =	vld [tilespmem:s28+$0xFFFFFEE0];
	[tilespmem:s1+$0xFFFFFE50] =	vst v3;
	v3 =	vmul.f32 $8.000000000e+00, v6  }
0x32d: {  	v4 =	vmul.f32 $8.000000000e+00, v4;
	v6 =	vld [tilespmem:s28+$0xFFFFFF20];
	[tilespmem:s1+$0xFFFFFED0] =	vst v0  }
0x32e: {  	v0 =	vld [tilespmem:s28+$0xFFFFFF60];
	[tilespmem:s1+$0xFFFFFF50] =	vst v3;
	v2 =	vmul.f32 $8.000000000e+00, v2  }
0x32f: {  	[tilespmem:s1+$0xFFFFFC50] =	vst v4;
	v3 =	vmul.f32 $8.000000000e+00, v7;
	v4 =	vld [tilespmem:s28+$0xFFFFFFA0]  }
0x330: {  	v7 =	vld [tilespmem:s28+$0xFFFFFE20];
	v5 =	vmul.f32 $8.000000000e+00, v5;
	[tilespmem:s1+$0xFFFFFFE0] =	vst v2  }
0x331: {  	[tilespmem:s1+$0xFFFFFCE0] =	vst v3;
	v1 =	vmul.f32 $8.000000000e+00, v1;
	v2 =	vld [tilespmem:s28+$0xFFFFFFF0]  }
0x332: {  	v3 =	vld [tilespmem:s28+$0xFFFFFE70];
	[tilespmem:s1+$0xFFFFFD60] =	vst v5;
	v5 =	vmul.f32 $8.000000000e+00, v6  }
0x333: {  	v6 =	vld [tilespmem:s28+$0xFFFFFEB0];
	[tilespmem:s1+$0xFFFFFDE0] =	vst v1;
	v0 =	vmul.f32 $8.000000000e+00, v0  }
0x334: {  	v1 =	vld [tilespmem:s28+$0xFFFFFEF0];
	[tilespmem:s1+$0xFFFFFE60] =	vst v5;
	v4 =	vmul.f32 $8.000000000e+00, v4  }
0x335: {  	v5 =	vmul.f32 $8.000000000e+00, v7;
	v7 =	vld [tilespmem:s28+$0xFFFFFF30];
	[tilespmem:s1+$0xFFFFFEE0] =	vst v0  }
0x336: {  	v0 =	vld [tilespmem:s28+$0xFFFFFF70];
	[tilespmem:s1+$0xFFFFFF60] =	vst v4;
	v2 =	vmul.f32 $8.000000000e+00, v2  }
0x337: {  	[tilespmem:s1+$0xFFFFFC60] =	vst v5;
	v3 =	vmul.f32 $8.000000000e+00, v3;
	v4 =	vld [tilespmem:s28+$0xFFFFFFB0]  }
0x338: {  	v5 =	vld [tilespmem:s28+$0xFFFFFE30];
	v6 =	vmul.f32 $8.000000000e+00, v6;
	[tilespmem:s1+$0xFFFFFFF0] =	vst v2  }
0x339: {  	[tilespmem:s1+$0xFFFFFCF0] =	vst v3;
	v1 =	vmul.f32 $8.000000000e+00, v1;
	v3 =	vld [tilespmem:s28+$0x0]  }
0x33a: {  	v8 =	vld [tilespmem:s28+$0xFFFFFE80];
	[tilespmem:s1+$0xFFFFFD70] =	vst v6;
	v2 =	vmul.f32 $8.000000000e+00, v7  }
0x33b: {  	v7 =	vld [tilespmem:s28+$0xFFFFFEC0];
	[tilespmem:s1+$0xFFFFFDF0] =	vst v1;
	v1 =	vmul.f32 $8.000000000e+00, v0  }
.Ltmp10:
0x33c: {  	v0 =	vld [tilespmem:s28+$0xFFFFFF00];
	[tilespmem:s1+$0xFFFFFE70] =	vst v2;
	v4 =	vmul.f32 $8.000000000e+00, v4;
	(pc) =	sbr.rel @p0 .LBB2_22-.Ltmp10, $4  }
0x33d: {  	v5 =	vmul.f32 $8.000000000e+00, v5;
	v2 =	vld [tilespmem:s28+$0xFFFFFF40];
	[tilespmem:s1+$0xFFFFFEF0] =	vst v1  }
0x33e: {  	v1 =	vld [tilespmem:s28+$0xFFFFFF80];
	[tilespmem:s1+$0xFFFFFF70] =	vst v4;
	v9 =	vmul.f32 $8.000000000e+00, v3  }
0x33f: {  	[tilespmem:s1+$0xFFFFFC70] =	vst v5;
	v6 =	vmul.f32 $8.000000000e+00, v8;
	v3 =	vld [tilespmem:s28+$0xFFFFFFC0]  }
0x340: {  	v4 =	vld [tilespmem:s28+$0xFFFFFE40];
	v5 =	vmul.f32 $8.000000000e+00, v7;
	[tilespmem:s1+$0x0] =	vst v9;
	s28 =	sadd.s32 $0x200, s28  }
0x341: {  	[tilespmem:s1+$0xFFFFFD00] =	vst v6;
	v0 =	vmul.f32 $8.000000000e+00, v0  }
0x342: {  	[tilespmem:s1+$0xFFFFFD80] =	vst v5;
	v2 =	vmul.f32 $8.000000000e+00, v2  }
0x343: {  	[tilespmem:s1+$0xFFFFFE00] =	vst v0;
	v0 =	vmul.f32 $8.000000000e+00, v1  }
0x344: {  	[tilespmem:s1+$0xFFFFFE80] =	vst v2;
	v1 =	vmul.f32 $8.000000000e+00, v3  }
0x345: {  	v2 =	vmul.f32 $8.000000000e+00, v4;
	[tilespmem:s1+$0xFFFFFF00] =	vst v0  }
0x346: {  	[tilespmem:s1+$0xFFFFFF80] =	vst v1  }
0x347: {  	[tilespmem:s1+$0xFFFFFC80] =	vst v2  }
0x348: {  	s1 =	rddreg [dreg:$0x5]  }
0x349: {  	[hbm4b:s1+s2] =	stream.linear.scatter [tilespmem:s16], [sflag:$0xA], $0x4000, $0x38;
	[tilespmem:$0x1E400] =	vst v63  }
0x34a: {  	_ =	swait.ge [sflag:s17], $0x2000  }
0x34b: {  	[sflag:s17] =	ssyncset.done $0x0  }
0x34c: {  	[sflag:s17] =	ssyncadd.s32 $0xFFFFE000  }
0x34d: {  	_ =	swait.ge [sflag:s18], $0x4000  }
0x34e: {  	[sflag:s18] =	ssyncset.done $0x0  }
0x34f: {  	s28 =	simm.s32 $0xA5F0;
	[sflag:s18] =	ssyncadd.s32 $0xFFFFC000  }
0x350: {  	v0 =	vld [tilespmem:s28+$0xFFFFFFD0]  }
0x351: {  	v1 =	vld [tilespmem:s28+$0xFFFFFE50]  }
0x352: {  	v2 =	vld [tilespmem:s28+$0xFFFFFE90]  }
0x353: {  	v3 =	vld [tilespmem:s28+$0xFFFFFED0]  }
0x354: {  	v4 =	vld [tilespmem:s28+$0xFFFFFF10]  }
0x355: {  	v5 =	vld [tilespmem:s28+$0xFFFFFF50];
	v0 =	vmul.f32 $8.000000000e+00, v0  }
0x356: {  	s1 =	simm.s32 $0x16600;
	v6 =	vld [tilespmem:s28+$0xFFFFFF90];
	v1 =	vmul.f32 $8.000000000e+00, v1  }
0x357: {  	v7 =	vld [tilespmem:s28+$0xFFFFFE10];
	v2 =	vmul.f32 $8.000000000e+00, v2;
	[tilespmem:s1+$0x180] =	vst v0  }
0x358: {  	[tilespmem:s1+$0xFFFFFE80] =	vst v1;
	v0 =	vmul.f32 $8.000000000e+00, v3;
	v1 =	vld [tilespmem:s28+$0xFFFFFFE0]  }
0x359: {  	[tilespmem:s1+$0xFFFFFF00] =	vst v2;
	v2 =	vmul.f32 $8.000000000e+00, v4;
	v3 =	vld [tilespmem:s28+$0xFFFFFE60]  }
0x35a: {  	v4 =	vld [tilespmem:s28+$0xFFFFFEA0];
	[tilespmem:s1+$0xFFFFFF80] =	vst v0;
	v0 =	vmul.f32 $8.000000000e+00, v5  }
0x35b: {  	[tilespmem:s1+$0x0] =	vst v2;
	v2 =	vmul.f32 $8.000000000e+00, v6;
	v5 =	vld [tilespmem:s28+$0xFFFFFEE0]  }
0x35c: {  	v6 =	vmul.f32 $8.000000000e+00, v7;
	v7 =	vld [tilespmem:s28+$0xFFFFFF20];
	[tilespmem:s1+$0x80] =	vst v0  }
0x35d: {  	[tilespmem:s1+$0x100] =	vst v2;
	v0 =	vld [tilespmem:s28+$0xFFFFFF60];
	v1 =	vmul.f32 $8.000000000e+00, v1  }
0x35e: {  	[tilespmem:s1+$0xFFFFFE00] =	vst v6;
	v2 =	vmul.f32 $8.000000000e+00, v3;
	v3 =	vld [tilespmem:s28+$0xFFFFFFA0]  }
0x35f: {  	v6 =	vld [tilespmem:s28+$0xFFFFFE20];
	v4 =	vmul.f32 $8.000000000e+00, v4;
	[tilespmem:s1+$0x190] =	vst v1  }
0x360: {  	[tilespmem:s1+$0xFFFFFE90] =	vst v2;
	v1 =	vmul.f32 $8.000000000e+00, v5;
	v2 =	vld [tilespmem:s28+$0xFFFFFFF0]  }
0x361: {  	[tilespmem:s1+$0xFFFFFF10] =	vst v4;
	v4 =	vmul.f32 $8.000000000e+00, v7;
	v5 =	vld [tilespmem:s28+$0xFFFFFE70]  }
0x362: {  	v7 =	vld [tilespmem:s28+$0xFFFFFEB0];
	[tilespmem:s1+$0xFFFFFF90] =	vst v1;
	v0 =	vmul.f32 $8.000000000e+00, v0  }
0x363: {  	[tilespmem:s1+$0x10] =	vst v4;
	v1 =	vld [tilespmem:s28+$0xFFFFFEF0];
	v3 =	vmul.f32 $8.000000000e+00, v3  }
0x364: {  	v4 =	vmul.f32 $8.000000000e+00, v6;
	v6 =	vld [tilespmem:s28+$0xFFFFFF30];
	[tilespmem:s1+$0x90] =	vst v0  }
0x365: {  	v0 =	vld [tilespmem:s28+$0xFFFFFF70];
	[tilespmem:s1+$0x110] =	vst v3;
	v2 =	vmul.f32 $8.000000000e+00, v2  }
0x366: {  	[tilespmem:s1+$0xFFFFFE10] =	vst v4;
	v3 =	vmul.f32 $8.000000000e+00, v5;
	v4 =	vld [tilespmem:s28+$0xFFFFFFB0]  }
0x367: {  	v5 =	vld [tilespmem:s28+$0xFFFFFE30];
	v7 =	vmul.f32 $8.000000000e+00, v7;
	[tilespmem:s1+$0x1A0] =	vst v2  }
0x368: {  	[tilespmem:s1+$0xFFFFFEA0] =	vst v3;
	v1 =	vmul.f32 $8.000000000e+00, v1;
	v3 =	vld [tilespmem:s28+$0x0]  }
0x369: {  	[tilespmem:s1+$0xFFFFFF20] =	vst v7;
	v2 =	vmul.f32 $8.000000000e+00, v6;
	v8 =	vld [tilespmem:s28+$0xFFFFFE80]  }
0x36a: {  	v7 =	vld [tilespmem:s28+$0xFFFFFEC0];
	[tilespmem:s1+$0xFFFFFFA0] =	vst v1;
	v1 =	vmul.f32 $8.000000000e+00, v0  }
0x36b: {  	[tilespmem:s1+$0x20] =	vst v2;
	v0 =	vld [tilespmem:s28+$0xFFFFFF00];
	v4 =	vmul.f32 $8.000000000e+00, v4  }
0x36c: {  	v5 =	vmul.f32 $8.000000000e+00, v5;
	v2 =	vld [tilespmem:s28+$0xFFFFFF40];
	[tilespmem:s1+$0xA0] =	vst v1  }
0x36d: {  	v1 =	vld [tilespmem:s28+$0xFFFFFF80];
	[tilespmem:s1+$0x120] =	vst v4;
	v9 =	vmul.f32 $8.000000000e+00, v3  }
0x36e: {  	[tilespmem:s1+$0xFFFFFE20] =	vst v5;
	v3 =	vld [tilespmem:s28+$0xFFFFFFC0];
	v6 =	vmul.f32 $8.000000000e+00, v8  }
0x36f: {  	s26 =	simm.s32 $0x0;
	v4 =	vld [tilespmem:s28+$0xFFFFFE40];
	v5 =	vmul.f32 $8.000000000e+00, v7;
	s28 =	simm.s32 $0xA7F0;
	[tilespmem:s1+$0x1B0] =	vst v9  }
.LBB2_24:
0x370: {  	v7 =	vld [tilespmem:s28+$0xFFFFFFD0];
	s26 =	sadd.s32 $0x8, s26;
	[tilespmem:s1+$0xFFFFFEB0] =	vst v6;
	v0 =	vmul.f32 $8.000000000e+00, v0  }
0x371: {  	v6 =	vld [tilespmem:s28+$0xFFFFFE50];
	p0 =	slt.u32 s26, $0x78;
	[tilespmem:s1+$0xFFFFFF30] =	vst v5;
	v2 =	vmul.f32 $8.000000000e+00, v2  }
0x372: {  	v5 =	vld [tilespmem:s28+$0xFFFFFE90];
	[tilespmem:s1+$0xFFFFFFB0] =	vst v0;
	v0 =	vmul.f32 $8.000000000e+00, v1  }
0x373: {  	v1 =	vld [tilespmem:s28+$0xFFFFFED0];
	[tilespmem:s1+$0x30] =	vst v2;
	v2 =	vmul.f32 $8.000000000e+00, v3  }
0x374: {  	v3 =	vld [tilespmem:s28+$0xFFFFFF10];
	v4 =	vmul.f32 $8.000000000e+00, v4;
	[tilespmem:s1+$0xB0] =	vst v0  }
0x375: {  	v0 =	vld [tilespmem:s28+$0xFFFFFF50];
	v7 =	vmul.f32 $8.000000000e+00, v7;
	[tilespmem:s1+$0x130] =	vst v2  }
0x376: {  	v2 =	vmul.f32 $8.000000000e+00, v6;
	v6 =	vld [tilespmem:s28+$0xFFFFFF90];
	[tilespmem:s1+$0xFFFFFE30] =	vst v4;
	s1 =	sadd.s32 $0x400, s1  }
0x377: {  	v4 =	vld [tilespmem:s28+$0xFFFFFE10];
	v5 =	vmul.f32 $8.000000000e+00, v5;
	[tilespmem:s1+$0x180] =	vst v7  }
0x378: {  	[tilespmem:s1+$0xFFFFFE80] =	vst v2;
	v1 =	vmul.f32 $8.000000000e+00, v1;
	v2 =	vld [tilespmem:s28+$0xFFFFFFE0]  }
0x379: {  	v7 =	vld [tilespmem:s28+$0xFFFFFE60];
	[tilespmem:s1+$0xFFFFFF00] =	vst v5;
	v3 =	vmul.f32 $8.000000000e+00, v3  }
0x37a: {  	v5 =	vld [tilespmem:s28+$0xFFFFFEA0];
	[tilespmem:s1+$0xFFFFFF80] =	vst v1;
	v0 =	vmul.f32 $8.000000000e+00, v0  }
0x37b: {  	v1 =	vld [tilespmem:s28+$0xFFFFFEE0];
	[tilespmem:s1+$0x0] =	vst v3;
	v3 =	vmul.f32 $8.000000000e+00, v6  }
0x37c: {  	v4 =	vmul.f32 $8.000000000e+00, v4;
	v6 =	vld [tilespmem:s28+$0xFFFFFF20];
	[tilespmem:s1+$0x80] =	vst v0  }
0x37d: {  	v0 =	vld [tilespmem:s28+$0xFFFFFF60];
	[tilespmem:s1+$0x100] =	vst v3;
	v2 =	vmul.f32 $8.000000000e+00, v2  }
0x37e: {  	[tilespmem:s1+$0xFFFFFE00] =	vst v4;
	v3 =	vmul.f32 $8.000000000e+00, v7;
	v4 =	vld [tilespmem:s28+$0xFFFFFFA0]  }
0x37f: {  	v7 =	vld [tilespmem:s28+$0xFFFFFE20];
	v5 =	vmul.f32 $8.000000000e+00, v5;
	[tilespmem:s1+$0x190] =	vst v2  }
0x380: {  	[tilespmem:s1+$0xFFFFFE90] =	vst v3;
	v1 =	vmul.f32 $8.000000000e+00, v1;
	v2 =	vld [tilespmem:s28+$0xFFFFFFF0]  }
0x381: {  	v3 =	vld [tilespmem:s28+$0xFFFFFE70];
	[tilespmem:s1+$0xFFFFFF10] =	vst v5;
	v5 =	vmul.f32 $8.000000000e+00, v6  }
0x382: {  	v6 =	vld [tilespmem:s28+$0xFFFFFEB0];
	[tilespmem:s1+$0xFFFFFF90] =	vst v1;
	v0 =	vmul.f32 $8.000000000e+00, v0  }
0x383: {  	v1 =	vld [tilespmem:s28+$0xFFFFFEF0];
	[tilespmem:s1+$0x10] =	vst v5;
	v4 =	vmul.f32 $8.000000000e+00, v4  }
0x384: {  	v5 =	vmul.f32 $8.000000000e+00, v7;
	v7 =	vld [tilespmem:s28+$0xFFFFFF30];
	[tilespmem:s1+$0x90] =	vst v0  }
0x385: {  	v0 =	vld [tilespmem:s28+$0xFFFFFF70];
	[tilespmem:s1+$0x110] =	vst v4;
	v2 =	vmul.f32 $8.000000000e+00, v2  }
0x386: {  	[tilespmem:s1+$0xFFFFFE10] =	vst v5;
	v3 =	vmul.f32 $8.000000000e+00, v3;
	v4 =	vld [tilespmem:s28+$0xFFFFFFB0]  }
0x387: {  	v5 =	vld [tilespmem:s28+$0xFFFFFE30];
	v6 =	vmul.f32 $8.000000000e+00, v6;
	[tilespmem:s1+$0x1A0] =	vst v2  }
0x388: {  	[tilespmem:s1+$0xFFFFFEA0] =	vst v3;
	v1 =	vmul.f32 $8.000000000e+00, v1;
	v3 =	vld [tilespmem:s28+$0x0]  }
0x389: {  	v8 =	vld [tilespmem:s28+$0xFFFFFE80];
	[tilespmem:s1+$0xFFFFFF20] =	vst v6;
	v2 =	vmul.f32 $8.000000000e+00, v7  }
0x38a: {  	v7 =	vld [tilespmem:s28+$0xFFFFFEC0];
	[tilespmem:s1+$0xFFFFFFA0] =	vst v1;
	v1 =	vmul.f32 $8.000000000e+00, v0  }
.Ltmp11:
0x38b: {  	v0 =	vld [tilespmem:s28+$0xFFFFFF00];
	[tilespmem:s1+$0x20] =	vst v2;
	v4 =	vmul.f32 $8.000000000e+00, v4;
	(pc) =	sbr.rel @p0 .LBB2_24-.Ltmp11, $4  }
0x38c: {  	v5 =	vmul.f32 $8.000000000e+00, v5;
	v2 =	vld [tilespmem:s28+$0xFFFFFF40];
	[tilespmem:s1+$0xA0] =	vst v1  }
0x38d: {  	v1 =	vld [tilespmem:s28+$0xFFFFFF80];
	[tilespmem:s1+$0x120] =	vst v4;
	v9 =	vmul.f32 $8.000000000e+00, v3  }
0x38e: {  	[tilespmem:s1+$0xFFFFFE20] =	vst v5;
	v6 =	vmul.f32 $8.000000000e+00, v8;
	v3 =	vld [tilespmem:s28+$0xFFFFFFC0]  }
0x38f: {  	v4 =	vld [tilespmem:s28+$0xFFFFFE40];
	v5 =	vmul.f32 $8.000000000e+00, v7;
	[tilespmem:s1+$0x1B0] =	vst v9;
	s28 =	sadd.s32 $0x200, s28  }
0x390: {  	[tilespmem:s1+$0xFFFFFEB0] =	vst v6;
	v0 =	vmul.f32 $8.000000000e+00, v0  }
0x391: {  	[tilespmem:s1+$0xFFFFFF30] =	vst v5;
	v2 =	vmul.f32 $8.000000000e+00, v2  }
0x392: {  	[tilespmem:s1+$0xFFFFFFB0] =	vst v0;
	v0 =	vmul.f32 $8.000000000e+00, v1  }
0x393: {  	[tilespmem:s1+$0x30] =	vst v2;
	v1 =	vmul.f32 $8.000000000e+00, v3  }
0x394: {  	v2 =	vmul.f32 $8.000000000e+00, v4;
	[tilespmem:s1+$0xB0] =	vst v0  }
0x395: {  	[tilespmem:s1+$0x130] =	vst v1  }
0x396: {  	[tilespmem:s1+$0xFFFFFE30] =	vst v2  }
0x397: {  	s1 =	rddreg [dreg:$0x6]  }
0x398: {  	[hbm4b:s1+s2] =	stream.linear.scatter [tilespmem:s14], [sflag:$0x9], $0x4000, $0x38;
	[tilespmem:$0x1E400] =	vst v63  }
0x399: {  	_ =	swait.ge [sflag:s19], $0x2000  }
0x39a: {  	[sflag:s19] =	ssyncset.done $0x0  }
0x39b: {  	[sflag:s19] =	ssyncadd.s32 $0xFFFFE000  }
0x39c: {  	_ =	swait.ge [sflag:s20], $0x4000  }
0x39d: {  	[sflag:s20] =	ssyncset.done $0x0  }
0x39e: {  	s28 =	simm.s32 $0xC5F0;
	[sflag:s20] =	ssyncadd.s32 $0xFFFFC000  }
0x39f: {  	v0 =	vld [tilespmem:s28+$0xFFFFFFD0]  }
0x3a0: {  	v1 =	vld [tilespmem:s28+$0xFFFFFE50]  }
0x3a1: {  	v2 =	vld [tilespmem:s28+$0xFFFFFE90]  }
0x3a2: {  	v3 =	vld [tilespmem:s28+$0xFFFFFED0]  }
0x3a3: {  	v4 =	vld [tilespmem:s28+$0xFFFFFF10]  }
0x3a4: {  	v5 =	vld [tilespmem:s28+$0xFFFFFF50];
	v0 =	vmul.f32 $8.000000000e+00, v0  }
0x3a5: {  	s1 =	simm.s32 $0x1A7B0;
	v6 =	vld [tilespmem:s28+$0xFFFFFF90];
	v1 =	vmul.f32 $8.000000000e+00, v1  }
0x3a6: {  	v7 =	vld [tilespmem:s28+$0xFFFFFE10];
	v2 =	vmul.f32 $8.000000000e+00, v2;
	[tilespmem:s1+$0xFFFFFFD0] =	vst v0  }
0x3a7: {  	[tilespmem:s1+$0xFFFFFCD0] =	vst v1;
	v0 =	vmul.f32 $8.000000000e+00, v3;
	v1 =	vld [tilespmem:s28+$0xFFFFFFE0]  }
0x3a8: {  	[tilespmem:s1+$0xFFFFFD50] =	vst v2;
	v2 =	vmul.f32 $8.000000000e+00, v4;
	v3 =	vld [tilespmem:s28+$0xFFFFFE60]  }
0x3a9: {  	v4 =	vld [tilespmem:s28+$0xFFFFFEA0];
	[tilespmem:s1+$0xFFFFFDD0] =	vst v0;
	v0 =	vmul.f32 $8.000000000e+00, v5  }
0x3aa: {  	[tilespmem:s1+$0xFFFFFE50] =	vst v2;
	v2 =	vmul.f32 $8.000000000e+00, v6;
	v5 =	vld [tilespmem:s28+$0xFFFFFEE0]  }
0x3ab: {  	v6 =	vmul.f32 $8.000000000e+00, v7;
	v7 =	vld [tilespmem:s28+$0xFFFFFF20];
	[tilespmem:s1+$0xFFFFFED0] =	vst v0  }
0x3ac: {  	[tilespmem:s1+$0xFFFFFF50] =	vst v2;
	v0 =	vld [tilespmem:s28+$0xFFFFFF60];
	v1 =	vmul.f32 $8.000000000e+00, v1  }
0x3ad: {  	[tilespmem:s1+$0xFFFFFC50] =	vst v6;
	v2 =	vmul.f32 $8.000000000e+00, v3;
	v3 =	vld [tilespmem:s28+$0xFFFFFFA0]  }
0x3ae: {  	v6 =	vld [tilespmem:s28+$0xFFFFFE20];
	v4 =	vmul.f32 $8.000000000e+00, v4;
	[tilespmem:s1+$0xFFFFFFE0] =	vst v1  }
0x3af: {  	[tilespmem:s1+$0xFFFFFCE0] =	vst v2;
	v1 =	vmul.f32 $8.000000000e+00, v5;
	v2 =	vld [tilespmem:s28+$0xFFFFFFF0]  }
0x3b0: {  	[tilespmem:s1+$0xFFFFFD60] =	vst v4;
	v4 =	vmul.f32 $8.000000000e+00, v7;
	v5 =	vld [tilespmem:s28+$0xFFFFFE70]  }
0x3b1: {  	v7 =	vld [tilespmem:s28+$0xFFFFFEB0];
	[tilespmem:s1+$0xFFFFFDE0] =	vst v1;
	v0 =	vmul.f32 $8.000000000e+00, v0  }
0x3b2: {  	[tilespmem:s1+$0xFFFFFE60] =	vst v4;
	v1 =	vld [tilespmem:s28+$0xFFFFFEF0];
	v3 =	vmul.f32 $8.000000000e+00, v3  }
0x3b3: {  	v4 =	vmul.f32 $8.000000000e+00, v6;
	v6 =	vld [tilespmem:s28+$0xFFFFFF30];
	[tilespmem:s1+$0xFFFFFEE0] =	vst v0  }
0x3b4: {  	v0 =	vld [tilespmem:s28+$0xFFFFFF70];
	[tilespmem:s1+$0xFFFFFF60] =	vst v3;
	v2 =	vmul.f32 $8.000000000e+00, v2  }
0x3b5: {  	[tilespmem:s1+$0xFFFFFC60] =	vst v4;
	v3 =	vmul.f32 $8.000000000e+00, v5;
	v4 =	vld [tilespmem:s28+$0xFFFFFFB0]  }
0x3b6: {  	v5 =	vld [tilespmem:s28+$0xFFFFFE30];
	v7 =	vmul.f32 $8.000000000e+00, v7;
	[tilespmem:s1+$0xFFFFFFF0] =	vst v2  }
0x3b7: {  	[tilespmem:s1+$0xFFFFFCF0] =	vst v3;
	v1 =	vmul.f32 $8.000000000e+00, v1;
	v3 =	vld [tilespmem:s28+$0x0]  }
0x3b8: {  	[tilespmem:s1+$0xFFFFFD70] =	vst v7;
	v2 =	vmul.f32 $8.000000000e+00, v6;
	v8 =	vld [tilespmem:s28+$0xFFFFFE80]  }
0x3b9: {  	v7 =	vld [tilespmem:s28+$0xFFFFFEC0];
	[tilespmem:s1+$0xFFFFFDF0] =	vst v1;
	v1 =	vmul.f32 $8.000000000e+00, v0  }
0x3ba: {  	[tilespmem:s1+$0xFFFFFE70] =	vst v2;
	v0 =	vld [tilespmem:s28+$0xFFFFFF00];
	v4 =	vmul.f32 $8.000000000e+00, v4  }
0x3bb: {  	v5 =	vmul.f32 $8.000000000e+00, v5;
	v2 =	vld [tilespmem:s28+$0xFFFFFF40];
	[tilespmem:s1+$0xFFFFFEF0] =	vst v1  }
0x3bc: {  	v1 =	vld [tilespmem:s28+$0xFFFFFF80];
	[tilespmem:s1+$0xFFFFFF70] =	vst v4;
	v9 =	vmul.f32 $8.000000000e+00, v3  }
0x3bd: {  	[tilespmem:s1+$0xFFFFFC70] =	vst v5;
	v3 =	vld [tilespmem:s28+$0xFFFFFFC0];
	v6 =	vmul.f32 $8.000000000e+00, v8  }
0x3be: {  	s26 =	simm.s32 $0x0;
	v4 =	vld [tilespmem:s28+$0xFFFFFE40];
	v5 =	vmul.f32 $8.000000000e+00, v7;
	s28 =	simm.s32 $0xC7F0;
	[tilespmem:s1+$0x0] =	vst v9  }
.LBB2_26:
0x3bf: {  	v7 =	vld [tilespmem:s28+$0xFFFFFFD0];
	s26 =	sadd.s32 $0x8, s26;
	[tilespmem:s1+$0xFFFFFD00] =	vst v6;
	v0 =	vmul.f32 $8.000000000e+00, v0  }
0x3c0: {  	v6 =	vld [tilespmem:s28+$0xFFFFFE50];
	p0 =	slt.u32 s26, $0x78;
	[tilespmem:s1+$0xFFFFFD80] =	vst v5;
	v2 =	vmul.f32 $8.000000000e+00, v2  }
0x3c1: {  	v5 =	vld [tilespmem:s28+$0xFFFFFE90];
	[tilespmem:s1+$0xFFFFFE00] =	vst v0;
	v0 =	vmul.f32 $8.000000000e+00, v1  }
0x3c2: {  	v1 =	vld [tilespmem:s28+$0xFFFFFED0];
	[tilespmem:s1+$0xFFFFFE80] =	vst v2;
	v2 =	vmul.f32 $8.000000000e+00, v3  }
0x3c3: {  	v3 =	vld [tilespmem:s28+$0xFFFFFF10];
	v4 =	vmul.f32 $8.000000000e+00, v4;
	[tilespmem:s1+$0xFFFFFF00] =	vst v0  }
0x3c4: {  	v0 =	vld [tilespmem:s28+$0xFFFFFF50];
	v7 =	vmul.f32 $8.000000000e+00, v7;
	[tilespmem:s1+$0xFFFFFF80] =	vst v2  }
0x3c5: {  	v2 =	vmul.f32 $8.000000000e+00, v6;
	v6 =	vld [tilespmem:s28+$0xFFFFFF90];
	[tilespmem:s1+$0xFFFFFC80] =	vst v4;
	s1 =	sadd.s32 $0x400, s1  }
0x3c6: {  	v4 =	vld [tilespmem:s28+$0xFFFFFE10];
	v5 =	vmul.f32 $8.000000000e+00, v5;
	[tilespmem:s1+$0xFFFFFFD0] =	vst v7  }
0x3c7: {  	[tilespmem:s1+$0xFFFFFCD0] =	vst v2;
	v1 =	vmul.f32 $8.000000000e+00, v1;
	v2 =	vld [tilespmem:s28+$0xFFFFFFE0]  }
0x3c8: {  	v7 =	vld [tilespmem:s28+$0xFFFFFE60];
	[tilespmem:s1+$0xFFFFFD50] =	vst v5;
	v3 =	vmul.f32 $8.000000000e+00, v3  }
0x3c9: {  	v5 =	vld [tilespmem:s28+$0xFFFFFEA0];
	[tilespmem:s1+$0xFFFFFDD0] =	vst v1;
	v0 =	vmul.f32 $8.000000000e+00, v0  }
0x3ca: {  	v1 =	vld [tilespmem:s28+$0xFFFFFEE0];
	[tilespmem:s1+$0xFFFFFE50] =	vst v3;
	v3 =	vmul.f32 $8.000000000e+00, v6  }
0x3cb: {  	v4 =	vmul.f32 $8.000000000e+00, v4;
	v6 =	vld [tilespmem:s28+$0xFFFFFF20];
	[tilespmem:s1+$0xFFFFFED0] =	vst v0  }
0x3cc: {  	v0 =	vld [tilespmem:s28+$0xFFFFFF60];
	[tilespmem:s1+$0xFFFFFF50] =	vst v3;
	v2 =	vmul.f32 $8.000000000e+00, v2  }
0x3cd: {  	[tilespmem:s1+$0xFFFFFC50] =	vst v4;
	v3 =	vmul.f32 $8.000000000e+00, v7;
	v4 =	vld [tilespmem:s28+$0xFFFFFFA0]  }
0x3ce: {  	v7 =	vld [tilespmem:s28+$0xFFFFFE20];
	v5 =	vmul.f32 $8.000000000e+00, v5;
	[tilespmem:s1+$0xFFFFFFE0] =	vst v2  }
0x3cf: {  	[tilespmem:s1+$0xFFFFFCE0] =	vst v3;
	v1 =	vmul.f32 $8.000000000e+00, v1;
	v2 =	vld [tilespmem:s28+$0xFFFFFFF0]  }
0x3d0: {  	v3 =	vld [tilespmem:s28+$0xFFFFFE70];
	[tilespmem:s1+$0xFFFFFD60] =	vst v5;
	v5 =	vmul.f32 $8.000000000e+00, v6  }
0x3d1: {  	v6 =	vld [tilespmem:s28+$0xFFFFFEB0];
	[tilespmem:s1+$0xFFFFFDE0] =	vst v1;
	v0 =	vmul.f32 $8.000000000e+00, v0  }
0x3d2: {  	v1 =	vld [tilespmem:s28+$0xFFFFFEF0];
	[tilespmem:s1+$0xFFFFFE60] =	vst v5;
	v4 =	vmul.f32 $8.000000000e+00, v4  }
0x3d3: {  	v5 =	vmul.f32 $8.000000000e+00, v7;
	v7 =	vld [tilespmem:s28+$0xFFFFFF30];
	[tilespmem:s1+$0xFFFFFEE0] =	vst v0  }
0x3d4: {  	v0 =	vld [tilespmem:s28+$0xFFFFFF70];
	[tilespmem:s1+$0xFFFFFF60] =	vst v4;
	v2 =	vmul.f32 $8.000000000e+00, v2  }
0x3d5: {  	[tilespmem:s1+$0xFFFFFC60] =	vst v5;
	v3 =	vmul.f32 $8.000000000e+00, v3;
	v4 =	vld [tilespmem:s28+$0xFFFFFFB0]  }
0x3d6: {  	v5 =	vld [tilespmem:s28+$0xFFFFFE30];
	v6 =	vmul.f32 $8.000000000e+00, v6;
	[tilespmem:s1+$0xFFFFFFF0] =	vst v2  }
0x3d7: {  	[tilespmem:s1+$0xFFFFFCF0] =	vst v3;
	v1 =	vmul.f32 $8.000000000e+00, v1;
	v3 =	vld [tilespmem:s28+$0x0]  }
0x3d8: {  	v8 =	vld [tilespmem:s28+$0xFFFFFE80];
	[tilespmem:s1+$0xFFFFFD70] =	vst v6;
	v2 =	vmul.f32 $8.000000000e+00, v7  }
0x3d9: {  	v7 =	vld [tilespmem:s28+$0xFFFFFEC0];
	[tilespmem:s1+$0xFFFFFDF0] =	vst v1;
	v1 =	vmul.f32 $8.000000000e+00, v0  }
.Ltmp12:
0x3da: {  	v0 =	vld [tilespmem:s28+$0xFFFFFF00];
	[tilespmem:s1+$0xFFFFFE70] =	vst v2;
	v4 =	vmul.f32 $8.000000000e+00, v4;
	(pc) =	sbr.rel @p0 .LBB2_26-.Ltmp12, $4  }
0x3db: {  	v5 =	vmul.f32 $8.000000000e+00, v5;
	v2 =	vld [tilespmem:s28+$0xFFFFFF40];
	[tilespmem:s1+$0xFFFFFEF0] =	vst v1  }
0x3dc: {  	v1 =	vld [tilespmem:s28+$0xFFFFFF80];
	[tilespmem:s1+$0xFFFFFF70] =	vst v4;
	v9 =	vmul.f32 $8.000000000e+00, v3  }
0x3dd: {  	[tilespmem:s1+$0xFFFFFC70] =	vst v5;
	v6 =	vmul.f32 $8.000000000e+00, v8;
	v3 =	vld [tilespmem:s28+$0xFFFFFFC0]  }
0x3de: {  	v4 =	vld [tilespmem:s28+$0xFFFFFE40];
	v5 =	vmul.f32 $8.000000000e+00, v7;
	[tilespmem:s1+$0x0] =	vst v9;
	s28 =	sadd.s32 $0x200, s28  }
0x3df: {  	[tilespmem:s1+$0xFFFFFD00] =	vst v6;
	v0 =	vmul.f32 $8.000000000e+00, v0  }
0x3e0: {  	[tilespmem:s1+$0xFFFFFD80] =	vst v5;
	v2 =	vmul.f32 $8.000000000e+00, v2  }
0x3e1: {  	[tilespmem:s1+$0xFFFFFE00] =	vst v0;
	v0 =	vmul.f32 $8.000000000e+00, v1  }
0x3e2: {  	[tilespmem:s1+$0xFFFFFE80] =	vst v2;
	v1 =	vmul.f32 $8.000000000e+00, v3  }
0x3e3: {  	v2 =	vmul.f32 $8.000000000e+00, v4;
	[tilespmem:s1+$0xFFFFFF00] =	vst v0  }
0x3e4: {  	[tilespmem:s1+$0xFFFFFF80] =	vst v1  }
0x3e5: {  	[tilespmem:s1+$0xFFFFFC80] =	vst v2  }
0x3e6: {  	s1 =	rddreg [dreg:$0x7]  }
0x3e7: {  	[hbm4b:s1+s2] =	stream.linear.scatter [tilespmem:s16], [sflag:$0xA], $0x4000, $0x38;
	[tilespmem:$0x1E400] =	vst v63  }
0x3e8: {  	_ =	swait.ge [sflag:s21], $0x2000  }
0x3e9: {  	[sflag:s21] =	ssyncset.done $0x0  }
0x3ea: {  	[sflag:s21] =	ssyncadd.s32 $0xFFFFE000  }
0x3eb: {  	_ =	swait.ge [sflag:s18], $0x4000  }
0x3ec: {  	[sflag:s18] =	ssyncset.done $0x0  }
0x3ed: {  	s28 =	simm.s32 $0xE5F0;
	[sflag:s18] =	ssyncadd.s32 $0xFFFFC000  }
0x3ee: {  	v0 =	vld [tilespmem:s28+$0xFFFFFFD0]  }
0x3ef: {  	v1 =	vld [tilespmem:s28+$0xFFFFFE50]  }
0x3f0: {  	v2 =	vld [tilespmem:s28+$0xFFFFFE90]  }
0x3f1: {  	v3 =	vld [tilespmem:s28+$0xFFFFFED0]  }
0x3f2: {  	v4 =	vld [tilespmem:s28+$0xFFFFFF10]  }
0x3f3: {  	v5 =	vld [tilespmem:s28+$0xFFFFFF50];
	v0 =	vmul.f32 $8.000000000e+00, v0  }
0x3f4: {  	s1 =	simm.s32 $0x16600;
	v6 =	vld [tilespmem:s28+$0xFFFFFF90];
	v1 =	vmul.f32 $8.000000000e+00, v1  }
0x3f5: {  	v7 =	vld [tilespmem:s28+$0xFFFFFE10];
	v2 =	vmul.f32 $8.000000000e+00, v2;
	[tilespmem:s1+$0x180] =	vst v0  }
0x3f6: {  	[tilespmem:s1+$0xFFFFFE80] =	vst v1;
	v0 =	vmul.f32 $8.000000000e+00, v3;
	v1 =	vld [tilespmem:s28+$0xFFFFFFE0]  }
0x3f7: {  	[tilespmem:s1+$0xFFFFFF00] =	vst v2;
	v2 =	vmul.f32 $8.000000000e+00, v4;
	v3 =	vld [tilespmem:s28+$0xFFFFFE60]  }
0x3f8: {  	v4 =	vld [tilespmem:s28+$0xFFFFFEA0];
	[tilespmem:s1+$0xFFFFFF80] =	vst v0;
	v0 =	vmul.f32 $8.000000000e+00, v5  }
0x3f9: {  	[tilespmem:s1+$0x0] =	vst v2;
	v2 =	vmul.f32 $8.000000000e+00, v6;
	v5 =	vld [tilespmem:s28+$0xFFFFFEE0]  }
0x3fa: {  	v6 =	vmul.f32 $8.000000000e+00, v7;
	v7 =	vld [tilespmem:s28+$0xFFFFFF20];
	[tilespmem:s1+$0x80] =	vst v0  }
0x3fb: {  	[tilespmem:s1+$0x100] =	vst v2;
	v0 =	vld [tilespmem:s28+$0xFFFFFF60];
	v1 =	vmul.f32 $8.000000000e+00, v1  }
0x3fc: {  	[tilespmem:s1+$0xFFFFFE00] =	vst v6;
	v2 =	vmul.f32 $8.000000000e+00, v3;
	v3 =	vld [tilespmem:s28+$0xFFFFFFA0]  }
0x3fd: {  	v6 =	vld [tilespmem:s28+$0xFFFFFE20];
	v4 =	vmul.f32 $8.000000000e+00, v4;
	[tilespmem:s1+$0x190] =	vst v1  }
0x3fe: {  	[tilespmem:s1+$0xFFFFFE90] =	vst v2;
	v1 =	vmul.f32 $8.000000000e+00, v5;
	v2 =	vld [tilespmem:s28+$0xFFFFFFF0]  }
0x3ff: {  	[tilespmem:s1+$0xFFFFFF10] =	vst v4;
	v4 =	vmul.f32 $8.000000000e+00, v7;
	v5 =	vld [tilespmem:s28+$0xFFFFFE70]  }
0x400: {  	v7 =	vld [tilespmem:s28+$0xFFFFFEB0];
	[tilespmem:s1+$0xFFFFFF90] =	vst v1;
	v0 =	vmul.f32 $8.000000000e+00, v0  }
0x401: {  	[tilespmem:s1+$0x10] =	vst v4;
	v1 =	vld [tilespmem:s28+$0xFFFFFEF0];
	v3 =	vmul.f32 $8.000000000e+00, v3  }
0x402: {  	v4 =	vmul.f32 $8.000000000e+00, v6;
	v6 =	vld [tilespmem:s28+$0xFFFFFF30];
	[tilespmem:s1+$0x90] =	vst v0  }
0x403: {  	v0 =	vld [tilespmem:s28+$0xFFFFFF70];
	[tilespmem:s1+$0x110] =	vst v3;
	v2 =	vmul.f32 $8.000000000e+00, v2  }
0x404: {  	[tilespmem:s1+$0xFFFFFE10] =	vst v4;
	v3 =	vmul.f32 $8.000000000e+00, v5;
	v4 =	vld [tilespmem:s28+$0xFFFFFFB0]  }
0x405: {  	v5 =	vld [tilespmem:s28+$0xFFFFFE30];
	v7 =	vmul.f32 $8.000000000e+00, v7;
	[tilespmem:s1+$0x1A0] =	vst v2  }
0x406: {  	[tilespmem:s1+$0xFFFFFEA0] =	vst v3;
	v1 =	vmul.f32 $8.000000000e+00, v1;
	v3 =	vld [tilespmem:s28+$0x0]  }
0x407: {  	[tilespmem:s1+$0xFFFFFF20] =	vst v7;
	v2 =	vmul.f32 $8.000000000e+00, v6;
	v8 =	vld [tilespmem:s28+$0xFFFFFE80]  }
0x408: {  	v7 =	vld [tilespmem:s28+$0xFFFFFEC0];
	[tilespmem:s1+$0xFFFFFFA0] =	vst v1;
	v1 =	vmul.f32 $8.000000000e+00, v0  }
0x409: {  	[tilespmem:s1+$0x20] =	vst v2;
	v0 =	vld [tilespmem:s28+$0xFFFFFF00];
	v4 =	vmul.f32 $8.000000000e+00, v4  }
0x40a: {  	v5 =	vmul.f32 $8.000000000e+00, v5;
	v2 =	vld [tilespmem:s28+$0xFFFFFF40];
	[tilespmem:s1+$0xA0] =	vst v1  }
0x40b: {  	v1 =	vld [tilespmem:s28+$0xFFFFFF80];
	[tilespmem:s1+$0x120] =	vst v4;
	v9 =	vmul.f32 $8.000000000e+00, v3  }
0x40c: {  	[tilespmem:s1+$0xFFFFFE20] =	vst v5;
	v3 =	vld [tilespmem:s28+$0xFFFFFFC0];
	v6 =	vmul.f32 $8.000000000e+00, v8  }
0x40d: {  	s26 =	simm.s32 $0x0;
	v4 =	vld [tilespmem:s28+$0xFFFFFE40];
	v5 =	vmul.f32 $8.000000000e+00, v7;
	s28 =	simm.s32 $0xE7F0;
	[tilespmem:s1+$0x1B0] =	vst v9  }
.LBB2_28:
0x40e: {  	v7 =	vld [tilespmem:s28+$0xFFFFFFD0];
	s26 =	sadd.s32 $0x8, s26;
	[tilespmem:s1+$0xFFFFFEB0] =	vst v6;
	v0 =	vmul.f32 $8.000000000e+00, v0  }
0x40f: {  	v6 =	vld [tilespmem:s28+$0xFFFFFE50];
	p0 =	slt.u32 s26, $0x78;
	[tilespmem:s1+$0xFFFFFF30] =	vst v5;
	v2 =	vmul.f32 $8.000000000e+00, v2  }
0x410: {  	v5 =	vld [tilespmem:s28+$0xFFFFFE90];
	[tilespmem:s1+$0xFFFFFFB0] =	vst v0;
	v0 =	vmul.f32 $8.000000000e+00, v1  }
0x411: {  	v1 =	vld [tilespmem:s28+$0xFFFFFED0];
	[tilespmem:s1+$0x30] =	vst v2;
	v2 =	vmul.f32 $8.000000000e+00, v3  }
0x412: {  	v3 =	vld [tilespmem:s28+$0xFFFFFF10];
	v4 =	vmul.f32 $8.000000000e+00, v4;
	[tilespmem:s1+$0xB0] =	vst v0  }
0x413: {  	v0 =	vld [tilespmem:s28+$0xFFFFFF50];
	v7 =	vmul.f32 $8.000000000e+00, v7;
	[tilespmem:s1+$0x130] =	vst v2  }
0x414: {  	v2 =	vmul.f32 $8.000000000e+00, v6;
	v6 =	vld [tilespmem:s28+$0xFFFFFF90];
	[tilespmem:s1+$0xFFFFFE30] =	vst v4;
	s1 =	sadd.s32 $0x400, s1  }
0x415: {  	v4 =	vld [tilespmem:s28+$0xFFFFFE10];
	v5 =	vmul.f32 $8.000000000e+00, v5;
	[tilespmem:s1+$0x180] =	vst v7  }
0x416: {  	[tilespmem:s1+$0xFFFFFE80] =	vst v2;
	v1 =	vmul.f32 $8.000000000e+00, v1;
	v2 =	vld [tilespmem:s28+$0xFFFFFFE0]  }
0x417: {  	v7 =	vld [tilespmem:s28+$0xFFFFFE60];
	[tilespmem:s1+$0xFFFFFF00] =	vst v5;
	v3 =	vmul.f32 $8.000000000e+00, v3  }
0x418: {  	v5 =	vld [tilespmem:s28+$0xFFFFFEA0];
	[tilespmem:s1+$0xFFFFFF80] =	vst v1;
	v0 =	vmul.f32 $8.000000000e+00, v0  }
0x419: {  	v1 =	vld [tilespmem:s28+$0xFFFFFEE0];
	[tilespmem:s1+$0x0] =	vst v3;
	v3 =	vmul.f32 $8.000000000e+00, v6  }
0x41a: {  	v4 =	vmul.f32 $8.000000000e+00, v4;
	v6 =	vld [tilespmem:s28+$0xFFFFFF20];
	[tilespmem:s1+$0x80] =	vst v0  }
0x41b: {  	v0 =	vld [tilespmem:s28+$0xFFFFFF60];
	[tilespmem:s1+$0x100] =	vst v3;
	v2 =	vmul.f32 $8.000000000e+00, v2  }
0x41c: {  	[tilespmem:s1+$0xFFFFFE00] =	vst v4;
	v3 =	vmul.f32 $8.000000000e+00, v7;
	v4 =	vld [tilespmem:s28+$0xFFFFFFA0]  }
0x41d: {  	v7 =	vld [tilespmem:s28+$0xFFFFFE20];
	v5 =	vmul.f32 $8.000000000e+00, v5;
	[tilespmem:s1+$0x190] =	vst v2  }
0x41e: {  	[tilespmem:s1+$0xFFFFFE90] =	vst v3;
	v1 =	vmul.f32 $8.000000000e+00, v1;
	v2 =	vld [tilespmem:s28+$0xFFFFFFF0]  }
0x41f: {  	v3 =	vld [tilespmem:s28+$0xFFFFFE70];
	[tilespmem:s1+$0xFFFFFF10] =	vst v5;
	v5 =	vmul.f32 $8.000000000e+00, v6  }
0x420: {  	v6 =	vld [tilespmem:s28+$0xFFFFFEB0];
	[tilespmem:s1+$0xFFFFFF90] =	vst v1;
	v0 =	vmul.f32 $8.000000000e+00, v0  }
0x421: {  	v1 =	vld [tilespmem:s28+$0xFFFFFEF0];
	[tilespmem:s1+$0x10] =	vst v5;
	v4 =	vmul.f32 $8.000000000e+00, v4  }
0x422: {  	v5 =	vmul.f32 $8.000000000e+00, v7;
	v7 =	vld [tilespmem:s28+$0xFFFFFF30];
	[tilespmem:s1+$0x90] =	vst v0  }
0x423: {  	v0 =	vld [tilespmem:s28+$0xFFFFFF70];
	[tilespmem:s1+$0x110] =	vst v4;
	v2 =	vmul.f32 $8.000000000e+00, v2  }
0x424: {  	[tilespmem:s1+$0xFFFFFE10] =	vst v5;
	v3 =	vmul.f32 $8.000000000e+00, v3;
	v4 =	vld [tilespmem:s28+$0xFFFFFFB0]  }
0x425: {  	v5 =	vld [tilespmem:s28+$0xFFFFFE30];
	v6 =	vmul.f32 $8.000000000e+00, v6;
	[tilespmem:s1+$0x1A0] =	vst v2  }
0x426: {  	[tilespmem:s1+$0xFFFFFEA0] =	vst v3;
	v1 =	vmul.f32 $8.000000000e+00, v1;
	v3 =	vld [tilespmem:s28+$0x0]  }
0x427: {  	v8 =	vld [tilespmem:s28+$0xFFFFFE80];
	[tilespmem:s1+$0xFFFFFF20] =	vst v6;
	v2 =	vmul.f32 $8.000000000e+00, v7  }
0x428: {  	v7 =	vld [tilespmem:s28+$0xFFFFFEC0];
	[tilespmem:s1+$0xFFFFFFA0] =	vst v1;
	v1 =	vmul.f32 $8.000000000e+00, v0  }
.Ltmp13:
0x429: {  	v0 =	vld [tilespmem:s28+$0xFFFFFF00];
	[tilespmem:s1+$0x20] =	vst v2;
	v4 =	vmul.f32 $8.000000000e+00, v4;
	(pc) =	sbr.rel @p0 .LBB2_28-.Ltmp13, $4  }
0x42a: {  	v5 =	vmul.f32 $8.000000000e+00, v5;
	v2 =	vld [tilespmem:s28+$0xFFFFFF40];
	[tilespmem:s1+$0xA0] =	vst v1  }
0x42b: {  	v1 =	vld [tilespmem:s28+$0xFFFFFF80];
	[tilespmem:s1+$0x120] =	vst v4;
	v9 =	vmul.f32 $8.000000000e+00, v3  }
0x42c: {  	[tilespmem:s1+$0xFFFFFE20] =	vst v5;
	v6 =	vmul.f32 $8.000000000e+00, v8;
	v3 =	vld [tilespmem:s28+$0xFFFFFFC0]  }
0x42d: {  	v4 =	vld [tilespmem:s28+$0xFFFFFE40];
	v5 =	vmul.f32 $8.000000000e+00, v7;
	[tilespmem:s1+$0x1B0] =	vst v9;
	s28 =	sadd.s32 $0x200, s28  }
0x42e: {  	[tilespmem:s1+$0xFFFFFEB0] =	vst v6;
	v0 =	vmul.f32 $8.000000000e+00, v0  }
0x42f: {  	[tilespmem:s1+$0xFFFFFF30] =	vst v5;
	v2 =	vmul.f32 $8.000000000e+00, v2  }
0x430: {  	[tilespmem:s1+$0xFFFFFFB0] =	vst v0;
	v0 =	vmul.f32 $8.000000000e+00, v1  }
0x431: {  	[tilespmem:s1+$0x30] =	vst v2;
	v1 =	vmul.f32 $8.000000000e+00, v3  }
0x432: {  	v2 =	vmul.f32 $8.000000000e+00, v4;
	[tilespmem:s1+$0xB0] =	vst v0  }
0x433: {  	[tilespmem:s1+$0x130] =	vst v1  }
0x434: {  	[tilespmem:s1+$0xFFFFFE30] =	vst v2  }
0x435: {  	s1 =	rddreg [dreg:$0x8]  }
0x436: {  	[hbm4b:s1+s2] =	stream.linear.scatter [tilespmem:s14], [sflag:$0x9], $0x4000, $0x38;
	[tilespmem:$0x1E400] =	vst v63  }
0x437: {  	_ =	swait.ge [sflag:s22], $0x2000  }
0x438: {  	[sflag:s22] =	ssyncset.done $0x0  }
0x439: {  	[sflag:s22] =	ssyncadd.s32 $0xFFFFE000  }
0x43a: {  	_ =	swait.ge [sflag:s20], $0x4000  }
0x43b: {  	[sflag:s20] =	ssyncset.done $0x0  }
0x43c: {  	s28 =	simm.s32 $0x105F0;
	[sflag:s20] =	ssyncadd.s32 $0xFFFFC000  }
0x43d: {  	v0 =	vld [tilespmem:s28+$0xFFFFFFD0]  }
0x43e: {  	v1 =	vld [tilespmem:s28+$0xFFFFFE50]  }
0x43f: {  	v2 =	vld [tilespmem:s28+$0xFFFFFE90]  }
0x440: {  	v3 =	vld [tilespmem:s28+$0xFFFFFED0]  }
0x441: {  	v4 =	vld [tilespmem:s28+$0xFFFFFF10]  }
0x442: {  	v5 =	vld [tilespmem:s28+$0xFFFFFF50];
	v0 =	vmul.f32 $8.000000000e+00, v0  }
0x443: {  	s1 =	simm.s32 $0x1A7B0;
	v6 =	vld [tilespmem:s28+$0xFFFFFF90];
	v1 =	vmul.f32 $8.000000000e+00, v1  }
0x444: {  	v7 =	vld [tilespmem:s28+$0xFFFFFE10];
	v2 =	vmul.f32 $8.000000000e+00, v2;
	[tilespmem:s1+$0xFFFFFFD0] =	vst v0  }
0x445: {  	[tilespmem:s1+$0xFFFFFCD0] =	vst v1;
	v0 =	vmul.f32 $8.000000000e+00, v3;
	v1 =	vld [tilespmem:s28+$0xFFFFFFE0]  }
0x446: {  	[tilespmem:s1+$0xFFFFFD50] =	vst v2;
	v2 =	vmul.f32 $8.000000000e+00, v4;
	v3 =	vld [tilespmem:s28+$0xFFFFFE60]  }
0x447: {  	v4 =	vld [tilespmem:s28+$0xFFFFFEA0];
	[tilespmem:s1+$0xFFFFFDD0] =	vst v0;
	v0 =	vmul.f32 $8.000000000e+00, v5  }
0x448: {  	[tilespmem:s1+$0xFFFFFE50] =	vst v2;
	v2 =	vmul.f32 $8.000000000e+00, v6;
	v5 =	vld [tilespmem:s28+$0xFFFFFEE0]  }
0x449: {  	v6 =	vmul.f32 $8.000000000e+00, v7;
	v7 =	vld [tilespmem:s28+$0xFFFFFF20];
	[tilespmem:s1+$0xFFFFFED0] =	vst v0  }
0x44a: {  	[tilespmem:s1+$0xFFFFFF50] =	vst v2;
	v0 =	vld [tilespmem:s28+$0xFFFFFF60];
	v1 =	vmul.f32 $8.000000000e+00, v1  }
0x44b: {  	[tilespmem:s1+$0xFFFFFC50] =	vst v6;
	v2 =	vmul.f32 $8.000000000e+00, v3;
	v3 =	vld [tilespmem:s28+$0xFFFFFFA0]  }
0x44c: {  	v6 =	vld [tilespmem:s28+$0xFFFFFE20];
	v4 =	vmul.f32 $8.000000000e+00, v4;
	[tilespmem:s1+$0xFFFFFFE0] =	vst v1  }
0x44d: {  	[tilespmem:s1+$0xFFFFFCE0] =	vst v2;
	v1 =	vmul.f32 $8.000000000e+00, v5;
	v2 =	vld [tilespmem:s28+$0xFFFFFFF0]  }
0x44e: {  	[tilespmem:s1+$0xFFFFFD60] =	vst v4;
	v4 =	vmul.f32 $8.000000000e+00, v7;
	v5 =	vld [tilespmem:s28+$0xFFFFFE70]  }
0x44f: {  	v7 =	vld [tilespmem:s28+$0xFFFFFEB0];
	[tilespmem:s1+$0xFFFFFDE0] =	vst v1;
	v0 =	vmul.f32 $8.000000000e+00, v0  }
0x450: {  	[tilespmem:s1+$0xFFFFFE60] =	vst v4;
	v1 =	vld [tilespmem:s28+$0xFFFFFEF0];
	v3 =	vmul.f32 $8.000000000e+00, v3  }
0x451: {  	v4 =	vmul.f32 $8.000000000e+00, v6;
	v6 =	vld [tilespmem:s28+$0xFFFFFF30];
	[tilespmem:s1+$0xFFFFFEE0] =	vst v0  }
0x452: {  	v0 =	vld [tilespmem:s28+$0xFFFFFF70];
	[tilespmem:s1+$0xFFFFFF60] =	vst v3;
	v2 =	vmul.f32 $8.000000000e+00, v2  }
0x453: {  	[tilespmem:s1+$0xFFFFFC60] =	vst v4;
	v3 =	vmul.f32 $8.000000000e+00, v5;
	v4 =	vld [tilespmem:s28+$0xFFFFFFB0]  }
0x454: {  	v5 =	vld [tilespmem:s28+$0xFFFFFE30];
	v7 =	vmul.f32 $8.000000000e+00, v7;
	[tilespmem:s1+$0xFFFFFFF0] =	vst v2  }
0x455: {  	[tilespmem:s1+$0xFFFFFCF0] =	vst v3;
	v1 =	vmul.f32 $8.000000000e+00, v1;
	v3 =	vld [tilespmem:s28+$0x0]  }
0x456: {  	[tilespmem:s1+$0xFFFFFD70] =	vst v7;
	v2 =	vmul.f32 $8.000000000e+00, v6;
	v8 =	vld [tilespmem:s28+$0xFFFFFE80]  }
0x457: {  	v7 =	vld [tilespmem:s28+$0xFFFFFEC0];
	[tilespmem:s1+$0xFFFFFDF0] =	vst v1;
	v1 =	vmul.f32 $8.000000000e+00, v0  }
0x458: {  	[tilespmem:s1+$0xFFFFFE70] =	vst v2;
	v0 =	vld [tilespmem:s28+$0xFFFFFF00];
	v4 =	vmul.f32 $8.000000000e+00, v4  }
0x459: {  	v5 =	vmul.f32 $8.000000000e+00, v5;
	v2 =	vld [tilespmem:s28+$0xFFFFFF40];
	[tilespmem:s1+$0xFFFFFEF0] =	vst v1  }
0x45a: {  	v1 =	vld [tilespmem:s28+$0xFFFFFF80];
	[tilespmem:s1+$0xFFFFFF70] =	vst v4;
	v9 =	vmul.f32 $8.000000000e+00, v3  }
0x45b: {  	[tilespmem:s1+$0xFFFFFC70] =	vst v5;
	v3 =	vld [tilespmem:s28+$0xFFFFFFC0];
	v6 =	vmul.f32 $8.000000000e+00, v8  }
0x45c: {  	s26 =	simm.s32 $0x0;
	v4 =	vld [tilespmem:s28+$0xFFFFFE40];
	v5 =	vmul.f32 $8.000000000e+00, v7;
	s28 =	simm.s32 $0x107F0;
	[tilespmem:s1+$0x0] =	vst v9  }
.LBB2_30:
0x45d: {  	v7 =	vld [tilespmem:s28+$0xFFFFFFD0];
	s26 =	sadd.s32 $0x8, s26;
	[tilespmem:s1+$0xFFFFFD00] =	vst v6;
	v0 =	vmul.f32 $8.000000000e+00, v0  }
0x45e: {  	v6 =	vld [tilespmem:s28+$0xFFFFFE50];
	p0 =	slt.u32 s26, $0x78;
	[tilespmem:s1+$0xFFFFFD80] =	vst v5;
	v2 =	vmul.f32 $8.000000000e+00, v2  }
0x45f: {  	v5 =	vld [tilespmem:s28+$0xFFFFFE90];
	[tilespmem:s1+$0xFFFFFE00] =	vst v0;
	v0 =	vmul.f32 $8.000000000e+00, v1  }
0x460: {  	v1 =	vld [tilespmem:s28+$0xFFFFFED0];
	[tilespmem:s1+$0xFFFFFE80] =	vst v2;
	v2 =	vmul.f32 $8.000000000e+00, v3  }
0x461: {  	v3 =	vld [tilespmem:s28+$0xFFFFFF10];
	v4 =	vmul.f32 $8.000000000e+00, v4;
	[tilespmem:s1+$0xFFFFFF00] =	vst v0  }
0x462: {  	v0 =	vld [tilespmem:s28+$0xFFFFFF50];
	v7 =	vmul.f32 $8.000000000e+00, v7;
	[tilespmem:s1+$0xFFFFFF80] =	vst v2  }
0x463: {  	v2 =	vmul.f32 $8.000000000e+00, v6;
	v6 =	vld [tilespmem:s28+$0xFFFFFF90];
	[tilespmem:s1+$0xFFFFFC80] =	vst v4;
	s1 =	sadd.s32 $0x400, s1  }
0x464: {  	v4 =	vld [tilespmem:s28+$0xFFFFFE10];
	v5 =	vmul.f32 $8.000000000e+00, v5;
	[tilespmem:s1+$0xFFFFFFD0] =	vst v7  }
0x465: {  	[tilespmem:s1+$0xFFFFFCD0] =	vst v2;
	v1 =	vmul.f32 $8.000000000e+00, v1;
	v2 =	vld [tilespmem:s28+$0xFFFFFFE0]  }
0x466: {  	v7 =	vld [tilespmem:s28+$0xFFFFFE60];
	[tilespmem:s1+$0xFFFFFD50] =	vst v5;
	v3 =	vmul.f32 $8.000000000e+00, v3  }
0x467: {  	v5 =	vld [tilespmem:s28+$0xFFFFFEA0];
	[tilespmem:s1+$0xFFFFFDD0] =	vst v1;
	v0 =	vmul.f32 $8.000000000e+00, v0  }
0x468: {  	v1 =	vld [tilespmem:s28+$0xFFFFFEE0];
	[tilespmem:s1+$0xFFFFFE50] =	vst v3;
	v3 =	vmul.f32 $8.000000000e+00, v6  }
0x469: {  	v4 =	vmul.f32 $8.000000000e+00, v4;
	v6 =	vld [tilespmem:s28+$0xFFFFFF20];
	[tilespmem:s1+$0xFFFFFED0] =	vst v0  }
0x46a: {  	v0 =	vld [tilespmem:s28+$0xFFFFFF60];
	[tilespmem:s1+$0xFFFFFF50] =	vst v3;
	v2 =	vmul.f32 $8.000000000e+00, v2  }
0x46b: {  	[tilespmem:s1+$0xFFFFFC50] =	vst v4;
	v3 =	vmul.f32 $8.000000000e+00, v7;
	v4 =	vld [tilespmem:s28+$0xFFFFFFA0]  }
0x46c: {  	v7 =	vld [tilespmem:s28+$0xFFFFFE20];
	v5 =	vmul.f32 $8.000000000e+00, v5;
	[tilespmem:s1+$0xFFFFFFE0] =	vst v2  }
0x46d: {  	[tilespmem:s1+$0xFFFFFCE0] =	vst v3;
	v1 =	vmul.f32 $8.000000000e+00, v1;
	v2 =	vld [tilespmem:s28+$0xFFFFFFF0]  }
0x46e: {  	v3 =	vld [tilespmem:s28+$0xFFFFFE70];
	[tilespmem:s1+$0xFFFFFD60] =	vst v5;
	v5 =	vmul.f32 $8.000000000e+00, v6  }
0x46f: {  	v6 =	vld [tilespmem:s28+$0xFFFFFEB0];
	[tilespmem:s1+$0xFFFFFDE0] =	vst v1;
	v0 =	vmul.f32 $8.000000000e+00, v0  }
0x470: {  	v1 =	vld [tilespmem:s28+$0xFFFFFEF0];
	[tilespmem:s1+$0xFFFFFE60] =	vst v5;
	v4 =	vmul.f32 $8.000000000e+00, v4  }
0x471: {  	v5 =	vmul.f32 $8.000000000e+00, v7;
	v7 =	vld [tilespmem:s28+$0xFFFFFF30];
	[tilespmem:s1+$0xFFFFFEE0] =	vst v0  }
0x472: {  	v0 =	vld [tilespmem:s28+$0xFFFFFF70];
	[tilespmem:s1+$0xFFFFFF60] =	vst v4;
	v2 =	vmul.f32 $8.000000000e+00, v2  }
0x473: {  	[tilespmem:s1+$0xFFFFFC60] =	vst v5;
	v3 =	vmul.f32 $8.000000000e+00, v3;
	v4 =	vld [tilespmem:s28+$0xFFFFFFB0]  }
0x474: {  	v5 =	vld [tilespmem:s28+$0xFFFFFE30];
	v6 =	vmul.f32 $8.000000000e+00, v6;
	[tilespmem:s1+$0xFFFFFFF0] =	vst v2  }
0x475: {  	[tilespmem:s1+$0xFFFFFCF0] =	vst v3;
	v1 =	vmul.f32 $8.000000000e+00, v1;
	v3 =	vld [tilespmem:s28+$0x0]  }
0x476: {  	v8 =	vld [tilespmem:s28+$0xFFFFFE80];
	[tilespmem:s1+$0xFFFFFD70] =	vst v6;
	v2 =	vmul.f32 $8.000000000e+00, v7  }
0x477: {  	v7 =	vld [tilespmem:s28+$0xFFFFFEC0];
	[tilespmem:s1+$0xFFFFFDF0] =	vst v1;
	v1 =	vmul.f32 $8.000000000e+00, v0  }
.Ltmp14:
0x478: {  	v0 =	vld [tilespmem:s28+$0xFFFFFF00];
	[tilespmem:s1+$0xFFFFFE70] =	vst v2;
	v4 =	vmul.f32 $8.000000000e+00, v4;
	(pc) =	sbr.rel @p0 .LBB2_30-.Ltmp14, $4  }
0x479: {  	v5 =	vmul.f32 $8.000000000e+00, v5;
	v2 =	vld [tilespmem:s28+$0xFFFFFF40];
	[tilespmem:s1+$0xFFFFFEF0] =	vst v1  }
0x47a: {  	v1 =	vld [tilespmem:s28+$0xFFFFFF80];
	[tilespmem:s1+$0xFFFFFF70] =	vst v4;
	v9 =	vmul.f32 $8.000000000e+00, v3  }
0x47b: {  	[tilespmem:s1+$0xFFFFFC70] =	vst v5;
	v6 =	vmul.f32 $8.000000000e+00, v8;
	v3 =	vld [tilespmem:s28+$0xFFFFFFC0]  }
0x47c: {  	v4 =	vld [tilespmem:s28+$0xFFFFFE40];
	v5 =	vmul.f32 $8.000000000e+00, v7;
	[tilespmem:s1+$0x0] =	vst v9;
	s28 =	sadd.s32 $0x200, s28  }
0x47d: {  	[tilespmem:s1+$0xFFFFFD00] =	vst v6;
	v0 =	vmul.f32 $8.000000000e+00, v0  }
0x47e: {  	[tilespmem:s1+$0xFFFFFD80] =	vst v5;
	v2 =	vmul.f32 $8.000000000e+00, v2  }
0x47f: {  	[tilespmem:s1+$0xFFFFFE00] =	vst v0;
	v0 =	vmul.f32 $8.000000000e+00, v1  }
0x480: {  	[tilespmem:s1+$0xFFFFFE80] =	vst v2;
	v1 =	vmul.f32 $8.000000000e+00, v3  }
0x481: {  	v2 =	vmul.f32 $8.000000000e+00, v4;
	[tilespmem:s1+$0xFFFFFF00] =	vst v0  }
0x482: {  	[tilespmem:s1+$0xFFFFFF80] =	vst v1  }
0x483: {  	[tilespmem:s1+$0xFFFFFC80] =	vst v2  }
0x484: {  	s1 =	rddreg [dreg:$0x9]  }
0x485: {  	[hbm4b:s1+s2] =	stream.linear.scatter [tilespmem:s16], [sflag:$0xA], $0x4000, $0x38;
	[tilespmem:$0x1E400] =	vst v63  }
0x486: {  	_ =	swait.ge [sflag:s23], $0x2000  }
0x487: {  	[sflag:s23] =	ssyncset.done $0x0  }
0x488: {  	[sflag:s23] =	ssyncadd.s32 $0xFFFFE000  }
0x489: {  	_ =	swait.ge [sflag:s18], $0x4000  }
0x48a: {  	[sflag:s18] =	ssyncset.done $0x0  }
0x48b: {  	s28 =	simm.s32 $0x125F0;
	[sflag:s18] =	ssyncadd.s32 $0xFFFFC000  }
0x48c: {  	v0 =	vld [tilespmem:s28+$0xFFFFFFD0]  }
0x48d: {  	v1 =	vld [tilespmem:s28+$0xFFFFFE50]  }
0x48e: {  	v2 =	vld [tilespmem:s28+$0xFFFFFE90]  }
0x48f: {  	v3 =	vld [tilespmem:s28+$0xFFFFFED0]  }
0x490: {  	v4 =	vld [tilespmem:s28+$0xFFFFFF10]  }
0x491: {  	v5 =	vld [tilespmem:s28+$0xFFFFFF50];
	v0 =	vmul.f32 $8.000000000e+00, v0  }
0x492: {  	s1 =	simm.s32 $0x16600;
	v6 =	vld [tilespmem:s28+$0xFFFFFF90];
	v1 =	vmul.f32 $8.000000000e+00, v1  }
0x493: {  	v7 =	vld [tilespmem:s28+$0xFFFFFE10];
	v2 =	vmul.f32 $8.000000000e+00, v2;
	[tilespmem:s1+$0x180] =	vst v0  }
0x494: {  	[tilespmem:s1+$0xFFFFFE80] =	vst v1;
	v0 =	vmul.f32 $8.000000000e+00, v3;
	v1 =	vld [tilespmem:s28+$0xFFFFFFE0]  }
0x495: {  	[tilespmem:s1+$0xFFFFFF00] =	vst v2;
	v2 =	vmul.f32 $8.000000000e+00, v4;
	v3 =	vld [tilespmem:s28+$0xFFFFFE60]  }
0x496: {  	v4 =	vld [tilespmem:s28+$0xFFFFFEA0];
	[tilespmem:s1+$0xFFFFFF80] =	vst v0;
	v0 =	vmul.f32 $8.000000000e+00, v5  }
0x497: {  	[tilespmem:s1+$0x0] =	vst v2;
	v2 =	vmul.f32 $8.000000000e+00, v6;
	v5 =	vld [tilespmem:s28+$0xFFFFFEE0]  }
0x498: {  	v6 =	vmul.f32 $8.000000000e+00, v7;
	v7 =	vld [tilespmem:s28+$0xFFFFFF20];
	[tilespmem:s1+$0x80] =	vst v0  }
0x499: {  	[tilespmem:s1+$0x100] =	vst v2;
	v0 =	vld [tilespmem:s28+$0xFFFFFF60];
	v1 =	vmul.f32 $8.000000000e+00, v1  }
0x49a: {  	[tilespmem:s1+$0xFFFFFE00] =	vst v6;
	v2 =	vmul.f32 $8.000000000e+00, v3;
	v3 =	vld [tilespmem:s28+$0xFFFFFFA0]  }
0x49b: {  	v6 =	vld [tilespmem:s28+$0xFFFFFE20];
	v4 =	vmul.f32 $8.000000000e+00, v4;
	[tilespmem:s1+$0x190] =	vst v1  }
0x49c: {  	[tilespmem:s1+$0xFFFFFE90] =	vst v2;
	v1 =	vmul.f32 $8.000000000e+00, v5;
	v2 =	vld [tilespmem:s28+$0xFFFFFFF0]  }
0x49d: {  	[tilespmem:s1+$0xFFFFFF10] =	vst v4;
	v4 =	vmul.f32 $8.000000000e+00, v7;
	v5 =	vld [tilespmem:s28+$0xFFFFFE70]  }
0x49e: {  	v7 =	vld [tilespmem:s28+$0xFFFFFEB0];
	[tilespmem:s1+$0xFFFFFF90] =	vst v1;
	v0 =	vmul.f32 $8.000000000e+00, v0  }
0x49f: {  	[tilespmem:s1+$0x10] =	vst v4;
	v1 =	vld [tilespmem:s28+$0xFFFFFEF0];
	v3 =	vmul.f32 $8.000000000e+00, v3  }
0x4a0: {  	v4 =	vmul.f32 $8.000000000e+00, v6;
	v6 =	vld [tilespmem:s28+$0xFFFFFF30];
	[tilespmem:s1+$0x90] =	vst v0  }
0x4a1: {  	v0 =	vld [tilespmem:s28+$0xFFFFFF70];
	[tilespmem:s1+$0x110] =	vst v3;
	v2 =	vmul.f32 $8.000000000e+00, v2  }
0x4a2: {  	[tilespmem:s1+$0xFFFFFE10] =	vst v4;
	v3 =	vmul.f32 $8.000000000e+00, v5;
	v4 =	vld [tilespmem:s28+$0xFFFFFFB0]  }
0x4a3: {  	v5 =	vld [tilespmem:s28+$0xFFFFFE30];
	v7 =	vmul.f32 $8.000000000e+00, v7;
	[tilespmem:s1+$0x1A0] =	vst v2  }
0x4a4: {  	[tilespmem:s1+$0xFFFFFEA0] =	vst v3;
	v1 =	vmul.f32 $8.000000000e+00, v1;
	v3 =	vld [tilespmem:s28+$0x0]  }
0x4a5: {  	[tilespmem:s1+$0xFFFFFF20] =	vst v7;
	v2 =	vmul.f32 $8.000000000e+00, v6;
	v8 =	vld [tilespmem:s28+$0xFFFFFE80]  }
0x4a6: {  	v7 =	vld [tilespmem:s28+$0xFFFFFEC0];
	[tilespmem:s1+$0xFFFFFFA0] =	vst v1;
	v1 =	vmul.f32 $8.000000000e+00, v0  }
0x4a7: {  	[tilespmem:s1+$0x20] =	vst v2;
	v0 =	vld [tilespmem:s28+$0xFFFFFF00];
	v4 =	vmul.f32 $8.000000000e+00, v4  }
0x4a8: {  	v5 =	vmul.f32 $8.000000000e+00, v5;
	v2 =	vld [tilespmem:s28+$0xFFFFFF40];
	[tilespmem:s1+$0xA0] =	vst v1  }
0x4a9: {  	v1 =	vld [tilespmem:s28+$0xFFFFFF80];
	[tilespmem:s1+$0x120] =	vst v4;
	v9 =	vmul.f32 $8.000000000e+00, v3  }
0x4aa: {  	[tilespmem:s1+$0xFFFFFE20] =	vst v5;
	v3 =	vld [tilespmem:s28+$0xFFFFFFC0];
	v6 =	vmul.f32 $8.000000000e+00, v8  }
0x4ab: {  	s26 =	simm.s32 $0x0;
	v4 =	vld [tilespmem:s28+$0xFFFFFE40];
	v5 =	vmul.f32 $8.000000000e+00, v7;
	s28 =	simm.s32 $0x127F0;
	[tilespmem:s1+$0x1B0] =	vst v9  }
.LBB2_32:
0x4ac: {  	v7 =	vld [tilespmem:s28+$0xFFFFFFD0];
	s26 =	sadd.s32 $0x8, s26;
	[tilespmem:s1+$0xFFFFFEB0] =	vst v6;
	v0 =	vmul.f32 $8.000000000e+00, v0  }
0x4ad: {  	v6 =	vld [tilespmem:s28+$0xFFFFFE50];
	p0 =	slt.u32 s26, $0x78;
	[tilespmem:s1+$0xFFFFFF30] =	vst v5;
	v2 =	vmul.f32 $8.000000000e+00, v2  }
0x4ae: {  	v5 =	vld [tilespmem:s28+$0xFFFFFE90];
	[tilespmem:s1+$0xFFFFFFB0] =	vst v0;
	v0 =	vmul.f32 $8.000000000e+00, v1  }
0x4af: {  	v1 =	vld [tilespmem:s28+$0xFFFFFED0];
	[tilespmem:s1+$0x30] =	vst v2;
	v2 =	vmul.f32 $8.000000000e+00, v3  }
0x4b0: {  	v3 =	vld [tilespmem:s28+$0xFFFFFF10];
	v4 =	vmul.f32 $8.000000000e+00, v4;
	[tilespmem:s1+$0xB0] =	vst v0  }
0x4b1: {  	v0 =	vld [tilespmem:s28+$0xFFFFFF50];
	v7 =	vmul.f32 $8.000000000e+00, v7;
	[tilespmem:s1+$0x130] =	vst v2  }
0x4b2: {  	v2 =	vmul.f32 $8.000000000e+00, v6;
	v6 =	vld [tilespmem:s28+$0xFFFFFF90];
	[tilespmem:s1+$0xFFFFFE30] =	vst v4;
	s1 =	sadd.s32 $0x400, s1  }
0x4b3: {  	v4 =	vld [tilespmem:s28+$0xFFFFFE10];
	v5 =	vmul.f32 $8.000000000e+00, v5;
	[tilespmem:s1+$0x180] =	vst v7  }
0x4b4: {  	[tilespmem:s1+$0xFFFFFE80] =	vst v2;
	v1 =	vmul.f32 $8.000000000e+00, v1;
	v2 =	vld [tilespmem:s28+$0xFFFFFFE0]  }
0x4b5: {  	v7 =	vld [tilespmem:s28+$0xFFFFFE60];
	[tilespmem:s1+$0xFFFFFF00] =	vst v5;
	v3 =	vmul.f32 $8.000000000e+00, v3  }
0x4b6: {  	v5 =	vld [tilespmem:s28+$0xFFFFFEA0];
	[tilespmem:s1+$0xFFFFFF80] =	vst v1;
	v0 =	vmul.f32 $8.000000000e+00, v0  }
0x4b7: {  	v1 =	vld [tilespmem:s28+$0xFFFFFEE0];
	[tilespmem:s1+$0x0] =	vst v3;
	v3 =	vmul.f32 $8.000000000e+00, v6  }
0x4b8: {  	v4 =	vmul.f32 $8.000000000e+00, v4;
	v6 =	vld [tilespmem:s28+$0xFFFFFF20];
	[tilespmem:s1+$0x80] =	vst v0  }
0x4b9: {  	v0 =	vld [tilespmem:s28+$0xFFFFFF60];
	[tilespmem:s1+$0x100] =	vst v3;
	v2 =	vmul.f32 $8.000000000e+00, v2  }
0x4ba: {  	[tilespmem:s1+$0xFFFFFE00] =	vst v4;
	v3 =	vmul.f32 $8.000000000e+00, v7;
	v4 =	vld [tilespmem:s28+$0xFFFFFFA0]  }
0x4bb: {  	v7 =	vld [tilespmem:s28+$0xFFFFFE20];
	v5 =	vmul.f32 $8.000000000e+00, v5;
	[tilespmem:s1+$0x190] =	vst v2  }
0x4bc: {  	[tilespmem:s1+$0xFFFFFE90] =	vst v3;
	v1 =	vmul.f32 $8.000000000e+00, v1;
	v2 =	vld [tilespmem:s28+$0xFFFFFFF0]  }
0x4bd: {  	v3 =	vld [tilespmem:s28+$0xFFFFFE70];
	[tilespmem:s1+$0xFFFFFF10] =	vst v5;
	v5 =	vmul.f32 $8.000000000e+00, v6  }
0x4be: {  	v6 =	vld [tilespmem:s28+$0xFFFFFEB0];
	[tilespmem:s1+$0xFFFFFF90] =	vst v1;
	v0 =	vmul.f32 $8.000000000e+00, v0  }
0x4bf: {  	v1 =	vld [tilespmem:s28+$0xFFFFFEF0];
	[tilespmem:s1+$0x10] =	vst v5;
	v4 =	vmul.f32 $8.000000000e+00, v4  }
0x4c0: {  	v5 =	vmul.f32 $8.000000000e+00, v7;
	v7 =	vld [tilespmem:s28+$0xFFFFFF30];
	[tilespmem:s1+$0x90] =	vst v0  }
0x4c1: {  	v0 =	vld [tilespmem:s28+$0xFFFFFF70];
	[tilespmem:s1+$0x110] =	vst v4;
	v2 =	vmul.f32 $8.000000000e+00, v2  }
0x4c2: {  	[tilespmem:s1+$0xFFFFFE10] =	vst v5;
	v3 =	vmul.f32 $8.000000000e+00, v3;
	v4 =	vld [tilespmem:s28+$0xFFFFFFB0]  }
0x4c3: {  	v5 =	vld [tilespmem:s28+$0xFFFFFE30];
	v6 =	vmul.f32 $8.000000000e+00, v6;
	[tilespmem:s1+$0x1A0] =	vst v2  }
0x4c4: {  	[tilespmem:s1+$0xFFFFFEA0] =	vst v3;
	v1 =	vmul.f32 $8.000000000e+00, v1;
	v3 =	vld [tilespmem:s28+$0x0]  }
0x4c5: {  	v8 =	vld [tilespmem:s28+$0xFFFFFE80];
	[tilespmem:s1+$0xFFFFFF20] =	vst v6;
	v2 =	vmul.f32 $8.000000000e+00, v7  }
0x4c6: {  	v7 =	vld [tilespmem:s28+$0xFFFFFEC0];
	[tilespmem:s1+$0xFFFFFFA0] =	vst v1;
	v1 =	vmul.f32 $8.000000000e+00, v0  }
.Ltmp15:
0x4c7: {  	v0 =	vld [tilespmem:s28+$0xFFFFFF00];
	[tilespmem:s1+$0x20] =	vst v2;
	v4 =	vmul.f32 $8.000000000e+00, v4;
	(pc) =	sbr.rel @p0 .LBB2_32-.Ltmp15, $4  }
0x4c8: {  	v5 =	vmul.f32 $8.000000000e+00, v5;
	v2 =	vld [tilespmem:s28+$0xFFFFFF40];
	[tilespmem:s1+$0xA0] =	vst v1  }
0x4c9: {  	v1 =	vld [tilespmem:s28+$0xFFFFFF80];
	[tilespmem:s1+$0x120] =	vst v4;
	v9 =	vmul.f32 $8.000000000e+00, v3  }
0x4ca: {  	[tilespmem:s1+$0xFFFFFE20] =	vst v5;
	v6 =	vmul.f32 $8.000000000e+00, v8;
	v3 =	vld [tilespmem:s28+$0xFFFFFFC0]  }
0x4cb: {  	v4 =	vld [tilespmem:s28+$0xFFFFFE40];
	v5 =	vmul.f32 $8.000000000e+00, v7;
	[tilespmem:s1+$0x1B0] =	vst v9;
	s28 =	sadd.s32 $0x200, s28  }
0x4cc: {  	[tilespmem:s1+$0xFFFFFEB0] =	vst v6;
	v0 =	vmul.f32 $8.000000000e+00, v0  }
0x4cd: {  	[tilespmem:s1+$0xFFFFFF30] =	vst v5;
	v2 =	vmul.f32 $8.000000000e+00, v2  }
0x4ce: {  	[tilespmem:s1+$0xFFFFFFB0] =	vst v0;
	v0 =	vmul.f32 $8.000000000e+00, v1  }
0x4cf: {  	[tilespmem:s1+$0x30] =	vst v2;
	v1 =	vmul.f32 $8.000000000e+00, v3  }
0x4d0: {  	v2 =	vmul.f32 $8.000000000e+00, v4;
	[tilespmem:s1+$0xB0] =	vst v0  }
0x4d1: {  	[tilespmem:s1+$0x130] =	vst v1  }
0x4d2: {  	[tilespmem:s1+$0xFFFFFE30] =	vst v2  }
0x4d3: {  	s1 =	rddreg [dreg:$0xa]  }
0x4d4: {  	[hbm4b:s1+s2] =	stream.linear.scatter [tilespmem:s14], [sflag:$0x9], $0x4000, $0x38;
	[tilespmem:$0x1E400] =	vst v63  }
0x4d5: {  	_ =	swait.ge [sflag:s25], $0x2000  }
0x4d6: {  	[sflag:s25] =	ssyncset.done $0x0  }
0x4d7: {  	[sflag:s25] =	ssyncadd.s32 $0xFFFFE000  }
0x4d8: {  	_ =	swait.ge [sflag:s20], $0x4000  }
0x4d9: {  	[sflag:s20] =	ssyncset.done $0x0  }
0x4da: {  	s28 =	simm.s32 $0x145F0;
	[sflag:s20] =	ssyncadd.s32 $0xFFFFC000  }
0x4db: {  	v0 =	vld [tilespmem:s28+$0xFFFFFFD0]  }
0x4dc: {  	v1 =	vld [tilespmem:s28+$0xFFFFFE50]  }
0x4dd: {  	v2 =	vld [tilespmem:s28+$0xFFFFFE90]  }
0x4de: {  	v3 =	vld [tilespmem:s28+$0xFFFFFED0]  }
0x4df: {  	v4 =	vld [tilespmem:s28+$0xFFFFFF10]  }
0x4e0: {  	v5 =	vld [tilespmem:s28+$0xFFFFFF50];
	v0 =	vmul.f32 $8.000000000e+00, v0  }
0x4e1: {  	s1 =	simm.s32 $0x1A7B0;
	v6 =	vld [tilespmem:s28+$0xFFFFFF90];
	v1 =	vmul.f32 $8.000000000e+00, v1  }
0x4e2: {  	v7 =	vld [tilespmem:s28+$0xFFFFFE10];
	v2 =	vmul.f32 $8.000000000e+00, v2;
	[tilespmem:s1+$0xFFFFFFD0] =	vst v0  }
0x4e3: {  	[tilespmem:s1+$0xFFFFFCD0] =	vst v1;
	v0 =	vmul.f32 $8.000000000e+00, v3;
	v1 =	vld [tilespmem:s28+$0xFFFFFFE0]  }
0x4e4: {  	[tilespmem:s1+$0xFFFFFD50] =	vst v2;
	v2 =	vmul.f32 $8.000000000e+00, v4;
	v3 =	vld [tilespmem:s28+$0xFFFFFE60]  }
0x4e5: {  	v4 =	vld [tilespmem:s28+$0xFFFFFEA0];
	[tilespmem:s1+$0xFFFFFDD0] =	vst v0;
	v0 =	vmul.f32 $8.000000000e+00, v5  }
0x4e6: {  	[tilespmem:s1+$0xFFFFFE50] =	vst v2;
	v2 =	vmul.f32 $8.000000000e+00, v6;
	v5 =	vld [tilespmem:s28+$0xFFFFFEE0]  }
0x4e7: {  	v6 =	vmul.f32 $8.000000000e+00, v7;
	v7 =	vld [tilespmem:s28+$0xFFFFFF20];
	[tilespmem:s1+$0xFFFFFED0] =	vst v0  }
0x4e8: {  	[tilespmem:s1+$0xFFFFFF50] =	vst v2;
	v0 =	vld [tilespmem:s28+$0xFFFFFF60];
	v1 =	vmul.f32 $8.000000000e+00, v1  }
0x4e9: {  	[tilespmem:s1+$0xFFFFFC50] =	vst v6;
	v2 =	vmul.f32 $8.000000000e+00, v3;
	v3 =	vld [tilespmem:s28+$0xFFFFFFA0]  }
0x4ea: {  	v6 =	vld [tilespmem:s28+$0xFFFFFE20];
	v4 =	vmul.f32 $8.000000000e+00, v4;
	[tilespmem:s1+$0xFFFFFFE0] =	vst v1  }
0x4eb: {  	[tilespmem:s1+$0xFFFFFCE0] =	vst v2;
	v1 =	vmul.f32 $8.000000000e+00, v5;
	v2 =	vld [tilespmem:s28+$0xFFFFFFF0]  }
0x4ec: {  	[tilespmem:s1+$0xFFFFFD60] =	vst v4;
	v4 =	vmul.f32 $8.000000000e+00, v7;
	v5 =	vld [tilespmem:s28+$0xFFFFFE70]  }
0x4ed: {  	v7 =	vld [tilespmem:s28+$0xFFFFFEB0];
	[tilespmem:s1+$0xFFFFFDE0] =	vst v1;
	v0 =	vmul.f32 $8.000000000e+00, v0  }
0x4ee: {  	[tilespmem:s1+$0xFFFFFE60] =	vst v4;
	v1 =	vld [tilespmem:s28+$0xFFFFFEF0];
	v3 =	vmul.f32 $8.000000000e+00, v3  }
0x4ef: {  	v4 =	vmul.f32 $8.000000000e+00, v6;
	v6 =	vld [tilespmem:s28+$0xFFFFFF30];
	[tilespmem:s1+$0xFFFFFEE0] =	vst v0  }
0x4f0: {  	v0 =	vld [tilespmem:s28+$0xFFFFFF70];
	[tilespmem:s1+$0xFFFFFF60] =	vst v3;
	v2 =	vmul.f32 $8.000000000e+00, v2  }
0x4f1: {  	[tilespmem:s1+$0xFFFFFC60] =	vst v4;
	v3 =	vmul.f32 $8.000000000e+00, v5;
	v4 =	vld [tilespmem:s28+$0xFFFFFFB0]  }
0x4f2: {  	v5 =	vld [tilespmem:s28+$0xFFFFFE30];
	v7 =	vmul.f32 $8.000000000e+00, v7;
	[tilespmem:s1+$0xFFFFFFF0] =	vst v2  }
0x4f3: {  	[tilespmem:s1+$0xFFFFFCF0] =	vst v3;
	v1 =	vmul.f32 $8.000000000e+00, v1;
	v3 =	vld [tilespmem:s28+$0x0]  }
0x4f4: {  	[tilespmem:s1+$0xFFFFFD70] =	vst v7;
	v2 =	vmul.f32 $8.000000000e+00, v6;
	v8 =	vld [tilespmem:s28+$0xFFFFFE80]  }
0x4f5: {  	v7 =	vld [tilespmem:s28+$0xFFFFFEC0];
	[tilespmem:s1+$0xFFFFFDF0] =	vst v1;
	v1 =	vmul.f32 $8.000000000e+00, v0  }
0x4f6: {  	[tilespmem:s1+$0xFFFFFE70] =	vst v2;
	v0 =	vld [tilespmem:s28+$0xFFFFFF00];
	v4 =	vmul.f32 $8.000000000e+00, v4  }
0x4f7: {  	v5 =	vmul.f32 $8.000000000e+00, v5;
	v2 =	vld [tilespmem:s28+$0xFFFFFF40];
	[tilespmem:s1+$0xFFFFFEF0] =	vst v1  }
0x4f8: {  	v1 =	vld [tilespmem:s28+$0xFFFFFF80];
	[tilespmem:s1+$0xFFFFFF70] =	vst v4;
	v9 =	vmul.f32 $8.000000000e+00, v3  }
0x4f9: {  	[tilespmem:s1+$0xFFFFFC70] =	vst v5;
	v3 =	vld [tilespmem:s28+$0xFFFFFFC0];
	v6 =	vmul.f32 $8.000000000e+00, v8  }
0x4fa: {  	s26 =	simm.s32 $0x0;
	v4 =	vld [tilespmem:s28+$0xFFFFFE40];
	v5 =	vmul.f32 $8.000000000e+00, v7;
	s28 =	simm.s32 $0x147F0;
	[tilespmem:s1+$0x0] =	vst v9  }
.LBB2_34:
0x4fb: {  	v7 =	vld [tilespmem:s28+$0xFFFFFFD0];
	s26 =	sadd.s32 $0x8, s26;
	[tilespmem:s1+$0xFFFFFD00] =	vst v6;
	v0 =	vmul.f32 $8.000000000e+00, v0  }
0x4fc: {  	v6 =	vld [tilespmem:s28+$0xFFFFFE50];
	p0 =	slt.u32 s26, $0x78;
	[tilespmem:s1+$0xFFFFFD80] =	vst v5;
	v2 =	vmul.f32 $8.000000000e+00, v2  }
0x4fd: {  	v5 =	vld [tilespmem:s28+$0xFFFFFE90];
	[tilespmem:s1+$0xFFFFFE00] =	vst v0;
	v0 =	vmul.f32 $8.000000000e+00, v1  }
0x4fe: {  	v1 =	vld [tilespmem:s28+$0xFFFFFED0];
	[tilespmem:s1+$0xFFFFFE80] =	vst v2;
	v2 =	vmul.f32 $8.000000000e+00, v3  }
0x4ff: {  	v3 =	vld [tilespmem:s28+$0xFFFFFF10];
	v4 =	vmul.f32 $8.000000000e+00, v4;
	[tilespmem:s1+$0xFFFFFF00] =	vst v0  }
0x500: {  	v0 =	vld [tilespmem:s28+$0xFFFFFF50];
	v7 =	vmul.f32 $8.000000000e+00, v7;
	[tilespmem:s1+$0xFFFFFF80] =	vst v2  }
0x501: {  	v2 =	vmul.f32 $8.000000000e+00, v6;
	v6 =	vld [tilespmem:s28+$0xFFFFFF90];
	[tilespmem:s1+$0xFFFFFC80] =	vst v4;
	s1 =	sadd.s32 $0x400, s1  }
0x502: {  	v4 =	vld [tilespmem:s28+$0xFFFFFE10];
	v5 =	vmul.f32 $8.000000000e+00, v5;
	[tilespmem:s1+$0xFFFFFFD0] =	vst v7  }
0x503: {  	[tilespmem:s1+$0xFFFFFCD0] =	vst v2;
	v1 =	vmul.f32 $8.000000000e+00, v1;
	v2 =	vld [tilespmem:s28+$0xFFFFFFE0]  }
0x504: {  	v7 =	vld [tilespmem:s28+$0xFFFFFE60];
	[tilespmem:s1+$0xFFFFFD50] =	vst v5;
	v3 =	vmul.f32 $8.000000000e+00, v3  }
0x505: {  	v5 =	vld [tilespmem:s28+$0xFFFFFEA0];
	[tilespmem:s1+$0xFFFFFDD0] =	vst v1;
	v0 =	vmul.f32 $8.000000000e+00, v0  }
0x506: {  	v1 =	vld [tilespmem:s28+$0xFFFFFEE0];
	[tilespmem:s1+$0xFFFFFE50] =	vst v3;
	v3 =	vmul.f32 $8.000000000e+00, v6  }
0x507: {  	v4 =	vmul.f32 $8.000000000e+00, v4;
	v6 =	vld [tilespmem:s28+$0xFFFFFF20];
	[tilespmem:s1+$0xFFFFFED0] =	vst v0  }
0x508: {  	v0 =	vld [tilespmem:s28+$0xFFFFFF60];
	[tilespmem:s1+$0xFFFFFF50] =	vst v3;
	v2 =	vmul.f32 $8.000000000e+00, v2  }
0x509: {  	[tilespmem:s1+$0xFFFFFC50] =	vst v4;
	v3 =	vmul.f32 $8.000000000e+00, v7;
	v4 =	vld [tilespmem:s28+$0xFFFFFFA0]  }
0x50a: {  	v7 =	vld [tilespmem:s28+$0xFFFFFE20];
	v5 =	vmul.f32 $8.000000000e+00, v5;
	[tilespmem:s1+$0xFFFFFFE0] =	vst v2  }
0x50b: {  	[tilespmem:s1+$0xFFFFFCE0] =	vst v3;
	v1 =	vmul.f32 $8.000000000e+00, v1;
	v2 =	vld [tilespmem:s28+$0xFFFFFFF0]  }
0x50c: {  	v3 =	vld [tilespmem:s28+$0xFFFFFE70];
	[tilespmem:s1+$0xFFFFFD60] =	vst v5;
	v5 =	vmul.f32 $8.000000000e+00, v6  }
0x50d: {  	v6 =	vld [tilespmem:s28+$0xFFFFFEB0];
	[tilespmem:s1+$0xFFFFFDE0] =	vst v1;
	v0 =	vmul.f32 $8.000000000e+00, v0  }
0x50e: {  	v1 =	vld [tilespmem:s28+$0xFFFFFEF0];
	[tilespmem:s1+$0xFFFFFE60] =	vst v5;
	v4 =	vmul.f32 $8.000000000e+00, v4  }
0x50f: {  	v5 =	vmul.f32 $8.000000000e+00, v7;
	v7 =	vld [tilespmem:s28+$0xFFFFFF30];
	[tilespmem:s1+$0xFFFFFEE0] =	vst v0  }
0x510: {  	v0 =	vld [tilespmem:s28+$0xFFFFFF70];
	[tilespmem:s1+$0xFFFFFF60] =	vst v4;
	v2 =	vmul.f32 $8.000000000e+00, v2  }
0x511: {  	[tilespmem:s1+$0xFFFFFC60] =	vst v5;
	v3 =	vmul.f32 $8.000000000e+00, v3;
	v4 =	vld [tilespmem:s28+$0xFFFFFFB0]  }
0x512: {  	v5 =	vld [tilespmem:s28+$0xFFFFFE30];
	v6 =	vmul.f32 $8.000000000e+00, v6;
	[tilespmem:s1+$0xFFFFFFF0] =	vst v2  }
0x513: {  	[tilespmem:s1+$0xFFFFFCF0] =	vst v3;
	v1 =	vmul.f32 $8.000000000e+00, v1;
	v3 =	vld [tilespmem:s28+$0x0]  }
0x514: {  	v8 =	vld [tilespmem:s28+$0xFFFFFE80];
	[tilespmem:s1+$0xFFFFFD70] =	vst v6;
	v2 =	vmul.f32 $8.000000000e+00, v7  }
0x515: {  	v7 =	vld [tilespmem:s28+$0xFFFFFEC0];
	[tilespmem:s1+$0xFFFFFDF0] =	vst v1;
	v1 =	vmul.f32 $8.000000000e+00, v0  }
.Ltmp16:
0x516: {  	v0 =	vld [tilespmem:s28+$0xFFFFFF00];
	[tilespmem:s1+$0xFFFFFE70] =	vst v2;
	v4 =	vmul.f32 $8.000000000e+00, v4;
	(pc) =	sbr.rel @p0 .LBB2_34-.Ltmp16, $4  }
0x517: {  	v5 =	vmul.f32 $8.000000000e+00, v5;
	v2 =	vld [tilespmem:s28+$0xFFFFFF40];
	[tilespmem:s1+$0xFFFFFEF0] =	vst v1  }
0x518: {  	v1 =	vld [tilespmem:s28+$0xFFFFFF80];
	[tilespmem:s1+$0xFFFFFF70] =	vst v4;
	v9 =	vmul.f32 $8.000000000e+00, v3  }
0x519: {  	[tilespmem:s1+$0xFFFFFC70] =	vst v5;
	v6 =	vmul.f32 $8.000000000e+00, v8;
	v3 =	vld [tilespmem:s28+$0xFFFFFFC0]  }
0x51a: {  	v4 =	vld [tilespmem:s28+$0xFFFFFE40];
	v5 =	vmul.f32 $8.000000000e+00, v7;
	[tilespmem:s1+$0x0] =	vst v9;
	s28 =	sadd.s32 $0x200, s28  }
0x51b: {  	[tilespmem:s1+$0xFFFFFD00] =	vst v6;
	v0 =	vmul.f32 $8.000000000e+00, v0  }
0x51c: {  	[tilespmem:s1+$0xFFFFFD80] =	vst v5;
	v2 =	vmul.f32 $8.000000000e+00, v2  }
0x51d: {  	[tilespmem:s1+$0xFFFFFE00] =	vst v0;
	v61 =	vmul.f32 $8.000000000e+00, v1  }
0x51e: {  	[tilespmem:s1+$0xFFFFFE80] =	vst v2;
	v62 =	vmul.f32 $8.000000000e+00, v3  }
0x51f: {  	v63 =	vmul.f32 $8.000000000e+00, v4;
	[tilespmem:s1+$0xFFFFFF00] =	vst v61  }
0x520: {  	[tilespmem:s1+$0xFFFFFF80] =	vst v62  }
0x521: {  	[tilespmem:s1+$0xFFFFFC80] =	vst v63  }
0x522: {  	s1 =	rddreg [dreg:$0xb]  }
0x523: {  	[hbm4b:s1+s2] =	stream.linear.scatter [tilespmem:s16], [sflag:$0xA], $0x4000, $0x38;
	[tilespmem:$0x1E400] =	vst v63  }
0x524: {  	_ =	swait.ge [sflag:s18], $0x4000  }
0x525: {  	[sflag:s18] =	ssyncset.done $0x0  }
0x526: {  	[sflag:s18] =	ssyncadd.s32 $0xFFFFC000  }
0x527: {  	_ =	swait.ge [sflag:s20], $0x4000  }
0x528: {  	s26 =	rddreg [dreg:$0xd]  }
0x529: {  	s31 =	rddreg [dreg:$0xc];
	s26 =	sadd.s32 $0x1, s26  }
0x52a: {  	p0 =	sne.s32 s26, s31  }
.Ltmp17:
0x52b: {  	_ = 	snop;
	(pc) =	sbr.rel @p0 .LBB2_1-.Ltmp17, $3  }
0x52c: {  	_ =	sdelay $0x1  }
0x52d: {  	[sflag:s20] =	ssyncset.done $0x0  }
0x52e: {  	[sflag:s20] =	ssyncadd.s32 $0xFFFFC000  }
0x52f: {  	_ =	sfence.sel $0x180000  }
0x530: {  	[bflag:$0x0] =	sbarrier.arrive $0xFFFF  }
0x531: {  	_ =	strace $0x90000047  }
0x532: {  	s0 =	stileid.u32;
	[bflag:$0x2] =	sbarrier.arrive $0xFFFF  }
0x533: {  	p0 =	sne.s32 s0, $0x0;
	s0 =	rddreg [dreg:$0x2]  }
0x534: {  	s0 =	sadd.s32 @!p0 $0x100000, s0  }
0x535: {  	[sflag:s0] =	ssyncadd.tile.s32 @!p0 $0x1;
	_ =	shalt  }
.Lfunc_end2:
_tile_overlayer_lowered:
.L_overlay_start_2:
0x536: {  	(tag) =	ssettag $0x2  }
0x537: {  	s0 =	rddreg [dreg:$0x0];
	s2 =	stileid.u32  }
0x538: {  	s1 =	rddreg [dreg:$0x1];
	p0 =	sne.s32 s2, $0x0  }
0x539: {  	s3 =	rddreg [dreg:$0x2];
	[bflag:$0x3] =	sbarrier.arrive $0xFFFF;
	s2 =	simm.s32 @!p0 $0x1C0B  }
0x53a: {  	[timem:s3], [sflag:s2] =	dma.local @!p0 [hbm:s0], s1  }
0x53b: {  	s0 =	simm.s32 @!p0 $0xB  }
0x53c: {  	_ =	swait.ge @!p0 [sflag:s0], s1  }
0x53d: {  	s1 =	ssub.s32 @!p0 $0x0, s1;
	[sflag:s0] =	ssyncset.done @!p0 $0x0  }
0x53e: {  	[sflag:s0] =	ssyncadd.s32 @!p0 s1  }
0x53f: {  	[bflag:$0x3] =	sbarrier.arrive $0xFFFF  }
0x540: {  	_ =	shalt  }

// kernel: sparse-core-data-format-call.cloned.1.call-start
scs
called_computation_lowered:
.L_overlay_start_0:
0x0: {  	s2 =	sld [smem:$0x3FD9]  }
0x1: {  	s3 =	sld [smem:$0x3FFE];
	_ =	sdelay $0x1  }
0x2: {  	s1 =	srdreg.scid  }
0x3: {  	s0 =	sand.u32 $0x1, s1  }
0x4: {  	s18 =	sshll.u32 s0, $0xA;
	s2 =	sadd.s32 s3, s2  }
0x5: {  	s2 =	sadd.s32 s2, s18  }
0x6: {  	[smem:$0x3FC6] =	sst s2  }
0x7: {  	_ = 	snop  }
0x8: {  	s2 =	sld [smem:$0x3FD0];
	(tm) =	ssettm $0x1  }
0x9: {  	s19 =	sld [smem:$0x3FFB];
	_ =	sdelay $0x3  }
0xa: {  	_ =	strace s19  }
0xb: {  	s3 =	sld [smem:$0x3FFC];
	_ =	sdelay $0x3  }
0xc: {  	_ =	strace s3  }
0xd: {  	s3 =	sld [smem:$0x3FFD];
	_ =	sdelay $0x3  }
0xe: {  	_ =	strace s3  }
0xf: {  	_ =	strace $0x8FFFFFFF  }
0x10: {  	s20 =	sld [smem:$0x3FDB];
	_ =	sdelay $0x1  }
0x11: {  	s4 =	simm.s32 $_scs_section_size  }
0x12: {  	s5 =	simm.s32 $_size__tile_overlayer_lowered;
	s6 =	simm.s32 $_tile_overlayer_lowered  }
0x13: {  	s23 =	simm.s32 $0x1BFF;
	s22 =	sshll.u32 s6, $0x1;
	s3 =	sadd.s32 s4, s20  }
0x14: {  	s7 =	simm.s32 $0x0;
	s21 =	sshll.u32 s5, $0x1;
	s5 =	sadd.s32 s22, s3  }
0x15: {  	[timem:s7], [sflag:s23] =	dma.local [hbm:s5], s21  }
0x16: {  	_ =	swait.ge [sflag:s23], s21  }
0x17: {  	s4 =	ssub.s32 $0x0, s21;
	[sflag:s23] =	ssyncset.done $0x0  }
0x18: {  	[sflag:s23] =	ssyncadd.s32 s4;
	_ =	sdelay $0x1  }
0x19: {  	s24 =	simm.s32 $0x1B8B  }
0x1a: {  	_ =	swait.ge [sflag:s24], $0x1  }
0x1b: {  	[sflag:s24] =	ssyncset.done $0x0  }
0x1c: {  	s26 =	simm.s32 $0x1B8E;
	s25 =	sld [smem:$0x3FFE];
	[sflag:s24] =	ssyncadd.s32 $0xFFFFFFFF  }
0x1d: {  	s27 =	simm.s32 $execute0_lowered;
	[smem:$0x3FD2] =	sst s26  }
0x1e: {  	s5 =	sshll.u32 s27, $0x1;
	_ =	strace $0x80000049;
	[dreg:$0x1] =	wrdreg $0xFFFFFFFF  }
0x1f: {  	s28 =	simm.s32 $_size_execute0_lowered;
	s3 =	sadd.s32 s3, s5;
	[dreg:$0x0] =	wrdreg $0x0  }
0x20: {  	s5 =	sshll.u32 s28, $0x1;
	[dreg:$0x2] =	wrdreg s3  }
0x21: {  	[dreg:$0x3] =	wrdreg s5  }
0x22: {  	[dreg:$0x4] =	wrdreg $0xC0  }
0x23: {  	_ =	task [dreg:s7], $0x5FFFF  }
0x24: {  	[dreg:$0x1] =	wrdreg $0xFFFFFFFF  }
0x25: {  	[dreg:$0x0] =	wrdreg $0x60  }
0x26: {  	[dreg:$0x2] =	wrdreg s25  }
0x27: {  	[dreg:$0x3] =	wrdreg s2  }
0x28: {  	[dreg:$0x4] =	wrdreg $0x9  }
0x29: {  	_ =	task.clear_ibuf [dreg:s7], $0x5FFFF;
	_ =	strace $0x90000049  }
0x2a: {  	s29 =	simm.s32 $0x9;
	_ =	strace $0x8000004B  }
0x2b: {  	_ =	swait.ge [sflag:s29], $0x1  }
0x2c: {  	[sflag:s29] =	ssyncadd.s32 $0xFFFFFFFF  }
0x2d: {  	_ =	strace $0x9000004B  }
0x2e: {  	_ =	sfence  }
0x2f: {  	s30 =	sld [smem:$0x0];
	_ =	sdelay $0x2  }
0x30: {  	s31 =	sshll.u32 s1, $0xD;
	s1 =	sshrl.u32 s1, $0x2  }
0x31: {  	s3 =	sand.u32 $0x4000, s31;
	s1 =	sadd.s32 s1, s30  }
0x32: {  	s0 =	sor.u32 s3, s0;
	s1 =	sshll.u32 s1, $0x11  }
0x33: {  	s0 =	sor.u32 s1, s0  }
0x34: {  	s0 =	sadd.s32 $0x8F2B, s0  }
0x35: {  	[sflag:s0] =	ssyncadd.remote.s32 $0x1  }
0x36: {  	_ =	sfence.sel $0xFFFF  }
0x37: {  	[dreg:$0x0] =	wrdreg $0xFFFFFFFF;
	(pc) =	sbr.abs _section_cstart, $3  }
0x38: {  	[dreg:$0x1] =	wrdreg $0xFFFFFFFF  }
0x39: {  	_ =	task.clear_ibuf [dreg:s7], $0x2FFFF;
	_ =	strace $0x9FFFFFFF  }
0x3a: {  	(tm) =	ssettm $0x7FFFFFFF  }
0x3b: {  	_ =	shalt  }
tec
execute0_lowered:
.L_overlay_start_1:
0x0: {  	(tag) =	ssettag $0x1  }
0x1: {  	s0 =	srdreg.scid  }
0x2: {  	s1 =	sshll.u32 s0, $0x4  }
0x3: {  	s0 =	stileid.u32;
	s1 =	sand.u32 $0x10, s1  }
0x4: {  	s1 =	sor.u32 s0, s1  }
0x5: {  	s6 =	rddreg [dreg:$0x0];
	s4 =	simm.s32 $0x1;
	s2 =	sshll.u32 s1, $0x7  }
0x6: {  	s7 =	simm.s32 $0x2;
	s12 =	simm.s32 $0x0;
	s1 =	ssub.s32 $0x1000, s2  }
0x7: {  	s8 =	simm.s32 $0x8000;
	s13 =	simm.s32 $0x0;
	s3 =	sand.u32 $0xF80, s1  }
0x8: {  	s9 =	simm.s32 $0x0;
	s5 =	sshrl.u32 s1, $0xC;
	p0 =	sne.s32 s3, $0x0  }
.Ltmp0:
0x9: {  	s1 =	rddreg [dreg:$0x2];
	s4 =	simm.s32 @!p0 $0x0;
	(pc) =	sbr.rel .LBB1_1-.Ltmp0, $4  }
0xa: {  	s11 =	simm.s32 $0x0;
	s3 =	rddreg [dreg:$0x1];
	s5 =	sadd.s32 s4, s5  }
0xb: {  	_ =	strace $0x8000004A;
	s4 =	simm.s32 $0x1;
	s5 =	smul.u32 $0xC8, s5  }
0xc: {  	s6 =	sadd.s32 $0x800, s6;
	s10 =	smov.u32 s2;
	[sflag:s4] =	ssyncpa.u1 $0x0  }
0xd: {  	p0 =	por $0x0, $0x0;
	[sflag:s7] =	ssyncpa.u1 $0x0;
	s7 =	sor.u32 $0x1, s5  }
.LBB1_4:
0xe: {  	s16 =	sshll.u32 s13, $0x3;
	s17 =	sand.u32 $0x78, s13  }
0xf: {  	s30 =	sand.u32 $0x7E00, s13;
	s12 =	sshll.u32 s12, $0xF;
	s16 =	sand.u32 $0xC00, s16  }
0x10: {  	[tilespmem:s15+$0x810 ss:$0x81] =	vst.msk $0xffff, v2;
	s31 =	sand.u32 $0x7, s13;
	s16 =	sor.u32 s17, s16;
	s17 =	sadd.s32 s3, s30  }
0x11: {  	[tilespmem:s15+$0x1020 ss:$0x81] =	vst.msk $0xffff, v0;
	s13 =	sshll.u32 s31, $0x12;
	s12 =	sadd.s32 s12, s17;
	s16 =	sshrl.u32 s16, $0x3  }
0x12: {  	[tilespmem:s15+$0x0 ss:$0x81] =	vst.msk $0xffff, v1;
	s13 =	sor.u32 $0x400, s13;
	s12 =	sadd.s32 s16, s12  }
0x13: {  	[hbm4b:s12+s13] =	stream.strided.scatter [tilespmem:s14], [sflag:$0x2], $0x2000, s8, s13, $0x20;
	[tilespmem:$0x8080] =	vst v63  }
.LBB1_5:
0x14: {  	s14 =	sadd.s32 $0x1, s9  }
0x15: {  	s12 =	sadd.s32 $0x1000, s10;
	s16 =	smov.u32 s10;
	p2 =	sgt.s32 s14, $0xC7  }
0x16: {  	s16 =	smov.u32 @p2 s12  }
0x17: {  	s14 =	simm.s32 @p2 $0x0;
	p2 =	sgt.s32 s16, $0xFFF  }
0x18: {  	s16 =	smov.u32 @p2 s2;
	p2 =	sne.s32 s11, s7  }
.Ltmp1:
0x19: {  	p1 =	slt.u32 s11, $0x2;
	(pc) =	sbr.rel @!p2 .LBB1_6-.Ltmp1, $4  }
0x1a: {  	s15 =	simm.s32 @!p1 $0x2  }
0x1b: {  	s13 =	smov.u32 s10;
	p0 =	por !p0, !p0;
	_ =	swait.ge @!p1 [sflag:s15], $0x2000  }
0x1c: {  	s12 =	smov.u32 s9;
	[sflag:s15] =	ssyncset.done @!p1 $0x0;
	s9 =	smov.u32 s14  }
0x1d: {  	s11 =	sadd.s32 $0x1, s11;
	[sflag:s15] =	ssyncadd.s32 @!p1 $0xFFFFE000;
	s10 =	smov.u32 s16  }
.LBB1_1:
0x1e: {  	p1 =	sge.u32 s11, s5  }
0x1f: {  	s14 =	sand.u32 @!p1 $0x1FFFFFF, s9  }
0x20: {  	s15 =	smulhi.u32 @!p1 $0x147AE15, s14;
	_ =	sdelay $0x1  }
0x21: {  	s15 =	smul.u32 @!p1 $0xC8, s15  }
0x22: {  	s16 =	sxor.u32 @!p1 $0xFFFFFFFF, s11;
	s17 =	smul.u32 @!p1 $0xC80, s10  }
0x23: {  	s31 =	sadd.s32 $0xFFFFFFFF, s11;
	s16 =	sshll.u32 @!p1 s16, $0xD;
	s14 =	ssub.s32 @!p1 s14, s15  }
0x24: {  	s15 =	sand.u32 @!p1 $0x2000, s16;
	s16 =	sadd.s32 @!p1 s6, s17;
	s14 =	sshll.u32 @!p1 s14, $0x4  }
0x25: {  	s17 =	simm.s32 @!p1 $0x6400;
	s14 =	sadd.s32 @!p1 s14, s16;
	s16 =	simm.s32 @!p1 $0x40  }
0x26: {  	[tilespmem:s15], [sflag:$0x1] =	stream.strided.gather @!p1 [hbm4b:s14+s16], $0x2000, s17, s16, $0x38;
	[tilespmem:$0x8080] =	vst v63  }
0x27: {  	p1 =	sge.u32 s31, s5  }
.Ltmp2:
0x28: {  	_ = 	snop;
	(pc) =	sbr.rel @p1 .LBB1_5-.Ltmp2, $1  }
0x29: {  	_ =	sdelay $0x3  }
0x2a: {  	s14 =	simm.s32 $0x1  }
0x2b: {  	_ =	swait.ge [sflag:s4], $0x2000;
	s14 =	simm.s32 @!p0 $0x0  }
0x2c: {  	[sflag:s4] =	ssyncset.done $0x0;
	s15 =	sshll.u32 s14, $0xD  }
0x2d: {  	[sflag:s4] =	ssyncadd.s32 $0xFFFFE000;
	s18 =	sor.u32 $0x20, s15  }
0x2e: {  	s14 =	smul.u32 $0x8100, s14;
	v3 =	vld [tilespmem:s18+$0x10]  }
0x2f: {  	s30 =	sand.u32 $0x1, s11;
	v2 =	vld [tilespmem:s18+$0xFFFFFFF0]  }
0x30: {  	s15 =	smul.u32 $0x8100, s30;
	s14 =	sshrl.u32 s14, $0x2;
	v0 =	vld [tilespmem:s18+$0x0]  }
0x31: {  	v1 =	vld [tilespmem:s18+$0xFFFFFFE0];
	s16 =	sor.u32 $0x4000, s14  }
0x32: {  	s31 =	sshrl.u32 s15, $0x2;
	s15 =	sadd.s32 $0x0, s16  }
0x33: {  	s17 =	simm.s32 $0x4;
	s18 =	sadd.s32 $0x40, s18;
	s14 =	sor.u32 $0x4000, s31;
	[tilespmem:s15+$0x1830 ss:$0x81] =	vst.msk $0xffff, v3  }
.LBB1_3:
0x34: {  	v3 =	vld [tilespmem:s18+$0x10];
	p1 =	sne.s32 s17, $0x1FC;
	[tilespmem:s15+$0x810 ss:$0x81] =	vst.msk $0xffff, v2;
	s19 =	smov.u32 s17;
	s17 =	sadd.s32 $0x4, s17  }
.Ltmp3:
0x35: {  	v2 =	vld [tilespmem:s18+$0xFFFFFFF0];
	[tilespmem:s15+$0x1020 ss:$0x81] =	vst.msk $0xffff, v0;
	(pc) =	sbr.rel @p1 .LBB1_3-.Ltmp3, $4  }
0x36: {  	v0 =	vld [tilespmem:s18+$0x0];
	[tilespmem:s15+$0x0 ss:$0x81] =	vst.msk $0xffff, v1  }
0x37: {  	s15 =	sshra.s32 s19, $0x2;
	v1 =	vld [tilespmem:s18+$0xFFFFFFE0]  }
0x38: {  	s15 =	sadd.s32 s15, s16  }
0x39: {  	s18 =	sadd.s32 $0x40, s18;
	[tilespmem:s15+$0x1830 ss:$0x81] =	vst.msk $0xffff, v3  }
.Ltmp4:
0x3a: {  	_ = 	snop;
	(pc) =	sbr.rel .LBB1_4-.Ltmp4, $1  }
0x3b: {  	_ =	sdelay $0x3  }
.LBB1_6:
0x3c: {  	_ =	sfence.sel $0x180000  }
0x3d: {  	s2 =	simm.s32 $0x1;
	[bflag:$0x0] =	sbarrier.arrive $0xFFFF  }
0x3e: {  	s31 =	simm.s32 $0x2;
	[sflag:s2] =	ssyncpa.u1 $0x1  }
0x3f: {  	[sflag:s31] =	ssyncpa.u1 $0x1  }
0x40: {  	p0 =	sne.s32 s0, $0x0;
	_ =	strace $0x9000004A  }
0x41: {  	s0 =	sadd.s32 @!p0 $0x100000, s1;
	[bflag:$0x2] =	sbarrier.arrive $0xFFFF  }
0x42: {  	[sflag:s0] =	ssyncadd.tile.s32 @!p0 $0x1;
	_ =	shalt  }
.Lfunc_end1:
_tile_overlayer_lowered:
.L_overlay_start_2:
0x43: {  	(tag) =	ssettag $0x2  }
0x44: {  	s0 =	rddreg [dreg:$0x0];
	s2 =	stileid.u32  }
0x45: {  	s1 =	rddreg [dreg:$0x1];
	p0 =	sne.s32 s2, $0x0  }
0x46: {  	s3 =	rddreg [dreg:$0x2];
	[bflag:$0x3] =	sbarrier.arrive $0xFFFF;
	s2 =	simm.s32 @!p0 $0x1C01  }
0x47: {  	[timem:s3], [sflag:s2] =	dma.local @!p0 [hbm:s0], s1  }
0x48: {  	s0 =	simm.s32 @!p0 $0x1  }
0x49: {  	_ =	swait.ge @!p0 [sflag:s0], s1  }
0x4a: {  	s1 =	ssub.s32 @!p0 $0x0, s1;
	[sflag:s0] =	ssyncset.done @!p0 $0x0  }
0x4b: {  	[sflag:s0] =	ssyncadd.s32 @!p0 s1  }
0x4c: {  	[bflag:$0x3] =	sbarrier.arrive $0xFFFF  }
0x4d: {  	_ =	shalt  }

</sc_bundles>
